<compile_context>
chip_gen: v7x
topology: tpu7x:2x2x1
jax: 0.10.2.dev20260603
libtpu: 0.0.44.dev20260713+nightly
codegen_flags: <defaults>
</compile_context>

<pallas_src>
import jax
import jax.numpy as jnp
from jax import lax
from jax.experimental import pallas as pl
from jax.experimental.pallas import tpu as pltpu
from jax.experimental.pallas import tpu_sc as plsc

N_NODES = 10000
N_PAD = 10240
E = 320000
D = 128
L = 16
NC = 2
NS = 16
NW = NC * NS
CHD = 64
NCHD = 5120
CPWD = NCHD // NW
CH = 64
NCH = 5120
CPW = NCH // NW
NBUF = 4
ROWS_PER_TILE = N_PAD // NS


def _zero_vec16():
    return jnp.zeros((L,), jnp.float32)



def _deg_body(rowd_hbm, deg_hbm, sh_deg, stage, onesb, z640, sem1):
    c = lax.axis_index("c")
    s = lax.axis_index("s")
    wid = c * NS + s

    def _z(i, _):
        z640[pl.ds(i * L, L)] = _zero_vec16()
        return 0
    lax.fori_loop(0, ROWS_PER_TILE // L, _z, 0)

    def _o(i, _):
        onesb[pl.ds(i * L, L)] = jnp.full((L,), 1.0, jnp.float32)
        return 0
    lax.fori_loop(0, CHD // L, _o, 0)

    base_n = s * ROWS_PER_TILE
    pltpu.sync_copy(z640, sh_deg.at[pl.ds(base_n, ROWS_PER_TILE)])
    plsc.subcore_barrier()

    pltpu.sync_copy(rowd_hbm.at[pl.ds(wid * CPWD, CPWD)], stage)

    def _grp(g, _):
        for u in range(8):
            pltpu.async_copy(onesb, sh_deg.at[stage.at[g * 8 + u]],
                             sem1, add=True)
        for u in range(8):
            pltpu.make_async_copy(onesb, sh_deg.at[stage.at[g * 8 + u]],
                                  sem1).wait()
        return 0
    lax.fori_loop(0, CPWD // 8, _grp, 0)
    plsc.subcore_barrier()

    pltpu.sync_copy(sh_deg.at[pl.ds(base_n, ROWS_PER_TILE)],
                    deg_hbm.at[c, pl.ds(base_n, ROWS_PER_TILE)])


def _sc_degree(rowd):
    mesh = plsc.VectorSubcoreMesh(core_axis_name="c", subcore_axis_name="s",
                                  num_cores=NC, num_subcores=NS)
    f = pl.kernel(
        _deg_body,
        out_type=jax.ShapeDtypeStruct((NC, N_PAD), jnp.float32),
        mesh=mesh,
        scratch_types=[
            pltpu.VMEM_SHARED((N_PAD,), jnp.float32),
            pltpu.VMEM((CPWD, CHD), jnp.int32),
            pltpu.VMEM((CHD,), jnp.float32),
            pltpu.VMEM((ROWS_PER_TILE,), jnp.float32),
            pltpu.SemaphoreType.DMA,
        ],
        compiler_params=pltpu.CompilerParams(needs_layout_passes=False),
    )
    return f(rowd)



def _edge_body(rowg_hbm, col_hbm, ea_hbm, y_hbm,
               agg_hbm,
               sh_agg, gb0, gb1, gb2, gb3,
               ridx4, cidx4, ea4,
               semi, semg, semsc):
    c = lax.axis_index("c")
    s = lax.axis_index("s")
    wid = c * NS + s
    gbufs = (gb0, gb1, gb2, gb3)
    cbase = wid * CPW

    def _zero_gb0(i, _):
        for j in range(D // L):
            gb0[i, pl.ds(j * L, L)] = _zero_vec16()
        return 0
    lax.fori_loop(0, CH, _zero_gb0, 0)

    base_n = s * ROWS_PER_TILE
    for t in range(ROWS_PER_TILE // CH):
        pltpu.sync_copy(gb0, sh_agg.at[pl.ds(base_n + t * CH, CH)])
    plsc.subcore_barrier()

    def _start_idx(slot, k):
        pltpu.async_copy(rowg_hbm.at[cbase + k], ridx4.at[slot], semi.at[slot])
        pltpu.async_copy(col_hbm.at[cbase + k], cidx4.at[slot], semi.at[slot])
        pltpu.async_copy(ea_hbm.at[cbase + k], ea4.at[slot], semi.at[slot])

    def _wait_idx(slot, k):
        pltpu.make_async_copy(rowg_hbm.at[cbase + k], ridx4.at[slot],
                              semi.at[slot]).wait()
        pltpu.make_async_copy(col_hbm.at[cbase + k], cidx4.at[slot],
                              semi.at[slot]).wait()
        pltpu.make_async_copy(ea_hbm.at[cbase + k], ea4.at[slot],
                              semi.at[slot]).wait()

    def _start_gather(slot, k):
        pltpu.async_copy(y_hbm.at[ridx4.at[slot]], gbufs[slot], semg.at[slot])

    def _wait_gather(slot):
        pltpu.make_async_copy(y_hbm.at[ridx4.at[slot]], gbufs[slot],
                              semg.at[slot]).wait()

    def _start_scatter(slot):
        pltpu.async_copy(gbufs[slot], sh_agg.at[cidx4.at[slot]],
                         semsc.at[slot], add=True)

    def _wait_scatter(slot):
        pltpu.make_async_copy(gbufs[slot], sh_agg.at[cidx4.at[slot]],
                              semsc.at[slot]).wait()

    _start_idx(0, 0)
    _start_idx(1, 1)
    _wait_idx(0, 0)
    _start_gather(0, 0)

    def _outer(o, _):
        for u in range(NBUF):
            i = o * NBUF + u
            nslot = (u + 1) % NBUF
            fslot = (u + 2) % NBUF

            @pl.when(i + 1 < CPW)
            def _():
                _wait_idx(nslot, i + 1)
                _start_gather(nslot, i + 1)

            _wait_gather(u)

            gb = gbufs[u]

            @plsc.parallel_loop(0, CH, 1, unroll=4)
            def _scale(e):
                sp = plsc.load_gather(
                    ea4, [jnp.full((L,), u, jnp.int32),
                          jnp.full((L,), e, jnp.int32)])
                for j in range(D // L):
                    sl = pl.ds(j * L, L)
                    gb[e, sl] = gb[e, sl] * sp

            _start_scatter(u)

            @pl.when(i >= 2)
            def _():
                _wait_scatter(fslot)

            @pl.when(i + 2 < CPW)
            def _():
                _start_idx(fslot, i + 2)
        return 0
    lax.fori_loop(0, CPW // NBUF, _outer, 0)

    _wait_scatter((CPW - 2) % NBUF)
    _wait_scatter((CPW - 1) % NBUF)
    plsc.subcore_barrier()

    pltpu.sync_copy(sh_agg.at[pl.ds(base_n, ROWS_PER_TILE)],
                    agg_hbm.at[c, pl.ds(base_n, ROWS_PER_TILE)])


def _sc_edges(rowg, col, ea, y):
    mesh = plsc.VectorSubcoreMesh(core_axis_name="c", subcore_axis_name="s",
                                  num_cores=NC, num_subcores=NS)
    f = pl.kernel(
        _edge_body,
        out_type=jax.ShapeDtypeStruct((NC, N_PAD, D), jnp.float32),
        mesh=mesh,
        scratch_types=[
            pltpu.VMEM_SHARED((N_PAD, D), jnp.float32),
            pltpu.VMEM((CH, D), jnp.float32),
            pltpu.VMEM((CH, D), jnp.float32),
            pltpu.VMEM((CH, D), jnp.float32),
            pltpu.VMEM((CH, D), jnp.float32),
            pltpu.VMEM((NBUF, CH), jnp.int32),
            pltpu.VMEM((NBUF, CH), jnp.int32),
            pltpu.VMEM((NBUF, CH), jnp.float32),
            pltpu.SemaphoreType.DMA((NBUF,)),
            pltpu.SemaphoreType.DMA((NBUF,)),
            pltpu.SemaphoreType.DMA((NBUF,)),
        ],
        compiler_params=pltpu.CompilerParams(needs_layout_passes=False),
    )
    return f(rowg, col, ea, y)



_BM = 1000


def _matmul_body(x_ref, w_ref, deg_ref, yp_ref, dis_ref):
    d = lax.rsqrt(deg_ref[0] + deg_ref[1] + 1.0)
    yp_ref[...] = jnp.dot(x_ref[...], w_ref[...],
                          preferred_element_type=jnp.float32) * d
    dis_ref[...] = d


def _tc_matmul(x, W1, deg2):
    return pl.pallas_call(
        _matmul_body,
        grid=(N_NODES // _BM,),
        in_specs=[pl.BlockSpec((_BM, D), lambda i: (i, 0)),
                  pl.BlockSpec((D, D), lambda i: (0, 0)),
                  pl.BlockSpec((NC, _BM, 1), lambda i: (0, i, 0))],
        out_specs=(pl.BlockSpec((_BM, D), lambda i: (i, 0)),
                   pl.BlockSpec((_BM, 1), lambda i: (i, 0))),
        out_shape=(jax.ShapeDtypeStruct((N_NODES, D), jnp.float32),
                   jax.ShapeDtypeStruct((N_NODES, 1), jnp.float32)),
    )(x, W1, deg2)


def _epilogue_body(a0_ref, a1_ref, yp_ref, d_ref, b1_ref, wl_ref, bl_ref, o_ref):
    a = (a0_ref[...] + a1_ref[...] + yp_ref[...]) * d_ref[...] + b1_ref[...]
    h = jnp.tanh(a)
    o_ref[...] = jax.nn.sigmoid(
        jnp.dot(h, wl_ref[...], preferred_element_type=jnp.float32)
        + bl_ref[0, 0])


def _tc_epilogue(agg, yp, dis, b1, Wl, bl):
    a0 = agg[0]
    a1 = agg[1]
    b1r = b1[None, :]
    blr = bl[None, :]
    return pl.pallas_call(
        _epilogue_body,
        grid=(N_NODES // _BM,),
        in_specs=[pl.BlockSpec((_BM, D), lambda i: (i, 0)),
                  pl.BlockSpec((_BM, D), lambda i: (i, 0)),
                  pl.BlockSpec((_BM, D), lambda i: (i, 0)),
                  pl.BlockSpec((_BM, 1), lambda i: (i, 0)),
                  pl.BlockSpec((1, D), lambda i: (0, 0)),
                  pl.BlockSpec((D, 1), lambda i: (0, 0)),
                  pl.BlockSpec((1, 1), lambda i: (0, 0))],
        out_specs=pl.BlockSpec((_BM, 1), lambda i: (i, 0)),
        out_shape=jax.ShapeDtypeStruct((N_NODES, 1), jnp.float32),
    )(a0, a1, yp, dis, b1r, Wl, blr)


def kernel(x, edge_index, edge_attr, W1, b1, Wl, bl):
    x = x.astype(jnp.float32)
    ei = edge_index.astype(jnp.int32)
    row = ei[0]
    col = ei[1]
    ea = edge_attr.astype(jnp.float32)

    npad_d = NCHD * CHD - E
    arp_d = jnp.arange(npad_d, dtype=jnp.int32)
    rowd = jnp.concatenate(
        [row, N_NODES + (arp_d % (N_PAD - N_NODES))]).reshape(NCHD, CHD)

    npad = NCH * CH - E
    arp = jnp.arange(npad, dtype=jnp.int32)
    pad_hi = N_NODES + (arp % (N_PAD - N_NODES))
    rowg = jnp.concatenate([row, arp % N_NODES]).reshape(NCH, CH)
    colp = jnp.concatenate([col, pad_hi]).reshape(NCH, CH)
    eap = jnp.concatenate([ea, jnp.zeros((npad,), jnp.float32)]).reshape(NCH, CH)

    deg2 = _sc_degree(rowd)
    yp, dis = _tc_matmul(x, W1.astype(jnp.float32),
                         deg2[:, :N_NODES, None])
    agg = _sc_edges(rowg, colp, eap, yp)
    out = _tc_epilogue(agg, yp, dis, b1.astype(jnp.float32),
                       Wl.astype(jnp.float32), bl.astype(jnp.float32))
    return out

# --- scband reference (transcript-rebuilt; emitter-appended) ---
"""Pipeline reference for scband-gcn-91250875171104 (READ-ONLY COPY).

The authoritative reference and input builder live on the scoring server;
editing this copy changes nothing except your own understanding.
"""

import jax, jax.numpy as jnp
import numpy as np

N_NODES = 10000
N_EDGES = 320000
D_IN = 128
D_HID = 128


def setup_inputs(seed: int = 0) -> dict:
    key = jax.random.key(seed)
    k1, k2, k3, k4, k5, k6, k7 = jax.random.split(key, 7)
    x = jax.random.normal(k1, (N_NODES, D_IN), dtype=jnp.float32)
    edge_index = jax.random.randint(k2, (2, N_EDGES), 0, N_NODES, dtype=jnp.int64)
    edge_attr = jax.random.uniform(k3, (N_EDGES,), dtype=jnp.float32)
    # conv1 linear: Linear(in_channels=D_IN, out_channels=D_HID)
    W1 = jax.random.normal(k4, (D_IN, D_HID), dtype=jnp.float32) * (1.0 / np.sqrt(D_IN))
    b1 = jnp.zeros((D_HID,), dtype=jnp.float32)
    # final lin: Linear(hidden_dim, 1)
    Wl = jax.random.normal(k5, (D_HID, 1), dtype=jnp.float32) * (1.0 / np.sqrt(D_HID))
    bl = jnp.zeros((1,), dtype=jnp.float32)
    return {"x": x, "edge_index": edge_index, "edge_attr": edge_attr,
            "W1": W1, "b1": b1, "Wl": Wl, "bl": bl}


def _gcn_conv(x, edge_index, edge_attr, W, b):
    N = x.shape[0]
    # add_self_loops with fill_value=1.0
    loop = jnp.arange(N, dtype=edge_index.dtype)
    ei = jnp.concatenate([edge_index, jnp.stack([loop, loop], axis=0)], axis=1)
    ea = jnp.concatenate([edge_attr, jnp.ones((N,), dtype=x.dtype)], axis=0)
    row, col = ei[0], ei[1]
    # deg = degree(row, N)
    deg = jnp.zeros((N,), dtype=x.dtype).at[row].add(1.0)
    deg_inv_sqrt = deg ** -0.5
    norm = deg_inv_sqrt[row] * deg_inv_sqrt[col]
    # message: edge_attr * x_j * norm, x_j = x[row] (source), aggregated at col (target)
    msg = ea[:, None] * jnp.take(x, row, axis=0) * norm[:, None]
    aggr = jnp.zeros((N, x.shape[1]), dtype=x.dtype).at[col].add(msg)
    # update: linear
    return aggr @ W + b


def reference(x, edge_index, edge_attr, W1, b1, Wl, bl):
    h = jnp.tanh(_gcn_conv(x, edge_index, edge_attr, W1, b1))
    out = jax.nn.sigmoid(h @ Wl + bl)
    return out

if __name__ == "__main__":
    import jax
    _d = setup_inputs()
    print(jax.jit(kernel)(*tuple(_d.values())))

</pallas_src>

<mosaic_0001>
#map = affine_map<(d0, d1) -> (0, 0)>
module attributes {stable_mosaic.version = 14 : i64} {
  func.func @_deg_body(%arg0: i32, %arg1: i32, %arg2: memref<5120x64xi32, #tpu.memory_space<hbm>>, %arg3: memref<2x10240xf32, #tpu.memory_space<hbm>>, %arg4: memref<10240xf32, #tpu.memory_space<vmem_shared>>, %arg5: memref<160x64xi32, #tpu.memory_space<vmem>>, %arg6: memref<64xf32, #tpu.memory_space<vmem>>, %arg7: memref<640xf32, #tpu.memory_space<vmem>>, %arg8: memref<!tpu.dma_semaphore, #tpu.memory_space<semaphore_mem>>) attributes {dimension_semantics = [#tpu.dimension_semantics<core_parallel>, #tpu.dimension_semantics<subcore_parallel>], iteration_bounds = array<i64: 2, 16>, scalar_prefetch = 0 : i64, scratch_operands = 5 : i64, tpu.core_type = #tpu.core_type<sc_vector_subcore>, window_params = [{transform_indices = #map}, {transform_indices = #map}]} {
    %mul3A = arith.constant 16 : i32
    %mul3A_0 = arith.muli %arg0, %mul3A : i32
    %add3A = arith.addi %mul3A_0, %arg1 : i32
    %scan3A = arith.constant 0 : i32
    %scan3A_1 = arith.constant 0 : i32
    %scan3A_2 = arith.constant 40 : i32
    %scan3A_3 = arith.addi %scan3A_1, %scan3A_2 : i32
    %scan3A_4 = arith.constant 1 : i32
    %scan3A_5 = scf.for %scan3A_26 = %scan3A_1 to %scan3A_3 step %scan3A_4 iter_args(%scan3A_27 = %scan3A) -> (i32)  : i32 {
      %broadcast_in_dim3A = arith.constant 0.000000e+00 : f32
      %broadcast_in_dim3A_28 = vector.broadcast %broadcast_in_dim3A : f32 to vector<16xf32>
      %mul3A_29 = arith.constant 16 : i32
      %mul3A_30 = arith.muli %scan3A_26, %mul3A_29 : i32
      %swap3A = arith.index_cast %mul3A_30 : i32 to index
      %swap3A_31 = tpu.vector_load %arg7[%swap3A] {strides = array<i32>} : memref<640xf32, #tpu.memory_space<vmem>>, vector<16xf32>,
      tpu.vector_store %arg7[%swap3A], %broadcast_in_dim3A_28 {strides = array<i32>} : memref<640xf32, #tpu.memory_space<vmem>>, vector<16xf32>,
      %scan3A_32 = arith.constant 0 : i32
      scf.yield %scan3A_32 : i32
    }
    %scan3A_6 = arith.constant 40 : i32
    %scan3A_7 = arith.constant 0 : i32
    %scan3A_8 = arith.constant 0 : i32
    %scan3A_9 = arith.constant 4 : i32
    %scan3A_10 = arith.addi %scan3A_8, %scan3A_9 : i32
    %scan3A_11 = arith.constant 1 : i32
    %scan3A_12 = scf.for %scan3A_26 = %scan3A_8 to %scan3A_10 step %scan3A_11 iter_args(%scan3A_27 = %scan3A_7) -> (i32)  : i32 {
      %broadcast_in_dim3A = arith.constant 1.000000e+00 : f32
      %broadcast_in_dim3A_28 = vector.broadcast %broadcast_in_dim3A : f32 to vector<16xf32>
      %mul3A_29 = arith.constant 16 : i32
      %mul3A_30 = arith.muli %scan3A_26, %mul3A_29 : i32
      %swap3A = arith.index_cast %mul3A_30 : i32 to index
      %swap3A_31 = tpu.vector_load %arg6[%swap3A] {strides = array<i32>} : memref<64xf32, #tpu.memory_space<vmem>>, vector<16xf32>,
      tpu.vector_store %arg6[%swap3A], %broadcast_in_dim3A_28 {strides = array<i32>} : memref<64xf32, #tpu.memory_space<vmem>>, vector<16xf32>,
      %scan3A_32 = arith.constant 0 : i32
      scf.yield %scan3A_32 : i32
    }
    %scan3A_13 = arith.constant 4 : i32
    %mul3A_14 = arith.constant 640 : i32
    %mul3A_15 = arith.muli %arg1, %mul3A_14 : i32
    "tpu.region"() ({
      %run_scoped3A = tpu.sem_alloc : memref<!tpu.dma_semaphore, #tpu.memory_space<semaphore_mem>>
      %dma_start3A = tpu.memref_slice %arg4[%mul3A_15] : memref<10240xf32, #tpu.memory_space<vmem_shared>> -> memref<640xf32, #tpu.memory_space<vmem_shared>>
      %dma_start3A_26 = tpu.memref_slice %arg4[%mul3A_15] : memref<10240xf32, #tpu.memory_space<vmem_shared>> -> memref<640xf32, #tpu.memory_space<vmem_shared>>
      tpu.enqueue_dma source(%arg7 : memref<640xf32, #tpu.memory_space<vmem>>) target(%dma_start3A_26 : memref<640xf32, #tpu.memory_space<vmem_shared>>) target_semaphore(%run_scoped3A : memref<!tpu.dma_semaphore, #tpu.memory_space<semaphore_mem>>)
      %dma_wait3A = tpu.memref_slice %arg4[%mul3A_15] : memref<10240xf32, #tpu.memory_space<vmem_shared>> -> memref<640xf32, #tpu.memory_space<vmem_shared>>
      %dma_wait3A_27 = tpu.memref_slice %arg4[%mul3A_15] : memref<10240xf32, #tpu.memory_space<vmem_shared>> -> memref<640xf32, #tpu.memory_space<vmem_shared>>
      tpu.wait_dma2 semaphore(%run_scoped3A : memref<!tpu.dma_semaphore, #tpu.memory_space<semaphore_mem>>) src(%arg7 : memref<640xf32, #tpu.memory_space<vmem>>) dst(%dma_wait3A_27 : memref<640xf32, #tpu.memory_space<vmem_shared>>)
      tpu.yield
    }) : () -> ()
    %barrier3A = arith.constant 0 : index
    tpu.barrier barrier_id(%barrier3A)
    %mul3A_16 = arith.constant 160 : i32
    %mul3A_17 = arith.muli %add3A, %mul3A_16 : i32
    "tpu.region"() ({
      %run_scoped3A = tpu.sem_alloc : memref<!tpu.dma_semaphore, #tpu.memory_space<semaphore_mem>>
      %dma_start3A = arith.constant 0 : i32
      %dma_start3A_26 = tpu.memref_slice %arg2[%mul3A_17, %dma_start3A] : memref<5120x64xi32, #tpu.memory_space<hbm>> -> memref<160x64xi32, #tpu.memory_space<hbm>>
      %dma_start3A_27 = arith.constant 0 : i32
      %dma_start3A_28 = tpu.memref_slice %arg2[%mul3A_17, %dma_start3A_27] : memref<5120x64xi32, #tpu.memory_space<hbm>> -> memref<160x64xi32, #tpu.memory_space<hbm>>
      tpu.enqueue_dma source(%dma_start3A_28 : memref<160x64xi32, #tpu.memory_space<hbm>>) target(%arg5 : memref<160x64xi32, #tpu.memory_space<vmem>>) target_semaphore(%run_scoped3A : memref<!tpu.dma_semaphore, #tpu.memory_space<semaphore_mem>>)
      %dma_wait3A = arith.constant 0 : i32
      %dma_wait3A_29 = tpu.memref_slice %arg2[%mul3A_17, %dma_wait3A] : memref<5120x64xi32, #tpu.memory_space<hbm>> -> memref<160x64xi32, #tpu.memory_space<hbm>>
      %dma_wait3A_30 = arith.constant 0 : i32
      %dma_wait3A_31 = tpu.memref_slice %arg2[%mul3A_17, %dma_wait3A_30] : memref<5120x64xi32, #tpu.memory_space<hbm>> -> memref<160x64xi32, #tpu.memory_space<hbm>>
      tpu.wait_dma2 semaphore(%run_scoped3A : memref<!tpu.dma_semaphore, #tpu.memory_space<semaphore_mem>>) src(%dma_wait3A_31 : memref<160x64xi32, #tpu.memory_space<hbm>>) dst(%arg5 : memref<160x64xi32, #tpu.memory_space<vmem>>)
      tpu.yield
    }) : () -> ()
    %scan3A_18 = arith.constant 0 : i32
    %scan3A_19 = arith.constant 0 : i32
    %scan3A_20 = arith.constant 20 : i32
    %scan3A_21 = arith.addi %scan3A_19, %scan3A_20 : i32
    %scan3A_22 = arith.constant 1 : i32
    %scan3A_23 = scf.for %scan3A_26 = %scan3A_19 to %scan3A_21 step %scan3A_22 iter_args(%scan3A_27 = %scan3A_18) -> (i32)  : i32 {
      %mul3A_28 = arith.constant 8 : i32
      %mul3A_29 = arith.muli %scan3A_26, %mul3A_28 : i32
      %add3A_30 = arith.constant 0 : i32
      %add3A_31 = arith.addi %mul3A_29, %add3A_30 : i32
      %dma_start3A = arith.constant 0 : i32
      %dma_start3A_32 = tpu.memref_slice %arg5[%add3A_31, %dma_start3A] : memref<160x64xi32, #tpu.memory_space<vmem>> -> memref<1x64xi32, #tpu.memory_space<vmem>>
      %dma_start3A_33 = tpu.memref_squeeze %dma_start3A_32 : memref<1x64xi32, #tpu.memory_space<vmem>> -> memref<64xi32, #tpu.memory_space<vmem>>
      %dma_start3A_34 = arith.constant 0 : i32
      %dma_start3A_35 = tpu.memref_slice %arg4[%dma_start3A_34] : memref<10240xf32, #tpu.memory_space<vmem_shared>> -> memref<10240xf32, #tpu.memory_space<vmem_shared>>
      tpu.enqueue_indirect_dma source(%arg6 : memref<64xf32, #tpu.memory_space<vmem>>) target(%dma_start3A_35 : memref<10240xf32, #tpu.memory_space<vmem_shared>>) offsets(%dma_start3A_33 : memref<64xi32, #tpu.memory_space<vmem>>) semaphore(%arg8 : memref<!tpu.dma_semaphore, #tpu.memory_space<semaphore_mem>>) {add = true}
      %mul3A_36 = arith.constant 8 : i32
      %mul3A_37 = arith.muli %scan3A_26, %mul3A_36 : i32
      %add3A_38 = arith.constant 1 : i32
      %add3A_39 = arith.addi %mul3A_37, %add3A_38 : i32
      %dma_start3A_40 = arith.constant 0 : i32
      %dma_start3A_41 = tpu.memref_slice %arg5[%add3A_39, %dma_start3A_40] : memref<160x64xi32, #tpu.memory_space<vmem>> -> memref<1x64xi32, #tpu.memory_space<vmem>>
      %dma_start3A_42 = tpu.memref_squeeze %dma_start3A_41 : memref<1x64xi32, #tpu.memory_space<vmem>> -> memref<64xi32, #tpu.memory_space<vmem>>
      %dma_start3A_43 = arith.constant 0 : i32
      %dma_start3A_44 = tpu.memref_slice %arg4[%dma_start3A_43] : memref<10240xf32, #tpu.memory_space<vmem_shared>> -> memref<10240xf32, #tpu.memory_space<vmem_shared>>
      tpu.enqueue_indirect_dma source(%arg6 : memref<64xf32, #tpu.memory_space<vmem>>) target(%dma_start3A_44 : memref<10240xf32, #tpu.memory_space<vmem_shared>>) offsets(%dma_start3A_42 : memref<64xi32, #tpu.memory_space<vmem>>) semaphore(%arg8 : memref<!tpu.dma_semaphore, #tpu.memory_space<semaphore_mem>>) {add = true}
      %mul3A_45 = arith.constant 8 : i32
      %mul3A_46 = arith.muli %scan3A_26, %mul3A_45 : i32
      %add3A_47 = arith.constant 2 : i32
      %add3A_48 = arith.addi %mul3A_46, %add3A_47 : i32
      %dma_start3A_49 = arith.constant 0 : i32
      %dma_start3A_50 = tpu.memref_slice %arg5[%add3A_48, %dma_start3A_49] : memref<160x64xi32, #tpu.memory_space<vmem>> -> memref<1x64xi32, #tpu.memory_space<vmem>>
      %dma_start3A_51 = tpu.memref_squeeze %dma_start3A_50 : memref<1x64xi32, #tpu.memory_space<vmem>> -> memref<64xi32, #tpu.memory_space<vmem>>
      %dma_start3A_52 = arith.constant 0 : i32
      %dma_start3A_53 = tpu.memref_slice %arg4[%dma_start3A_52] : memref<10240xf32, #tpu.memory_space<vmem_shared>> -> memref<10240xf32, #tpu.memory_space<vmem_shared>>
      tpu.enqueue_indirect_dma source(%arg6 : memref<64xf32, #tpu.memory_space<vmem>>) target(%dma_start3A_53 : memref<10240xf32, #tpu.memory_space<vmem_shared>>) offsets(%dma_start3A_51 : memref<64xi32, #tpu.memory_space<vmem>>) semaphore(%arg8 : memref<!tpu.dma_semaphore, #tpu.memory_space<semaphore_mem>>) {add = true}
      %mul3A_54 = arith.constant 8 : i32
      %mul3A_55 = arith.muli %scan3A_26, %mul3A_54 : i32
      %add3A_56 = arith.constant 3 : i32
      %add3A_57 = arith.addi %mul3A_55, %add3A_56 : i32
      %dma_start3A_58 = arith.constant 0 : i32
      %dma_start3A_59 = tpu.memref_slice %arg5[%add3A_57, %dma_start3A_58] : memref<160x64xi32, #tpu.memory_space<vmem>> -> memref<1x64xi32, #tpu.memory_space<vmem>>
      %dma_start3A_60 = tpu.memref_squeeze %dma_start3A_59 : memref<1x64xi32, #tpu.memory_space<vmem>> -> memref<64xi32, #tpu.memory_space<vmem>>
      %dma_start3A_61 = arith.constant 0 : i32
      %dma_start3A_62 = tpu.memref_slice %arg4[%dma_start3A_61] : memref<10240xf32, #tpu.memory_space<vmem_shared>> -> memref<10240xf32, #tpu.memory_space<vmem_shared>>
      tpu.enqueue_indirect_dma source(%arg6 : memref<64xf32, #tpu.memory_space<vmem>>) target(%dma_start3A_62 : memref<10240xf32, #tpu.memory_space<vmem_shared>>) offsets(%dma_start3A_60 : memref<64xi32, #tpu.memory_space<vmem>>) semaphore(%arg8 : memref<!tpu.dma_semaphore, #tpu.memory_space<semaphore_mem>>) {add = true}
      %mul3A_63 = arith.constant 8 : i32
      %mul3A_64 = arith.muli %scan3A_26, %mul3A_63 : i32
      %add3A_65 = arith.constant 4 : i32
      %add3A_66 = arith.addi %mul3A_64, %add3A_65 : i32
      %dma_start3A_67 = arith.constant 0 : i32
      %dma_start3A_68 = tpu.memref_slice %arg5[%add3A_66, %dma_start3A_67] : memref<160x64xi32, #tpu.memory_space<vmem>> -> memref<1x64xi32, #tpu.memory_space<vmem>>
      %dma_start3A_69 = tpu.memref_squeeze %dma_start3A_68 : memref<1x64xi32, #tpu.memory_space<vmem>> -> memref<64xi32, #tpu.memory_space<vmem>>
      %dma_start3A_70 = arith.constant 0 : i32
      %dma_start3A_71 = tpu.memref_slice %arg4[%dma_start3A_70] : memref<10240xf32, #tpu.memory_space<vmem_shared>> -> memref<10240xf32, #tpu.memory_space<vmem_shared>>
      tpu.enqueue_indirect_dma source(%arg6 : memref<64xf32, #tpu.memory_space<vmem>>) target(%dma_start3A_71 : memref<10240xf32, #tpu.memory_space<vmem_shared>>) offsets(%dma_start3A_69 : memref<64xi32, #tpu.memory_space<vmem>>) semaphore(%arg8 : memref<!tpu.dma_semaphore, #tpu.memory_space<semaphore_mem>>) {add = true}
      %mul3A_72 = arith.constant 8 : i32
      %mul3A_73 = arith.muli %scan3A_26, %mul3A_72 : i32
      %add3A_74 = arith.constant 5 : i32
      %add3A_75 = arith.addi %mul3A_73, %add3A_74 : i32
      %dma_start3A_76 = arith.constant 0 : i32
      %dma_start3A_77 = tpu.memref_slice %arg5[%add3A_75, %dma_start3A_76] : memref<160x64xi32, #tpu.memory_space<vmem>> -> memref<1x64xi32, #tpu.memory_space<vmem>>
      %dma_start3A_78 = tpu.memref_squeeze %dma_start3A_77 : memref<1x64xi32, #tpu.memory_space<vmem>> -> memref<64xi32, #tpu.memory_space<vmem>>
      %dma_start3A_79 = arith.constant 0 : i32
      %dma_start3A_80 = tpu.memref_slice %arg4[%dma_start3A_79] : memref<10240xf32, #tpu.memory_space<vmem_shared>> -> memref<10240xf32, #tpu.memory_space<vmem_shared>>
      tpu.enqueue_indirect_dma source(%arg6 : memref<64xf32, #tpu.memory_space<vmem>>) target(%dma_start3A_80 : memref<10240xf32, #tpu.memory_space<vmem_shared>>) offsets(%dma_start3A_78 : memref<64xi32, #tpu.memory_space<vmem>>) semaphore(%arg8 : memref<!tpu.dma_semaphore, #tpu.memory_space<semaphore_mem>>) {add = true}
      %mul3A_81 = arith.constant 8 : i32
      %mul3A_82 = arith.muli %scan3A_26, %mul3A_81 : i32
      %add3A_83 = arith.constant 6 : i32
      %add3A_84 = arith.addi %mul3A_82, %add3A_83 : i32
      %dma_start3A_85 = arith.constant 0 : i32
      %dma_start3A_86 = tpu.memref_slice %arg5[%add3A_84, %dma_start3A_85] : memref<160x64xi32, #tpu.memory_space<vmem>> -> memref<1x64xi32, #tpu.memory_space<vmem>>
      %dma_start3A_87 = tpu.memref_squeeze %dma_start3A_86 : memref<1x64xi32, #tpu.memory_space<vmem>> -> memref<64xi32, #tpu.memory_space<vmem>>
      %dma_start3A_88 = arith.constant 0 : i32
      %dma_start3A_89 = tpu.memref_slice %arg4[%dma_start3A_88] : memref<10240xf32, #tpu.memory_space<vmem_shared>> -> memref<10240xf32, #tpu.memory_space<vmem_shared>>
      tpu.enqueue_indirect_dma source(%arg6 : memref<64xf32, #tpu.memory_space<vmem>>) target(%dma_start3A_89 : memref<10240xf32, #tpu.memory_space<vmem_shared>>) offsets(%dma_start3A_87 : memref<64xi32, #tpu.memory_space<vmem>>) semaphore(%arg8 : memref<!tpu.dma_semaphore, #tpu.memory_space<semaphore_mem>>) {add = true}
      %mul3A_90 = arith.constant 8 : i32
      %mul3A_91 = arith.muli %scan3A_26, %mul3A_90 : i32
      %add3A_92 = arith.constant 7 : i32
      %add3A_93 = arith.addi %mul3A_91, %add3A_92 : i32
      %dma_start3A_94 = arith.constant 0 : i32
      %dma_start3A_95 = tpu.memref_slice %arg5[%add3A_93, %dma_start3A_94] : memref<160x64xi32, #tpu.memory_space<vmem>> -> memref<1x64xi32, #tpu.memory_space<vmem>>
      %dma_start3A_96 = tpu.memref_squeeze %dma_start3A_95 : memref<1x64xi32, #tpu.memory_space<vmem>> -> memref<64xi32, #tpu.memory_space<vmem>>
      %dma_start3A_97 = arith.constant 0 : i32
      %dma_start3A_98 = tpu.memref_slice %arg4[%dma_start3A_97] : memref<10240xf32, #tpu.memory_space<vmem_shared>> -> memref<10240xf32, #tpu.memory_space<vmem_shared>>
      tpu.enqueue_indirect_dma source(%arg6 : memref<64xf32, #tpu.memory_space<vmem>>) target(%dma_start3A_98 : memref<10240xf32, #tpu.memory_space<vmem_shared>>) offsets(%dma_start3A_96 : memref<64xi32, #tpu.memory_space<vmem>>) semaphore(%arg8 : memref<!tpu.dma_semaphore, #tpu.memory_space<semaphore_mem>>) {add = true}
      %mul3A_99 = arith.constant 8 : i32
      %mul3A_100 = arith.muli %scan3A_26, %mul3A_99 : i32
      %add3A_101 = arith.constant 0 : i32
      %add3A_102 = arith.addi %mul3A_100, %add3A_101 : i32
      %dma_wait3A = arith.constant 0 : i32
      %dma_wait3A_103 = tpu.memref_slice %arg5[%add3A_102, %dma_wait3A] : memref<160x64xi32, #tpu.memory_space<vmem>> -> memref<1x64xi32, #tpu.memory_space<vmem>>
      %dma_wait3A_104 = tpu.memref_squeeze %dma_wait3A_103 : memref<1x64xi32, #tpu.memory_space<vmem>> -> memref<64xi32, #tpu.memory_space<vmem>>
      %dma_wait3A_105 = arith.constant 0 : i32
      %dma_wait3A_106 = tpu.memref_slice %arg4[%dma_wait3A_105] : memref<10240xf32, #tpu.memory_space<vmem_shared>> -> memref<10240xf32, #tpu.memory_space<vmem_shared>>
      tpu.wait_indirect_dma semaphore(%arg8 : memref<!tpu.dma_semaphore, #tpu.memory_space<semaphore_mem>>) src(%arg6 : memref<64xf32, #tpu.memory_space<vmem>>) dst(%dma_wait3A_106 : memref<10240xf32, #tpu.memory_space<vmem_shared>>)
      %mul3A_107 = arith.constant 8 : i32
      %mul3A_108 = arith.muli %scan3A_26, %mul3A_107 : i32
      %add3A_109 = arith.constant 1 : i32
      %add3A_110 = arith.addi %mul3A_108, %add3A_109 : i32
      %dma_wait3A_111 = arith.constant 0 : i32
      %dma_wait3A_112 = tpu.memref_slice %arg5[%add3A_110, %dma_wait3A_111] : memref<160x64xi32, #tpu.memory_space<vmem>> -> memref<1x64xi32, #tpu.memory_space<vmem>>
      %dma_wait3A_113 = tpu.memref_squeeze %dma_wait3A_112 : memref<1x64xi32, #tpu.memory_space<vmem>> -> memref<64xi32, #tpu.memory_space<vmem>>
      %dma_wait3A_114 = arith.constant 0 : i32
      %dma_wait3A_115 = tpu.memref_slice %arg4[%dma_wait3A_114] : memref<10240xf32, #tpu.memory_space<vmem_shared>> -> memref<10240xf32, #tpu.memory_space<vmem_shared>>
      tpu.wait_indirect_dma semaphore(%arg8 : memref<!tpu.dma_semaphore, #tpu.memory_space<semaphore_mem>>) src(%arg6 : memref<64xf32, #tpu.memory_space<vmem>>) dst(%dma_wait3A_115 : memref<10240xf32, #tpu.memory_space<vmem_shared>>)
      %mul3A_116 = arith.constant 8 : i32
      %mul3A_117 = arith.muli %scan3A_26, %mul3A_116 : i32
      %add3A_118 = arith.constant 2 : i32
      %add3A_119 = arith.addi %mul3A_117, %add3A_118 : i32
      %dma_wait3A_120 = arith.constant 0 : i32
      %dma_wait3A_121 = tpu.memref_slice %arg5[%add3A_119, %dma_wait3A_120] : memref<160x64xi32, #tpu.memory_space<vmem>> -> memref<1x64xi32, #tpu.memory_space<vmem>>
      %dma_wait3A_122 = tpu.memref_squeeze %dma_wait3A_121 : memref<1x64xi32, #tpu.memory_space<vmem>> -> memref<64xi32, #tpu.memory_space<vmem>>
      %dma_wait3A_123 = arith.constant 0 : i32
      %dma_wait3A_124 = tpu.memref_slice %arg4[%dma_wait3A_123] : memref<10240xf32, #tpu.memory_space<vmem_shared>> -> memref<10240xf32, #tpu.memory_space<vmem_shared>>
      tpu.wait_indirect_dma semaphore(%arg8 : memref<!tpu.dma_semaphore, #tpu.memory_space<semaphore_mem>>) src(%arg6 : memref<64xf32, #tpu.memory_space<vmem>>) dst(%dma_wait3A_124 : memref<10240xf32, #tpu.memory_space<vmem_shared>>)
      %mul3A_125 = arith.constant 8 : i32
      %mul3A_126 = arith.muli %scan3A_26, %mul3A_125 : i32
      %add3A_127 = arith.constant 3 : i32
      %add3A_128 = arith.addi %mul3A_126, %add3A_127 : i32
      %dma_wait3A_129 = arith.constant 0 : i32
      %dma_wait3A_130 = tpu.memref_slice %arg5[%add3A_128, %dma_wait3A_129] : memref<160x64xi32, #tpu.memory_space<vmem>> -> memref<1x64xi32, #tpu.memory_space<vmem>>
      %dma_wait3A_131 = tpu.memref_squeeze %dma_wait3A_130 : memref<1x64xi32, #tpu.memory_space<vmem>> -> memref<64xi32, #tpu.memory_space<vmem>>
      %dma_wait3A_132 = arith.constant 0 : i32
      %dma_wait3A_133 = tpu.memref_slice %arg4[%dma_wait3A_132] : memref<10240xf32, #tpu.memory_space<vmem_shared>> -> memref<10240xf32, #tpu.memory_space<vmem_shared>>
      tpu.wait_indirect_dma semaphore(%arg8 : memref<!tpu.dma_semaphore, #tpu.memory_space<semaphore_mem>>) src(%arg6 : memref<64xf32, #tpu.memory_space<vmem>>) dst(%dma_wait3A_133 : memref<10240xf32, #tpu.memory_space<vmem_shared>>)
      %mul3A_134 = arith.constant 8 : i32
      %mul3A_135 = arith.muli %scan3A_26, %mul3A_134 : i32
      %add3A_136 = arith.constant 4 : i32
      %add3A_137 = arith.addi %mul3A_135, %add3A_136 : i32
      %dma_wait3A_138 = arith.constant 0 : i32
      %dma_wait3A_139 = tpu.memref_slice %arg5[%add3A_137, %dma_wait3A_138] : memref<160x64xi32, #tpu.memory_space<vmem>> -> memref<1x64xi32, #tpu.memory_space<vmem>>
      %dma_wait3A_140 = tpu.memref_squeeze %dma_wait3A_139 : memref<1x64xi32, #tpu.memory_space<vmem>> -> memref<64xi32, #tpu.memory_space<vmem>>
      %dma_wait3A_141 = arith.constant 0 : i32
      %dma_wait3A_142 = tpu.memref_slice %arg4[%dma_wait3A_141] : memref<10240xf32, #tpu.memory_space<vmem_shared>> -> memref<10240xf32, #tpu.memory_space<vmem_shared>>
      tpu.wait_indirect_dma semaphore(%arg8 : memref<!tpu.dma_semaphore, #tpu.memory_space<semaphore_mem>>) src(%arg6 : memref<64xf32, #tpu.memory_space<vmem>>) dst(%dma_wait3A_142 : memref<10240xf32, #tpu.memory_space<vmem_shared>>)
      %mul3A_143 = arith.constant 8 : i32
      %mul3A_144 = arith.muli %scan3A_26, %mul3A_143 : i32
      %add3A_145 = arith.constant 5 : i32
      %add3A_146 = arith.addi %mul3A_144, %add3A_145 : i32
      %dma_wait3A_147 = arith.constant 0 : i32
      %dma_wait3A_148 = tpu.memref_slice %arg5[%add3A_146, %dma_wait3A_147] : memref<160x64xi32, #tpu.memory_space<vmem>> -> memref<1x64xi32, #tpu.memory_space<vmem>>
      %dma_wait3A_149 = tpu.memref_squeeze %dma_wait3A_148 : memref<1x64xi32, #tpu.memory_space<vmem>> -> memref<64xi32, #tpu.memory_space<vmem>>
      %dma_wait3A_150 = arith.constant 0 : i32
      %dma_wait3A_151 = tpu.memref_slice %arg4[%dma_wait3A_150] : memref<10240xf32, #tpu.memory_space<vmem_shared>> -> memref<10240xf32, #tpu.memory_space<vmem_shared>>
      tpu.wait_indirect_dma semaphore(%arg8 : memref<!tpu.dma_semaphore, #tpu.memory_space<semaphore_mem>>) src(%arg6 : memref<64xf32, #tpu.memory_space<vmem>>) dst(%dma_wait3A_151 : memref<10240xf32, #tpu.memory_space<vmem_shared>>)
      %mul3A_152 = arith.constant 8 : i32
      %mul3A_153 = arith.muli %scan3A_26, %mul3A_152 : i32
      %add3A_154 = arith.constant 6 : i32
      %add3A_155 = arith.addi %mul3A_153, %add3A_154 : i32
      %dma_wait3A_156 = arith.constant 0 : i32
      %dma_wait3A_157 = tpu.memref_slice %arg5[%add3A_155, %dma_wait3A_156] : memref<160x64xi32, #tpu.memory_space<vmem>> -> memref<1x64xi32, #tpu.memory_space<vmem>>
      %dma_wait3A_158 = tpu.memref_squeeze %dma_wait3A_157 : memref<1x64xi32, #tpu.memory_space<vmem>> -> memref<64xi32, #tpu.memory_space<vmem>>
      %dma_wait3A_159 = arith.constant 0 : i32
      %dma_wait3A_160 = tpu.memref_slice %arg4[%dma_wait3A_159] : memref<10240xf32, #tpu.memory_space<vmem_shared>> -> memref<10240xf32, #tpu.memory_space<vmem_shared>>
      tpu.wait_indirect_dma semaphore(%arg8 : memref<!tpu.dma_semaphore, #tpu.memory_space<semaphore_mem>>) src(%arg6 : memref<64xf32, #tpu.memory_space<vmem>>) dst(%dma_wait3A_160 : memref<10240xf32, #tpu.memory_space<vmem_shared>>)
      %mul3A_161 = arith.constant 8 : i32
      %mul3A_162 = arith.muli %scan3A_26, %mul3A_161 : i32
      %add3A_163 = arith.constant 7 : i32
      %add3A_164 = arith.addi %mul3A_162, %add3A_163 : i32
      %dma_wait3A_165 = arith.constant 0 : i32
      %dma_wait3A_166 = tpu.memref_slice %arg5[%add3A_164, %dma_wait3A_165] : memref<160x64xi32, #tpu.memory_space<vmem>> -> memref<1x64xi32, #tpu.memory_space<vmem>>
      %dma_wait3A_167 = tpu.memref_squeeze %dma_wait3A_166 : memref<1x64xi32, #tpu.memory_space<vmem>> -> memref<64xi32, #tpu.memory_space<vmem>>
      %dma_wait3A_168 = arith.constant 0 : i32
      %dma_wait3A_169 = tpu.memref_slice %arg4[%dma_wait3A_168] : memref<10240xf32, #tpu.memory_space<vmem_shared>> -> memref<10240xf32, #tpu.memory_space<vmem_shared>>
      tpu.wait_indirect_dma semaphore(%arg8 : memref<!tpu.dma_semaphore, #tpu.memory_space<semaphore_mem>>) src(%arg6 : memref<64xf32, #tpu.memory_space<vmem>>) dst(%dma_wait3A_169 : memref<10240xf32, #tpu.memory_space<vmem_shared>>)
      %scan3A_170 = arith.constant 0 : i32
      scf.yield %scan3A_170 : i32
    }
    %scan3A_24 = arith.constant 20 : i32
    %barrier3A_25 = arith.constant 0 : index
    tpu.barrier barrier_id(%barrier3A_25)
    "tpu.region"() ({
      %run_scoped3A = tpu.sem_alloc : memref<!tpu.dma_semaphore, #tpu.memory_space<semaphore_mem>>
      %dma_start3A = tpu.memref_slice %arg3[%arg0, %mul3A_15] : memref<2x10240xf32, #tpu.memory_space<hbm>> -> memref<1x640xf32, #tpu.memory_space<hbm>>
      %dma_start3A_26 = tpu.memref_squeeze %dma_start3A : memref<1x640xf32, #tpu.memory_space<hbm>> -> memref<640xf32, #tpu.memory_space<hbm>>
      %dma_start3A_27 = tpu.memref_slice %arg4[%mul3A_15] : memref<10240xf32, #tpu.memory_space<vmem_shared>> -> memref<640xf32, #tpu.memory_space<vmem_shared>>
      tpu.enqueue_dma source(%dma_start3A_27 : memref<640xf32, #tpu.memory_space<vmem_shared>>) target(%dma_start3A_26 : memref<640xf32, #tpu.memory_space<hbm>>) target_semaphore(%run_scoped3A : memref<!tpu.dma_semaphore, #tpu.memory_space<semaphore_mem>>)
      %dma_wait3A = tpu.memref_slice %arg3[%arg0, %mul3A_15] : memref<2x10240xf32, #tpu.memory_space<hbm>> -> memref<1x640xf32, #tpu.memory_space<hbm>>
      %dma_wait3A_28 = tpu.memref_squeeze %dma_wait3A : memref<1x640xf32, #tpu.memory_space<hbm>> -> memref<640xf32, #tpu.memory_space<hbm>>
      %dma_wait3A_29 = tpu.memref_slice %arg4[%mul3A_15] : memref<10240xf32, #tpu.memory_space<vmem_shared>> -> memref<640xf32, #tpu.memory_space<vmem_shared>>
      tpu.wait_dma2 semaphore(%run_scoped3A : memref<!tpu.dma_semaphore, #tpu.memory_space<semaphore_mem>>) src(%dma_wait3A_29 : memref<640xf32, #tpu.memory_space<vmem_shared>>) dst(%dma_wait3A_28 : memref<640xf32, #tpu.memory_space<hbm>>)
      tpu.yield
    }) : () -> ()
    return
  }
}

#map = affine_map<(d0, d1) -> (0, 0)>
#map1 = affine_map<(d0, d1) -> (0, 0, 0)>
module attributes {stable_mosaic.version = 14 : i64} {
  func.func @_edge_body(%arg0: i32, %arg1: i32, %arg2: memref<5120x64xi32, #tpu.memory_space<hbm>>, %arg3: memref<5120x64xi32, #tpu.memory_space<hbm>>, %arg4: memref<5120x64xf32, #tpu.memory_space<hbm>>, %arg5: memref<10000x128xf32, #tpu.memory_space<hbm>>, %arg6: memref<2x10240x128xf32, #tpu.memory_space<hbm>>, %arg7: memref<10240x128xf32, #tpu.memory_space<vmem_shared>>, %arg8: memref<64x128xf32, #tpu.memory_space<vmem>>, %arg9: memref<64x128xf32, #tpu.memory_space<vmem>>, %arg10: memref<64x128xf32, #tpu.memory_space<vmem>>, %arg11: memref<64x128xf32, #tpu.memory_space<vmem>>, %arg12: memref<4x64xi32, #tpu.memory_space<vmem>>, %arg13: memref<4x64xi32, #tpu.memory_space<vmem>>, %arg14: memref<4x64xf32, #tpu.memory_space<vmem>>, %arg15: memref<4x!tpu.dma_semaphore, #tpu.memory_space<semaphore_mem>>, %arg16: memref<4x!tpu.dma_semaphore, #tpu.memory_space<semaphore_mem>>, %arg17: memref<4x!tpu.dma_semaphore, #tpu.memory_space<semaphore_mem>>) attributes {dimension_semantics = [#tpu.dimension_semantics<core_parallel>, #tpu.dimension_semantics<subcore_parallel>], iteration_bounds = array<i64: 2, 16>, scalar_prefetch = 0 : i64, scratch_operands = 11 : i64, tpu.core_type = #tpu.core_type<sc_vector_subcore>, window_params = [{transform_indices = #map}, {transform_indices = #map}, {transform_indices = #map}, {transform_indices = #map}, {transform_indices = #map1}]} {
    %mul3A = arith.constant 16 : i32
    %mul3A_0 = arith.muli %arg0, %mul3A : i32
    %add3A = arith.addi %mul3A_0, %arg1 : i32
    %mul3A_1 = arith.constant 160 : i32
    %mul3A_2 = arith.muli %add3A, %mul3A_1 : i32
    %scan3A = arith.constant 0 : i32
    %scan3A_3 = arith.constant 0 : i32
    %scan3A_4 = arith.constant 64 : i32
    %scan3A_5 = arith.addi %scan3A_3, %scan3A_4 : i32
    %scan3A_6 = arith.constant 1 : i32
    %scan3A_7 = scf.for %scan3A_229 = %scan3A_3 to %scan3A_5 step %scan3A_6 iter_args(%scan3A_230 = %scan3A) -> (i32)  : i32 {
      %broadcast_in_dim3A = arith.constant 0.000000e+00 : f32
      %broadcast_in_dim3A_231 = vector.broadcast %broadcast_in_dim3A : f32 to vector<16xf32>
      %swap3A = arith.index_cast %scan3A_229 : i32 to index
      %swap3A_232 = arith.constant 0 : index
      %swap3A_233 = tpu.vector_load %arg8[%swap3A, %swap3A_232] {strides = array<i32>} : memref<64x128xf32, #tpu.memory_space<vmem>>, vector<16xf32>,
      tpu.vector_store %arg8[%swap3A, %swap3A_232], %broadcast_in_dim3A_231 {strides = array<i32>} : memref<64x128xf32, #tpu.memory_space<vmem>>, vector<16xf32>,
      %broadcast_in_dim3A_234 = arith.constant 0.000000e+00 : f32
      %broadcast_in_dim3A_235 = vector.broadcast %broadcast_in_dim3A_234 : f32 to vector<16xf32>
      %swap3A_236 = arith.index_cast %scan3A_229 : i32 to index
      %swap3A_237 = arith.constant 16 : index
      %swap3A_238 = tpu.vector_load %arg8[%swap3A_236, %swap3A_237] {strides = array<i32>} : memref<64x128xf32, #tpu.memory_space<vmem>>, vector<16xf32>,
      tpu.vector_store %arg8[%swap3A_236, %swap3A_237], %broadcast_in_dim3A_235 {strides = array<i32>} : memref<64x128xf32, #tpu.memory_space<vmem>>, vector<16xf32>,
      %broadcast_in_dim3A_239 = arith.constant 0.000000e+00 : f32
      %broadcast_in_dim3A_240 = vector.broadcast %broadcast_in_dim3A_239 : f32 to vector<16xf32>
      %swap3A_241 = arith.index_cast %scan3A_229 : i32 to index
      %swap3A_242 = arith.constant 32 : index
      %swap3A_243 = tpu.vector_load %arg8[%swap3A_241, %swap3A_242] {strides = array<i32>} : memref<64x128xf32, #tpu.memory_space<vmem>>, vector<16xf32>,
      tpu.vector_store %arg8[%swap3A_241, %swap3A_242], %broadcast_in_dim3A_240 {strides = array<i32>} : memref<64x128xf32, #tpu.memory_space<vmem>>, vector<16xf32>,
      %broadcast_in_dim3A_244 = arith.constant 0.000000e+00 : f32
      %broadcast_in_dim3A_245 = vector.broadcast %broadcast_in_dim3A_244 : f32 to vector<16xf32>
      %swap3A_246 = arith.index_cast %scan3A_229 : i32 to index
      %swap3A_247 = arith.constant 48 : index
      %swap3A_248 = tpu.vector_load %arg8[%swap3A_246, %swap3A_247] {strides = array<i32>} : memref<64x128xf32, #tpu.memory_space<vmem>>, vector<16xf32>,
      tpu.vector_store %arg8[%swap3A_246, %swap3A_247], %broadcast_in_dim3A_245 {strides = array<i32>} : memref<64x128xf32, #tpu.memory_space<vmem>>, vector<16xf32>,
      %broadcast_in_dim3A_249 = arith.constant 0.000000e+00 : f32
      %broadcast_in_dim3A_250 = vector.broadcast %broadcast_in_dim3A_249 : f32 to vector<16xf32>
      %swap3A_251 = arith.index_cast %scan3A_229 : i32 to index
      %swap3A_252 = arith.constant 64 : index
      %swap3A_253 = tpu.vector_load %arg8[%swap3A_251, %swap3A_252] {strides = array<i32>} : memref<64x128xf32, #tpu.memory_space<vmem>>, vector<16xf32>,
      tpu.vector_store %arg8[%swap3A_251, %swap3A_252], %broadcast_in_dim3A_250 {strides = array<i32>} : memref<64x128xf32, #tpu.memory_space<vmem>>, vector<16xf32>,
      %broadcast_in_dim3A_254 = arith.constant 0.000000e+00 : f32
      %broadcast_in_dim3A_255 = vector.broadcast %broadcast_in_dim3A_254 : f32 to vector<16xf32>
      %swap3A_256 = arith.index_cast %scan3A_229 : i32 to index
      %swap3A_257 = arith.constant 80 : index
      %swap3A_258 = tpu.vector_load %arg8[%swap3A_256, %swap3A_257] {strides = array<i32>} : memref<64x128xf32, #tpu.memory_space<vmem>>, vector<16xf32>,
      tpu.vector_store %arg8[%swap3A_256, %swap3A_257], %broadcast_in_dim3A_255 {strides = array<i32>} : memref<64x128xf32, #tpu.memory_space<vmem>>, vector<16xf32>,
      %broadcast_in_dim3A_259 = arith.constant 0.000000e+00 : f32
      %broadcast_in_dim3A_260 = vector.broadcast %broadcast_in_dim3A_259 : f32 to vector<16xf32>
      %swap3A_261 = arith.index_cast %scan3A_229 : i32 to index
      %swap3A_262 = arith.constant 96 : index
      %swap3A_263 = tpu.vector_load %arg8[%swap3A_261, %swap3A_262] {strides = array<i32>} : memref<64x128xf32, #tpu.memory_space<vmem>>, vector<16xf32>,
      tpu.vector_store %arg8[%swap3A_261, %swap3A_262], %broadcast_in_dim3A_260 {strides = array<i32>} : memref<64x128xf32, #tpu.memory_space<vmem>>, vector<16xf32>,
      %broadcast_in_dim3A_264 = arith.constant 0.000000e+00 : f32
      %broadcast_in_dim3A_265 = vector.broadcast %broadcast_in_dim3A_264 : f32 to vector<16xf32>
      %swap3A_266 = arith.index_cast %scan3A_229 : i32 to index
      %swap3A_267 = arith.constant 112 : index
      %swap3A_268 = tpu.vector_load %arg8[%swap3A_266, %swap3A_267] {strides = array<i32>} : memref<64x128xf32, #tpu.memory_space<vmem>>, vector<16xf32>,
      tpu.vector_store %arg8[%swap3A_266, %swap3A_267], %broadcast_in_dim3A_265 {strides = array<i32>} : memref<64x128xf32, #tpu.memory_space<vmem>>, vector<16xf32>,
      %scan3A_269 = arith.constant 0 : i32
      scf.yield %scan3A_269 : i32
    }
    %scan3A_8 = arith.constant 64 : i32
    %mul3A_9 = arith.constant 640 : i32
    %mul3A_10 = arith.muli %arg1, %mul3A_9 : i32
    %add3A_11 = arith.constant 0 : i32
    %add3A_12 = arith.addi %mul3A_10, %add3A_11 : i32
    "tpu.region"() ({
      %run_scoped3A = tpu.sem_alloc : memref<!tpu.dma_semaphore, #tpu.memory_space<semaphore_mem>>
      %dma_start3A_229 = arith.constant 0 : i32
      %dma_start3A_230 = tpu.memref_slice %arg7[%add3A_12, %dma_start3A_229] : memref<10240x128xf32, #tpu.memory_space<vmem_shared>> -> memref<64x128xf32, #tpu.memory_space<vmem_shared>>
      %dma_start3A_231 = arith.constant 0 : i32
      %dma_start3A_232 = tpu.memref_slice %arg7[%add3A_12, %dma_start3A_231] : memref<10240x128xf32, #tpu.memory_space<vmem_shared>> -> memref<64x128xf32, #tpu.memory_space<vmem_shared>>
      tpu.enqueue_dma source(%arg8 : memref<64x128xf32, #tpu.memory_space<vmem>>) target(%dma_start3A_232 : memref<64x128xf32, #tpu.memory_space<vmem_shared>>) target_semaphore(%run_scoped3A : memref<!tpu.dma_semaphore, #tpu.memory_space<semaphore_mem>>)
      %dma_wait3A_233 = arith.constant 0 : i32
      %dma_wait3A_234 = tpu.memref_slice %arg7[%add3A_12, %dma_wait3A_233] : memref<10240x128xf32, #tpu.memory_space<vmem_shared>> -> memref<64x128xf32, #tpu.memory_space<vmem_shared>>
      %dma_wait3A_235 = arith.constant 0 : i32
      %dma_wait3A_236 = tpu.memref_slice %arg7[%add3A_12, %dma_wait3A_235] : memref<10240x128xf32, #tpu.memory_space<vmem_shared>> -> memref<64x128xf32, #tpu.memory_space<vmem_shared>>
      tpu.wait_dma2 semaphore(%run_scoped3A : memref<!tpu.dma_semaphore, #tpu.memory_space<semaphore_mem>>) src(%arg8 : memref<64x128xf32, #tpu.memory_space<vmem>>) dst(%dma_wait3A_236 : memref<64x128xf32, #tpu.memory_space<vmem_shared>>)
      tpu.yield
    }) : () -> ()
    %add3A_13 = arith.constant 64 : i32
    %add3A_14 = arith.addi %mul3A_10, %add3A_13 : i32
    "tpu.region"() ({
      %run_scoped3A = tpu.sem_alloc : memref<!tpu.dma_semaphore, #tpu.memory_space<semaphore_mem>>
      %dma_start3A_229 = arith.constant 0 : i32
      %dma_start3A_230 = tpu.memref_slice %arg7[%add3A_14, %dma_start3A_229] : memref<10240x128xf32, #tpu.memory_space<vmem_shared>> -> memref<64x128xf32, #tpu.memory_space<vmem_shared>>
      %dma_start3A_231 = arith.constant 0 : i32
      %dma_start3A_232 = tpu.memref_slice %arg7[%add3A_14, %dma_start3A_231] : memref<10240x128xf32, #tpu.memory_space<vmem_shared>> -> memref<64x128xf32, #tpu.memory_space<vmem_shared>>
      tpu.enqueue_dma source(%arg8 : memref<64x128xf32, #tpu.memory_space<vmem>>) target(%dma_start3A_232 : memref<64x128xf32, #tpu.memory_space<vmem_shared>>) target_semaphore(%run_scoped3A : memref<!tpu.dma_semaphore, #tpu.memory_space<semaphore_mem>>)
      %dma_wait3A_233 = arith.constant 0 : i32
      %dma_wait3A_234 = tpu.memref_slice %arg7[%add3A_14, %dma_wait3A_233] : memref<10240x128xf32, #tpu.memory_space<vmem_shared>> -> memref<64x128xf32, #tpu.memory_space<vmem_shared>>
      %dma_wait3A_235 = arith.constant 0 : i32
      %dma_wait3A_236 = tpu.memref_slice %arg7[%add3A_14, %dma_wait3A_235] : memref<10240x128xf32, #tpu.memory_space<vmem_shared>> -> memref<64x128xf32, #tpu.memory_space<vmem_shared>>
      tpu.wait_dma2 semaphore(%run_scoped3A : memref<!tpu.dma_semaphore, #tpu.memory_space<semaphore_mem>>) src(%arg8 : memref<64x128xf32, #tpu.memory_space<vmem>>) dst(%dma_wait3A_236 : memref<64x128xf32, #tpu.memory_space<vmem_shared>>)
      tpu.yield
    }) : () -> ()
    %add3A_15 = arith.constant 128 : i32
    %add3A_16 = arith.addi %mul3A_10, %add3A_15 : i32
    "tpu.region"() ({
      %run_scoped3A = tpu.sem_alloc : memref<!tpu.dma_semaphore, #tpu.memory_space<semaphore_mem>>
      %dma_start3A_229 = arith.constant 0 : i32
      %dma_start3A_230 = tpu.memref_slice %arg7[%add3A_16, %dma_start3A_229] : memref<10240x128xf32, #tpu.memory_space<vmem_shared>> -> memref<64x128xf32, #tpu.memory_space<vmem_shared>>
      %dma_start3A_231 = arith.constant 0 : i32
      %dma_start3A_232 = tpu.memref_slice %arg7[%add3A_16, %dma_start3A_231] : memref<10240x128xf32, #tpu.memory_space<vmem_shared>> -> memref<64x128xf32, #tpu.memory_space<vmem_shared>>
      tpu.enqueue_dma source(%arg8 : memref<64x128xf32, #tpu.memory_space<vmem>>) target(%dma_start3A_232 : memref<64x128xf32, #tpu.memory_space<vmem_shared>>) target_semaphore(%run_scoped3A : memref<!tpu.dma_semaphore, #tpu.memory_space<semaphore_mem>>)
      %dma_wait3A_233 = arith.constant 0 : i32
      %dma_wait3A_234 = tpu.memref_slice %arg7[%add3A_16, %dma_wait3A_233] : memref<10240x128xf32, #tpu.memory_space<vmem_shared>> -> memref<64x128xf32, #tpu.memory_space<vmem_shared>>
      %dma_wait3A_235 = arith.constant 0 : i32
      %dma_wait3A_236 = tpu.memref_slice %arg7[%add3A_16, %dma_wait3A_235] : memref<10240x128xf32, #tpu.memory_space<vmem_shared>> -> memref<64x128xf32, #tpu.memory_space<vmem_shared>>
      tpu.wait_dma2 semaphore(%run_scoped3A : memref<!tpu.dma_semaphore, #tpu.memory_space<semaphore_mem>>) src(%arg8 : memref<64x128xf32, #tpu.memory_space<vmem>>) dst(%dma_wait3A_236 : memref<64x128xf32, #tpu.memory_space<vmem_shared>>)
      tpu.yield
    }) : () -> ()
    %add3A_17 = arith.constant 192 : i32
    %add3A_18 = arith.addi %mul3A_10, %add3A_17 : i32
    "tpu.region"() ({
      %run_scoped3A = tpu.sem_alloc : memref<!tpu.dma_semaphore, #tpu.memory_space<semaphore_mem>>
      %dma_start3A_229 = arith.constant 0 : i32
      %dma_start3A_230 = tpu.memref_slice %arg7[%add3A_18, %dma_start3A_229] : memref<10240x128xf32, #tpu.memory_space<vmem_shared>> -> memref<64x128xf32, #tpu.memory_space<vmem_shared>>
      %dma_start3A_231 = arith.constant 0 : i32
      %dma_start3A_232 = tpu.memref_slice %arg7[%add3A_18, %dma_start3A_231] : memref<10240x128xf32, #tpu.memory_space<vmem_shared>> -> memref<64x128xf32, #tpu.memory_space<vmem_shared>>
      tpu.enqueue_dma source(%arg8 : memref<64x128xf32, #tpu.memory_space<vmem>>) target(%dma_start3A_232 : memref<64x128xf32, #tpu.memory_space<vmem_shared>>) target_semaphore(%run_scoped3A : memref<!tpu.dma_semaphore, #tpu.memory_space<semaphore_mem>>)
      %dma_wait3A_233 = arith.constant 0 : i32
      %dma_wait3A_234 = tpu.memref_slice %arg7[%add3A_18, %dma_wait3A_233] : memref<10240x128xf32, #tpu.memory_space<vmem_shared>> -> memref<64x128xf32, #tpu.memory_space<vmem_shared>>
      %dma_wait3A_235 = arith.constant 0 : i32
      %dma_wait3A_236 = tpu.memref_slice %arg7[%add3A_18, %dma_wait3A_235] : memref<10240x128xf32, #tpu.memory_space<vmem_shared>> -> memref<64x128xf32, #tpu.memory_space<vmem_shared>>
      tpu.wait_dma2 semaphore(%run_scoped3A : memref<!tpu.dma_semaphore, #tpu.memory_space<semaphore_mem>>) src(%arg8 : memref<64x128xf32, #tpu.memory_space<vmem>>) dst(%dma_wait3A_236 : memref<64x128xf32, #tpu.memory_space<vmem_shared>>)
      tpu.yield
    }) : () -> ()
    %add3A_19 = arith.constant 256 : i32
    %add3A_20 = arith.addi %mul3A_10, %add3A_19 : i32
    "tpu.region"() ({
      %run_scoped3A = tpu.sem_alloc : memref<!tpu.dma_semaphore, #tpu.memory_space<semaphore_mem>>
      %dma_start3A_229 = arith.constant 0 : i32
      %dma_start3A_230 = tpu.memref_slice %arg7[%add3A_20, %dma_start3A_229] : memref<10240x128xf32, #tpu.memory_space<vmem_shared>> -> memref<64x128xf32, #tpu.memory_space<vmem_shared>>
      %dma_start3A_231 = arith.constant 0 : i32
      %dma_start3A_232 = tpu.memref_slice %arg7[%add3A_20, %dma_start3A_231] : memref<10240x128xf32, #tpu.memory_space<vmem_shared>> -> memref<64x128xf32, #tpu.memory_space<vmem_shared>>
      tpu.enqueue_dma source(%arg8 : memref<64x128xf32, #tpu.memory_space<vmem>>) target(%dma_start3A_232 : memref<64x128xf32, #tpu.memory_space<vmem_shared>>) target_semaphore(%run_scoped3A : memref<!tpu.dma_semaphore, #tpu.memory_space<semaphore_mem>>)
      %dma_wait3A_233 = arith.constant 0 : i32
      %dma_wait3A_234 = tpu.memref_slice %arg7[%add3A_20, %dma_wait3A_233] : memref<10240x128xf32, #tpu.memory_space<vmem_shared>> -> memref<64x128xf32, #tpu.memory_space<vmem_shared>>
      %dma_wait3A_235 = arith.constant 0 : i32
      %dma_wait3A_236 = tpu.memref_slice %arg7[%add3A_20, %dma_wait3A_235] : memref<10240x128xf32, #tpu.memory_space<vmem_shared>> -> memref<64x128xf32, #tpu.memory_space<vmem_shared>>
      tpu.wait_dma2 semaphore(%run_scoped3A : memref<!tpu.dma_semaphore, #tpu.memory_space<semaphore_mem>>) src(%arg8 : memref<64x128xf32, #tpu.memory_space<vmem>>) dst(%dma_wait3A_236 : memref<64x128xf32, #tpu.memory_space<vmem_shared>>)
      tpu.yield
    }) : () -> ()
    %add3A_21 = arith.constant 320 : i32
    %add3A_22 = arith.addi %mul3A_10, %add3A_21 : i32
    "tpu.region"() ({
      %run_scoped3A = tpu.sem_alloc : memref<!tpu.dma_semaphore, #tpu.memory_space<semaphore_mem>>
      %dma_start3A_229 = arith.constant 0 : i32
      %dma_start3A_230 = tpu.memref_slice %arg7[%add3A_22, %dma_start3A_229] : memref<10240x128xf32, #tpu.memory_space<vmem_shared>> -> memref<64x128xf32, #tpu.memory_space<vmem_shared>>
      %dma_start3A_231 = arith.constant 0 : i32
      %dma_start3A_232 = tpu.memref_slice %arg7[%add3A_22, %dma_start3A_231] : memref<10240x128xf32, #tpu.memory_space<vmem_shared>> -> memref<64x128xf32, #tpu.memory_space<vmem_shared>>
      tpu.enqueue_dma source(%arg8 : memref<64x128xf32, #tpu.memory_space<vmem>>) target(%dma_start3A_232 : memref<64x128xf32, #tpu.memory_space<vmem_shared>>) target_semaphore(%run_scoped3A : memref<!tpu.dma_semaphore, #tpu.memory_space<semaphore_mem>>)
      %dma_wait3A_233 = arith.constant 0 : i32
      %dma_wait3A_234 = tpu.memref_slice %arg7[%add3A_22, %dma_wait3A_233] : memref<10240x128xf32, #tpu.memory_space<vmem_shared>> -> memref<64x128xf32, #tpu.memory_space<vmem_shared>>
      %dma_wait3A_235 = arith.constant 0 : i32
      %dma_wait3A_236 = tpu.memref_slice %arg7[%add3A_22, %dma_wait3A_235] : memref<10240x128xf32, #tpu.memory_space<vmem_shared>> -> memref<64x128xf32, #tpu.memory_space<vmem_shared>>
      tpu.wait_dma2 semaphore(%run_scoped3A : memref<!tpu.dma_semaphore, #tpu.memory_space<semaphore_mem>>) src(%arg8 : memref<64x128xf32, #tpu.memory_space<vmem>>) dst(%dma_wait3A_236 : memref<64x128xf32, #tpu.memory_space<vmem_shared>>)
      tpu.yield
    }) : () -> ()
    %add3A_23 = arith.constant 384 : i32
    %add3A_24 = arith.addi %mul3A_10, %add3A_23 : i32
    "tpu.region"() ({
      %run_scoped3A = tpu.sem_alloc : memref<!tpu.dma_semaphore, #tpu.memory_space<semaphore_mem>>
      %dma_start3A_229 = arith.constant 0 : i32
      %dma_start3A_230 = tpu.memref_slice %arg7[%add3A_24, %dma_start3A_229] : memref<10240x128xf32, #tpu.memory_space<vmem_shared>> -> memref<64x128xf32, #tpu.memory_space<vmem_shared>>
      %dma_start3A_231 = arith.constant 0 : i32
      %dma_start3A_232 = tpu.memref_slice %arg7[%add3A_24, %dma_start3A_231] : memref<10240x128xf32, #tpu.memory_space<vmem_shared>> -> memref<64x128xf32, #tpu.memory_space<vmem_shared>>
      tpu.enqueue_dma source(%arg8 : memref<64x128xf32, #tpu.memory_space<vmem>>) target(%dma_start3A_232 : memref<64x128xf32, #tpu.memory_space<vmem_shared>>) target_semaphore(%run_scoped3A : memref<!tpu.dma_semaphore, #tpu.memory_space<semaphore_mem>>)
      %dma_wait3A_233 = arith.constant 0 : i32
      %dma_wait3A_234 = tpu.memref_slice %arg7[%add3A_24, %dma_wait3A_233] : memref<10240x128xf32, #tpu.memory_space<vmem_shared>> -> memref<64x128xf32, #tpu.memory_space<vmem_shared>>
      %dma_wait3A_235 = arith.constant 0 : i32
      %dma_wait3A_236 = tpu.memref_slice %arg7[%add3A_24, %dma_wait3A_235] : memref<10240x128xf32, #tpu.memory_space<vmem_shared>> -> memref<64x128xf32, #tpu.memory_space<vmem_shared>>
      tpu.wait_dma2 semaphore(%run_scoped3A : memref<!tpu.dma_semaphore, #tpu.memory_space<semaphore_mem>>) src(%arg8 : memref<64x128xf32, #tpu.memory_space<vmem>>) dst(%dma_wait3A_236 : memref<64x128xf32, #tpu.memory_space<vmem_shared>>)
      tpu.yield
    }) : () -> ()
    %add3A_25 = arith.constant 448 : i32
    %add3A_26 = arith.addi %mul3A_10, %add3A_25 : i32
    "tpu.region"() ({
      %run_scoped3A = tpu.sem_alloc : memref<!tpu.dma_semaphore, #tpu.memory_space<semaphore_mem>>
      %dma_start3A_229 = arith.constant 0 : i32
      %dma_start3A_230 = tpu.memref_slice %arg7[%add3A_26, %dma_start3A_229] : memref<10240x128xf32, #tpu.memory_space<vmem_shared>> -> memref<64x128xf32, #tpu.memory_space<vmem_shared>>
      %dma_start3A_231 = arith.constant 0 : i32
      %dma_start3A_232 = tpu.memref_slice %arg7[%add3A_26, %dma_start3A_231] : memref<10240x128xf32, #tpu.memory_space<vmem_shared>> -> memref<64x128xf32, #tpu.memory_space<vmem_shared>>
      tpu.enqueue_dma source(%arg8 : memref<64x128xf32, #tpu.memory_space<vmem>>) target(%dma_start3A_232 : memref<64x128xf32, #tpu.memory_space<vmem_shared>>) target_semaphore(%run_scoped3A : memref<!tpu.dma_semaphore, #tpu.memory_space<semaphore_mem>>)
      %dma_wait3A_233 = arith.constant 0 : i32
      %dma_wait3A_234 = tpu.memref_slice %arg7[%add3A_26, %dma_wait3A_233] : memref<10240x128xf32, #tpu.memory_space<vmem_shared>> -> memref<64x128xf32, #tpu.memory_space<vmem_shared>>
      %dma_wait3A_235 = arith.constant 0 : i32
      %dma_wait3A_236 = tpu.memref_slice %arg7[%add3A_26, %dma_wait3A_235] : memref<10240x128xf32, #tpu.memory_space<vmem_shared>> -> memref<64x128xf32, #tpu.memory_space<vmem_shared>>
      tpu.wait_dma2 semaphore(%run_scoped3A : memref<!tpu.dma_semaphore, #tpu.memory_space<semaphore_mem>>) src(%arg8 : memref<64x128xf32, #tpu.memory_space<vmem>>) dst(%dma_wait3A_236 : memref<64x128xf32, #tpu.memory_space<vmem_shared>>)
      tpu.yield
    }) : () -> ()
    %add3A_27 = arith.constant 512 : i32
    %add3A_28 = arith.addi %mul3A_10, %add3A_27 : i32
    "tpu.region"() ({
      %run_scoped3A = tpu.sem_alloc : memref<!tpu.dma_semaphore, #tpu.memory_space<semaphore_mem>>
      %dma_start3A_229 = arith.constant 0 : i32
      %dma_start3A_230 = tpu.memref_slice %arg7[%add3A_28, %dma_start3A_229] : memref<10240x128xf32, #tpu.memory_space<vmem_shared>> -> memref<64x128xf32, #tpu.memory_space<vmem_shared>>
      %dma_start3A_231 = arith.constant 0 : i32
      %dma_start3A_232 = tpu.memref_slice %arg7[%add3A_28, %dma_start3A_231] : memref<10240x128xf32, #tpu.memory_space<vmem_shared>> -> memref<64x128xf32, #tpu.memory_space<vmem_shared>>
      tpu.enqueue_dma source(%arg8 : memref<64x128xf32, #tpu.memory_space<vmem>>) target(%dma_start3A_232 : memref<64x128xf32, #tpu.memory_space<vmem_shared>>) target_semaphore(%run_scoped3A : memref<!tpu.dma_semaphore, #tpu.memory_space<semaphore_mem>>)
      %dma_wait3A_233 = arith.constant 0 : i32
      %dma_wait3A_234 = tpu.memref_slice %arg7[%add3A_28, %dma_wait3A_233] : memref<10240x128xf32, #tpu.memory_space<vmem_shared>> -> memref<64x128xf32, #tpu.memory_space<vmem_shared>>
      %dma_wait3A_235 = arith.constant 0 : i32
      %dma_wait3A_236 = tpu.memref_slice %arg7[%add3A_28, %dma_wait3A_235] : memref<10240x128xf32, #tpu.memory_space<vmem_shared>> -> memref<64x128xf32, #tpu.memory_space<vmem_shared>>
      tpu.wait_dma2 semaphore(%run_scoped3A : memref<!tpu.dma_semaphore, #tpu.memory_space<semaphore_mem>>) src(%arg8 : memref<64x128xf32, #tpu.memory_space<vmem>>) dst(%dma_wait3A_236 : memref<64x128xf32, #tpu.memory_space<vmem_shared>>)
      tpu.yield
    }) : () -> ()
    %add3A_29 = arith.constant 576 : i32
    %add3A_30 = arith.addi %mul3A_10, %add3A_29 : i32
    "tpu.region"() ({
      %run_scoped3A = tpu.sem_alloc : memref<!tpu.dma_semaphore, #tpu.memory_space<semaphore_mem>>
      %dma_start3A_229 = arith.constant 0 : i32
      %dma_start3A_230 = tpu.memref_slice %arg7[%add3A_30, %dma_start3A_229] : memref<10240x128xf32, #tpu.memory_space<vmem_shared>> -> memref<64x128xf32, #tpu.memory_space<vmem_shared>>
      %dma_start3A_231 = arith.constant 0 : i32
      %dma_start3A_232 = tpu.memref_slice %arg7[%add3A_30, %dma_start3A_231] : memref<10240x128xf32, #tpu.memory_space<vmem_shared>> -> memref<64x128xf32, #tpu.memory_space<vmem_shared>>
      tpu.enqueue_dma source(%arg8 : memref<64x128xf32, #tpu.memory_space<vmem>>) target(%dma_start3A_232 : memref<64x128xf32, #tpu.memory_space<vmem_shared>>) target_semaphore(%run_scoped3A : memref<!tpu.dma_semaphore, #tpu.memory_space<semaphore_mem>>)
      %dma_wait3A_233 = arith.constant 0 : i32
      %dma_wait3A_234 = tpu.memref_slice %arg7[%add3A_30, %dma_wait3A_233] : memref<10240x128xf32, #tpu.memory_space<vmem_shared>> -> memref<64x128xf32, #tpu.memory_space<vmem_shared>>
      %dma_wait3A_235 = arith.constant 0 : i32
      %dma_wait3A_236 = tpu.memref_slice %arg7[%add3A_30, %dma_wait3A_235] : memref<10240x128xf32, #tpu.memory_space<vmem_shared>> -> memref<64x128xf32, #tpu.memory_space<vmem_shared>>
      tpu.wait_dma2 semaphore(%run_scoped3A : memref<!tpu.dma_semaphore, #tpu.memory_space<semaphore_mem>>) src(%arg8 : memref<64x128xf32, #tpu.memory_space<vmem>>) dst(%dma_wait3A_236 : memref<64x128xf32, #tpu.memory_space<vmem_shared>>)
      tpu.yield
    }) : () -> ()
    %barrier3A = arith.constant 0 : index
    tpu.barrier barrier_id(%barrier3A)
    %add3A_31 = arith.constant 0 : i32
    %add3A_32 = arith.addi %mul3A_2, %add3A_31 : i32
    %dma_start3A = arith.constant 0 : i32
    %dma_start3A_33 = arith.constant 0 : i32
    %dma_start3A_34 = arith.constant 0 : i32
    %dma_start3A_35 = tpu.memref_slice %arg12[%dma_start3A, %dma_start3A_34] : memref<4x64xi32, #tpu.memory_space<vmem>> -> memref<1x64xi32, #tpu.memory_space<vmem>>
    %dma_start3A_36 = tpu.memref_squeeze %dma_start3A_35 : memref<1x64xi32, #tpu.memory_space<vmem>> -> memref<64xi32, #tpu.memory_space<vmem>>
    %dma_start3A_37 = arith.constant 0 : i32
    %dma_start3A_38 = tpu.memref_slice %arg2[%add3A_32, %dma_start3A_37] : memref<5120x64xi32, #tpu.memory_space<hbm>> -> memref<1x64xi32, #tpu.memory_space<hbm>>
    %dma_start3A_39 = tpu.memref_squeeze %dma_start3A_38 : memref<1x64xi32, #tpu.memory_space<hbm>> -> memref<64xi32, #tpu.memory_space<hbm>>
    %dma_start3A_40 = tpu.memref_slice %arg15[%dma_start3A_33] : memref<4x!tpu.dma_semaphore, #tpu.memory_space<semaphore_mem>> -> memref<1x!tpu.dma_semaphore, #tpu.memory_space<semaphore_mem>>
    %dma_start3A_41 = tpu.memref_squeeze %dma_start3A_40 : memref<1x!tpu.dma_semaphore, #tpu.memory_space<semaphore_mem>> -> memref<!tpu.dma_semaphore, #tpu.memory_space<semaphore_mem>>
    %dma_start3A_42 = arith.constant 0 : i32
    %dma_start3A_43 = tpu.memref_slice %arg12[%dma_start3A, %dma_start3A_42] : memref<4x64xi32, #tpu.memory_space<vmem>> -> memref<1x64xi32, #tpu.memory_space<vmem>>
    %dma_start3A_44 = tpu.memref_squeeze %dma_start3A_43 : memref<1x64xi32, #tpu.memory_space<vmem>> -> memref<64xi32, #tpu.memory_space<vmem>>
    %dma_start3A_45 = arith.constant 0 : i32
    %dma_start3A_46 = tpu.memref_slice %arg2[%add3A_32, %dma_start3A_45] : memref<5120x64xi32, #tpu.memory_space<hbm>> -> memref<1x64xi32, #tpu.memory_space<hbm>>
    %dma_start3A_47 = tpu.memref_squeeze %dma_start3A_46 : memref<1x64xi32, #tpu.memory_space<hbm>> -> memref<64xi32, #tpu.memory_space<hbm>>
    tpu.enqueue_dma source(%dma_start3A_47 : memref<64xi32, #tpu.memory_space<hbm>>) target(%dma_start3A_44 : memref<64xi32, #tpu.memory_space<vmem>>) target_semaphore(%dma_start3A_41 : memref<!tpu.dma_semaphore, #tpu.memory_space<semaphore_mem>>)
    %add3A_48 = arith.constant 0 : i32
    %add3A_49 = arith.addi %mul3A_2, %add3A_48 : i32
    %dma_start3A_50 = arith.constant 0 : i32
    %dma_start3A_51 = arith.constant 0 : i32
    %dma_start3A_52 = arith.constant 0 : i32
    %dma_start3A_53 = tpu.memref_slice %arg13[%dma_start3A_50, %dma_start3A_52] : memref<4x64xi32, #tpu.memory_space<vmem>> -> memref<1x64xi32, #tpu.memory_space<vmem>>
    %dma_start3A_54 = tpu.memref_squeeze %dma_start3A_53 : memref<1x64xi32, #tpu.memory_space<vmem>> -> memref<64xi32, #tpu.memory_space<vmem>>
    %dma_start3A_55 = arith.constant 0 : i32
    %dma_start3A_56 = tpu.memref_slice %arg3[%add3A_49, %dma_start3A_55] : memref<5120x64xi32, #tpu.memory_space<hbm>> -> memref<1x64xi32, #tpu.memory_space<hbm>>
    %dma_start3A_57 = tpu.memref_squeeze %dma_start3A_56 : memref<1x64xi32, #tpu.memory_space<hbm>> -> memref<64xi32, #tpu.memory_space<hbm>>
    %dma_start3A_58 = tpu.memref_slice %arg15[%dma_start3A_51] : memref<4x!tpu.dma_semaphore, #tpu.memory_space<semaphore_mem>> -> memref<1x!tpu.dma_semaphore, #tpu.memory_space<semaphore_mem>>
    %dma_start3A_59 = tpu.memref_squeeze %dma_start3A_58 : memref<1x!tpu.dma_semaphore, #tpu.memory_space<semaphore_mem>> -> memref<!tpu.dma_semaphore, #tpu.memory_space<semaphore_mem>>
    %dma_start3A_60 = arith.constant 0 : i32
    %dma_start3A_61 = tpu.memref_slice %arg13[%dma_start3A_50, %dma_start3A_60] : memref<4x64xi32, #tpu.memory_space<vmem>> -> memref<1x64xi32, #tpu.memory_space<vmem>>
    %dma_start3A_62 = tpu.memref_squeeze %dma_start3A_61 : memref<1x64xi32, #tpu.memory_space<vmem>> -> memref<64xi32, #tpu.memory_space<vmem>>
    %dma_start3A_63 = arith.constant 0 : i32
    %dma_start3A_64 = tpu.memref_slice %arg3[%add3A_49, %dma_start3A_63] : memref<5120x64xi32, #tpu.memory_space<hbm>> -> memref<1x64xi32, #tpu.memory_space<hbm>>
    %dma_start3A_65 = tpu.memref_squeeze %dma_start3A_64 : memref<1x64xi32, #tpu.memory_space<hbm>> -> memref<64xi32, #tpu.memory_space<hbm>>
    tpu.enqueue_dma source(%dma_start3A_65 : memref<64xi32, #tpu.memory_space<hbm>>) target(%dma_start3A_62 : memref<64xi32, #tpu.memory_space<vmem>>) target_semaphore(%dma_start3A_59 : memref<!tpu.dma_semaphore, #tpu.memory_space<semaphore_mem>>)
    %add3A_66 = arith.constant 0 : i32
    %add3A_67 = arith.addi %mul3A_2, %add3A_66 : i32
    %dma_start3A_68 = arith.constant 0 : i32
    %dma_start3A_69 = arith.constant 0 : i32
    %dma_start3A_70 = arith.constant 0 : i32
    %dma_start3A_71 = tpu.memref_slice %arg14[%dma_start3A_68, %dma_start3A_70] : memref<4x64xf32, #tpu.memory_space<vmem>> -> memref<1x64xf32, #tpu.memory_space<vmem>>
    %dma_start3A_72 = tpu.memref_squeeze %dma_start3A_71 : memref<1x64xf32, #tpu.memory_space<vmem>> -> memref<64xf32, #tpu.memory_space<vmem>>
    %dma_start3A_73 = arith.constant 0 : i32
    %dma_start3A_74 = tpu.memref_slice %arg4[%add3A_67, %dma_start3A_73] : memref<5120x64xf32, #tpu.memory_space<hbm>> -> memref<1x64xf32, #tpu.memory_space<hbm>>
    %dma_start3A_75 = tpu.memref_squeeze %dma_start3A_74 : memref<1x64xf32, #tpu.memory_space<hbm>> -> memref<64xf32, #tpu.memory_space<hbm>>
    %dma_start3A_76 = tpu.memref_slice %arg15[%dma_start3A_69] : memref<4x!tpu.dma_semaphore, #tpu.memory_space<semaphore_mem>> -> memref<1x!tpu.dma_semaphore, #tpu.memory_space<semaphore_mem>>
    %dma_start3A_77 = tpu.memref_squeeze %dma_start3A_76 : memref<1x!tpu.dma_semaphore, #tpu.memory_space<semaphore_mem>> -> memref<!tpu.dma_semaphore, #tpu.memory_space<semaphore_mem>>
    %dma_start3A_78 = arith.constant 0 : i32
    %dma_start3A_79 = tpu.memref_slice %arg14[%dma_start3A_68, %dma_start3A_78] : memref<4x64xf32, #tpu.memory_space<vmem>> -> memref<1x64xf32, #tpu.memory_space<vmem>>
    %dma_start3A_80 = tpu.memref_squeeze %dma_start3A_79 : memref<1x64xf32, #tpu.memory_space<vmem>> -> memref<64xf32, #tpu.memory_space<vmem>>
    %dma_start3A_81 = arith.constant 0 : i32
    %dma_start3A_82 = tpu.memref_slice %arg4[%add3A_67, %dma_start3A_81] : memref<5120x64xf32, #tpu.memory_space<hbm>> -> memref<1x64xf32, #tpu.memory_space<hbm>>
    %dma_start3A_83 = tpu.memref_squeeze %dma_start3A_82 : memref<1x64xf32, #tpu.memory_space<hbm>> -> memref<64xf32, #tpu.memory_space<hbm>>
    tpu.enqueue_dma source(%dma_start3A_83 : memref<64xf32, #tpu.memory_space<hbm>>) target(%dma_start3A_80 : memref<64xf32, #tpu.memory_space<vmem>>) target_semaphore(%dma_start3A_77 : memref<!tpu.dma_semaphore, #tpu.memory_space<semaphore_mem>>)
    %add3A_84 = arith.constant 1 : i32
    %add3A_85 = arith.addi %mul3A_2, %add3A_84 : i32
    %dma_start3A_86 = arith.constant 1 : i32
    %dma_start3A_87 = arith.constant 1 : i32
    %dma_start3A_88 = arith.constant 0 : i32
    %dma_start3A_89 = tpu.memref_slice %arg12[%dma_start3A_86, %dma_start3A_88] : memref<4x64xi32, #tpu.memory_space<vmem>> -> memref<1x64xi32, #tpu.memory_space<vmem>>
    %dma_start3A_90 = tpu.memref_squeeze %dma_start3A_89 : memref<1x64xi32, #tpu.memory_space<vmem>> -> memref<64xi32, #tpu.memory_space<vmem>>
    %dma_start3A_91 = arith.constant 0 : i32
    %dma_start3A_92 = tpu.memref_slice %arg2[%add3A_85, %dma_start3A_91] : memref<5120x64xi32, #tpu.memory_space<hbm>> -> memref<1x64xi32, #tpu.memory_space<hbm>>
    %dma_start3A_93 = tpu.memref_squeeze %dma_start3A_92 : memref<1x64xi32, #tpu.memory_space<hbm>> -> memref<64xi32, #tpu.memory_space<hbm>>
    %dma_start3A_94 = tpu.memref_slice %arg15[%dma_start3A_87] : memref<4x!tpu.dma_semaphore, #tpu.memory_space<semaphore_mem>> -> memref<1x!tpu.dma_semaphore, #tpu.memory_space<semaphore_mem>>
    %dma_start3A_95 = tpu.memref_squeeze %dma_start3A_94 : memref<1x!tpu.dma_semaphore, #tpu.memory_space<semaphore_mem>> -> memref<!tpu.dma_semaphore, #tpu.memory_space<semaphore_mem>>
    %dma_start3A_96 = arith.constant 0 : i32
    %dma_start3A_97 = tpu.memref_slice %arg12[%dma_start3A_86, %dma_start3A_96] : memref<4x64xi32, #tpu.memory_space<vmem>> -> memref<1x64xi32, #tpu.memory_space<vmem>>
    %dma_start3A_98 = tpu.memref_squeeze %dma_start3A_97 : memref<1x64xi32, #tpu.memory_space<vmem>> -> memref<64xi32, #tpu.memory_space<vmem>>
    %dma_start3A_99 = arith.constant 0 : i32
    %dma_start3A_100 = tpu.memref_slice %arg2[%add3A_85, %dma_start3A_99] : memref<5120x64xi32, #tpu.memory_space<hbm>> -> memref<1x64xi32, #tpu.memory_space<hbm>>
    %dma_start3A_101 = tpu.memref_squeeze %dma_start3A_100 : memref<1x64xi32, #tpu.memory_space<hbm>> -> memref<64xi32, #tpu.memory_space<hbm>>
    tpu.enqueue_dma source(%dma_start3A_101 : memref<64xi32, #tpu.memory_space<hbm>>) target(%dma_start3A_98 : memref<64xi32, #tpu.memory_space<vmem>>) target_semaphore(%dma_start3A_95 : memref<!tpu.dma_semaphore, #tpu.memory_space<semaphore_mem>>)
    %add3A_102 = arith.constant 1 : i32
    %add3A_103 = arith.addi %mul3A_2, %add3A_102 : i32
    %dma_start3A_104 = arith.constant 1 : i32
    %dma_start3A_105 = arith.constant 1 : i32
    %dma_start3A_106 = arith.constant 0 : i32
    %dma_start3A_107 = tpu.memref_slice %arg13[%dma_start3A_104, %dma_start3A_106] : memref<4x64xi32, #tpu.memory_space<vmem>> -> memref<1x64xi32, #tpu.memory_space<vmem>>
    %dma_start3A_108 = tpu.memref_squeeze %dma_start3A_107 : memref<1x64xi32, #tpu.memory_space<vmem>> -> memref<64xi32, #tpu.memory_space<vmem>>
    %dma_start3A_109 = arith.constant 0 : i32
    %dma_start3A_110 = tpu.memref_slice %arg3[%add3A_103, %dma_start3A_109] : memref<5120x64xi32, #tpu.memory_space<hbm>> -> memref<1x64xi32, #tpu.memory_space<hbm>>
    %dma_start3A_111 = tpu.memref_squeeze %dma_start3A_110 : memref<1x64xi32, #tpu.memory_space<hbm>> -> memref<64xi32, #tpu.memory_space<hbm>>
    %dma_start3A_112 = tpu.memref_slice %arg15[%dma_start3A_105] : memref<4x!tpu.dma_semaphore, #tpu.memory_space<semaphore_mem>> -> memref<1x!tpu.dma_semaphore, #tpu.memory_space<semaphore_mem>>
    %dma_start3A_113 = tpu.memref_squeeze %dma_start3A_112 : memref<1x!tpu.dma_semaphore, #tpu.memory_space<semaphore_mem>> -> memref<!tpu.dma_semaphore, #tpu.memory_space<semaphore_mem>>
    %dma_start3A_114 = arith.constant 0 : i32
    %dma_start3A_115 = tpu.memref_slice %arg13[%dma_start3A_104, %dma_start3A_114] : memref<4x64xi32, #tpu.memory_space<vmem>> -> memref<1x64xi32, #tpu.memory_space<vmem>>
    %dma_start3A_116 = tpu.memref_squeeze %dma_start3A_115 : memref<1x64xi32, #tpu.memory_space<vmem>> -> memref<64xi32, #tpu.memory_space<vmem>>
    %dma_start3A_117 = arith.constant 0 : i32
    %dma_start3A_118 = tpu.memref_slice %arg3[%add3A_103, %dma_start3A_117] : memref<5120x64xi32, #tpu.memory_space<hbm>> -> memref<1x64xi32, #tpu.memory_space<hbm>>
    %dma_start3A_119 = tpu.memref_squeeze %dma_start3A_118 : memref<1x64xi32, #tpu.memory_space<hbm>> -> memref<64xi32, #tpu.memory_space<hbm>>
    tpu.enqueue_dma source(%dma_start3A_119 : memref<64xi32, #tpu.memory_space<hbm>>) target(%dma_start3A_116 : memref<64xi32, #tpu.memory_space<vmem>>) target_semaphore(%dma_start3A_113 : memref<!tpu.dma_semaphore, #tpu.memory_space<semaphore_mem>>)
    %add3A_120 = arith.constant 1 : i32
    %add3A_121 = arith.addi %mul3A_2, %add3A_120 : i32
    %dma_start3A_122 = arith.constant 1 : i32
    %dma_start3A_123 = arith.constant 1 : i32
    %dma_start3A_124 = arith.constant 0 : i32
    %dma_start3A_125 = tpu.memref_slice %arg14[%dma_start3A_122, %dma_start3A_124] : memref<4x64xf32, #tpu.memory_space<vmem>> -> memref<1x64xf32, #tpu.memory_space<vmem>>
    %dma_start3A_126 = tpu.memref_squeeze %dma_start3A_125 : memref<1x64xf32, #tpu.memory_space<vmem>> -> memref<64xf32, #tpu.memory_space<vmem>>
    %dma_start3A_127 = arith.constant 0 : i32
    %dma_start3A_128 = tpu.memref_slice %arg4[%add3A_121, %dma_start3A_127] : memref<5120x64xf32, #tpu.memory_space<hbm>> -> memref<1x64xf32, #tpu.memory_space<hbm>>
    %dma_start3A_129 = tpu.memref_squeeze %dma_start3A_128 : memref<1x64xf32, #tpu.memory_space<hbm>> -> memref<64xf32, #tpu.memory_space<hbm>>
    %dma_start3A_130 = tpu.memref_slice %arg15[%dma_start3A_123] : memref<4x!tpu.dma_semaphore, #tpu.memory_space<semaphore_mem>> -> memref<1x!tpu.dma_semaphore, #tpu.memory_space<semaphore_mem>>
    %dma_start3A_131 = tpu.memref_squeeze %dma_start3A_130 : memref<1x!tpu.dma_semaphore, #tpu.memory_space<semaphore_mem>> -> memref<!tpu.dma_semaphore, #tpu.memory_space<semaphore_mem>>
    %dma_start3A_132 = arith.constant 0 : i32
    %dma_start3A_133 = tpu.memref_slice %arg14[%dma_start3A_122, %dma_start3A_132] : memref<4x64xf32, #tpu.memory_space<vmem>> -> memref<1x64xf32, #tpu.memory_space<vmem>>
    %dma_start3A_134 = tpu.memref_squeeze %dma_start3A_133 : memref<1x64xf32, #tpu.memory_space<vmem>> -> memref<64xf32, #tpu.memory_space<vmem>>
    %dma_start3A_135 = arith.constant 0 : i32
    %dma_start3A_136 = tpu.memref_slice %arg4[%add3A_121, %dma_start3A_135] : memref<5120x64xf32, #tpu.memory_space<hbm>> -> memref<1x64xf32, #tpu.memory_space<hbm>>
    %dma_start3A_137 = tpu.memref_squeeze %dma_start3A_136 : memref<1x64xf32, #tpu.memory_space<hbm>> -> memref<64xf32, #tpu.memory_space<hbm>>
    tpu.enqueue_dma source(%dma_start3A_137 : memref<64xf32, #tpu.memory_space<hbm>>) target(%dma_start3A_134 : memref<64xf32, #tpu.memory_space<vmem>>) target_semaphore(%dma_start3A_131 : memref<!tpu.dma_semaphore, #tpu.memory_space<semaphore_mem>>)
    %add3A_138 = arith.constant 0 : i32
    %add3A_139 = arith.addi %mul3A_2, %add3A_138 : i32
    %dma_wait3A = arith.constant 0 : i32
    %dma_wait3A_140 = arith.constant 0 : i32
    %dma_wait3A_141 = arith.constant 0 : i32
    %dma_wait3A_142 = tpu.memref_slice %arg12[%dma_wait3A, %dma_wait3A_141] : memref<4x64xi32, #tpu.memory_space<vmem>> -> memref<1x64xi32, #tpu.memory_space<vmem>>
    %dma_wait3A_143 = tpu.memref_squeeze %dma_wait3A_142 : memref<1x64xi32, #tpu.memory_space<vmem>> -> memref<64xi32, #tpu.memory_space<vmem>>
    %dma_wait3A_144 = arith.constant 0 : i32
    %dma_wait3A_145 = tpu.memref_slice %arg2[%add3A_139, %dma_wait3A_144] : memref<5120x64xi32, #tpu.memory_space<hbm>> -> memref<1x64xi32, #tpu.memory_space<hbm>>
    %dma_wait3A_146 = tpu.memref_squeeze %dma_wait3A_145 : memref<1x64xi32, #tpu.memory_space<hbm>> -> memref<64xi32, #tpu.memory_space<hbm>>
    %dma_wait3A_147 = tpu.memref_slice %arg15[%dma_wait3A_140] : memref<4x!tpu.dma_semaphore, #tpu.memory_space<semaphore_mem>> -> memref<1x!tpu.dma_semaphore, #tpu.memory_space<semaphore_mem>>
    %dma_wait3A_148 = tpu.memref_squeeze %dma_wait3A_147 : memref<1x!tpu.dma_semaphore, #tpu.memory_space<semaphore_mem>> -> memref<!tpu.dma_semaphore, #tpu.memory_space<semaphore_mem>>
    %dma_wait3A_149 = arith.constant 0 : i32
    %dma_wait3A_150 = tpu.memref_slice %arg12[%dma_wait3A, %dma_wait3A_149] : memref<4x64xi32, #tpu.memory_space<vmem>> -> memref<1x64xi32, #tpu.memory_space<vmem>>
    %dma_wait3A_151 = tpu.memref_squeeze %dma_wait3A_150 : memref<1x64xi32, #tpu.memory_space<vmem>> -> memref<64xi32, #tpu.memory_space<vmem>>
    %dma_wait3A_152 = arith.constant 0 : i32
    %dma_wait3A_153 = tpu.memref_slice %arg2[%add3A_139, %dma_wait3A_152] : memref<5120x64xi32, #tpu.memory_space<hbm>> -> memref<1x64xi32, #tpu.memory_space<hbm>>
    %dma_wait3A_154 = tpu.memref_squeeze %dma_wait3A_153 : memref<1x64xi32, #tpu.memory_space<hbm>> -> memref<64xi32, #tpu.memory_space<hbm>>
    tpu.wait_dma2 semaphore(%dma_wait3A_148 : memref<!tpu.dma_semaphore, #tpu.memory_space<semaphore_mem>>) src(%dma_wait3A_154 : memref<64xi32, #tpu.memory_space<hbm>>) dst(%dma_wait3A_151 : memref<64xi32, #tpu.memory_space<vmem>>)
    %add3A_155 = arith.constant 0 : i32
    %add3A_156 = arith.addi %mul3A_2, %add3A_155 : i32
    %dma_wait3A_157 = arith.constant 0 : i32
    %dma_wait3A_158 = arith.constant 0 : i32
    %dma_wait3A_159 = arith.constant 0 : i32
    %dma_wait3A_160 = tpu.memref_slice %arg13[%dma_wait3A_157, %dma_wait3A_159] : memref<4x64xi32, #tpu.memory_space<vmem>> -> memref<1x64xi32, #tpu.memory_space<vmem>>
    %dma_wait3A_161 = tpu.memref_squeeze %dma_wait3A_160 : memref<1x64xi32, #tpu.memory_space<vmem>> -> memref<64xi32, #tpu.memory_space<vmem>>
    %dma_wait3A_162 = arith.constant 0 : i32
    %dma_wait3A_163 = tpu.memref_slice %arg3[%add3A_156, %dma_wait3A_162] : memref<5120x64xi32, #tpu.memory_space<hbm>> -> memref<1x64xi32, #tpu.memory_space<hbm>>
    %dma_wait3A_164 = tpu.memref_squeeze %dma_wait3A_163 : memref<1x64xi32, #tpu.memory_space<hbm>> -> memref<64xi32, #tpu.memory_space<hbm>>
    %dma_wait3A_165 = tpu.memref_slice %arg15[%dma_wait3A_158] : memref<4x!tpu.dma_semaphore, #tpu.memory_space<semaphore_mem>> -> memref<1x!tpu.dma_semaphore, #tpu.memory_space<semaphore_mem>>
    %dma_wait3A_166 = tpu.memref_squeeze %dma_wait3A_165 : memref<1x!tpu.dma_semaphore, #tpu.memory_space<semaphore_mem>> -> memref<!tpu.dma_semaphore, #tpu.memory_space<semaphore_mem>>
    %dma_wait3A_167 = arith.constant 0 : i32
    %dma_wait3A_168 = tpu.memref_slice %arg13[%dma_wait3A_157, %dma_wait3A_167] : memref<4x64xi32, #tpu.memory_space<vmem>> -> memref<1x64xi32, #tpu.memory_space<vmem>>
    %dma_wait3A_169 = tpu.memref_squeeze %dma_wait3A_168 : memref<1x64xi32, #tpu.memory_space<vmem>> -> memref<64xi32, #tpu.memory_space<vmem>>
    %dma_wait3A_170 = arith.constant 0 : i32
    %dma_wait3A_171 = tpu.memref_slice %arg3[%add3A_156, %dma_wait3A_170] : memref<5120x64xi32, #tpu.memory_space<hbm>> -> memref<1x64xi32, #tpu.memory_space<hbm>>
    %dma_wait3A_172 = tpu.memref_squeeze %dma_wait3A_171 : memref<1x64xi32, #tpu.memory_space<hbm>> -> memref<64xi32, #tpu.memory_space<hbm>>
    tpu.wait_dma2 semaphore(%dma_wait3A_166 : memref<!tpu.dma_semaphore, #tpu.memory_space<semaphore_mem>>) src(%dma_wait3A_172 : memref<64xi32, #tpu.memory_space<hbm>>) dst(%dma_wait3A_169 : memref<64xi32, #tpu.memory_space<vmem>>)
    %add3A_173 = arith.constant 0 : i32
    %add3A_174 = arith.addi %mul3A_2, %add3A_173 : i32
    %dma_wait3A_175 = arith.constant 0 : i32
    %dma_wait3A_176 = arith.constant 0 : i32
    %dma_wait3A_177 = arith.constant 0 : i32
    %dma_wait3A_178 = tpu.memref_slice %arg14[%dma_wait3A_175, %dma_wait3A_177] : memref<4x64xf32, #tpu.memory_space<vmem>> -> memref<1x64xf32, #tpu.memory_space<vmem>>
    %dma_wait3A_179 = tpu.memref_squeeze %dma_wait3A_178 : memref<1x64xf32, #tpu.memory_space<vmem>> -> memref<64xf32, #tpu.memory_space<vmem>>
    %dma_wait3A_180 = arith.constant 0 : i32
    %dma_wait3A_181 = tpu.memref_slice %arg4[%add3A_174, %dma_wait3A_180] : memref<5120x64xf32, #tpu.memory_space<hbm>> -> memref<1x64xf32, #tpu.memory_space<hbm>>
    %dma_wait3A_182 = tpu.memref_squeeze %dma_wait3A_181 : memref<1x64xf32, #tpu.memory_space<hbm>> -> memref<64xf32, #tpu.memory_space<hbm>>
    %dma_wait3A_183 = tpu.memref_slice %arg15[%dma_wait3A_176] : memref<4x!tpu.dma_semaphore, #tpu.memory_space<semaphore_mem>> -> memref<1x!tpu.dma_semaphore, #tpu.memory_space<semaphore_mem>>
    %dma_wait3A_184 = tpu.memref_squeeze %dma_wait3A_183 : memref<1x!tpu.dma_semaphore, #tpu.memory_space<semaphore_mem>> -> memref<!tpu.dma_semaphore, #tpu.memory_space<semaphore_mem>>
    %dma_wait3A_185 = arith.constant 0 : i32
    %dma_wait3A_186 = tpu.memref_slice %arg14[%dma_wait3A_175, %dma_wait3A_185] : memref<4x64xf32, #tpu.memory_space<vmem>> -> memref<1x64xf32, #tpu.memory_space<vmem>>
    %dma_wait3A_187 = tpu.memref_squeeze %dma_wait3A_186 : memref<1x64xf32, #tpu.memory_space<vmem>> -> memref<64xf32, #tpu.memory_space<vmem>>
    %dma_wait3A_188 = arith.constant 0 : i32
    %dma_wait3A_189 = tpu.memref_slice %arg4[%add3A_174, %dma_wait3A_188] : memref<5120x64xf32, #tpu.memory_space<hbm>> -> memref<1x64xf32, #tpu.memory_space<hbm>>
    %dma_wait3A_190 = tpu.memref_squeeze %dma_wait3A_189 : memref<1x64xf32, #tpu.memory_space<hbm>> -> memref<64xf32, #tpu.memory_space<hbm>>
    tpu.wait_dma2 semaphore(%dma_wait3A_184 : memref<!tpu.dma_semaphore, #tpu.memory_space<semaphore_mem>>) src(%dma_wait3A_190 : memref<64xf32, #tpu.memory_space<hbm>>) dst(%dma_wait3A_187 : memref<64xf32, #tpu.memory_space<vmem>>)
    %dma_start3A_191 = arith.constant 0 : i32
    %dma_start3A_192 = arith.constant 0 : i32
    %dma_start3A_193 = arith.constant 0 : i32
    %dma_start3A_194 = tpu.memref_slice %arg12[%dma_start3A_191, %dma_start3A_193] : memref<4x64xi32, #tpu.memory_space<vmem>> -> memref<1x64xi32, #tpu.memory_space<vmem>>
    %dma_start3A_195 = tpu.memref_squeeze %dma_start3A_194 : memref<1x64xi32, #tpu.memory_space<vmem>> -> memref<64xi32, #tpu.memory_space<vmem>>
    %dma_start3A_196 = arith.constant 0 : i32
    %dma_start3A_197 = arith.constant 0 : i32
    %dma_start3A_198 = tpu.memref_slice %arg5[%dma_start3A_196, %dma_start3A_197] : memref<10000x128xf32, #tpu.memory_space<hbm>> -> memref<10000x128xf32, #tpu.memory_space<hbm>>
    %dma_start3A_199 = tpu.memref_slice %arg16[%dma_start3A_192] : memref<4x!tpu.dma_semaphore, #tpu.memory_space<semaphore_mem>> -> memref<1x!tpu.dma_semaphore, #tpu.memory_space<semaphore_mem>>
    %dma_start3A_200 = tpu.memref_squeeze %dma_start3A_199 : memref<1x!tpu.dma_semaphore, #tpu.memory_space<semaphore_mem>> -> memref<!tpu.dma_semaphore, #tpu.memory_space<semaphore_mem>>
    tpu.enqueue_indirect_dma source(%dma_start3A_198 : memref<10000x128xf32, #tpu.memory_space<hbm>>) target(%arg8 : memref<64x128xf32, #tpu.memory_space<vmem>>) offsets(%dma_start3A_195 : memref<64xi32, #tpu.memory_space<vmem>>) semaphore(%dma_start3A_200 : memref<!tpu.dma_semaphore, #tpu.memory_space<semaphore_mem>>)
    %scan3A_201 = arith.constant 0 : i32
    %scan3A_202 = arith.constant 0 : i32
    %scan3A_203 = arith.constant 40 : i32
    %scan3A_204 = arith.addi %scan3A_202, %scan3A_203 : i32
    %scan3A_205 = arith.constant 1 : i32
    %scan3A_206 = scf.for %scan3A_229 = %scan3A_202 to %scan3A_204 step %scan3A_205 iter_args(%scan3A_230 = %scan3A_201) -> (i32)  : i32 {
      %mul3A_231 = arith.constant 4 : i32
      %mul3A_232 = arith.muli %scan3A_229, %mul3A_231 : i32
      %add3A_233 = arith.constant 0 : i32
      %add3A_234 = arith.addi %mul3A_232, %add3A_233 : i32
      %add3A_235 = arith.constant 1 : i32
      %add3A_236 = arith.addi %add3A_234, %add3A_235 : i32
      %lt3A = arith.constant 160 : i32
      %lt3A_237 = arith.cmpi slt, %add3A_236, %lt3A : i32
      %convert_element_type3A = arith.extui %lt3A_237 : i1 to i32
      %cond3A = arith.constant 0 : i32
      %cond3A_238 = arith.cmpi ne, %convert_element_type3A, %cond3A : i32
      scf.if %cond3A_238 {
        %add3A_411 = arith.constant 1 : i32
        %add3A_412 = arith.addi %add3A_234, %add3A_411 : i32
        %add3A_413 = arith.addi %mul3A_2, %add3A_412 : i32
        %dma_wait3A_414 = arith.constant 1 : i32
        %dma_wait3A_415 = arith.constant 1 : i32
        %dma_wait3A_416 = arith.constant 0 : i32
        %dma_wait3A_417 = tpu.memref_slice %arg12[%dma_wait3A_414, %dma_wait3A_416] : memref<4x64xi32, #tpu.memory_space<vmem>> -> memref<1x64xi32, #tpu.memory_space<vmem>>
        %dma_wait3A_418 = tpu.memref_squeeze %dma_wait3A_417 : memref<1x64xi32, #tpu.memory_space<vmem>> -> memref<64xi32, #tpu.memory_space<vmem>>
        %dma_wait3A_419 = arith.constant 0 : i32
        %dma_wait3A_420 = tpu.memref_slice %arg2[%add3A_413, %dma_wait3A_419] : memref<5120x64xi32, #tpu.memory_space<hbm>> -> memref<1x64xi32, #tpu.memory_space<hbm>>
        %dma_wait3A_421 = tpu.memref_squeeze %dma_wait3A_420 : memref<1x64xi32, #tpu.memory_space<hbm>> -> memref<64xi32, #tpu.memory_space<hbm>>
        %dma_wait3A_422 = tpu.memref_slice %arg15[%dma_wait3A_415] : memref<4x!tpu.dma_semaphore, #tpu.memory_space<semaphore_mem>> -> memref<1x!tpu.dma_semaphore, #tpu.memory_space<semaphore_mem>>
        %dma_wait3A_423 = tpu.memref_squeeze %dma_wait3A_422 : memref<1x!tpu.dma_semaphore, #tpu.memory_space<semaphore_mem>> -> memref<!tpu.dma_semaphore, #tpu.memory_space<semaphore_mem>>
        %dma_wait3A_424 = arith.constant 0 : i32
        %dma_wait3A_425 = tpu.memref_slice %arg12[%dma_wait3A_414, %dma_wait3A_424] : memref<4x64xi32, #tpu.memory_space<vmem>> -> memref<1x64xi32, #tpu.memory_space<vmem>>
        %dma_wait3A_426 = tpu.memref_squeeze %dma_wait3A_425 : memref<1x64xi32, #tpu.memory_space<vmem>> -> memref<64xi32, #tpu.memory_space<vmem>>
        %dma_wait3A_427 = arith.constant 0 : i32
        %dma_wait3A_428 = tpu.memref_slice %arg2[%add3A_413, %dma_wait3A_427] : memref<5120x64xi32, #tpu.memory_space<hbm>> -> memref<1x64xi32, #tpu.memory_space<hbm>>
        %dma_wait3A_429 = tpu.memref_squeeze %dma_wait3A_428 : memref<1x64xi32, #tpu.memory_space<hbm>> -> memref<64xi32, #tpu.memory_space<hbm>>
        tpu.wait_dma2 semaphore(%dma_wait3A_423 : memref<!tpu.dma_semaphore, #tpu.memory_space<semaphore_mem>>) src(%dma_wait3A_429 : memref<64xi32, #tpu.memory_space<hbm>>) dst(%dma_wait3A_426 : memref<64xi32, #tpu.memory_space<vmem>>)
        %add3A_430 = arith.addi %mul3A_2, %add3A_412 : i32
        %dma_wait3A_431 = arith.constant 1 : i32
        %dma_wait3A_432 = arith.constant 1 : i32
        %dma_wait3A_433 = arith.constant 0 : i32
        %dma_wait3A_434 = tpu.memref_slice %arg13[%dma_wait3A_431, %dma_wait3A_433] : memref<4x64xi32, #tpu.memory_space<vmem>> -> memref<1x64xi32, #tpu.memory_space<vmem>>
        %dma_wait3A_435 = tpu.memref_squeeze %dma_wait3A_434 : memref<1x64xi32, #tpu.memory_space<vmem>> -> memref<64xi32, #tpu.memory_space<vmem>>
        %dma_wait3A_436 = arith.constant 0 : i32
        %dma_wait3A_437 = tpu.memref_slice %arg3[%add3A_430, %dma_wait3A_436] : memref<5120x64xi32, #tpu.memory_space<hbm>> -> memref<1x64xi32, #tpu.memory_space<hbm>>
        %dma_wait3A_438 = tpu.memref_squeeze %dma_wait3A_437 : memref<1x64xi32, #tpu.memory_space<hbm>> -> memref<64xi32, #tpu.memory_space<hbm>>
        %dma_wait3A_439 = tpu.memref_slice %arg15[%dma_wait3A_432] : memref<4x!tpu.dma_semaphore, #tpu.memory_space<semaphore_mem>> -> memref<1x!tpu.dma_semaphore, #tpu.memory_space<semaphore_mem>>
        %dma_wait3A_440 = tpu.memref_squeeze %dma_wait3A_439 : memref<1x!tpu.dma_semaphore, #tpu.memory_space<semaphore_mem>> -> memref<!tpu.dma_semaphore, #tpu.memory_space<semaphore_mem>>
        %dma_wait3A_441 = arith.constant 0 : i32
        %dma_wait3A_442 = tpu.memref_slice %arg13[%dma_wait3A_431, %dma_wait3A_441] : memref<4x64xi32, #tpu.memory_space<vmem>> -> memref<1x64xi32, #tpu.memory_space<vmem>>
        %dma_wait3A_443 = tpu.memref_squeeze %dma_wait3A_442 : memref<1x64xi32, #tpu.memory_space<vmem>> -> memref<64xi32, #tpu.memory_space<vmem>>
        %dma_wait3A_444 = arith.constant 0 : i32
        %dma_wait3A_445 = tpu.memref_slice %arg3[%add3A_430, %dma_wait3A_444] : memref<5120x64xi32, #tpu.memory_space<hbm>> -> memref<1x64xi32, #tpu.memory_space<hbm>>
        %dma_wait3A_446 = tpu.memref_squeeze %dma_wait3A_445 : memref<1x64xi32, #tpu.memory_space<hbm>> -> memref<64xi32, #tpu.memory_space<hbm>>
        tpu.wait_dma2 semaphore(%dma_wait3A_440 : memref<!tpu.dma_semaphore, #tpu.memory_space<semaphore_mem>>) src(%dma_wait3A_446 : memref<64xi32, #tpu.memory_space<hbm>>) dst(%dma_wait3A_443 : memref<64xi32, #tpu.memory_space<vmem>>)
        %add3A_447 = arith.addi %mul3A_2, %add3A_412 : i32
        %dma_wait3A_448 = arith.constant 1 : i32
        %dma_wait3A_449 = arith.constant 1 : i32
        %dma_wait3A_450 = arith.constant 0 : i32
        %dma_wait3A_451 = tpu.memref_slice %arg14[%dma_wait3A_448, %dma_wait3A_450] : memref<4x64xf32, #tpu.memory_space<vmem>> -> memref<1x64xf32, #tpu.memory_space<vmem>>
        %dma_wait3A_452 = tpu.memref_squeeze %dma_wait3A_451 : memref<1x64xf32, #tpu.memory_space<vmem>> -> memref<64xf32, #tpu.memory_space<vmem>>
        %dma_wait3A_453 = arith.constant 0 : i32
        %dma_wait3A_454 = tpu.memref_slice %arg4[%add3A_447, %dma_wait3A_453] : memref<5120x64xf32, #tpu.memory_space<hbm>> -> memref<1x64xf32, #tpu.memory_space<hbm>>
        %dma_wait3A_455 = tpu.memref_squeeze %dma_wait3A_454 : memref<1x64xf32, #tpu.memory_space<hbm>> -> memref<64xf32, #tpu.memory_space<hbm>>
        %dma_wait3A_456 = tpu.memref_slice %arg15[%dma_wait3A_449] : memref<4x!tpu.dma_semaphore, #tpu.memory_space<semaphore_mem>> -> memref<1x!tpu.dma_semaphore, #tpu.memory_space<semaphore_mem>>
        %dma_wait3A_457 = tpu.memref_squeeze %dma_wait3A_456 : memref<1x!tpu.dma_semaphore, #tpu.memory_space<semaphore_mem>> -> memref<!tpu.dma_semaphore, #tpu.memory_space<semaphore_mem>>
        %dma_wait3A_458 = arith.constant 0 : i32
        %dma_wait3A_459 = tpu.memref_slice %arg14[%dma_wait3A_448, %dma_wait3A_458] : memref<4x64xf32, #tpu.memory_space<vmem>> -> memref<1x64xf32, #tpu.memory_space<vmem>>
        %dma_wait3A_460 = tpu.memref_squeeze %dma_wait3A_459 : memref<1x64xf32, #tpu.memory_space<vmem>> -> memref<64xf32, #tpu.memory_space<vmem>>
        %dma_wait3A_461 = arith.constant 0 : i32
        %dma_wait3A_462 = tpu.memref_slice %arg4[%add3A_447, %dma_wait3A_461] : memref<5120x64xf32, #tpu.memory_space<hbm>> -> memref<1x64xf32, #tpu.memory_space<hbm>>
        %dma_wait3A_463 = tpu.memref_squeeze %dma_wait3A_462 : memref<1x64xf32, #tpu.memory_space<hbm>> -> memref<64xf32, #tpu.memory_space<hbm>>
        tpu.wait_dma2 semaphore(%dma_wait3A_457 : memref<!tpu.dma_semaphore, #tpu.memory_space<semaphore_mem>>) src(%dma_wait3A_463 : memref<64xf32, #tpu.memory_space<hbm>>) dst(%dma_wait3A_460 : memref<64xf32, #tpu.memory_space<vmem>>)
        %add3A_464 = arith.constant 1 : i32
        %add3A_465 = arith.addi %add3A_234, %add3A_464 : i32
        %dma_start3A_466 = arith.constant 1 : i32
        %dma_start3A_467 = arith.constant 1 : i32
        %dma_start3A_468 = arith.constant 0 : i32
        %dma_start3A_469 = tpu.memref_slice %arg12[%dma_start3A_466, %dma_start3A_468] : memref<4x64xi32, #tpu.memory_space<vmem>> -> memref<1x64xi32, #tpu.memory_space<vmem>>
        %dma_start3A_470 = tpu.memref_squeeze %dma_start3A_469 : memref<1x64xi32, #tpu.memory_space<vmem>> -> memref<64xi32, #tpu.memory_space<vmem>>
        %dma_start3A_471 = arith.constant 0 : i32
        %dma_start3A_472 = arith.constant 0 : i32
        %dma_start3A_473 = tpu.memref_slice %arg5[%dma_start3A_471, %dma_start3A_472] : memref<10000x128xf32, #tpu.memory_space<hbm>> -> memref<10000x128xf32, #tpu.memory_space<hbm>>
        %dma_start3A_474 = tpu.memref_slice %arg16[%dma_start3A_467] : memref<4x!tpu.dma_semaphore, #tpu.memory_space<semaphore_mem>> -> memref<1x!tpu.dma_semaphore, #tpu.memory_space<semaphore_mem>>
        %dma_start3A_475 = tpu.memref_squeeze %dma_start3A_474 : memref<1x!tpu.dma_semaphore, #tpu.memory_space<semaphore_mem>> -> memref<!tpu.dma_semaphore, #tpu.memory_space<semaphore_mem>>
        tpu.enqueue_indirect_dma source(%dma_start3A_473 : memref<10000x128xf32, #tpu.memory_space<hbm>>) target(%arg9 : memref<64x128xf32, #tpu.memory_space<vmem>>) offsets(%dma_start3A_470 : memref<64xi32, #tpu.memory_space<vmem>>) semaphore(%dma_start3A_475 : memref<!tpu.dma_semaphore, #tpu.memory_space<semaphore_mem>>)
      } else {
      }
      %dma_wait3A_239 = arith.constant 0 : i32
      %dma_wait3A_240 = arith.constant 0 : i32
      %dma_wait3A_241 = arith.constant 0 : i32
      %dma_wait3A_242 = tpu.memref_slice %arg12[%dma_wait3A_239, %dma_wait3A_241] : memref<4x64xi32, #tpu.memory_space<vmem>> -> memref<1x64xi32, #tpu.memory_space<vmem>>
      %dma_wait3A_243 = tpu.memref_squeeze %dma_wait3A_242 : memref<1x64xi32, #tpu.memory_space<vmem>> -> memref<64xi32, #tpu.memory_space<vmem>>
      %dma_wait3A_244 = arith.constant 0 : i32
      %dma_wait3A_245 = arith.constant 0 : i32
      %dma_wait3A_246 = tpu.memref_slice %arg5[%dma_wait3A_244, %dma_wait3A_245] : memref<10000x128xf32, #tpu.memory_space<hbm>> -> memref<10000x128xf32, #tpu.memory_space<hbm>>
      %dma_wait3A_247 = tpu.memref_slice %arg16[%dma_wait3A_240] : memref<4x!tpu.dma_semaphore, #tpu.memory_space<semaphore_mem>> -> memref<1x!tpu.dma_semaphore, #tpu.memory_space<semaphore_mem>>
      %dma_wait3A_248 = tpu.memref_squeeze %dma_wait3A_247 : memref<1x!tpu.dma_semaphore, #tpu.memory_space<semaphore_mem>> -> memref<!tpu.dma_semaphore, #tpu.memory_space<semaphore_mem>>
      tpu.wait_indirect_dma semaphore(%dma_wait3A_248 : memref<!tpu.dma_semaphore, #tpu.memory_space<semaphore_mem>>) src(%dma_wait3A_246 : memref<10000x128xf32, #tpu.memory_space<hbm>>) dst(%arg8 : memref<64x128xf32, #tpu.memory_space<vmem>>)
      %parallel_loop3A = arith.constant 0 : i32
      %parallel_loop3A_249 = arith.constant 64 : i32
      %parallel_loop3A_250 = arith.constant 1 : i32
      scf.for %parallel_loop3A_411 = %parallel_loop3A to %parallel_loop3A_249 step %parallel_loop3A_250  : i32 {
        %parallel_loop3A_412 = arith.constant 0 : i32
        %parallel_loop3A_413 = vector.broadcast %parallel_loop3A_412 : i32 to vector<16xi32>
        %parallel_loop3A_414 = vector.broadcast %parallel_loop3A_411 : i32 to vector<16xi32>
        %parallel_loop3A_415 = tpu.vector_load_idx %arg14[%parallel_loop3A_413, %parallel_loop3A_414] : memref<4x64xf32, #tpu.memory_space<vmem>>[vector<16xi32>, vector<16xi32>], vector<16xf32>,
        %parallel_loop3A_416 = arith.index_cast %parallel_loop3A_411 : i32 to index
        %parallel_loop3A_417 = arith.constant 0 : index
        %parallel_loop3A_418 = tpu.vector_load %arg8[%parallel_loop3A_416, %parallel_loop3A_417] {strides = array<i32>} : memref<64x128xf32, #tpu.memory_space<vmem>>, vector<16xf32>,
        %parallel_loop3A_419 = arith.mulf %parallel_loop3A_418, %parallel_loop3A_415 : vector<16xf32>
        %parallel_loop3A_420 = arith.index_cast %parallel_loop3A_411 : i32 to index
        %parallel_loop3A_421 = arith.constant 0 : index
        %parallel_loop3A_422 = tpu.vector_load %arg8[%parallel_loop3A_420, %parallel_loop3A_421] {strides = array<i32>} : memref<64x128xf32, #tpu.memory_space<vmem>>, vector<16xf32>,
        tpu.vector_store %arg8[%parallel_loop3A_420, %parallel_loop3A_421], %parallel_loop3A_419 {strides = array<i32>} : memref<64x128xf32, #tpu.memory_space<vmem>>, vector<16xf32>,
        %parallel_loop3A_423 = arith.index_cast %parallel_loop3A_411 : i32 to index
        %parallel_loop3A_424 = arith.constant 16 : index
        %parallel_loop3A_425 = tpu.vector_load %arg8[%parallel_loop3A_423, %parallel_loop3A_424] {strides = array<i32>} : memref<64x128xf32, #tpu.memory_space<vmem>>, vector<16xf32>,
        %parallel_loop3A_426 = arith.mulf %parallel_loop3A_425, %parallel_loop3A_415 : vector<16xf32>
        %parallel_loop3A_427 = arith.index_cast %parallel_loop3A_411 : i32 to index
        %parallel_loop3A_428 = arith.constant 16 : index
        %parallel_loop3A_429 = tpu.vector_load %arg8[%parallel_loop3A_427, %parallel_loop3A_428] {strides = array<i32>} : memref<64x128xf32, #tpu.memory_space<vmem>>, vector<16xf32>,
        tpu.vector_store %arg8[%parallel_loop3A_427, %parallel_loop3A_428], %parallel_loop3A_426 {strides = array<i32>} : memref<64x128xf32, #tpu.memory_space<vmem>>, vector<16xf32>,
        %parallel_loop3A_430 = arith.index_cast %parallel_loop3A_411 : i32 to index
        %parallel_loop3A_431 = arith.constant 32 : index
        %parallel_loop3A_432 = tpu.vector_load %arg8[%parallel_loop3A_430, %parallel_loop3A_431] {strides = array<i32>} : memref<64x128xf32, #tpu.memory_space<vmem>>, vector<16xf32>,
        %parallel_loop3A_433 = arith.mulf %parallel_loop3A_432, %parallel_loop3A_415 : vector<16xf32>
        %parallel_loop3A_434 = arith.index_cast %parallel_loop3A_411 : i32 to index
        %parallel_loop3A_435 = arith.constant 32 : index
        %parallel_loop3A_436 = tpu.vector_load %arg8[%parallel_loop3A_434, %parallel_loop3A_435] {strides = array<i32>} : memref<64x128xf32, #tpu.memory_space<vmem>>, vector<16xf32>,
        tpu.vector_store %arg8[%parallel_loop3A_434, %parallel_loop3A_435], %parallel_loop3A_433 {strides = array<i32>} : memref<64x128xf32, #tpu.memory_space<vmem>>, vector<16xf32>,
        %parallel_loop3A_437 = arith.index_cast %parallel_loop3A_411 : i32 to index
        %parallel_loop3A_438 = arith.constant 48 : index
        %parallel_loop3A_439 = tpu.vector_load %arg8[%parallel_loop3A_437, %parallel_loop3A_438] {strides = array<i32>} : memref<64x128xf32, #tpu.memory_space<vmem>>, vector<16xf32>,
        %parallel_loop3A_440 = arith.mulf %parallel_loop3A_439, %parallel_loop3A_415 : vector<16xf32>
        %parallel_loop3A_441 = arith.index_cast %parallel_loop3A_411 : i32 to index
        %parallel_loop3A_442 = arith.constant 48 : index
        %parallel_loop3A_443 = tpu.vector_load %arg8[%parallel_loop3A_441, %parallel_loop3A_442] {strides = array<i32>} : memref<64x128xf32, #tpu.memory_space<vmem>>, vector<16xf32>,
        tpu.vector_store %arg8[%parallel_loop3A_441, %parallel_loop3A_442], %parallel_loop3A_440 {strides = array<i32>} : memref<64x128xf32, #tpu.memory_space<vmem>>, vector<16xf32>,
        %parallel_loop3A_444 = arith.index_cast %parallel_loop3A_411 : i32 to index
        %parallel_loop3A_445 = arith.constant 64 : index
        %parallel_loop3A_446 = tpu.vector_load %arg8[%parallel_loop3A_444, %parallel_loop3A_445] {strides = array<i32>} : memref<64x128xf32, #tpu.memory_space<vmem>>, vector<16xf32>,
        %parallel_loop3A_447 = arith.mulf %parallel_loop3A_446, %parallel_loop3A_415 : vector<16xf32>
        %parallel_loop3A_448 = arith.index_cast %parallel_loop3A_411 : i32 to index
        %parallel_loop3A_449 = arith.constant 64 : index
        %parallel_loop3A_450 = tpu.vector_load %arg8[%parallel_loop3A_448, %parallel_loop3A_449] {strides = array<i32>} : memref<64x128xf32, #tpu.memory_space<vmem>>, vector<16xf32>,
        tpu.vector_store %arg8[%parallel_loop3A_448, %parallel_loop3A_449], %parallel_loop3A_447 {strides = array<i32>} : memref<64x128xf32, #tpu.memory_space<vmem>>, vector<16xf32>,
        %parallel_loop3A_451 = arith.index_cast %parallel_loop3A_411 : i32 to index
        %parallel_loop3A_452 = arith.constant 80 : index
        %parallel_loop3A_453 = tpu.vector_load %arg8[%parallel_loop3A_451, %parallel_loop3A_452] {strides = array<i32>} : memref<64x128xf32, #tpu.memory_space<vmem>>, vector<16xf32>,
        %parallel_loop3A_454 = arith.mulf %parallel_loop3A_453, %parallel_loop3A_415 : vector<16xf32>
        %parallel_loop3A_455 = arith.index_cast %parallel_loop3A_411 : i32 to index
        %parallel_loop3A_456 = arith.constant 80 : index
        %parallel_loop3A_457 = tpu.vector_load %arg8[%parallel_loop3A_455, %parallel_loop3A_456] {strides = array<i32>} : memref<64x128xf32, #tpu.memory_space<vmem>>, vector<16xf32>,
        tpu.vector_store %arg8[%parallel_loop3A_455, %parallel_loop3A_456], %parallel_loop3A_454 {strides = array<i32>} : memref<64x128xf32, #tpu.memory_space<vmem>>, vector<16xf32>,
        %parallel_loop3A_458 = arith.index_cast %parallel_loop3A_411 : i32 to index
        %parallel_loop3A_459 = arith.constant 96 : index
        %parallel_loop3A_460 = tpu.vector_load %arg8[%parallel_loop3A_458, %parallel_loop3A_459] {strides = array<i32>} : memref<64x128xf32, #tpu.memory_space<vmem>>, vector<16xf32>,
        %parallel_loop3A_461 = arith.mulf %parallel_loop3A_460, %parallel_loop3A_415 : vector<16xf32>
        %parallel_loop3A_462 = arith.index_cast %parallel_loop3A_411 : i32 to index
        %parallel_loop3A_463 = arith.constant 96 : index
        %parallel_loop3A_464 = tpu.vector_load %arg8[%parallel_loop3A_462, %parallel_loop3A_463] {strides = array<i32>} : memref<64x128xf32, #tpu.memory_space<vmem>>, vector<16xf32>,
        tpu.vector_store %arg8[%parallel_loop3A_462, %parallel_loop3A_463], %parallel_loop3A_461 {strides = array<i32>} : memref<64x128xf32, #tpu.memory_space<vmem>>, vector<16xf32>,
        %parallel_loop3A_465 = arith.index_cast %parallel_loop3A_411 : i32 to index
        %parallel_loop3A_466 = arith.constant 112 : index
        %parallel_loop3A_467 = tpu.vector_load %arg8[%parallel_loop3A_465, %parallel_loop3A_466] {strides = array<i32>} : memref<64x128xf32, #tpu.memory_space<vmem>>, vector<16xf32>,
        %parallel_loop3A_468 = arith.mulf %parallel_loop3A_467, %parallel_loop3A_415 : vector<16xf32>
        %parallel_loop3A_469 = arith.index_cast %parallel_loop3A_411 : i32 to index
        %parallel_loop3A_470 = arith.constant 112 : index
        %parallel_loop3A_471 = tpu.vector_load %arg8[%parallel_loop3A_469, %parallel_loop3A_470] {strides = array<i32>} : memref<64x128xf32, #tpu.memory_space<vmem>>, vector<16xf32>,
        tpu.vector_store %arg8[%parallel_loop3A_469, %parallel_loop3A_470], %parallel_loop3A_468 {strides = array<i32>} : memref<64x128xf32, #tpu.memory_space<vmem>>, vector<16xf32>,
      } {sc.loop_unroll_factor = 4 : i64, sc.parallel_access}
      %dma_start3A_251 = arith.constant 0 : i32
      %dma_start3A_252 = arith.constant 0 : i32
      %dma_start3A_253 = arith.constant 0 : i32
      %dma_start3A_254 = tpu.memref_slice %arg13[%dma_start3A_251, %dma_start3A_253] : memref<4x64xi32, #tpu.memory_space<vmem>> -> memref<1x64xi32, #tpu.memory_space<vmem>>
      %dma_start3A_255 = tpu.memref_squeeze %dma_start3A_254 : memref<1x64xi32, #tpu.memory_space<vmem>> -> memref<64xi32, #tpu.memory_space<vmem>>
      %dma_start3A_256 = arith.constant 0 : i32
      %dma_start3A_257 = arith.constant 0 : i32
      %dma_start3A_258 = tpu.memref_slice %arg7[%dma_start3A_256, %dma_start3A_257] : memref<10240x128xf32, #tpu.memory_space<vmem_shared>> -> memref<10240x128xf32, #tpu.memory_space<vmem_shared>>
      %dma_start3A_259 = tpu.memref_slice %arg17[%dma_start3A_252] : memref<4x!tpu.dma_semaphore, #tpu.memory_space<semaphore_mem>> -> memref<1x!tpu.dma_semaphore, #tpu.memory_space<semaphore_mem>>
      %dma_start3A_260 = tpu.memref_squeeze %dma_start3A_259 : memref<1x!tpu.dma_semaphore, #tpu.memory_space<semaphore_mem>> -> memref<!tpu.dma_semaphore, #tpu.memory_space<semaphore_mem>>
      tpu.enqueue_indirect_dma source(%arg8 : memref<64x128xf32, #tpu.memory_space<vmem>>) target(%dma_start3A_258 : memref<10240x128xf32, #tpu.memory_space<vmem_shared>>) offsets(%dma_start3A_255 : memref<64xi32, #tpu.memory_space<vmem>>) semaphore(%dma_start3A_260 : memref<!tpu.dma_semaphore, #tpu.memory_space<semaphore_mem>>) {add = true}
      %ge3A = arith.constant 2 : i32
      %ge3A_261 = arith.cmpi sge, %add3A_234, %ge3A : i32
      %convert_element_type3A_262 = arith.extui %ge3A_261 : i1 to i32
      %cond3A_263 = arith.constant 0 : i32
      %cond3A_264 = arith.cmpi ne, %convert_element_type3A_262, %cond3A_263 : i32
      scf.if %cond3A_264 {
        %dma_wait3A_411 = arith.constant 2 : i32
        %dma_wait3A_412 = arith.constant 2 : i32
        %dma_wait3A_413 = arith.constant 0 : i32
        %dma_wait3A_414 = tpu.memref_slice %arg13[%dma_wait3A_411, %dma_wait3A_413] : memref<4x64xi32, #tpu.memory_space<vmem>> -> memref<1x64xi32, #tpu.memory_space<vmem>>
        %dma_wait3A_415 = tpu.memref_squeeze %dma_wait3A_414 : memref<1x64xi32, #tpu.memory_space<vmem>> -> memref<64xi32, #tpu.memory_space<vmem>>
        %dma_wait3A_416 = arith.constant 0 : i32
        %dma_wait3A_417 = arith.constant 0 : i32
        %dma_wait3A_418 = tpu.memref_slice %arg7[%dma_wait3A_416, %dma_wait3A_417] : memref<10240x128xf32, #tpu.memory_space<vmem_shared>> -> memref<10240x128xf32, #tpu.memory_space<vmem_shared>>
        %dma_wait3A_419 = tpu.memref_slice %arg17[%dma_wait3A_412] : memref<4x!tpu.dma_semaphore, #tpu.memory_space<semaphore_mem>> -> memref<1x!tpu.dma_semaphore, #tpu.memory_space<semaphore_mem>>
        %dma_wait3A_420 = tpu.memref_squeeze %dma_wait3A_419 : memref<1x!tpu.dma_semaphore, #tpu.memory_space<semaphore_mem>> -> memref<!tpu.dma_semaphore, #tpu.memory_space<semaphore_mem>>
        tpu.wait_indirect_dma semaphore(%dma_wait3A_420 : memref<!tpu.dma_semaphore, #tpu.memory_space<semaphore_mem>>) src(%arg10 : memref<64x128xf32, #tpu.memory_space<vmem>>) dst(%dma_wait3A_418 : memref<10240x128xf32, #tpu.memory_space<vmem_shared>>)
      } else {
      }
      %add3A_265 = arith.constant 2 : i32
      %add3A_266 = arith.addi %add3A_234, %add3A_265 : i32
      %lt3A_267 = arith.constant 160 : i32
      %lt3A_268 = arith.cmpi slt, %add3A_266, %lt3A_267 : i32
      %convert_element_type3A_269 = arith.extui %lt3A_268 : i1 to i32
      %cond3A_270 = arith.constant 0 : i32
      %cond3A_271 = arith.cmpi ne, %convert_element_type3A_269, %cond3A_270 : i32
      scf.if %cond3A_271 {
        %add3A_411 = arith.constant 2 : i32
        %add3A_412 = arith.addi %add3A_234, %add3A_411 : i32
        %add3A_413 = arith.addi %mul3A_2, %add3A_412 : i32
        %dma_start3A_414 = arith.constant 2 : i32
        %dma_start3A_415 = arith.constant 2 : i32
        %dma_start3A_416 = arith.constant 0 : i32
        %dma_start3A_417 = tpu.memref_slice %arg12[%dma_start3A_414, %dma_start3A_416] : memref<4x64xi32, #tpu.memory_space<vmem>> -> memref<1x64xi32, #tpu.memory_space<vmem>>
        %dma_start3A_418 = tpu.memref_squeeze %dma_start3A_417 : memref<1x64xi32, #tpu.memory_space<vmem>> -> memref<64xi32, #tpu.memory_space<vmem>>
        %dma_start3A_419 = arith.constant 0 : i32
        %dma_start3A_420 = tpu.memref_slice %arg2[%add3A_413, %dma_start3A_419] : memref<5120x64xi32, #tpu.memory_space<hbm>> -> memref<1x64xi32, #tpu.memory_space<hbm>>
        %dma_start3A_421 = tpu.memref_squeeze %dma_start3A_420 : memref<1x64xi32, #tpu.memory_space<hbm>> -> memref<64xi32, #tpu.memory_space<hbm>>
        %dma_start3A_422 = tpu.memref_slice %arg15[%dma_start3A_415] : memref<4x!tpu.dma_semaphore, #tpu.memory_space<semaphore_mem>> -> memref<1x!tpu.dma_semaphore, #tpu.memory_space<semaphore_mem>>
        %dma_start3A_423 = tpu.memref_squeeze %dma_start3A_422 : memref<1x!tpu.dma_semaphore, #tpu.memory_space<semaphore_mem>> -> memref<!tpu.dma_semaphore, #tpu.memory_space<semaphore_mem>>
        %dma_start3A_424 = arith.constant 0 : i32
        %dma_start3A_425 = tpu.memref_slice %arg12[%dma_start3A_414, %dma_start3A_424] : memref<4x64xi32, #tpu.memory_space<vmem>> -> memref<1x64xi32, #tpu.memory_space<vmem>>
        %dma_start3A_426 = tpu.memref_squeeze %dma_start3A_425 : memref<1x64xi32, #tpu.memory_space<vmem>> -> memref<64xi32, #tpu.memory_space<vmem>>
        %dma_start3A_427 = arith.constant 0 : i32
        %dma_start3A_428 = tpu.memref_slice %arg2[%add3A_413, %dma_start3A_427] : memref<5120x64xi32, #tpu.memory_space<hbm>> -> memref<1x64xi32, #tpu.memory_space<hbm>>
        %dma_start3A_429 = tpu.memref_squeeze %dma_start3A_428 : memref<1x64xi32, #tpu.memory_space<hbm>> -> memref<64xi32, #tpu.memory_space<hbm>>
        tpu.enqueue_dma source(%dma_start3A_429 : memref<64xi32, #tpu.memory_space<hbm>>) target(%dma_start3A_426 : memref<64xi32, #tpu.memory_space<vmem>>) target_semaphore(%dma_start3A_423 : memref<!tpu.dma_semaphore, #tpu.memory_space<semaphore_mem>>)
        %add3A_430 = arith.addi %mul3A_2, %add3A_412 : i32
        %dma_start3A_431 = arith.constant 2 : i32
        %dma_start3A_432 = arith.constant 2 : i32
        %dma_start3A_433 = arith.constant 0 : i32
        %dma_start3A_434 = tpu.memref_slice %arg13[%dma_start3A_431, %dma_start3A_433] : memref<4x64xi32, #tpu.memory_space<vmem>> -> memref<1x64xi32, #tpu.memory_space<vmem>>
        %dma_start3A_435 = tpu.memref_squeeze %dma_start3A_434 : memref<1x64xi32, #tpu.memory_space<vmem>> -> memref<64xi32, #tpu.memory_space<vmem>>
        %dma_start3A_436 = arith.constant 0 : i32
        %dma_start3A_437 = tpu.memref_slice %arg3[%add3A_430, %dma_start3A_436] : memref<5120x64xi32, #tpu.memory_space<hbm>> -> memref<1x64xi32, #tpu.memory_space<hbm>>
        %dma_start3A_438 = tpu.memref_squeeze %dma_start3A_437 : memref<1x64xi32, #tpu.memory_space<hbm>> -> memref<64xi32, #tpu.memory_space<hbm>>
        %dma_start3A_439 = tpu.memref_slice %arg15[%dma_start3A_432] : memref<4x!tpu.dma_semaphore, #tpu.memory_space<semaphore_mem>> -> memref<1x!tpu.dma_semaphore, #tpu.memory_space<semaphore_mem>>
        %dma_start3A_440 = tpu.memref_squeeze %dma_start3A_439 : memref<1x!tpu.dma_semaphore, #tpu.memory_space<semaphore_mem>> -> memref<!tpu.dma_semaphore, #tpu.memory_space<semaphore_mem>>
        %dma_start3A_441 = arith.constant 0 : i32
        %dma_start3A_442 = tpu.memref_slice %arg13[%dma_start3A_431, %dma_start3A_441] : memref<4x64xi32, #tpu.memory_space<vmem>> -> memref<1x64xi32, #tpu.memory_space<vmem>>
        %dma_start3A_443 = tpu.memref_squeeze %dma_start3A_442 : memref<1x64xi32, #tpu.memory_space<vmem>> -> memref<64xi32, #tpu.memory_space<vmem>>
        %dma_start3A_444 = arith.constant 0 : i32
        %dma_start3A_445 = tpu.memref_slice %arg3[%add3A_430, %dma_start3A_444] : memref<5120x64xi32, #tpu.memory_space<hbm>> -> memref<1x64xi32, #tpu.memory_space<hbm>>
        %dma_start3A_446 = tpu.memref_squeeze %dma_start3A_445 : memref<1x64xi32, #tpu.memory_space<hbm>> -> memref<64xi32, #tpu.memory_space<hbm>>
        tpu.enqueue_dma source(%dma_start3A_446 : memref<64xi32, #tpu.memory_space<hbm>>) target(%dma_start3A_443 : memref<64xi32, #tpu.memory_space<vmem>>) target_semaphore(%dma_start3A_440 : memref<!tpu.dma_semaphore, #tpu.memory_space<semaphore_mem>>)
        %add3A_447 = arith.addi %mul3A_2, %add3A_412 : i32
        %dma_start3A_448 = arith.constant 2 : i32
        %dma_start3A_449 = arith.constant 2 : i32
        %dma_start3A_450 = arith.constant 0 : i32
        %dma_start3A_451 = tpu.memref_slice %arg14[%dma_start3A_448, %dma_start3A_450] : memref<4x64xf32, #tpu.memory_space<vmem>> -> memref<1x64xf32, #tpu.memory_space<vmem>>
        %dma_start3A_452 = tpu.memref_squeeze %dma_start3A_451 : memref<1x64xf32, #tpu.memory_space<vmem>> -> memref<64xf32, #tpu.memory_space<vmem>>
        %dma_start3A_453 = arith.constant 0 : i32
        %dma_start3A_454 = tpu.memref_slice %arg4[%add3A_447, %dma_start3A_453] : memref<5120x64xf32, #tpu.memory_space<hbm>> -> memref<1x64xf32, #tpu.memory_space<hbm>>
        %dma_start3A_455 = tpu.memref_squeeze %dma_start3A_454 : memref<1x64xf32, #tpu.memory_space<hbm>> -> memref<64xf32, #tpu.memory_space<hbm>>
        %dma_start3A_456 = tpu.memref_slice %arg15[%dma_start3A_449] : memref<4x!tpu.dma_semaphore, #tpu.memory_space<semaphore_mem>> -> memref<1x!tpu.dma_semaphore, #tpu.memory_space<semaphore_mem>>
        %dma_start3A_457 = tpu.memref_squeeze %dma_start3A_456 : memref<1x!tpu.dma_semaphore, #tpu.memory_space<semaphore_mem>> -> memref<!tpu.dma_semaphore, #tpu.memory_space<semaphore_mem>>
        %dma_start3A_458 = arith.constant 0 : i32
        %dma_start3A_459 = tpu.memref_slice %arg14[%dma_start3A_448, %dma_start3A_458] : memref<4x64xf32, #tpu.memory_space<vmem>> -> memref<1x64xf32, #tpu.memory_space<vmem>>
        %dma_start3A_460 = tpu.memref_squeeze %dma_start3A_459 : memref<1x64xf32, #tpu.memory_space<vmem>> -> memref<64xf32, #tpu.memory_space<vmem>>
        %dma_start3A_461 = arith.constant 0 : i32
        %dma_start3A_462 = tpu.memref_slice %arg4[%add3A_447, %dma_start3A_461] : memref<5120x64xf32, #tpu.memory_space<hbm>> -> memref<1x64xf32, #tpu.memory_space<hbm>>
        %dma_start3A_463 = tpu.memref_squeeze %dma_start3A_462 : memref<1x64xf32, #tpu.memory_space<hbm>> -> memref<64xf32, #tpu.memory_space<hbm>>
        tpu.enqueue_dma source(%dma_start3A_463 : memref<64xf32, #tpu.memory_space<hbm>>) target(%dma_start3A_460 : memref<64xf32, #tpu.memory_space<vmem>>) target_semaphore(%dma_start3A_457 : memref<!tpu.dma_semaphore, #tpu.memory_space<semaphore_mem>>)
      } else {
      }
      %mul3A_272 = arith.constant 4 : i32
      %mul3A_273 = arith.muli %scan3A_229, %mul3A_272 : i32
      %add3A_274 = arith.constant 1 : i32
      %add3A_275 = arith.addi %mul3A_273, %add3A_274 : i32
      %add3A_276 = arith.constant 1 : i32
      %add3A_277 = arith.addi %add3A_275, %add3A_276 : i32
      %lt3A_278 = arith.constant 160 : i32
      %lt3A_279 = arith.cmpi slt, %add3A_277, %lt3A_278 : i32
      %convert_element_type3A_280 = arith.extui %lt3A_279 : i1 to i32
      %cond3A_281 = arith.constant 0 : i32
      %cond3A_282 = arith.cmpi ne, %convert_element_type3A_280, %cond3A_281 : i32
      scf.if %cond3A_282 {
        %add3A_411 = arith.constant 1 : i32
        %add3A_412 = arith.addi %add3A_275, %add3A_411 : i32
        %add3A_413 = arith.addi %mul3A_2, %add3A_412 : i32
        %dma_wait3A_414 = arith.constant 2 : i32
        %dma_wait3A_415 = arith.constant 2 : i32
        %dma_wait3A_416 = arith.constant 0 : i32
        %dma_wait3A_417 = tpu.memref_slice %arg12[%dma_wait3A_414, %dma_wait3A_416] : memref<4x64xi32, #tpu.memory_space<vmem>> -> memref<1x64xi32, #tpu.memory_space<vmem>>
        %dma_wait3A_418 = tpu.memref_squeeze %dma_wait3A_417 : memref<1x64xi32, #tpu.memory_space<vmem>> -> memref<64xi32, #tpu.memory_space<vmem>>
        %dma_wait3A_419 = arith.constant 0 : i32
        %dma_wait3A_420 = tpu.memref_slice %arg2[%add3A_413, %dma_wait3A_419] : memref<5120x64xi32, #tpu.memory_space<hbm>> -> memref<1x64xi32, #tpu.memory_space<hbm>>
        %dma_wait3A_421 = tpu.memref_squeeze %dma_wait3A_420 : memref<1x64xi32, #tpu.memory_space<hbm>> -> memref<64xi32, #tpu.memory_space<hbm>>
        %dma_wait3A_422 = tpu.memref_slice %arg15[%dma_wait3A_415] : memref<4x!tpu.dma_semaphore, #tpu.memory_space<semaphore_mem>> -> memref<1x!tpu.dma_semaphore, #tpu.memory_space<semaphore_mem>>
        %dma_wait3A_423 = tpu.memref_squeeze %dma_wait3A_422 : memref<1x!tpu.dma_semaphore, #tpu.memory_space<semaphore_mem>> -> memref<!tpu.dma_semaphore, #tpu.memory_space<semaphore_mem>>
        %dma_wait3A_424 = arith.constant 0 : i32
        %dma_wait3A_425 = tpu.memref_slice %arg12[%dma_wait3A_414, %dma_wait3A_424] : memref<4x64xi32, #tpu.memory_space<vmem>> -> memref<1x64xi32, #tpu.memory_space<vmem>>
        %dma_wait3A_426 = tpu.memref_squeeze %dma_wait3A_425 : memref<1x64xi32, #tpu.memory_space<vmem>> -> memref<64xi32, #tpu.memory_space<vmem>>
        %dma_wait3A_427 = arith.constant 0 : i32
        %dma_wait3A_428 = tpu.memref_slice %arg2[%add3A_413, %dma_wait3A_427] : memref<5120x64xi32, #tpu.memory_space<hbm>> -> memref<1x64xi32, #tpu.memory_space<hbm>>
        %dma_wait3A_429 = tpu.memref_squeeze %dma_wait3A_428 : memref<1x64xi32, #tpu.memory_space<hbm>> -> memref<64xi32, #tpu.memory_space<hbm>>
        tpu.wait_dma2 semaphore(%dma_wait3A_423 : memref<!tpu.dma_semaphore, #tpu.memory_space<semaphore_mem>>) src(%dma_wait3A_429 : memref<64xi32, #tpu.memory_space<hbm>>) dst(%dma_wait3A_426 : memref<64xi32, #tpu.memory_space<vmem>>)
        %add3A_430 = arith.addi %mul3A_2, %add3A_412 : i32
        %dma_wait3A_431 = arith.constant 2 : i32
        %dma_wait3A_432 = arith.constant 2 : i32
        %dma_wait3A_433 = arith.constant 0 : i32
        %dma_wait3A_434 = tpu.memref_slice %arg13[%dma_wait3A_431, %dma_wait3A_433] : memref<4x64xi32, #tpu.memory_space<vmem>> -> memref<1x64xi32, #tpu.memory_space<vmem>>
        %dma_wait3A_435 = tpu.memref_squeeze %dma_wait3A_434 : memref<1x64xi32, #tpu.memory_space<vmem>> -> memref<64xi32, #tpu.memory_space<vmem>>
        %dma_wait3A_436 = arith.constant 0 : i32
        %dma_wait3A_437 = tpu.memref_slice %arg3[%add3A_430, %dma_wait3A_436] : memref<5120x64xi32, #tpu.memory_space<hbm>> -> memref<1x64xi32, #tpu.memory_space<hbm>>
        %dma_wait3A_438 = tpu.memref_squeeze %dma_wait3A_437 : memref<1x64xi32, #tpu.memory_space<hbm>> -> memref<64xi32, #tpu.memory_space<hbm>>
        %dma_wait3A_439 = tpu.memref_slice %arg15[%dma_wait3A_432] : memref<4x!tpu.dma_semaphore, #tpu.memory_space<semaphore_mem>> -> memref<1x!tpu.dma_semaphore, #tpu.memory_space<semaphore_mem>>
        %dma_wait3A_440 = tpu.memref_squeeze %dma_wait3A_439 : memref<1x!tpu.dma_semaphore, #tpu.memory_space<semaphore_mem>> -> memref<!tpu.dma_semaphore, #tpu.memory_space<semaphore_mem>>
        %dma_wait3A_441 = arith.constant 0 : i32
        %dma_wait3A_442 = tpu.memref_slice %arg13[%dma_wait3A_431, %dma_wait3A_441] : memref<4x64xi32, #tpu.memory_space<vmem>> -> memref<1x64xi32, #tpu.memory_space<vmem>>
        %dma_wait3A_443 = tpu.memref_squeeze %dma_wait3A_442 : memref<1x64xi32, #tpu.memory_space<vmem>> -> memref<64xi32, #tpu.memory_space<vmem>>
        %dma_wait3A_444 = arith.constant 0 : i32
        %dma_wait3A_445 = tpu.memref_slice %arg3[%add3A_430, %dma_wait3A_444] : memref<5120x64xi32, #tpu.memory_space<hbm>> -> memref<1x64xi32, #tpu.memory_space<hbm>>
        %dma_wait3A_446 = tpu.memref_squeeze %dma_wait3A_445 : memref<1x64xi32, #tpu.memory_space<hbm>> -> memref<64xi32, #tpu.memory_space<hbm>>
        tpu.wait_dma2 semaphore(%dma_wait3A_440 : memref<!tpu.dma_semaphore, #tpu.memory_space<semaphore_mem>>) src(%dma_wait3A_446 : memref<64xi32, #tpu.memory_space<hbm>>) dst(%dma_wait3A_443 : memref<64xi32, #tpu.memory_space<vmem>>)
        %add3A_447 = arith.addi %mul3A_2, %add3A_412 : i32
        %dma_wait3A_448 = arith.constant 2 : i32
        %dma_wait3A_449 = arith.constant 2 : i32
        %dma_wait3A_450 = arith.constant 0 : i32
        %dma_wait3A_451 = tpu.memref_slice %arg14[%dma_wait3A_448, %dma_wait3A_450] : memref<4x64xf32, #tpu.memory_space<vmem>> -> memref<1x64xf32, #tpu.memory_space<vmem>>
        %dma_wait3A_452 = tpu.memref_squeeze %dma_wait3A_451 : memref<1x64xf32, #tpu.memory_space<vmem>> -> memref<64xf32, #tpu.memory_space<vmem>>
        %dma_wait3A_453 = arith.constant 0 : i32
        %dma_wait3A_454 = tpu.memref_slice %arg4[%add3A_447, %dma_wait3A_453] : memref<5120x64xf32, #tpu.memory_space<hbm>> -> memref<1x64xf32, #tpu.memory_space<hbm>>
        %dma_wait3A_455 = tpu.memref_squeeze %dma_wait3A_454 : memref<1x64xf32, #tpu.memory_space<hbm>> -> memref<64xf32, #tpu.memory_space<hbm>>
        %dma_wait3A_456 = tpu.memref_slice %arg15[%dma_wait3A_449] : memref<4x!tpu.dma_semaphore, #tpu.memory_space<semaphore_mem>> -> memref<1x!tpu.dma_semaphore, #tpu.memory_space<semaphore_mem>>
        %dma_wait3A_457 = tpu.memref_squeeze %dma_wait3A_456 : memref<1x!tpu.dma_semaphore, #tpu.memory_space<semaphore_mem>> -> memref<!tpu.dma_semaphore, #tpu.memory_space<semaphore_mem>>
        %dma_wait3A_458 = arith.constant 0 : i32
        %dma_wait3A_459 = tpu.memref_slice %arg14[%dma_wait3A_448, %dma_wait3A_458] : memref<4x64xf32, #tpu.memory_space<vmem>> -> memref<1x64xf32, #tpu.memory_space<vmem>>
        %dma_wait3A_460 = tpu.memref_squeeze %dma_wait3A_459 : memref<1x64xf32, #tpu.memory_space<vmem>> -> memref<64xf32, #tpu.memory_space<vmem>>
        %dma_wait3A_461 = arith.constant 0 : i32
        %dma_wait3A_462 = tpu.memref_slice %arg4[%add3A_447, %dma_wait3A_461] : memref<5120x64xf32, #tpu.memory_space<hbm>> -> memref<1x64xf32, #tpu.memory_space<hbm>>
        %dma_wait3A_463 = tpu.memref_squeeze %dma_wait3A_462 : memref<1x64xf32, #tpu.memory_space<hbm>> -> memref<64xf32, #tpu.memory_space<hbm>>
        tpu.wait_dma2 semaphore(%dma_wait3A_457 : memref<!tpu.dma_semaphore, #tpu.memory_space<semaphore_mem>>) src(%dma_wait3A_463 : memref<64xf32, #tpu.memory_space<hbm>>) dst(%dma_wait3A_460 : memref<64xf32, #tpu.memory_space<vmem>>)
        %add3A_464 = arith.constant 1 : i32
        %add3A_465 = arith.addi %add3A_275, %add3A_464 : i32
        %dma_start3A_466 = arith.constant 2 : i32
        %dma_start3A_467 = arith.constant 2 : i32
        %dma_start3A_468 = arith.constant 0 : i32
        %dma_start3A_469 = tpu.memref_slice %arg12[%dma_start3A_466, %dma_start3A_468] : memref<4x64xi32, #tpu.memory_space<vmem>> -> memref<1x64xi32, #tpu.memory_space<vmem>>
        %dma_start3A_470 = tpu.memref_squeeze %dma_start3A_469 : memref<1x64xi32, #tpu.memory_space<vmem>> -> memref<64xi32, #tpu.memory_space<vmem>>
        %dma_start3A_471 = arith.constant 0 : i32
        %dma_start3A_472 = arith.constant 0 : i32
        %dma_start3A_473 = tpu.memref_slice %arg5[%dma_start3A_471, %dma_start3A_472] : memref<10000x128xf32, #tpu.memory_space<hbm>> -> memref<10000x128xf32, #tpu.memory_space<hbm>>
        %dma_start3A_474 = tpu.memref_slice %arg16[%dma_start3A_467] : memref<4x!tpu.dma_semaphore, #tpu.memory_space<semaphore_mem>> -> memref<1x!tpu.dma_semaphore, #tpu.memory_space<semaphore_mem>>
        %dma_start3A_475 = tpu.memref_squeeze %dma_start3A_474 : memref<1x!tpu.dma_semaphore, #tpu.memory_space<semaphore_mem>> -> memref<!tpu.dma_semaphore, #tpu.memory_space<semaphore_mem>>
        tpu.enqueue_indirect_dma source(%dma_start3A_473 : memref<10000x128xf32, #tpu.memory_space<hbm>>) target(%arg10 : memref<64x128xf32, #tpu.memory_space<vmem>>) offsets(%dma_start3A_470 : memref<64xi32, #tpu.memory_space<vmem>>) semaphore(%dma_start3A_475 : memref<!tpu.dma_semaphore, #tpu.memory_space<semaphore_mem>>)
      } else {
      }
      %dma_wait3A_283 = arith.constant 1 : i32
      %dma_wait3A_284 = arith.constant 1 : i32
      %dma_wait3A_285 = arith.constant 0 : i32
      %dma_wait3A_286 = tpu.memref_slice %arg12[%dma_wait3A_283, %dma_wait3A_285] : memref<4x64xi32, #tpu.memory_space<vmem>> -> memref<1x64xi32, #tpu.memory_space<vmem>>
      %dma_wait3A_287 = tpu.memref_squeeze %dma_wait3A_286 : memref<1x64xi32, #tpu.memory_space<vmem>> -> memref<64xi32, #tpu.memory_space<vmem>>
      %dma_wait3A_288 = arith.constant 0 : i32
      %dma_wait3A_289 = arith.constant 0 : i32
      %dma_wait3A_290 = tpu.memref_slice %arg5[%dma_wait3A_288, %dma_wait3A_289] : memref<10000x128xf32, #tpu.memory_space<hbm>> -> memref<10000x128xf32, #tpu.memory_space<hbm>>
      %dma_wait3A_291 = tpu.memref_slice %arg16[%dma_wait3A_284] : memref<4x!tpu.dma_semaphore, #tpu.memory_space<semaphore_mem>> -> memref<1x!tpu.dma_semaphore, #tpu.memory_space<semaphore_mem>>
      %dma_wait3A_292 = tpu.memref_squeeze %dma_wait3A_291 : memref<1x!tpu.dma_semaphore, #tpu.memory_space<semaphore_mem>> -> memref<!tpu.dma_semaphore, #tpu.memory_space<semaphore_mem>>
      tpu.wait_indirect_dma semaphore(%dma_wait3A_292 : memref<!tpu.dma_semaphore, #tpu.memory_space<semaphore_mem>>) src(%dma_wait3A_290 : memref<10000x128xf32, #tpu.memory_space<hbm>>) dst(%arg9 : memref<64x128xf32, #tpu.memory_space<vmem>>)
      %parallel_loop3A_293 = arith.constant 0 : i32
      %parallel_loop3A_294 = arith.constant 64 : i32
      %parallel_loop3A_295 = arith.constant 1 : i32
      scf.for %parallel_loop3A_411 = %parallel_loop3A_293 to %parallel_loop3A_294 step %parallel_loop3A_295  : i32 {
        %parallel_loop3A_412 = arith.constant 1 : i32
        %parallel_loop3A_413 = vector.broadcast %parallel_loop3A_412 : i32 to vector<16xi32>
        %parallel_loop3A_414 = vector.broadcast %parallel_loop3A_411 : i32 to vector<16xi32>
        %parallel_loop3A_415 = tpu.vector_load_idx %arg14[%parallel_loop3A_413, %parallel_loop3A_414] : memref<4x64xf32, #tpu.memory_space<vmem>>[vector<16xi32>, vector<16xi32>], vector<16xf32>,
        %parallel_loop3A_416 = arith.index_cast %parallel_loop3A_411 : i32 to index
        %parallel_loop3A_417 = arith.constant 0 : index
        %parallel_loop3A_418 = tpu.vector_load %arg9[%parallel_loop3A_416, %parallel_loop3A_417] {strides = array<i32>} : memref<64x128xf32, #tpu.memory_space<vmem>>, vector<16xf32>,
        %parallel_loop3A_419 = arith.mulf %parallel_loop3A_418, %parallel_loop3A_415 : vector<16xf32>
        %parallel_loop3A_420 = arith.index_cast %parallel_loop3A_411 : i32 to index
        %parallel_loop3A_421 = arith.constant 0 : index
        %parallel_loop3A_422 = tpu.vector_load %arg9[%parallel_loop3A_420, %parallel_loop3A_421] {strides = array<i32>} : memref<64x128xf32, #tpu.memory_space<vmem>>, vector<16xf32>,
        tpu.vector_store %arg9[%parallel_loop3A_420, %parallel_loop3A_421], %parallel_loop3A_419 {strides = array<i32>} : memref<64x128xf32, #tpu.memory_space<vmem>>, vector<16xf32>,
        %parallel_loop3A_423 = arith.index_cast %parallel_loop3A_411 : i32 to index
        %parallel_loop3A_424 = arith.constant 16 : index
        %parallel_loop3A_425 = tpu.vector_load %arg9[%parallel_loop3A_423, %parallel_loop3A_424] {strides = array<i32>} : memref<64x128xf32, #tpu.memory_space<vmem>>, vector<16xf32>,
        %parallel_loop3A_426 = arith.mulf %parallel_loop3A_425, %parallel_loop3A_415 : vector<16xf32>
        %parallel_loop3A_427 = arith.index_cast %parallel_loop3A_411 : i32 to index
        %parallel_loop3A_428 = arith.constant 16 : index
        %parallel_loop3A_429 = tpu.vector_load %arg9[%parallel_loop3A_427, %parallel_loop3A_428] {strides = array<i32>} : memref<64x128xf32, #tpu.memory_space<vmem>>, vector<16xf32>,
        tpu.vector_store %arg9[%parallel_loop3A_427, %parallel_loop3A_428], %parallel_loop3A_426 {strides = array<i32>} : memref<64x128xf32, #tpu.memory_space<vmem>>, vector<16xf32>,
        %parallel_loop3A_430 = arith.index_cast %parallel_loop3A_411 : i32 to index
        %parallel_loop3A_431 = arith.constant 32 : index
        %parallel_loop3A_432 = tpu.vector_load %arg9[%parallel_loop3A_430, %parallel_loop3A_431] {strides = array<i32>} : memref<64x128xf32, #tpu.memory_space<vmem>>, vector<16xf32>,
        %parallel_loop3A_433 = arith.mulf %parallel_loop3A_432, %parallel_loop3A_415 : vector<16xf32>
        %parallel_loop3A_434 = arith.index_cast %parallel_loop3A_411 : i32 to index
        %parallel_loop3A_435 = arith.constant 32 : index
        %parallel_loop3A_436 = tpu.vector_load %arg9[%parallel_loop3A_434, %parallel_loop3A_435] {strides = array<i32>} : memref<64x128xf32, #tpu.memory_space<vmem>>, vector<16xf32>,
        tpu.vector_store %arg9[%parallel_loop3A_434, %parallel_loop3A_435], %parallel_loop3A_433 {strides = array<i32>} : memref<64x128xf32, #tpu.memory_space<vmem>>, vector<16xf32>,
        %parallel_loop3A_437 = arith.index_cast %parallel_loop3A_411 : i32 to index
        %parallel_loop3A_438 = arith.constant 48 : index
        %parallel_loop3A_439 = tpu.vector_load %arg9[%parallel_loop3A_437, %parallel_loop3A_438] {strides = array<i32>} : memref<64x128xf32, #tpu.memory_space<vmem>>, vector<16xf32>,
        %parallel_loop3A_440 = arith.mulf %parallel_loop3A_439, %parallel_loop3A_415 : vector<16xf32>
        %parallel_loop3A_441 = arith.index_cast %parallel_loop3A_411 : i32 to index
        %parallel_loop3A_442 = arith.constant 48 : index
        %parallel_loop3A_443 = tpu.vector_load %arg9[%parallel_loop3A_441, %parallel_loop3A_442] {strides = array<i32>} : memref<64x128xf32, #tpu.memory_space<vmem>>, vector<16xf32>,
        tpu.vector_store %arg9[%parallel_loop3A_441, %parallel_loop3A_442], %parallel_loop3A_440 {strides = array<i32>} : memref<64x128xf32, #tpu.memory_space<vmem>>, vector<16xf32>,
        %parallel_loop3A_444 = arith.index_cast %parallel_loop3A_411 : i32 to index
        %parallel_loop3A_445 = arith.constant 64 : index
        %parallel_loop3A_446 = tpu.vector_load %arg9[%parallel_loop3A_444, %parallel_loop3A_445] {strides = array<i32>} : memref<64x128xf32, #tpu.memory_space<vmem>>, vector<16xf32>,
        %parallel_loop3A_447 = arith.mulf %parallel_loop3A_446, %parallel_loop3A_415 : vector<16xf32>
        %parallel_loop3A_448 = arith.index_cast %parallel_loop3A_411 : i32 to index
        %parallel_loop3A_449 = arith.constant 64 : index
        %parallel_loop3A_450 = tpu.vector_load %arg9[%parallel_loop3A_448, %parallel_loop3A_449] {strides = array<i32>} : memref<64x128xf32, #tpu.memory_space<vmem>>, vector<16xf32>,
        tpu.vector_store %arg9[%parallel_loop3A_448, %parallel_loop3A_449], %parallel_loop3A_447 {strides = array<i32>} : memref<64x128xf32, #tpu.memory_space<vmem>>, vector<16xf32>,
        %parallel_loop3A_451 = arith.index_cast %parallel_loop3A_411 : i32 to index
        %parallel_loop3A_452 = arith.constant 80 : index
        %parallel_loop3A_453 = tpu.vector_load %arg9[%parallel_loop3A_451, %parallel_loop3A_452] {strides = array<i32>} : memref<64x128xf32, #tpu.memory_space<vmem>>, vector<16xf32>,
        %parallel_loop3A_454 = arith.mulf %parallel_loop3A_453, %parallel_loop3A_415 : vector<16xf32>
        %parallel_loop3A_455 = arith.index_cast %parallel_loop3A_411 : i32 to index
        %parallel_loop3A_456 = arith.constant 80 : index
        %parallel_loop3A_457 = tpu.vector_load %arg9[%parallel_loop3A_455, %parallel_loop3A_456] {strides = array<i32>} : memref<64x128xf32, #tpu.memory_space<vmem>>, vector<16xf32>,
        tpu.vector_store %arg9[%parallel_loop3A_455, %parallel_loop3A_456], %parallel_loop3A_454 {strides = array<i32>} : memref<64x128xf32, #tpu.memory_space<vmem>>, vector<16xf32>,
        %parallel_loop3A_458 = arith.index_cast %parallel_loop3A_411 : i32 to index
        %parallel_loop3A_459 = arith.constant 96 : index
        %parallel_loop3A_460 = tpu.vector_load %arg9[%parallel_loop3A_458, %parallel_loop3A_459] {strides = array<i32>} : memref<64x128xf32, #tpu.memory_space<vmem>>, vector<16xf32>,
        %parallel_loop3A_461 = arith.mulf %parallel_loop3A_460, %parallel_loop3A_415 : vector<16xf32>
        %parallel_loop3A_462 = arith.index_cast %parallel_loop3A_411 : i32 to index
        %parallel_loop3A_463 = arith.constant 96 : index
        %parallel_loop3A_464 = tpu.vector_load %arg9[%parallel_loop3A_462, %parallel_loop3A_463] {strides = array<i32>} : memref<64x128xf32, #tpu.memory_space<vmem>>, vector<16xf32>,
        tpu.vector_store %arg9[%parallel_loop3A_462, %parallel_loop3A_463], %parallel_loop3A_461 {strides = array<i32>} : memref<64x128xf32, #tpu.memory_space<vmem>>, vector<16xf32>,
        %parallel_loop3A_465 = arith.index_cast %parallel_loop3A_411 : i32 to index
        %parallel_loop3A_466 = arith.constant 112 : index
        %parallel_loop3A_467 = tpu.vector_load %arg9[%parallel_loop3A_465, %parallel_loop3A_466] {strides = array<i32>} : memref<64x128xf32, #tpu.memory_space<vmem>>, vector<16xf32>,
        %parallel_loop3A_468 = arith.mulf %parallel_loop3A_467, %parallel_loop3A_415 : vector<16xf32>
        %parallel_loop3A_469 = arith.index_cast %parallel_loop3A_411 : i32 to index
        %parallel_loop3A_470 = arith.constant 112 : index
        %parallel_loop3A_471 = tpu.vector_load %arg9[%parallel_loop3A_469, %parallel_loop3A_470] {strides = array<i32>} : memref<64x128xf32, #tpu.memory_space<vmem>>, vector<16xf32>,
        tpu.vector_store %arg9[%parallel_loop3A_469, %parallel_loop3A_470], %parallel_loop3A_468 {strides = array<i32>} : memref<64x128xf32, #tpu.memory_space<vmem>>, vector<16xf32>,
      } {sc.loop_unroll_factor = 4 : i64, sc.parallel_access}
      %dma_start3A_296 = arith.constant 1 : i32
      %dma_start3A_297 = arith.constant 1 : i32
      %dma_start3A_298 = arith.constant 0 : i32
      %dma_start3A_299 = tpu.memref_slice %arg13[%dma_start3A_296, %dma_start3A_298] : memref<4x64xi32, #tpu.memory_space<vmem>> -> memref<1x64xi32, #tpu.memory_space<vmem>>
      %dma_start3A_300 = tpu.memref_squeeze %dma_start3A_299 : memref<1x64xi32, #tpu.memory_space<vmem>> -> memref<64xi32, #tpu.memory_space<vmem>>
      %dma_start3A_301 = arith.constant 0 : i32
      %dma_start3A_302 = arith.constant 0 : i32
      %dma_start3A_303 = tpu.memref_slice %arg7[%dma_start3A_301, %dma_start3A_302] : memref<10240x128xf32, #tpu.memory_space<vmem_shared>> -> memref<10240x128xf32, #tpu.memory_space<vmem_shared>>
      %dma_start3A_304 = tpu.memref_slice %arg17[%dma_start3A_297] : memref<4x!tpu.dma_semaphore, #tpu.memory_space<semaphore_mem>> -> memref<1x!tpu.dma_semaphore, #tpu.memory_space<semaphore_mem>>
      %dma_start3A_305 = tpu.memref_squeeze %dma_start3A_304 : memref<1x!tpu.dma_semaphore, #tpu.memory_space<semaphore_mem>> -> memref<!tpu.dma_semaphore, #tpu.memory_space<semaphore_mem>>
      tpu.enqueue_indirect_dma source(%arg9 : memref<64x128xf32, #tpu.memory_space<vmem>>) target(%dma_start3A_303 : memref<10240x128xf32, #tpu.memory_space<vmem_shared>>) offsets(%dma_start3A_300 : memref<64xi32, #tpu.memory_space<vmem>>) semaphore(%dma_start3A_305 : memref<!tpu.dma_semaphore, #tpu.memory_space<semaphore_mem>>) {add = true}
      %ge3A_306 = arith.constant 2 : i32
      %ge3A_307 = arith.cmpi sge, %add3A_275, %ge3A_306 : i32
      %convert_element_type3A_308 = arith.extui %ge3A_307 : i1 to i32
      %cond3A_309 = arith.constant 0 : i32
      %cond3A_310 = arith.cmpi ne, %convert_element_type3A_308, %cond3A_309 : i32
      scf.if %cond3A_310 {
        %dma_wait3A_411 = arith.constant 3 : i32
        %dma_wait3A_412 = arith.constant 3 : i32
        %dma_wait3A_413 = arith.constant 0 : i32
        %dma_wait3A_414 = tpu.memref_slice %arg13[%dma_wait3A_411, %dma_wait3A_413] : memref<4x64xi32, #tpu.memory_space<vmem>> -> memref<1x64xi32, #tpu.memory_space<vmem>>
        %dma_wait3A_415 = tpu.memref_squeeze %dma_wait3A_414 : memref<1x64xi32, #tpu.memory_space<vmem>> -> memref<64xi32, #tpu.memory_space<vmem>>
        %dma_wait3A_416 = arith.constant 0 : i32
        %dma_wait3A_417 = arith.constant 0 : i32
        %dma_wait3A_418 = tpu.memref_slice %arg7[%dma_wait3A_416, %dma_wait3A_417] : memref<10240x128xf32, #tpu.memory_space<vmem_shared>> -> memref<10240x128xf32, #tpu.memory_space<vmem_shared>>
        %dma_wait3A_419 = tpu.memref_slice %arg17[%dma_wait3A_412] : memref<4x!tpu.dma_semaphore, #tpu.memory_space<semaphore_mem>> -> memref<1x!tpu.dma_semaphore, #tpu.memory_space<semaphore_mem>>
        %dma_wait3A_420 = tpu.memref_squeeze %dma_wait3A_419 : memref<1x!tpu.dma_semaphore, #tpu.memory_space<semaphore_mem>> -> memref<!tpu.dma_semaphore, #tpu.memory_space<semaphore_mem>>
        tpu.wait_indirect_dma semaphore(%dma_wait3A_420 : memref<!tpu.dma_semaphore, #tpu.memory_space<semaphore_mem>>) src(%arg11 : memref<64x128xf32, #tpu.memory_space<vmem>>) dst(%dma_wait3A_418 : memref<10240x128xf32, #tpu.memory_space<vmem_shared>>)
      } else {
      }
      %add3A_311 = arith.constant 2 : i32
      %add3A_312 = arith.addi %add3A_275, %add3A_311 : i32
      %lt3A_313 = arith.constant 160 : i32
      %lt3A_314 = arith.cmpi slt, %add3A_312, %lt3A_313 : i32
      %convert_element_type3A_315 = arith.extui %lt3A_314 : i1 to i32
      %cond3A_316 = arith.constant 0 : i32
      %cond3A_317 = arith.cmpi ne, %convert_element_type3A_315, %cond3A_316 : i32
      scf.if %cond3A_317 {
        %add3A_411 = arith.constant 2 : i32
        %add3A_412 = arith.addi %add3A_275, %add3A_411 : i32
        %add3A_413 = arith.addi %mul3A_2, %add3A_412 : i32
        %dma_start3A_414 = arith.constant 3 : i32
        %dma_start3A_415 = arith.constant 3 : i32
        %dma_start3A_416 = arith.constant 0 : i32
        %dma_start3A_417 = tpu.memref_slice %arg12[%dma_start3A_414, %dma_start3A_416] : memref<4x64xi32, #tpu.memory_space<vmem>> -> memref<1x64xi32, #tpu.memory_space<vmem>>
        %dma_start3A_418 = tpu.memref_squeeze %dma_start3A_417 : memref<1x64xi32, #tpu.memory_space<vmem>> -> memref<64xi32, #tpu.memory_space<vmem>>
        %dma_start3A_419 = arith.constant 0 : i32
        %dma_start3A_420 = tpu.memref_slice %arg2[%add3A_413, %dma_start3A_419] : memref<5120x64xi32, #tpu.memory_space<hbm>> -> memref<1x64xi32, #tpu.memory_space<hbm>>
        %dma_start3A_421 = tpu.memref_squeeze %dma_start3A_420 : memref<1x64xi32, #tpu.memory_space<hbm>> -> memref<64xi32, #tpu.memory_space<hbm>>
        %dma_start3A_422 = tpu.memref_slice %arg15[%dma_start3A_415] : memref<4x!tpu.dma_semaphore, #tpu.memory_space<semaphore_mem>> -> memref<1x!tpu.dma_semaphore, #tpu.memory_space<semaphore_mem>>
        %dma_start3A_423 = tpu.memref_squeeze %dma_start3A_422 : memref<1x!tpu.dma_semaphore, #tpu.memory_space<semaphore_mem>> -> memref<!tpu.dma_semaphore, #tpu.memory_space<semaphore_mem>>
        %dma_start3A_424 = arith.constant 0 : i32
        %dma_start3A_425 = tpu.memref_slice %arg12[%dma_start3A_414, %dma_start3A_424] : memref<4x64xi32, #tpu.memory_space<vmem>> -> memref<1x64xi32, #tpu.memory_space<vmem>>
        %dma_start3A_426 = tpu.memref_squeeze %dma_start3A_425 : memref<1x64xi32, #tpu.memory_space<vmem>> -> memref<64xi32, #tpu.memory_space<vmem>>
        %dma_start3A_427 = arith.constant 0 : i32
        %dma_start3A_428 = tpu.memref_slice %arg2[%add3A_413, %dma_start3A_427] : memref<5120x64xi32, #tpu.memory_space<hbm>> -> memref<1x64xi32, #tpu.memory_space<hbm>>
        %dma_start3A_429 = tpu.memref_squeeze %dma_start3A_428 : memref<1x64xi32, #tpu.memory_space<hbm>> -> memref<64xi32, #tpu.memory_space<hbm>>
        tpu.enqueue_dma source(%dma_start3A_429 : memref<64xi32, #tpu.memory_space<hbm>>) target(%dma_start3A_426 : memref<64xi32, #tpu.memory_space<vmem>>) target_semaphore(%dma_start3A_423 : memref<!tpu.dma_semaphore, #tpu.memory_space<semaphore_mem>>)
        %add3A_430 = arith.addi %mul3A_2, %add3A_412 : i32
        %dma_start3A_431 = arith.constant 3 : i32
        %dma_start3A_432 = arith.constant 3 : i32
        %dma_start3A_433 = arith.constant 0 : i32
        %dma_start3A_434 = tpu.memref_slice %arg13[%dma_start3A_431, %dma_start3A_433] : memref<4x64xi32, #tpu.memory_space<vmem>> -> memref<1x64xi32, #tpu.memory_space<vmem>>
        %dma_start3A_435 = tpu.memref_squeeze %dma_start3A_434 : memref<1x64xi32, #tpu.memory_space<vmem>> -> memref<64xi32, #tpu.memory_space<vmem>>
        %dma_start3A_436 = arith.constant 0 : i32
        %dma_start3A_437 = tpu.memref_slice %arg3[%add3A_430, %dma_start3A_436] : memref<5120x64xi32, #tpu.memory_space<hbm>> -> memref<1x64xi32, #tpu.memory_space<hbm>>
        %dma_start3A_438 = tpu.memref_squeeze %dma_start3A_437 : memref<1x64xi32, #tpu.memory_space<hbm>> -> memref<64xi32, #tpu.memory_space<hbm>>
        %dma_start3A_439 = tpu.memref_slice %arg15[%dma_start3A_432] : memref<4x!tpu.dma_semaphore, #tpu.memory_space<semaphore_mem>> -> memref<1x!tpu.dma_semaphore, #tpu.memory_space<semaphore_mem>>
        %dma_start3A_440 = tpu.memref_squeeze %dma_start3A_439 : memref<1x!tpu.dma_semaphore, #tpu.memory_space<semaphore_mem>> -> memref<!tpu.dma_semaphore, #tpu.memory_space<semaphore_mem>>
        %dma_start3A_441 = arith.constant 0 : i32
        %dma_start3A_442 = tpu.memref_slice %arg13[%dma_start3A_431, %dma_start3A_441] : memref<4x64xi32, #tpu.memory_space<vmem>> -> memref<1x64xi32, #tpu.memory_space<vmem>>
        %dma_start3A_443 = tpu.memref_squeeze %dma_start3A_442 : memref<1x64xi32, #tpu.memory_space<vmem>> -> memref<64xi32, #tpu.memory_space<vmem>>
        %dma_start3A_444 = arith.constant 0 : i32
        %dma_start3A_445 = tpu.memref_slice %arg3[%add3A_430, %dma_start3A_444] : memref<5120x64xi32, #tpu.memory_space<hbm>> -> memref<1x64xi32, #tpu.memory_space<hbm>>
        %dma_start3A_446 = tpu.memref_squeeze %dma_start3A_445 : memref<1x64xi32, #tpu.memory_space<hbm>> -> memref<64xi32, #tpu.memory_space<hbm>>
        tpu.enqueue_dma source(%dma_start3A_446 : memref<64xi32, #tpu.memory_space<hbm>>) target(%dma_start3A_443 : memref<64xi32, #tpu.memory_space<vmem>>) target_semaphore(%dma_start3A_440 : memref<!tpu.dma_semaphore, #tpu.memory_space<semaphore_mem>>)
        %add3A_447 = arith.addi %mul3A_2, %add3A_412 : i32
        %dma_start3A_448 = arith.constant 3 : i32
        %dma_start3A_449 = arith.constant 3 : i32
        %dma_start3A_450 = arith.constant 0 : i32
        %dma_start3A_451 = tpu.memref_slice %arg14[%dma_start3A_448, %dma_start3A_450] : memref<4x64xf32, #tpu.memory_space<vmem>> -> memref<1x64xf32, #tpu.memory_space<vmem>>
        %dma_start3A_452 = tpu.memref_squeeze %dma_start3A_451 : memref<1x64xf32, #tpu.memory_space<vmem>> -> memref<64xf32, #tpu.memory_space<vmem>>
        %dma_start3A_453 = arith.constant 0 : i32
        %dma_start3A_454 = tpu.memref_slice %arg4[%add3A_447, %dma_start3A_453] : memref<5120x64xf32, #tpu.memory_space<hbm>> -> memref<1x64xf32, #tpu.memory_space<hbm>>
        %dma_start3A_455 = tpu.memref_squeeze %dma_start3A_454 : memref<1x64xf32, #tpu.memory_space<hbm>> -> memref<64xf32, #tpu.memory_space<hbm>>
        %dma_start3A_456 = tpu.memref_slice %arg15[%dma_start3A_449] : memref<4x!tpu.dma_semaphore, #tpu.memory_space<semaphore_mem>> -> memref<1x!tpu.dma_semaphore, #tpu.memory_space<semaphore_mem>>
        %dma_start3A_457 = tpu.memref_squeeze %dma_start3A_456 : memref<1x!tpu.dma_semaphore, #tpu.memory_space<semaphore_mem>> -> memref<!tpu.dma_semaphore, #tpu.memory_space<semaphore_mem>>
        %dma_start3A_458 = arith.constant 0 : i32
        %dma_start3A_459 = tpu.memref_slice %arg14[%dma_start3A_448, %dma_start3A_458] : memref<4x64xf32, #tpu.memory_space<vmem>> -> memref<1x64xf32, #tpu.memory_space<vmem>>
        %dma_start3A_460 = tpu.memref_squeeze %dma_start3A_459 : memref<1x64xf32, #tpu.memory_space<vmem>> -> memref<64xf32, #tpu.memory_space<vmem>>
        %dma_start3A_461 = arith.constant 0 : i32
        %dma_start3A_462 = tpu.memref_slice %arg4[%add3A_447, %dma_start3A_461] : memref<5120x64xf32, #tpu.memory_space<hbm>> -> memref<1x64xf32, #tpu.memory_space<hbm>>
        %dma_start3A_463 = tpu.memref_squeeze %dma_start3A_462 : memref<1x64xf32, #tpu.memory_space<hbm>> -> memref<64xf32, #tpu.memory_space<hbm>>
        tpu.enqueue_dma source(%dma_start3A_463 : memref<64xf32, #tpu.memory_space<hbm>>) target(%dma_start3A_460 : memref<64xf32, #tpu.memory_space<vmem>>) target_semaphore(%dma_start3A_457 : memref<!tpu.dma_semaphore, #tpu.memory_space<semaphore_mem>>)
      } else {
      }
      %mul3A_318 = arith.constant 4 : i32
      %mul3A_319 = arith.muli %scan3A_229, %mul3A_318 : i32
      %add3A_320 = arith.constant 2 : i32
      %add3A_321 = arith.addi %mul3A_319, %add3A_320 : i32
      %add3A_322 = arith.constant 1 : i32
      %add3A_323 = arith.addi %add3A_321, %add3A_322 : i32
      %lt3A_324 = arith.constant 160 : i32
      %lt3A_325 = arith.cmpi slt, %add3A_323, %lt3A_324 : i32
      %convert_element_type3A_326 = arith.extui %lt3A_325 : i1 to i32
      %cond3A_327 = arith.constant 0 : i32
      %cond3A_328 = arith.cmpi ne, %convert_element_type3A_326, %cond3A_327 : i32
      scf.if %cond3A_328 {
        %add3A_411 = arith.constant 1 : i32
        %add3A_412 = arith.addi %add3A_321, %add3A_411 : i32
        %add3A_413 = arith.addi %mul3A_2, %add3A_412 : i32
        %dma_wait3A_414 = arith.constant 3 : i32
        %dma_wait3A_415 = arith.constant 3 : i32
        %dma_wait3A_416 = arith.constant 0 : i32
        %dma_wait3A_417 = tpu.memref_slice %arg12[%dma_wait3A_414, %dma_wait3A_416] : memref<4x64xi32, #tpu.memory_space<vmem>> -> memref<1x64xi32, #tpu.memory_space<vmem>>
        %dma_wait3A_418 = tpu.memref_squeeze %dma_wait3A_417 : memref<1x64xi32, #tpu.memory_space<vmem>> -> memref<64xi32, #tpu.memory_space<vmem>>
        %dma_wait3A_419 = arith.constant 0 : i32
        %dma_wait3A_420 = tpu.memref_slice %arg2[%add3A_413, %dma_wait3A_419] : memref<5120x64xi32, #tpu.memory_space<hbm>> -> memref<1x64xi32, #tpu.memory_space<hbm>>
        %dma_wait3A_421 = tpu.memref_squeeze %dma_wait3A_420 : memref<1x64xi32, #tpu.memory_space<hbm>> -> memref<64xi32, #tpu.memory_space<hbm>>
        %dma_wait3A_422 = tpu.memref_slice %arg15[%dma_wait3A_415] : memref<4x!tpu.dma_semaphore, #tpu.memory_space<semaphore_mem>> -> memref<1x!tpu.dma_semaphore, #tpu.memory_space<semaphore_mem>>
        %dma_wait3A_423 = tpu.memref_squeeze %dma_wait3A_422 : memref<1x!tpu.dma_semaphore, #tpu.memory_space<semaphore_mem>> -> memref<!tpu.dma_semaphore, #tpu.memory_space<semaphore_mem>>
        %dma_wait3A_424 = arith.constant 0 : i32
        %dma_wait3A_425 = tpu.memref_slice %arg12[%dma_wait3A_414, %dma_wait3A_424] : memref<4x64xi32, #tpu.memory_space<vmem>> -> memref<1x64xi32, #tpu.memory_space<vmem>>
        %dma_wait3A_426 = tpu.memref_squeeze %dma_wait3A_425 : memref<1x64xi32, #tpu.memory_space<vmem>> -> memref<64xi32, #tpu.memory_space<vmem>>
        %dma_wait3A_427 = arith.constant 0 : i32
        %dma_wait3A_428 = tpu.memref_slice %arg2[%add3A_413, %dma_wait3A_427] : memref<5120x64xi32, #tpu.memory_space<hbm>> -> memref<1x64xi32, #tpu.memory_space<hbm>>
        %dma_wait3A_429 = tpu.memref_squeeze %dma_wait3A_428 : memref<1x64xi32, #tpu.memory_space<hbm>> -> memref<64xi32, #tpu.memory_space<hbm>>
        tpu.wait_dma2 semaphore(%dma_wait3A_423 : memref<!tpu.dma_semaphore, #tpu.memory_space<semaphore_mem>>) src(%dma_wait3A_429 : memref<64xi32, #tpu.memory_space<hbm>>) dst(%dma_wait3A_426 : memref<64xi32, #tpu.memory_space<vmem>>)
        %add3A_430 = arith.addi %mul3A_2, %add3A_412 : i32
        %dma_wait3A_431 = arith.constant 3 : i32
        %dma_wait3A_432 = arith.constant 3 : i32
        %dma_wait3A_433 = arith.constant 0 : i32
        %dma_wait3A_434 = tpu.memref_slice %arg13[%dma_wait3A_431, %dma_wait3A_433] : memref<4x64xi32, #tpu.memory_space<vmem>> -> memref<1x64xi32, #tpu.memory_space<vmem>>
        %dma_wait3A_435 = tpu.memref_squeeze %dma_wait3A_434 : memref<1x64xi32, #tpu.memory_space<vmem>> -> memref<64xi32, #tpu.memory_space<vmem>>
        %dma_wait3A_436 = arith.constant 0 : i32
        %dma_wait3A_437 = tpu.memref_slice %arg3[%add3A_430, %dma_wait3A_436] : memref<5120x64xi32, #tpu.memory_space<hbm>> -> memref<1x64xi32, #tpu.memory_space<hbm>>
        %dma_wait3A_438 = tpu.memref_squeeze %dma_wait3A_437 : memref<1x64xi32, #tpu.memory_space<hbm>> -> memref<64xi32, #tpu.memory_space<hbm>>
        %dma_wait3A_439 = tpu.memref_slice %arg15[%dma_wait3A_432] : memref<4x!tpu.dma_semaphore, #tpu.memory_space<semaphore_mem>> -> memref<1x!tpu.dma_semaphore, #tpu.memory_space<semaphore_mem>>
        %dma_wait3A_440 = tpu.memref_squeeze %dma_wait3A_439 : memref<1x!tpu.dma_semaphore, #tpu.memory_space<semaphore_mem>> -> memref<!tpu.dma_semaphore, #tpu.memory_space<semaphore_mem>>
        %dma_wait3A_441 = arith.constant 0 : i32
        %dma_wait3A_442 = tpu.memref_slice %arg13[%dma_wait3A_431, %dma_wait3A_441] : memref<4x64xi32, #tpu.memory_space<vmem>> -> memref<1x64xi32, #tpu.memory_space<vmem>>
        %dma_wait3A_443 = tpu.memref_squeeze %dma_wait3A_442 : memref<1x64xi32, #tpu.memory_space<vmem>> -> memref<64xi32, #tpu.memory_space<vmem>>
        %dma_wait3A_444 = arith.constant 0 : i32
        %dma_wait3A_445 = tpu.memref_slice %arg3[%add3A_430, %dma_wait3A_444] : memref<5120x64xi32, #tpu.memory_space<hbm>> -> memref<1x64xi32, #tpu.memory_space<hbm>>
        %dma_wait3A_446 = tpu.memref_squeeze %dma_wait3A_445 : memref<1x64xi32, #tpu.memory_space<hbm>> -> memref<64xi32, #tpu.memory_space<hbm>>
        tpu.wait_dma2 semaphore(%dma_wait3A_440 : memref<!tpu.dma_semaphore, #tpu.memory_space<semaphore_mem>>) src(%dma_wait3A_446 : memref<64xi32, #tpu.memory_space<hbm>>) dst(%dma_wait3A_443 : memref<64xi32, #tpu.memory_space<vmem>>)
        %add3A_447 = arith.addi %mul3A_2, %add3A_412 : i32
        %dma_wait3A_448 = arith.constant 3 : i32
        %dma_wait3A_449 = arith.constant 3 : i32
        %dma_wait3A_450 = arith.constant 0 : i32
        %dma_wait3A_451 = tpu.memref_slice %arg14[%dma_wait3A_448, %dma_wait3A_450] : memref<4x64xf32, #tpu.memory_space<vmem>> -> memref<1x64xf32, #tpu.memory_space<vmem>>
        %dma_wait3A_452 = tpu.memref_squeeze %dma_wait3A_451 : memref<1x64xf32, #tpu.memory_space<vmem>> -> memref<64xf32, #tpu.memory_space<vmem>>
        %dma_wait3A_453 = arith.constant 0 : i32
        %dma_wait3A_454 = tpu.memref_slice %arg4[%add3A_447, %dma_wait3A_453] : memref<5120x64xf32, #tpu.memory_space<hbm>> -> memref<1x64xf32, #tpu.memory_space<hbm>>
        %dma_wait3A_455 = tpu.memref_squeeze %dma_wait3A_454 : memref<1x64xf32, #tpu.memory_space<hbm>> -> memref<64xf32, #tpu.memory_space<hbm>>
        %dma_wait3A_456 = tpu.memref_slice %arg15[%dma_wait3A_449] : memref<4x!tpu.dma_semaphore, #tpu.memory_space<semaphore_mem>> -> memref<1x!tpu.dma_semaphore, #tpu.memory_space<semaphore_mem>>
        %dma_wait3A_457 = tpu.memref_squeeze %dma_wait3A_456 : memref<1x!tpu.dma_semaphore, #tpu.memory_space<semaphore_mem>> -> memref<!tpu.dma_semaphore, #tpu.memory_space<semaphore_mem>>
        %dma_wait3A_458 = arith.constant 0 : i32
        %dma_wait3A_459 = tpu.memref_slice %arg14[%dma_wait3A_448, %dma_wait3A_458] : memref<4x64xf32, #tpu.memory_space<vmem>> -> memref<1x64xf32, #tpu.memory_space<vmem>>
        %dma_wait3A_460 = tpu.memref_squeeze %dma_wait3A_459 : memref<1x64xf32, #tpu.memory_space<vmem>> -> memref<64xf32, #tpu.memory_space<vmem>>
        %dma_wait3A_461 = arith.constant 0 : i32
        %dma_wait3A_462 = tpu.memref_slice %arg4[%add3A_447, %dma_wait3A_461] : memref<5120x64xf32, #tpu.memory_space<hbm>> -> memref<1x64xf32, #tpu.memory_space<hbm>>
        %dma_wait3A_463 = tpu.memref_squeeze %dma_wait3A_462 : memref<1x64xf32, #tpu.memory_space<hbm>> -> memref<64xf32, #tpu.memory_space<hbm>>
        tpu.wait_dma2 semaphore(%dma_wait3A_457 : memref<!tpu.dma_semaphore, #tpu.memory_space<semaphore_mem>>) src(%dma_wait3A_463 : memref<64xf32, #tpu.memory_space<hbm>>) dst(%dma_wait3A_460 : memref<64xf32, #tpu.memory_space<vmem>>)
        %add3A_464 = arith.constant 1 : i32
        %add3A_465 = arith.addi %add3A_321, %add3A_464 : i32
        %dma_start3A_466 = arith.constant 3 : i32
        %dma_start3A_467 = arith.constant 3 : i32
        %dma_start3A_468 = arith.constant 0 : i32
        %dma_start3A_469 = tpu.memref_slice %arg12[%dma_start3A_466, %dma_start3A_468] : memref<4x64xi32, #tpu.memory_space<vmem>> -> memref<1x64xi32, #tpu.memory_space<vmem>>
        %dma_start3A_470 = tpu.memref_squeeze %dma_start3A_469 : memref<1x64xi32, #tpu.memory_space<vmem>> -> memref<64xi32, #tpu.memory_space<vmem>>
        %dma_start3A_471 = arith.constant 0 : i32
        %dma_start3A_472 = arith.constant 0 : i32
        %dma_start3A_473 = tpu.memref_slice %arg5[%dma_start3A_471, %dma_start3A_472] : memref<10000x128xf32, #tpu.memory_space<hbm>> -> memref<10000x128xf32, #tpu.memory_space<hbm>>
        %dma_start3A_474 = tpu.memref_slice %arg16[%dma_start3A_467] : memref<4x!tpu.dma_semaphore, #tpu.memory_space<semaphore_mem>> -> memref<1x!tpu.dma_semaphore, #tpu.memory_space<semaphore_mem>>
        %dma_start3A_475 = tpu.memref_squeeze %dma_start3A_474 : memref<1x!tpu.dma_semaphore, #tpu.memory_space<semaphore_mem>> -> memref<!tpu.dma_semaphore, #tpu.memory_space<semaphore_mem>>
        tpu.enqueue_indirect_dma source(%dma_start3A_473 : memref<10000x128xf32, #tpu.memory_space<hbm>>) target(%arg11 : memref<64x128xf32, #tpu.memory_space<vmem>>) offsets(%dma_start3A_470 : memref<64xi32, #tpu.memory_space<vmem>>) semaphore(%dma_start3A_475 : memref<!tpu.dma_semaphore, #tpu.memory_space<semaphore_mem>>)
      } else {
      }
      %dma_wait3A_329 = arith.constant 2 : i32
      %dma_wait3A_330 = arith.constant 2 : i32
      %dma_wait3A_331 = arith.constant 0 : i32
      %dma_wait3A_332 = tpu.memref_slice %arg12[%dma_wait3A_329, %dma_wait3A_331] : memref<4x64xi32, #tpu.memory_space<vmem>> -> memref<1x64xi32, #tpu.memory_space<vmem>>
      %dma_wait3A_333 = tpu.memref_squeeze %dma_wait3A_332 : memref<1x64xi32, #tpu.memory_space<vmem>> -> memref<64xi32, #tpu.memory_space<vmem>>
      %dma_wait3A_334 = arith.constant 0 : i32
      %dma_wait3A_335 = arith.constant 0 : i32
      %dma_wait3A_336 = tpu.memref_slice %arg5[%dma_wait3A_334, %dma_wait3A_335] : memref<10000x128xf32, #tpu.memory_space<hbm>> -> memref<10000x128xf32, #tpu.memory_space<hbm>>
      %dma_wait3A_337 = tpu.memref_slice %arg16[%dma_wait3A_330] : memref<4x!tpu.dma_semaphore, #tpu.memory_space<semaphore_mem>> -> memref<1x!tpu.dma_semaphore, #tpu.memory_space<semaphore_mem>>
      %dma_wait3A_338 = tpu.memref_squeeze %dma_wait3A_337 : memref<1x!tpu.dma_semaphore, #tpu.memory_space<semaphore_mem>> -> memref<!tpu.dma_semaphore, #tpu.memory_space<semaphore_mem>>
      tpu.wait_indirect_dma semaphore(%dma_wait3A_338 : memref<!tpu.dma_semaphore, #tpu.memory_space<semaphore_mem>>) src(%dma_wait3A_336 : memref<10000x128xf32, #tpu.memory_space<hbm>>) dst(%arg10 : memref<64x128xf32, #tpu.memory_space<vmem>>)
      %parallel_loop3A_339 = arith.constant 0 : i32
      %parallel_loop3A_340 = arith.constant 64 : i32
      %parallel_loop3A_341 = arith.constant 1 : i32
      scf.for %parallel_loop3A_411 = %parallel_loop3A_339 to %parallel_loop3A_340 step %parallel_loop3A_341  : i32 {
        %parallel_loop3A_412 = arith.constant 2 : i32
        %parallel_loop3A_413 = vector.broadcast %parallel_loop3A_412 : i32 to vector<16xi32>
        %parallel_loop3A_414 = vector.broadcast %parallel_loop3A_411 : i32 to vector<16xi32>
        %parallel_loop3A_415 = tpu.vector_load_idx %arg14[%parallel_loop3A_413, %parallel_loop3A_414] : memref<4x64xf32, #tpu.memory_space<vmem>>[vector<16xi32>, vector<16xi32>], vector<16xf32>,
        %parallel_loop3A_416 = arith.index_cast %parallel_loop3A_411 : i32 to index
        %parallel_loop3A_417 = arith.constant 0 : index
        %parallel_loop3A_418 = tpu.vector_load %arg10[%parallel_loop3A_416, %parallel_loop3A_417] {strides = array<i32>} : memref<64x128xf32, #tpu.memory_space<vmem>>, vector<16xf32>,
        %parallel_loop3A_419 = arith.mulf %parallel_loop3A_418, %parallel_loop3A_415 : vector<16xf32>
        %parallel_loop3A_420 = arith.index_cast %parallel_loop3A_411 : i32 to index
        %parallel_loop3A_421 = arith.constant 0 : index
        %parallel_loop3A_422 = tpu.vector_load %arg10[%parallel_loop3A_420, %parallel_loop3A_421] {strides = array<i32>} : memref<64x128xf32, #tpu.memory_space<vmem>>, vector<16xf32>,
        tpu.vector_store %arg10[%parallel_loop3A_420, %parallel_loop3A_421], %parallel_loop3A_419 {strides = array<i32>} : memref<64x128xf32, #tpu.memory_space<vmem>>, vector<16xf32>,
        %parallel_loop3A_423 = arith.index_cast %parallel_loop3A_411 : i32 to index
        %parallel_loop3A_424 = arith.constant 16 : index
        %parallel_loop3A_425 = tpu.vector_load %arg10[%parallel_loop3A_423, %parallel_loop3A_424] {strides = array<i32>} : memref<64x128xf32, #tpu.memory_space<vmem>>, vector<16xf32>,
        %parallel_loop3A_426 = arith.mulf %parallel_loop3A_425, %parallel_loop3A_415 : vector<16xf32>
        %parallel_loop3A_427 = arith.index_cast %parallel_loop3A_411 : i32 to index
        %parallel_loop3A_428 = arith.constant 16 : index
        %parallel_loop3A_429 = tpu.vector_load %arg10[%parallel_loop3A_427, %parallel_loop3A_428] {strides = array<i32>} : memref<64x128xf32, #tpu.memory_space<vmem>>, vector<16xf32>,
        tpu.vector_store %arg10[%parallel_loop3A_427, %parallel_loop3A_428], %parallel_loop3A_426 {strides = array<i32>} : memref<64x128xf32, #tpu.memory_space<vmem>>, vector<16xf32>,
        %parallel_loop3A_430 = arith.index_cast %parallel_loop3A_411 : i32 to index
        %parallel_loop3A_431 = arith.constant 32 : index
        %parallel_loop3A_432 = tpu.vector_load %arg10[%parallel_loop3A_430, %parallel_loop3A_431] {strides = array<i32>} : memref<64x128xf32, #tpu.memory_space<vmem>>, vector<16xf32>,
        %parallel_loop3A_433 = arith.mulf %parallel_loop3A_432, %parallel_loop3A_415 : vector<16xf32>
        %parallel_loop3A_434 = arith.index_cast %parallel_loop3A_411 : i32 to index
        %parallel_loop3A_435 = arith.constant 32 : index
        %parallel_loop3A_436 = tpu.vector_load %arg10[%parallel_loop3A_434, %parallel_loop3A_435] {strides = array<i32>} : memref<64x128xf32, #tpu.memory_space<vmem>>, vector<16xf32>,
        tpu.vector_store %arg10[%parallel_loop3A_434, %parallel_loop3A_435], %parallel_loop3A_433 {strides = array<i32>} : memref<64x128xf32, #tpu.memory_space<vmem>>, vector<16xf32>,
        %parallel_loop3A_437 = arith.index_cast %parallel_loop3A_411 : i32 to index
        %parallel_loop3A_438 = arith.constant 48 : index
        %parallel_loop3A_439 = tpu.vector_load %arg10[%parallel_loop3A_437, %parallel_loop3A_438] {strides = array<i32>} : memref<64x128xf32, #tpu.memory_space<vmem>>, vector<16xf32>,
        %parallel_loop3A_440 = arith.mulf %parallel_loop3A_439, %parallel_loop3A_415 : vector<16xf32>
        %parallel_loop3A_441 = arith.index_cast %parallel_loop3A_411 : i32 to index
        %parallel_loop3A_442 = arith.constant 48 : index
        %parallel_loop3A_443 = tpu.vector_load %arg10[%parallel_loop3A_441, %parallel_loop3A_442] {strides = array<i32>} : memref<64x128xf32, #tpu.memory_space<vmem>>, vector<16xf32>,
        tpu.vector_store %arg10[%parallel_loop3A_441, %parallel_loop3A_442], %parallel_loop3A_440 {strides = array<i32>} : memref<64x128xf32, #tpu.memory_space<vmem>>, vector<16xf32>,
        %parallel_loop3A_444 = arith.index_cast %parallel_loop3A_411 : i32 to index
        %parallel_loop3A_445 = arith.constant 64 : index
        %parallel_loop3A_446 = tpu.vector_load %arg10[%parallel_loop3A_444, %parallel_loop3A_445] {strides = array<i32>} : memref<64x128xf32, #tpu.memory_space<vmem>>, vector<16xf32>,
        %parallel_loop3A_447 = arith.mulf %parallel_loop3A_446, %parallel_loop3A_415 : vector<16xf32>
        %parallel_loop3A_448 = arith.index_cast %parallel_loop3A_411 : i32 to index
        %parallel_loop3A_449 = arith.constant 64 : index
        %parallel_loop3A_450 = tpu.vector_load %arg10[%parallel_loop3A_448, %parallel_loop3A_449] {strides = array<i32>} : memref<64x128xf32, #tpu.memory_space<vmem>>, vector<16xf32>,
        tpu.vector_store %arg10[%parallel_loop3A_448, %parallel_loop3A_449], %parallel_loop3A_447 {strides = array<i32>} : memref<64x128xf32, #tpu.memory_space<vmem>>, vector<16xf32>,
        %parallel_loop3A_451 = arith.index_cast %parallel_loop3A_411 : i32 to index
        %parallel_loop3A_452 = arith.constant 80 : index
        %parallel_loop3A_453 = tpu.vector_load %arg10[%parallel_loop3A_451, %parallel_loop3A_452] {strides = array<i32>} : memref<64x128xf32, #tpu.memory_space<vmem>>, vector<16xf32>,
        %parallel_loop3A_454 = arith.mulf %parallel_loop3A_453, %parallel_loop3A_415 : vector<16xf32>
        %parallel_loop3A_455 = arith.index_cast %parallel_loop3A_411 : i32 to index
        %parallel_loop3A_456 = arith.constant 80 : index
        %parallel_loop3A_457 = tpu.vector_load %arg10[%parallel_loop3A_455, %parallel_loop3A_456] {strides = array<i32>} : memref<64x128xf32, #tpu.memory_space<vmem>>, vector<16xf32>,
        tpu.vector_store %arg10[%parallel_loop3A_455, %parallel_loop3A_456], %parallel_loop3A_454 {strides = array<i32>} : memref<64x128xf32, #tpu.memory_space<vmem>>, vector<16xf32>,
        %parallel_loop3A_458 = arith.index_cast %parallel_loop3A_411 : i32 to index
        %parallel_loop3A_459 = arith.constant 96 : index
        %parallel_loop3A_460 = tpu.vector_load %arg10[%parallel_loop3A_458, %parallel_loop3A_459] {strides = array<i32>} : memref<64x128xf32, #tpu.memory_space<vmem>>, vector<16xf32>,
        %parallel_loop3A_461 = arith.mulf %parallel_loop3A_460, %parallel_loop3A_415 : vector<16xf32>
        %parallel_loop3A_462 = arith.index_cast %parallel_loop3A_411 : i32 to index
        %parallel_loop3A_463 = arith.constant 96 : index
        %parallel_loop3A_464 = tpu.vector_load %arg10[%parallel_loop3A_462, %parallel_loop3A_463] {strides = array<i32>} : memref<64x128xf32, #tpu.memory_space<vmem>>, vector<16xf32>,
        tpu.vector_store %arg10[%parallel_loop3A_462, %parallel_loop3A_463], %parallel_loop3A_461 {strides = array<i32>} : memref<64x128xf32, #tpu.memory_space<vmem>>, vector<16xf32>,
        %parallel_loop3A_465 = arith.index_cast %parallel_loop3A_411 : i32 to index
        %parallel_loop3A_466 = arith.constant 112 : index
        %parallel_loop3A_467 = tpu.vector_load %arg10[%parallel_loop3A_465, %parallel_loop3A_466] {strides = array<i32>} : memref<64x128xf32, #tpu.memory_space<vmem>>, vector<16xf32>,
        %parallel_loop3A_468 = arith.mulf %parallel_loop3A_467, %parallel_loop3A_415 : vector<16xf32>
        %parallel_loop3A_469 = arith.index_cast %parallel_loop3A_411 : i32 to index
        %parallel_loop3A_470 = arith.constant 112 : index
        %parallel_loop3A_471 = tpu.vector_load %arg10[%parallel_loop3A_469, %parallel_loop3A_470] {strides = array<i32>} : memref<64x128xf32, #tpu.memory_space<vmem>>, vector<16xf32>,
        tpu.vector_store %arg10[%parallel_loop3A_469, %parallel_loop3A_470], %parallel_loop3A_468 {strides = array<i32>} : memref<64x128xf32, #tpu.memory_space<vmem>>, vector<16xf32>,
      } {sc.loop_unroll_factor = 4 : i64, sc.parallel_access}
      %dma_start3A_342 = arith.constant 2 : i32
      %dma_start3A_343 = arith.constant 2 : i32
      %dma_start3A_344 = arith.constant 0 : i32
      %dma_start3A_345 = tpu.memref_slice %arg13[%dma_start3A_342, %dma_start3A_344] : memref<4x64xi32, #tpu.memory_space<vmem>> -> memref<1x64xi32, #tpu.memory_space<vmem>>
      %dma_start3A_346 = tpu.memref_squeeze %dma_start3A_345 : memref<1x64xi32, #tpu.memory_space<vmem>> -> memref<64xi32, #tpu.memory_space<vmem>>
      %dma_start3A_347 = arith.constant 0 : i32
      %dma_start3A_348 = arith.constant 0 : i32
      %dma_start3A_349 = tpu.memref_slice %arg7[%dma_start3A_347, %dma_start3A_348] : memref<10240x128xf32, #tpu.memory_space<vmem_shared>> -> memref<10240x128xf32, #tpu.memory_space<vmem_shared>>
      %dma_start3A_350 = tpu.memref_slice %arg17[%dma_start3A_343] : memref<4x!tpu.dma_semaphore, #tpu.memory_space<semaphore_mem>> -> memref<1x!tpu.dma_semaphore, #tpu.memory_space<semaphore_mem>>
      %dma_start3A_351 = tpu.memref_squeeze %dma_start3A_350 : memref<1x!tpu.dma_semaphore, #tpu.memory_space<semaphore_mem>> -> memref<!tpu.dma_semaphore, #tpu.memory_space<semaphore_mem>>
      tpu.enqueue_indirect_dma source(%arg10 : memref<64x128xf32, #tpu.memory_space<vmem>>) target(%dma_start3A_349 : memref<10240x128xf32, #tpu.memory_space<vmem_shared>>) offsets(%dma_start3A_346 : memref<64xi32, #tpu.memory_space<vmem>>) semaphore(%dma_start3A_351 : memref<!tpu.dma_semaphore, #tpu.memory_space<semaphore_mem>>) {add = true}
      %ge3A_352 = arith.constant 2 : i32
      %ge3A_353 = arith.cmpi sge, %add3A_321, %ge3A_352 : i32
      %convert_element_type3A_354 = arith.extui %ge3A_353 : i1 to i32
      %cond3A_355 = arith.constant 0 : i32
      %cond3A_356 = arith.cmpi ne, %convert_element_type3A_354, %cond3A_355 : i32
      scf.if %cond3A_356 {
        %dma_wait3A_411 = arith.constant 0 : i32
        %dma_wait3A_412 = arith.constant 0 : i32
        %dma_wait3A_413 = arith.constant 0 : i32
        %dma_wait3A_414 = tpu.memref_slice %arg13[%dma_wait3A_411, %dma_wait3A_413] : memref<4x64xi32, #tpu.memory_space<vmem>> -> memref<1x64xi32, #tpu.memory_space<vmem>>
        %dma_wait3A_415 = tpu.memref_squeeze %dma_wait3A_414 : memref<1x64xi32, #tpu.memory_space<vmem>> -> memref<64xi32, #tpu.memory_space<vmem>>
        %dma_wait3A_416 = arith.constant 0 : i32
        %dma_wait3A_417 = arith.constant 0 : i32
        %dma_wait3A_418 = tpu.memref_slice %arg7[%dma_wait3A_416, %dma_wait3A_417] : memref<10240x128xf32, #tpu.memory_space<vmem_shared>> -> memref<10240x128xf32, #tpu.memory_space<vmem_shared>>
        %dma_wait3A_419 = tpu.memref_slice %arg17[%dma_wait3A_412] : memref<4x!tpu.dma_semaphore, #tpu.memory_space<semaphore_mem>> -> memref<1x!tpu.dma_semaphore, #tpu.memory_space<semaphore_mem>>
        %dma_wait3A_420 = tpu.memref_squeeze %dma_wait3A_419 : memref<1x!tpu.dma_semaphore, #tpu.memory_space<semaphore_mem>> -> memref<!tpu.dma_semaphore, #tpu.memory_space<semaphore_mem>>
        tpu.wait_indirect_dma semaphore(%dma_wait3A_420 : memref<!tpu.dma_semaphore, #tpu.memory_space<semaphore_mem>>) src(%arg8 : memref<64x128xf32, #tpu.memory_space<vmem>>) dst(%dma_wait3A_418 : memref<10240x128xf32, #tpu.memory_space<vmem_shared>>)
      } else {
      }
      %add3A_357 = arith.constant 2 : i32
      %add3A_358 = arith.addi %add3A_321, %add3A_357 : i32
      %lt3A_359 = arith.constant 160 : i32
      %lt3A_360 = arith.cmpi slt, %add3A_358, %lt3A_359 : i32
      %convert_element_type3A_361 = arith.extui %lt3A_360 : i1 to i32
      %cond3A_362 = arith.constant 0 : i32
      %cond3A_363 = arith.cmpi ne, %convert_element_type3A_361, %cond3A_362 : i32
      scf.if %cond3A_363 {
        %add3A_411 = arith.constant 2 : i32
        %add3A_412 = arith.addi %add3A_321, %add3A_411 : i32
        %add3A_413 = arith.addi %mul3A_2, %add3A_412 : i32
        %dma_start3A_414 = arith.constant 0 : i32
        %dma_start3A_415 = arith.constant 0 : i32
        %dma_start3A_416 = arith.constant 0 : i32
        %dma_start3A_417 = tpu.memref_slice %arg12[%dma_start3A_414, %dma_start3A_416] : memref<4x64xi32, #tpu.memory_space<vmem>> -> memref<1x64xi32, #tpu.memory_space<vmem>>
        %dma_start3A_418 = tpu.memref_squeeze %dma_start3A_417 : memref<1x64xi32, #tpu.memory_space<vmem>> -> memref<64xi32, #tpu.memory_space<vmem>>
        %dma_start3A_419 = arith.constant 0 : i32
        %dma_start3A_420 = tpu.memref_slice %arg2[%add3A_413, %dma_start3A_419] : memref<5120x64xi32, #tpu.memory_space<hbm>> -> memref<1x64xi32, #tpu.memory_space<hbm>>
        %dma_start3A_421 = tpu.memref_squeeze %dma_start3A_420 : memref<1x64xi32, #tpu.memory_space<hbm>> -> memref<64xi32, #tpu.memory_space<hbm>>
        %dma_start3A_422 = tpu.memref_slice %arg15[%dma_start3A_415] : memref<4x!tpu.dma_semaphore, #tpu.memory_space<semaphore_mem>> -> memref<1x!tpu.dma_semaphore, #tpu.memory_space<semaphore_mem>>
        %dma_start3A_423 = tpu.memref_squeeze %dma_start3A_422 : memref<1x!tpu.dma_semaphore, #tpu.memory_space<semaphore_mem>> -> memref<!tpu.dma_semaphore, #tpu.memory_space<semaphore_mem>>
        %dma_start3A_424 = arith.constant 0 : i32
        %dma_start3A_425 = tpu.memref_slice %arg12[%dma_start3A_414, %dma_start3A_424] : memref<4x64xi32, #tpu.memory_space<vmem>> -> memref<1x64xi32, #tpu.memory_space<vmem>>
        %dma_start3A_426 = tpu.memref_squeeze %dma_start3A_425 : memref<1x64xi32, #tpu.memory_space<vmem>> -> memref<64xi32, #tpu.memory_space<vmem>>
        %dma_start3A_427 = arith.constant 0 : i32
        %dma_start3A_428 = tpu.memref_slice %arg2[%add3A_413, %dma_start3A_427] : memref<5120x64xi32, #tpu.memory_space<hbm>> -> memref<1x64xi32, #tpu.memory_space<hbm>>
        %dma_start3A_429 = tpu.memref_squeeze %dma_start3A_428 : memref<1x64xi32, #tpu.memory_space<hbm>> -> memref<64xi32, #tpu.memory_space<hbm>>
        tpu.enqueue_dma source(%dma_start3A_429 : memref<64xi32, #tpu.memory_space<hbm>>) target(%dma_start3A_426 : memref<64xi32, #tpu.memory_space<vmem>>) target_semaphore(%dma_start3A_423 : memref<!tpu.dma_semaphore, #tpu.memory_space<semaphore_mem>>)
        %add3A_430 = arith.addi %mul3A_2, %add3A_412 : i32
        %dma_start3A_431 = arith.constant 0 : i32
        %dma_start3A_432 = arith.constant 0 : i32
        %dma_start3A_433 = arith.constant 0 : i32
        %dma_start3A_434 = tpu.memref_slice %arg13[%dma_start3A_431, %dma_start3A_433] : memref<4x64xi32, #tpu.memory_space<vmem>> -> memref<1x64xi32, #tpu.memory_space<vmem>>
        %dma_start3A_435 = tpu.memref_squeeze %dma_start3A_434 : memref<1x64xi32, #tpu.memory_space<vmem>> -> memref<64xi32, #tpu.memory_space<vmem>>
        %dma_start3A_436 = arith.constant 0 : i32
        %dma_start3A_437 = tpu.memref_slice %arg3[%add3A_430, %dma_start3A_436] : memref<5120x64xi32, #tpu.memory_space<hbm>> -> memref<1x64xi32, #tpu.memory_space<hbm>>
        %dma_start3A_438 = tpu.memref_squeeze %dma_start3A_437 : memref<1x64xi32, #tpu.memory_space<hbm>> -> memref<64xi32, #tpu.memory_space<hbm>>
        %dma_start3A_439 = tpu.memref_slice %arg15[%dma_start3A_432] : memref<4x!tpu.dma_semaphore, #tpu.memory_space<semaphore_mem>> -> memref<1x!tpu.dma_semaphore, #tpu.memory_space<semaphore_mem>>
        %dma_start3A_440 = tpu.memref_squeeze %dma_start3A_439 : memref<1x!tpu.dma_semaphore, #tpu.memory_space<semaphore_mem>> -> memref<!tpu.dma_semaphore, #tpu.memory_space<semaphore_mem>>
        %dma_start3A_441 = arith.constant 0 : i32
        %dma_start3A_442 = tpu.memref_slice %arg13[%dma_start3A_431, %dma_start3A_441] : memref<4x64xi32, #tpu.memory_space<vmem>> -> memref<1x64xi32, #tpu.memory_space<vmem>>
        %dma_start3A_443 = tpu.memref_squeeze %dma_start3A_442 : memref<1x64xi32, #tpu.memory_space<vmem>> -> memref<64xi32, #tpu.memory_space<vmem>>
        %dma_start3A_444 = arith.constant 0 : i32
        %dma_start3A_445 = tpu.memref_slice %arg3[%add3A_430, %dma_start3A_444] : memref<5120x64xi32, #tpu.memory_space<hbm>> -> memref<1x64xi32, #tpu.memory_space<hbm>>
        %dma_start3A_446 = tpu.memref_squeeze %dma_start3A_445 : memref<1x64xi32, #tpu.memory_space<hbm>> -> memref<64xi32, #tpu.memory_space<hbm>>
        tpu.enqueue_dma source(%dma_start3A_446 : memref<64xi32, #tpu.memory_space<hbm>>) target(%dma_start3A_443 : memref<64xi32, #tpu.memory_space<vmem>>) target_semaphore(%dma_start3A_440 : memref<!tpu.dma_semaphore, #tpu.memory_space<semaphore_mem>>)
        %add3A_447 = arith.addi %mul3A_2, %add3A_412 : i32
        %dma_start3A_448 = arith.constant 0 : i32
        %dma_start3A_449 = arith.constant 0 : i32
        %dma_start3A_450 = arith.constant 0 : i32
        %dma_start3A_451 = tpu.memref_slice %arg14[%dma_start3A_448, %dma_start3A_450] : memref<4x64xf32, #tpu.memory_space<vmem>> -> memref<1x64xf32, #tpu.memory_space<vmem>>
        %dma_start3A_452 = tpu.memref_squeeze %dma_start3A_451 : memref<1x64xf32, #tpu.memory_space<vmem>> -> memref<64xf32, #tpu.memory_space<vmem>>
        %dma_start3A_453 = arith.constant 0 : i32
        %dma_start3A_454 = tpu.memref_slice %arg4[%add3A_447, %dma_start3A_453] : memref<5120x64xf32, #tpu.memory_space<hbm>> -> memref<1x64xf32, #tpu.memory_space<hbm>>
        %dma_start3A_455 = tpu.memref_squeeze %dma_start3A_454 : memref<1x64xf32, #tpu.memory_space<hbm>> -> memref<64xf32, #tpu.memory_space<hbm>>
        %dma_start3A_456 = tpu.memref_slice %arg15[%dma_start3A_449] : memref<4x!tpu.dma_semaphore, #tpu.memory_space<semaphore_mem>> -> memref<1x!tpu.dma_semaphore, #tpu.memory_space<semaphore_mem>>
        %dma_start3A_457 = tpu.memref_squeeze %dma_start3A_456 : memref<1x!tpu.dma_semaphore, #tpu.memory_space<semaphore_mem>> -> memref<!tpu.dma_semaphore, #tpu.memory_space<semaphore_mem>>
        %dma_start3A_458 = arith.constant 0 : i32
        %dma_start3A_459 = tpu.memref_slice %arg14[%dma_start3A_448, %dma_start3A_458] : memref<4x64xf32, #tpu.memory_space<vmem>> -> memref<1x64xf32, #tpu.memory_space<vmem>>
        %dma_start3A_460 = tpu.memref_squeeze %dma_start3A_459 : memref<1x64xf32, #tpu.memory_space<vmem>> -> memref<64xf32, #tpu.memory_space<vmem>>
        %dma_start3A_461 = arith.constant 0 : i32
        %dma_start3A_462 = tpu.memref_slice %arg4[%add3A_447, %dma_start3A_461] : memref<5120x64xf32, #tpu.memory_space<hbm>> -> memref<1x64xf32, #tpu.memory_space<hbm>>
        %dma_start3A_463 = tpu.memref_squeeze %dma_start3A_462 : memref<1x64xf32, #tpu.memory_space<hbm>> -> memref<64xf32, #tpu.memory_space<hbm>>
        tpu.enqueue_dma source(%dma_start3A_463 : memref<64xf32, #tpu.memory_space<hbm>>) target(%dma_start3A_460 : memref<64xf32, #tpu.memory_space<vmem>>) target_semaphore(%dma_start3A_457 : memref<!tpu.dma_semaphore, #tpu.memory_space<semaphore_mem>>)
      } else {
      }
      %mul3A_364 = arith.constant 4 : i32
      %mul3A_365 = arith.muli %scan3A_229, %mul3A_364 : i32
      %add3A_366 = arith.constant 3 : i32
      %add3A_367 = arith.addi %mul3A_365, %add3A_366 : i32
      %add3A_368 = arith.constant 1 : i32
      %add3A_369 = arith.addi %add3A_367, %add3A_368 : i32
      %lt3A_370 = arith.constant 160 : i32
      %lt3A_371 = arith.cmpi slt, %add3A_369, %lt3A_370 : i32
      %convert_element_type3A_372 = arith.extui %lt3A_371 : i1 to i32
      %cond3A_373 = arith.constant 0 : i32
      %cond3A_374 = arith.cmpi ne, %convert_element_type3A_372, %cond3A_373 : i32
      scf.if %cond3A_374 {
        %add3A_411 = arith.constant 1 : i32
        %add3A_412 = arith.addi %add3A_367, %add3A_411 : i32
        %add3A_413 = arith.addi %mul3A_2, %add3A_412 : i32
        %dma_wait3A_414 = arith.constant 0 : i32
        %dma_wait3A_415 = arith.constant 0 : i32
        %dma_wait3A_416 = arith.constant 0 : i32
        %dma_wait3A_417 = tpu.memref_slice %arg12[%dma_wait3A_414, %dma_wait3A_416] : memref<4x64xi32, #tpu.memory_space<vmem>> -> memref<1x64xi32, #tpu.memory_space<vmem>>
        %dma_wait3A_418 = tpu.memref_squeeze %dma_wait3A_417 : memref<1x64xi32, #tpu.memory_space<vmem>> -> memref<64xi32, #tpu.memory_space<vmem>>
        %dma_wait3A_419 = arith.constant 0 : i32
        %dma_wait3A_420 = tpu.memref_slice %arg2[%add3A_413, %dma_wait3A_419] : memref<5120x64xi32, #tpu.memory_space<hbm>> -> memref<1x64xi32, #tpu.memory_space<hbm>>
        %dma_wait3A_421 = tpu.memref_squeeze %dma_wait3A_420 : memref<1x64xi32, #tpu.memory_space<hbm>> -> memref<64xi32, #tpu.memory_space<hbm>>
        %dma_wait3A_422 = tpu.memref_slice %arg15[%dma_wait3A_415] : memref<4x!tpu.dma_semaphore, #tpu.memory_space<semaphore_mem>> -> memref<1x!tpu.dma_semaphore, #tpu.memory_space<semaphore_mem>>
        %dma_wait3A_423 = tpu.memref_squeeze %dma_wait3A_422 : memref<1x!tpu.dma_semaphore, #tpu.memory_space<semaphore_mem>> -> memref<!tpu.dma_semaphore, #tpu.memory_space<semaphore_mem>>
        %dma_wait3A_424 = arith.constant 0 : i32
        %dma_wait3A_425 = tpu.memref_slice %arg12[%dma_wait3A_414, %dma_wait3A_424] : memref<4x64xi32, #tpu.memory_space<vmem>> -> memref<1x64xi32, #tpu.memory_space<vmem>>
        %dma_wait3A_426 = tpu.memref_squeeze %dma_wait3A_425 : memref<1x64xi32, #tpu.memory_space<vmem>> -> memref<64xi32, #tpu.memory_space<vmem>>
        %dma_wait3A_427 = arith.constant 0 : i32
        %dma_wait3A_428 = tpu.memref_slice %arg2[%add3A_413, %dma_wait3A_427] : memref<5120x64xi32, #tpu.memory_space<hbm>> -> memref<1x64xi32, #tpu.memory_space<hbm>>
        %dma_wait3A_429 = tpu.memref_squeeze %dma_wait3A_428 : memref<1x64xi32, #tpu.memory_space<hbm>> -> memref<64xi32, #tpu.memory_space<hbm>>
        tpu.wait_dma2 semaphore(%dma_wait3A_423 : memref<!tpu.dma_semaphore, #tpu.memory_space<semaphore_mem>>) src(%dma_wait3A_429 : memref<64xi32, #tpu.memory_space<hbm>>) dst(%dma_wait3A_426 : memref<64xi32, #tpu.memory_space<vmem>>)
        %add3A_430 = arith.addi %mul3A_2, %add3A_412 : i32
        %dma_wait3A_431 = arith.constant 0 : i32
        %dma_wait3A_432 = arith.constant 0 : i32
        %dma_wait3A_433 = arith.constant 0 : i32
        %dma_wait3A_434 = tpu.memref_slice %arg13[%dma_wait3A_431, %dma_wait3A_433] : memref<4x64xi32, #tpu.memory_space<vmem>> -> memref<1x64xi32, #tpu.memory_space<vmem>>
        %dma_wait3A_435 = tpu.memref_squeeze %dma_wait3A_434 : memref<1x64xi32, #tpu.memory_space<vmem>> -> memref<64xi32, #tpu.memory_space<vmem>>
        %dma_wait3A_436 = arith.constant 0 : i32
        %dma_wait3A_437 = tpu.memref_slice %arg3[%add3A_430, %dma_wait3A_436] : memref<5120x64xi32, #tpu.memory_space<hbm>> -> memref<1x64xi32, #tpu.memory_space<hbm>>
        %dma_wait3A_438 = tpu.memref_squeeze %dma_wait3A_437 : memref<1x64xi32, #tpu.memory_space<hbm>> -> memref<64xi32, #tpu.memory_space<hbm>>
        %dma_wait3A_439 = tpu.memref_slice %arg15[%dma_wait3A_432] : memref<4x!tpu.dma_semaphore, #tpu.memory_space<semaphore_mem>> -> memref<1x!tpu.dma_semaphore, #tpu.memory_space<semaphore_mem>>
        %dma_wait3A_440 = tpu.memref_squeeze %dma_wait3A_439 : memref<1x!tpu.dma_semaphore, #tpu.memory_space<semaphore_mem>> -> memref<!tpu.dma_semaphore, #tpu.memory_space<semaphore_mem>>
        %dma_wait3A_441 = arith.constant 0 : i32
        %dma_wait3A_442 = tpu.memref_slice %arg13[%dma_wait3A_431, %dma_wait3A_441] : memref<4x64xi32, #tpu.memory_space<vmem>> -> memref<1x64xi32, #tpu.memory_space<vmem>>
        %dma_wait3A_443 = tpu.memref_squeeze %dma_wait3A_442 : memref<1x64xi32, #tpu.memory_space<vmem>> -> memref<64xi32, #tpu.memory_space<vmem>>
        %dma_wait3A_444 = arith.constant 0 : i32
        %dma_wait3A_445 = tpu.memref_slice %arg3[%add3A_430, %dma_wait3A_444] : memref<5120x64xi32, #tpu.memory_space<hbm>> -> memref<1x64xi32, #tpu.memory_space<hbm>>
        %dma_wait3A_446 = tpu.memref_squeeze %dma_wait3A_445 : memref<1x64xi32, #tpu.memory_space<hbm>> -> memref<64xi32, #tpu.memory_space<hbm>>
        tpu.wait_dma2 semaphore(%dma_wait3A_440 : memref<!tpu.dma_semaphore, #tpu.memory_space<semaphore_mem>>) src(%dma_wait3A_446 : memref<64xi32, #tpu.memory_space<hbm>>) dst(%dma_wait3A_443 : memref<64xi32, #tpu.memory_space<vmem>>)
        %add3A_447 = arith.addi %mul3A_2, %add3A_412 : i32
        %dma_wait3A_448 = arith.constant 0 : i32
        %dma_wait3A_449 = arith.constant 0 : i32
        %dma_wait3A_450 = arith.constant 0 : i32
        %dma_wait3A_451 = tpu.memref_slice %arg14[%dma_wait3A_448, %dma_wait3A_450] : memref<4x64xf32, #tpu.memory_space<vmem>> -> memref<1x64xf32, #tpu.memory_space<vmem>>
        %dma_wait3A_452 = tpu.memref_squeeze %dma_wait3A_451 : memref<1x64xf32, #tpu.memory_space<vmem>> -> memref<64xf32, #tpu.memory_space<vmem>>
        %dma_wait3A_453 = arith.constant 0 : i32
        %dma_wait3A_454 = tpu.memref_slice %arg4[%add3A_447, %dma_wait3A_453] : memref<5120x64xf32, #tpu.memory_space<hbm>> -> memref<1x64xf32, #tpu.memory_space<hbm>>
        %dma_wait3A_455 = tpu.memref_squeeze %dma_wait3A_454 : memref<1x64xf32, #tpu.memory_space<hbm>> -> memref<64xf32, #tpu.memory_space<hbm>>
        %dma_wait3A_456 = tpu.memref_slice %arg15[%dma_wait3A_449] : memref<4x!tpu.dma_semaphore, #tpu.memory_space<semaphore_mem>> -> memref<1x!tpu.dma_semaphore, #tpu.memory_space<semaphore_mem>>
        %dma_wait3A_457 = tpu.memref_squeeze %dma_wait3A_456 : memref<1x!tpu.dma_semaphore, #tpu.memory_space<semaphore_mem>> -> memref<!tpu.dma_semaphore, #tpu.memory_space<semaphore_mem>>
        %dma_wait3A_458 = arith.constant 0 : i32
        %dma_wait3A_459 = tpu.memref_slice %arg14[%dma_wait3A_448, %dma_wait3A_458] : memref<4x64xf32, #tpu.memory_space<vmem>> -> memref<1x64xf32, #tpu.memory_space<vmem>>
        %dma_wait3A_460 = tpu.memref_squeeze %dma_wait3A_459 : memref<1x64xf32, #tpu.memory_space<vmem>> -> memref<64xf32, #tpu.memory_space<vmem>>
        %dma_wait3A_461 = arith.constant 0 : i32
        %dma_wait3A_462 = tpu.memref_slice %arg4[%add3A_447, %dma_wait3A_461] : memref<5120x64xf32, #tpu.memory_space<hbm>> -> memref<1x64xf32, #tpu.memory_space<hbm>>
        %dma_wait3A_463 = tpu.memref_squeeze %dma_wait3A_462 : memref<1x64xf32, #tpu.memory_space<hbm>> -> memref<64xf32, #tpu.memory_space<hbm>>
        tpu.wait_dma2 semaphore(%dma_wait3A_457 : memref<!tpu.dma_semaphore, #tpu.memory_space<semaphore_mem>>) src(%dma_wait3A_463 : memref<64xf32, #tpu.memory_space<hbm>>) dst(%dma_wait3A_460 : memref<64xf32, #tpu.memory_space<vmem>>)
        %add3A_464 = arith.constant 1 : i32
        %add3A_465 = arith.addi %add3A_367, %add3A_464 : i32
        %dma_start3A_466 = arith.constant 0 : i32
        %dma_start3A_467 = arith.constant 0 : i32
        %dma_start3A_468 = arith.constant 0 : i32
        %dma_start3A_469 = tpu.memref_slice %arg12[%dma_start3A_466, %dma_start3A_468] : memref<4x64xi32, #tpu.memory_space<vmem>> -> memref<1x64xi32, #tpu.memory_space<vmem>>
        %dma_start3A_470 = tpu.memref_squeeze %dma_start3A_469 : memref<1x64xi32, #tpu.memory_space<vmem>> -> memref<64xi32, #tpu.memory_space<vmem>>
        %dma_start3A_471 = arith.constant 0 : i32
        %dma_start3A_472 = arith.constant 0 : i32
        %dma_start3A_473 = tpu.memref_slice %arg5[%dma_start3A_471, %dma_start3A_472] : memref<10000x128xf32, #tpu.memory_space<hbm>> -> memref<10000x128xf32, #tpu.memory_space<hbm>>
        %dma_start3A_474 = tpu.memref_slice %arg16[%dma_start3A_467] : memref<4x!tpu.dma_semaphore, #tpu.memory_space<semaphore_mem>> -> memref<1x!tpu.dma_semaphore, #tpu.memory_space<semaphore_mem>>
        %dma_start3A_475 = tpu.memref_squeeze %dma_start3A_474 : memref<1x!tpu.dma_semaphore, #tpu.memory_space<semaphore_mem>> -> memref<!tpu.dma_semaphore, #tpu.memory_space<semaphore_mem>>
        tpu.enqueue_indirect_dma source(%dma_start3A_473 : memref<10000x128xf32, #tpu.memory_space<hbm>>) target(%arg8 : memref<64x128xf32, #tpu.memory_space<vmem>>) offsets(%dma_start3A_470 : memref<64xi32, #tpu.memory_space<vmem>>) semaphore(%dma_start3A_475 : memref<!tpu.dma_semaphore, #tpu.memory_space<semaphore_mem>>)
      } else {
      }
      %dma_wait3A_375 = arith.constant 3 : i32
      %dma_wait3A_376 = arith.constant 3 : i32
      %dma_wait3A_377 = arith.constant 0 : i32
      %dma_wait3A_378 = tpu.memref_slice %arg12[%dma_wait3A_375, %dma_wait3A_377] : memref<4x64xi32, #tpu.memory_space<vmem>> -> memref<1x64xi32, #tpu.memory_space<vmem>>
      %dma_wait3A_379 = tpu.memref_squeeze %dma_wait3A_378 : memref<1x64xi32, #tpu.memory_space<vmem>> -> memref<64xi32, #tpu.memory_space<vmem>>
      %dma_wait3A_380 = arith.constant 0 : i32
      %dma_wait3A_381 = arith.constant 0 : i32
      %dma_wait3A_382 = tpu.memref_slice %arg5[%dma_wait3A_380, %dma_wait3A_381] : memref<10000x128xf32, #tpu.memory_space<hbm>> -> memref<10000x128xf32, #tpu.memory_space<hbm>>
      %dma_wait3A_383 = tpu.memref_slice %arg16[%dma_wait3A_376] : memref<4x!tpu.dma_semaphore, #tpu.memory_space<semaphore_mem>> -> memref<1x!tpu.dma_semaphore, #tpu.memory_space<semaphore_mem>>
      %dma_wait3A_384 = tpu.memref_squeeze %dma_wait3A_383 : memref<1x!tpu.dma_semaphore, #tpu.memory_space<semaphore_mem>> -> memref<!tpu.dma_semaphore, #tpu.memory_space<semaphore_mem>>
      tpu.wait_indirect_dma semaphore(%dma_wait3A_384 : memref<!tpu.dma_semaphore, #tpu.memory_space<semaphore_mem>>) src(%dma_wait3A_382 : memref<10000x128xf32, #tpu.memory_space<hbm>>) dst(%arg11 : memref<64x128xf32, #tpu.memory_space<vmem>>)
      %parallel_loop3A_385 = arith.constant 0 : i32
      %parallel_loop3A_386 = arith.constant 64 : i32
      %parallel_loop3A_387 = arith.constant 1 : i32
      scf.for %parallel_loop3A_411 = %parallel_loop3A_385 to %parallel_loop3A_386 step %parallel_loop3A_387  : i32 {
        %parallel_loop3A_412 = arith.constant 3 : i32
        %parallel_loop3A_413 = vector.broadcast %parallel_loop3A_412 : i32 to vector<16xi32>
        %parallel_loop3A_414 = vector.broadcast %parallel_loop3A_411 : i32 to vector<16xi32>
        %parallel_loop3A_415 = tpu.vector_load_idx %arg14[%parallel_loop3A_413, %parallel_loop3A_414] : memref<4x64xf32, #tpu.memory_space<vmem>>[vector<16xi32>, vector<16xi32>], vector<16xf32>,
        %parallel_loop3A_416 = arith.index_cast %parallel_loop3A_411 : i32 to index
        %parallel_loop3A_417 = arith.constant 0 : index
        %parallel_loop3A_418 = tpu.vector_load %arg11[%parallel_loop3A_416, %parallel_loop3A_417] {strides = array<i32>} : memref<64x128xf32, #tpu.memory_space<vmem>>, vector<16xf32>,
        %parallel_loop3A_419 = arith.mulf %parallel_loop3A_418, %parallel_loop3A_415 : vector<16xf32>
        %parallel_loop3A_420 = arith.index_cast %parallel_loop3A_411 : i32 to index
        %parallel_loop3A_421 = arith.constant 0 : index
        %parallel_loop3A_422 = tpu.vector_load %arg11[%parallel_loop3A_420, %parallel_loop3A_421] {strides = array<i32>} : memref<64x128xf32, #tpu.memory_space<vmem>>, vector<16xf32>,
        tpu.vector_store %arg11[%parallel_loop3A_420, %parallel_loop3A_421], %parallel_loop3A_419 {strides = array<i32>} : memref<64x128xf32, #tpu.memory_space<vmem>>, vector<16xf32>,
        %parallel_loop3A_423 = arith.index_cast %parallel_loop3A_411 : i32 to index
        %parallel_loop3A_424 = arith.constant 16 : index
        %parallel_loop3A_425 = tpu.vector_load %arg11[%parallel_loop3A_423, %parallel_loop3A_424] {strides = array<i32>} : memref<64x128xf32, #tpu.memory_space<vmem>>, vector<16xf32>,
        %parallel_loop3A_426 = arith.mulf %parallel_loop3A_425, %parallel_loop3A_415 : vector<16xf32>
        %parallel_loop3A_427 = arith.index_cast %parallel_loop3A_411 : i32 to index
        %parallel_loop3A_428 = arith.constant 16 : index
        %parallel_loop3A_429 = tpu.vector_load %arg11[%parallel_loop3A_427, %parallel_loop3A_428] {strides = array<i32>} : memref<64x128xf32, #tpu.memory_space<vmem>>, vector<16xf32>,
        tpu.vector_store %arg11[%parallel_loop3A_427, %parallel_loop3A_428], %parallel_loop3A_426 {strides = array<i32>} : memref<64x128xf32, #tpu.memory_space<vmem>>, vector<16xf32>,
        %parallel_loop3A_430 = arith.index_cast %parallel_loop3A_411 : i32 to index
        %parallel_loop3A_431 = arith.constant 32 : index
        %parallel_loop3A_432 = tpu.vector_load %arg11[%parallel_loop3A_430, %parallel_loop3A_431] {strides = array<i32>} : memref<64x128xf32, #tpu.memory_space<vmem>>, vector<16xf32>,
        %parallel_loop3A_433 = arith.mulf %parallel_loop3A_432, %parallel_loop3A_415 : vector<16xf32>
        %parallel_loop3A_434 = arith.index_cast %parallel_loop3A_411 : i32 to index
        %parallel_loop3A_435 = arith.constant 32 : index
        %parallel_loop3A_436 = tpu.vector_load %arg11[%parallel_loop3A_434, %parallel_loop3A_435] {strides = array<i32>} : memref<64x128xf32, #tpu.memory_space<vmem>>, vector<16xf32>,
        tpu.vector_store %arg11[%parallel_loop3A_434, %parallel_loop3A_435], %parallel_loop3A_433 {strides = array<i32>} : memref<64x128xf32, #tpu.memory_space<vmem>>, vector<16xf32>,
        %parallel_loop3A_437 = arith.index_cast %parallel_loop3A_411 : i32 to index
        %parallel_loop3A_438 = arith.constant 48 : index
        %parallel_loop3A_439 = tpu.vector_load %arg11[%parallel_loop3A_437, %parallel_loop3A_438] {strides = array<i32>} : memref<64x128xf32, #tpu.memory_space<vmem>>, vector<16xf32>,
        %parallel_loop3A_440 = arith.mulf %parallel_loop3A_439, %parallel_loop3A_415 : vector<16xf32>
        %parallel_loop3A_441 = arith.index_cast %parallel_loop3A_411 : i32 to index
        %parallel_loop3A_442 = arith.constant 48 : index
        %parallel_loop3A_443 = tpu.vector_load %arg11[%parallel_loop3A_441, %parallel_loop3A_442] {strides = array<i32>} : memref<64x128xf32, #tpu.memory_space<vmem>>, vector<16xf32>,
        tpu.vector_store %arg11[%parallel_loop3A_441, %parallel_loop3A_442], %parallel_loop3A_440 {strides = array<i32>} : memref<64x128xf32, #tpu.memory_space<vmem>>, vector<16xf32>,
        %parallel_loop3A_444 = arith.index_cast %parallel_loop3A_411 : i32 to index
        %parallel_loop3A_445 = arith.constant 64 : index
        %parallel_loop3A_446 = tpu.vector_load %arg11[%parallel_loop3A_444, %parallel_loop3A_445] {strides = array<i32>} : memref<64x128xf32, #tpu.memory_space<vmem>>, vector<16xf32>,
        %parallel_loop3A_447 = arith.mulf %parallel_loop3A_446, %parallel_loop3A_415 : vector<16xf32>
        %parallel_loop3A_448 = arith.index_cast %parallel_loop3A_411 : i32 to index
        %parallel_loop3A_449 = arith.constant 64 : index
        %parallel_loop3A_450 = tpu.vector_load %arg11[%parallel_loop3A_448, %parallel_loop3A_449] {strides = array<i32>} : memref<64x128xf32, #tpu.memory_space<vmem>>, vector<16xf32>,
        tpu.vector_store %arg11[%parallel_loop3A_448, %parallel_loop3A_449], %parallel_loop3A_447 {strides = array<i32>} : memref<64x128xf32, #tpu.memory_space<vmem>>, vector<16xf32>,
        %parallel_loop3A_451 = arith.index_cast %parallel_loop3A_411 : i32 to index
        %parallel_loop3A_452 = arith.constant 80 : index
        %parallel_loop3A_453 = tpu.vector_load %arg11[%parallel_loop3A_451, %parallel_loop3A_452] {strides = array<i32>} : memref<64x128xf32, #tpu.memory_space<vmem>>, vector<16xf32>,
        %parallel_loop3A_454 = arith.mulf %parallel_loop3A_453, %parallel_loop3A_415 : vector<16xf32>
        %parallel_loop3A_455 = arith.index_cast %parallel_loop3A_411 : i32 to index
        %parallel_loop3A_456 = arith.constant 80 : index
        %parallel_loop3A_457 = tpu.vector_load %arg11[%parallel_loop3A_455, %parallel_loop3A_456] {strides = array<i32>} : memref<64x128xf32, #tpu.memory_space<vmem>>, vector<16xf32>,
        tpu.vector_store %arg11[%parallel_loop3A_455, %parallel_loop3A_456], %parallel_loop3A_454 {strides = array<i32>} : memref<64x128xf32, #tpu.memory_space<vmem>>, vector<16xf32>,
        %parallel_loop3A_458 = arith.index_cast %parallel_loop3A_411 : i32 to index
        %parallel_loop3A_459 = arith.constant 96 : index
        %parallel_loop3A_460 = tpu.vector_load %arg11[%parallel_loop3A_458, %parallel_loop3A_459] {strides = array<i32>} : memref<64x128xf32, #tpu.memory_space<vmem>>, vector<16xf32>,
        %parallel_loop3A_461 = arith.mulf %parallel_loop3A_460, %parallel_loop3A_415 : vector<16xf32>
        %parallel_loop3A_462 = arith.index_cast %parallel_loop3A_411 : i32 to index
        %parallel_loop3A_463 = arith.constant 96 : index
        %parallel_loop3A_464 = tpu.vector_load %arg11[%parallel_loop3A_462, %parallel_loop3A_463] {strides = array<i32>} : memref<64x128xf32, #tpu.memory_space<vmem>>, vector<16xf32>,
        tpu.vector_store %arg11[%parallel_loop3A_462, %parallel_loop3A_463], %parallel_loop3A_461 {strides = array<i32>} : memref<64x128xf32, #tpu.memory_space<vmem>>, vector<16xf32>,
        %parallel_loop3A_465 = arith.index_cast %parallel_loop3A_411 : i32 to index
        %parallel_loop3A_466 = arith.constant 112 : index
        %parallel_loop3A_467 = tpu.vector_load %arg11[%parallel_loop3A_465, %parallel_loop3A_466] {strides = array<i32>} : memref<64x128xf32, #tpu.memory_space<vmem>>, vector<16xf32>,
        %parallel_loop3A_468 = arith.mulf %parallel_loop3A_467, %parallel_loop3A_415 : vector<16xf32>
        %parallel_loop3A_469 = arith.index_cast %parallel_loop3A_411 : i32 to index
        %parallel_loop3A_470 = arith.constant 112 : index
        %parallel_loop3A_471 = tpu.vector_load %arg11[%parallel_loop3A_469, %parallel_loop3A_470] {strides = array<i32>} : memref<64x128xf32, #tpu.memory_space<vmem>>, vector<16xf32>,
        tpu.vector_store %arg11[%parallel_loop3A_469, %parallel_loop3A_470], %parallel_loop3A_468 {strides = array<i32>} : memref<64x128xf32, #tpu.memory_space<vmem>>, vector<16xf32>,
      } {sc.loop_unroll_factor = 4 : i64, sc.parallel_access}
      %dma_start3A_388 = arith.constant 3 : i32
      %dma_start3A_389 = arith.constant 3 : i32
      %dma_start3A_390 = arith.constant 0 : i32
      %dma_start3A_391 = tpu.memref_slice %arg13[%dma_start3A_388, %dma_start3A_390] : memref<4x64xi32, #tpu.memory_space<vmem>> -> memref<1x64xi32, #tpu.memory_space<vmem>>
      %dma_start3A_392 = tpu.memref_squeeze %dma_start3A_391 : memref<1x64xi32, #tpu.memory_space<vmem>> -> memref<64xi32, #tpu.memory_space<vmem>>
      %dma_start3A_393 = arith.constant 0 : i32
      %dma_start3A_394 = arith.constant 0 : i32
      %dma_start3A_395 = tpu.memref_slice %arg7[%dma_start3A_393, %dma_start3A_394] : memref<10240x128xf32, #tpu.memory_space<vmem_shared>> -> memref<10240x128xf32, #tpu.memory_space<vmem_shared>>
      %dma_start3A_396 = tpu.memref_slice %arg17[%dma_start3A_389] : memref<4x!tpu.dma_semaphore, #tpu.memory_space<semaphore_mem>> -> memref<1x!tpu.dma_semaphore, #tpu.memory_space<semaphore_mem>>
      %dma_start3A_397 = tpu.memref_squeeze %dma_start3A_396 : memref<1x!tpu.dma_semaphore, #tpu.memory_space<semaphore_mem>> -> memref<!tpu.dma_semaphore, #tpu.memory_space<semaphore_mem>>
      tpu.enqueue_indirect_dma source(%arg11 : memref<64x128xf32, #tpu.memory_space<vmem>>) target(%dma_start3A_395 : memref<10240x128xf32, #tpu.memory_space<vmem_shared>>) offsets(%dma_start3A_392 : memref<64xi32, #tpu.memory_space<vmem>>) semaphore(%dma_start3A_397 : memref<!tpu.dma_semaphore, #tpu.memory_space<semaphore_mem>>) {add = true}
      %ge3A_398 = arith.constant 2 : i32
      %ge3A_399 = arith.cmpi sge, %add3A_367, %ge3A_398 : i32
      %convert_element_type3A_400 = arith.extui %ge3A_399 : i1 to i32
      %cond3A_401 = arith.constant 0 : i32
      %cond3A_402 = arith.cmpi ne, %convert_element_type3A_400, %cond3A_401 : i32
      scf.if %cond3A_402 {
        %dma_wait3A_411 = arith.constant 1 : i32
        %dma_wait3A_412 = arith.constant 1 : i32
        %dma_wait3A_413 = arith.constant 0 : i32
        %dma_wait3A_414 = tpu.memref_slice %arg13[%dma_wait3A_411, %dma_wait3A_413] : memref<4x64xi32, #tpu.memory_space<vmem>> -> memref<1x64xi32, #tpu.memory_space<vmem>>
        %dma_wait3A_415 = tpu.memref_squeeze %dma_wait3A_414 : memref<1x64xi32, #tpu.memory_space<vmem>> -> memref<64xi32, #tpu.memory_space<vmem>>
        %dma_wait3A_416 = arith.constant 0 : i32
        %dma_wait3A_417 = arith.constant 0 : i32
        %dma_wait3A_418 = tpu.memref_slice %arg7[%dma_wait3A_416, %dma_wait3A_417] : memref<10240x128xf32, #tpu.memory_space<vmem_shared>> -> memref<10240x128xf32, #tpu.memory_space<vmem_shared>>
        %dma_wait3A_419 = tpu.memref_slice %arg17[%dma_wait3A_412] : memref<4x!tpu.dma_semaphore, #tpu.memory_space<semaphore_mem>> -> memref<1x!tpu.dma_semaphore, #tpu.memory_space<semaphore_mem>>
        %dma_wait3A_420 = tpu.memref_squeeze %dma_wait3A_419 : memref<1x!tpu.dma_semaphore, #tpu.memory_space<semaphore_mem>> -> memref<!tpu.dma_semaphore, #tpu.memory_space<semaphore_mem>>
        tpu.wait_indirect_dma semaphore(%dma_wait3A_420 : memref<!tpu.dma_semaphore, #tpu.memory_space<semaphore_mem>>) src(%arg9 : memref<64x128xf32, #tpu.memory_space<vmem>>) dst(%dma_wait3A_418 : memref<10240x128xf32, #tpu.memory_space<vmem_shared>>)
      } else {
      }
      %add3A_403 = arith.constant 2 : i32
      %add3A_404 = arith.addi %add3A_367, %add3A_403 : i32
      %lt3A_405 = arith.constant 160 : i32
      %lt3A_406 = arith.cmpi slt, %add3A_404, %lt3A_405 : i32
      %convert_element_type3A_407 = arith.extui %lt3A_406 : i1 to i32
      %cond3A_408 = arith.constant 0 : i32
      %cond3A_409 = arith.cmpi ne, %convert_element_type3A_407, %cond3A_408 : i32
      scf.if %cond3A_409 {
        %add3A_411 = arith.constant 2 : i32
        %add3A_412 = arith.addi %add3A_367, %add3A_411 : i32
        %add3A_413 = arith.addi %mul3A_2, %add3A_412 : i32
        %dma_start3A_414 = arith.constant 1 : i32
        %dma_start3A_415 = arith.constant 1 : i32
        %dma_start3A_416 = arith.constant 0 : i32
        %dma_start3A_417 = tpu.memref_slice %arg12[%dma_start3A_414, %dma_start3A_416] : memref<4x64xi32, #tpu.memory_space<vmem>> -> memref<1x64xi32, #tpu.memory_space<vmem>>
        %dma_start3A_418 = tpu.memref_squeeze %dma_start3A_417 : memref<1x64xi32, #tpu.memory_space<vmem>> -> memref<64xi32, #tpu.memory_space<vmem>>
        %dma_start3A_419 = arith.constant 0 : i32
        %dma_start3A_420 = tpu.memref_slice %arg2[%add3A_413, %dma_start3A_419] : memref<5120x64xi32, #tpu.memory_space<hbm>> -> memref<1x64xi32, #tpu.memory_space<hbm>>
        %dma_start3A_421 = tpu.memref_squeeze %dma_start3A_420 : memref<1x64xi32, #tpu.memory_space<hbm>> -> memref<64xi32, #tpu.memory_space<hbm>>
        %dma_start3A_422 = tpu.memref_slice %arg15[%dma_start3A_415] : memref<4x!tpu.dma_semaphore, #tpu.memory_space<semaphore_mem>> -> memref<1x!tpu.dma_semaphore, #tpu.memory_space<semaphore_mem>>
        %dma_start3A_423 = tpu.memref_squeeze %dma_start3A_422 : memref<1x!tpu.dma_semaphore, #tpu.memory_space<semaphore_mem>> -> memref<!tpu.dma_semaphore, #tpu.memory_space<semaphore_mem>>
        %dma_start3A_424 = arith.constant 0 : i32
        %dma_start3A_425 = tpu.memref_slice %arg12[%dma_start3A_414, %dma_start3A_424] : memref<4x64xi32, #tpu.memory_space<vmem>> -> memref<1x64xi32, #tpu.memory_space<vmem>>
        %dma_start3A_426 = tpu.memref_squeeze %dma_start3A_425 : memref<1x64xi32, #tpu.memory_space<vmem>> -> memref<64xi32, #tpu.memory_space<vmem>>
        %dma_start3A_427 = arith.constant 0 : i32
        %dma_start3A_428 = tpu.memref_slice %arg2[%add3A_413, %dma_start3A_427] : memref<5120x64xi32, #tpu.memory_space<hbm>> -> memref<1x64xi32, #tpu.memory_space<hbm>>
        %dma_start3A_429 = tpu.memref_squeeze %dma_start3A_428 : memref<1x64xi32, #tpu.memory_space<hbm>> -> memref<64xi32, #tpu.memory_space<hbm>>
        tpu.enqueue_dma source(%dma_start3A_429 : memref<64xi32, #tpu.memory_space<hbm>>) target(%dma_start3A_426 : memref<64xi32, #tpu.memory_space<vmem>>) target_semaphore(%dma_start3A_423 : memref<!tpu.dma_semaphore, #tpu.memory_space<semaphore_mem>>)
        %add3A_430 = arith.addi %mul3A_2, %add3A_412 : i32
        %dma_start3A_431 = arith.constant 1 : i32
        %dma_start3A_432 = arith.constant 1 : i32
        %dma_start3A_433 = arith.constant 0 : i32
        %dma_start3A_434 = tpu.memref_slice %arg13[%dma_start3A_431, %dma_start3A_433] : memref<4x64xi32, #tpu.memory_space<vmem>> -> memref<1x64xi32, #tpu.memory_space<vmem>>
        %dma_start3A_435 = tpu.memref_squeeze %dma_start3A_434 : memref<1x64xi32, #tpu.memory_space<vmem>> -> memref<64xi32, #tpu.memory_space<vmem>>
        %dma_start3A_436 = arith.constant 0 : i32
        %dma_start3A_437 = tpu.memref_slice %arg3[%add3A_430, %dma_start3A_436] : memref<5120x64xi32, #tpu.memory_space<hbm>> -> memref<1x64xi32, #tpu.memory_space<hbm>>
        %dma_start3A_438 = tpu.memref_squeeze %dma_start3A_437 : memref<1x64xi32, #tpu.memory_space<hbm>> -> memref<64xi32, #tpu.memory_space<hbm>>
        %dma_start3A_439 = tpu.memref_slice %arg15[%dma_start3A_432] : memref<4x!tpu.dma_semaphore, #tpu.memory_space<semaphore_mem>> -> memref<1x!tpu.dma_semaphore, #tpu.memory_space<semaphore_mem>>
        %dma_start3A_440 = tpu.memref_squeeze %dma_start3A_439 : memref<1x!tpu.dma_semaphore, #tpu.memory_space<semaphore_mem>> -> memref<!tpu.dma_semaphore, #tpu.memory_space<semaphore_mem>>
        %dma_start3A_441 = arith.constant 0 : i32
        %dma_start3A_442 = tpu.memref_slice %arg13[%dma_start3A_431, %dma_start3A_441] : memref<4x64xi32, #tpu.memory_space<vmem>> -> memref<1x64xi32, #tpu.memory_space<vmem>>
        %dma_start3A_443 = tpu.memref_squeeze %dma_start3A_442 : memref<1x64xi32, #tpu.memory_space<vmem>> -> memref<64xi32, #tpu.memory_space<vmem>>
        %dma_start3A_444 = arith.constant 0 : i32
        %dma_start3A_445 = tpu.memref_slice %arg3[%add3A_430, %dma_start3A_444] : memref<5120x64xi32, #tpu.memory_space<hbm>> -> memref<1x64xi32, #tpu.memory_space<hbm>>
        %dma_start3A_446 = tpu.memref_squeeze %dma_start3A_445 : memref<1x64xi32, #tpu.memory_space<hbm>> -> memref<64xi32, #tpu.memory_space<hbm>>
        tpu.enqueue_dma source(%dma_start3A_446 : memref<64xi32, #tpu.memory_space<hbm>>) target(%dma_start3A_443 : memref<64xi32, #tpu.memory_space<vmem>>) target_semaphore(%dma_start3A_440 : memref<!tpu.dma_semaphore, #tpu.memory_space<semaphore_mem>>)
        %add3A_447 = arith.addi %mul3A_2, %add3A_412 : i32
        %dma_start3A_448 = arith.constant 1 : i32
        %dma_start3A_449 = arith.constant 1 : i32
        %dma_start3A_450 = arith.constant 0 : i32
        %dma_start3A_451 = tpu.memref_slice %arg14[%dma_start3A_448, %dma_start3A_450] : memref<4x64xf32, #tpu.memory_space<vmem>> -> memref<1x64xf32, #tpu.memory_space<vmem>>
        %dma_start3A_452 = tpu.memref_squeeze %dma_start3A_451 : memref<1x64xf32, #tpu.memory_space<vmem>> -> memref<64xf32, #tpu.memory_space<vmem>>
        %dma_start3A_453 = arith.constant 0 : i32
        %dma_start3A_454 = tpu.memref_slice %arg4[%add3A_447, %dma_start3A_453] : memref<5120x64xf32, #tpu.memory_space<hbm>> -> memref<1x64xf32, #tpu.memory_space<hbm>>
        %dma_start3A_455 = tpu.memref_squeeze %dma_start3A_454 : memref<1x64xf32, #tpu.memory_space<hbm>> -> memref<64xf32, #tpu.memory_space<hbm>>
        %dma_start3A_456 = tpu.memref_slice %arg15[%dma_start3A_449] : memref<4x!tpu.dma_semaphore, #tpu.memory_space<semaphore_mem>> -> memref<1x!tpu.dma_semaphore, #tpu.memory_space<semaphore_mem>>
        %dma_start3A_457 = tpu.memref_squeeze %dma_start3A_456 : memref<1x!tpu.dma_semaphore, #tpu.memory_space<semaphore_mem>> -> memref<!tpu.dma_semaphore, #tpu.memory_space<semaphore_mem>>
        %dma_start3A_458 = arith.constant 0 : i32
        %dma_start3A_459 = tpu.memref_slice %arg14[%dma_start3A_448, %dma_start3A_458] : memref<4x64xf32, #tpu.memory_space<vmem>> -> memref<1x64xf32, #tpu.memory_space<vmem>>
        %dma_start3A_460 = tpu.memref_squeeze %dma_start3A_459 : memref<1x64xf32, #tpu.memory_space<vmem>> -> memref<64xf32, #tpu.memory_space<vmem>>
        %dma_start3A_461 = arith.constant 0 : i32
        %dma_start3A_462 = tpu.memref_slice %arg4[%add3A_447, %dma_start3A_461] : memref<5120x64xf32, #tpu.memory_space<hbm>> -> memref<1x64xf32, #tpu.memory_space<hbm>>
        %dma_start3A_463 = tpu.memref_squeeze %dma_start3A_462 : memref<1x64xf32, #tpu.memory_space<hbm>> -> memref<64xf32, #tpu.memory_space<hbm>>
        tpu.enqueue_dma source(%dma_start3A_463 : memref<64xf32, #tpu.memory_space<hbm>>) target(%dma_start3A_460 : memref<64xf32, #tpu.memory_space<vmem>>) target_semaphore(%dma_start3A_457 : memref<!tpu.dma_semaphore, #tpu.memory_space<semaphore_mem>>)
      } else {
      }
      %scan3A_410 = arith.constant 0 : i32
      scf.yield %scan3A_410 : i32
    }
    %scan3A_207 = arith.constant 40 : i32
    %dma_wait3A_208 = arith.constant 2 : i32
    %dma_wait3A_209 = arith.constant 2 : i32
    %dma_wait3A_210 = arith.constant 0 : i32
    %dma_wait3A_211 = tpu.memref_slice %arg13[%dma_wait3A_208, %dma_wait3A_210] : memref<4x64xi32, #tpu.memory_space<vmem>> -> memref<1x64xi32, #tpu.memory_space<vmem>>
    %dma_wait3A_212 = tpu.memref_squeeze %dma_wait3A_211 : memref<1x64xi32, #tpu.memory_space<vmem>> -> memref<64xi32, #tpu.memory_space<vmem>>
    %dma_wait3A_213 = arith.constant 0 : i32
    %dma_wait3A_214 = arith.constant 0 : i32
    %dma_wait3A_215 = tpu.memref_slice %arg7[%dma_wait3A_213, %dma_wait3A_214] : memref<10240x128xf32, #tpu.memory_space<vmem_shared>> -> memref<10240x128xf32, #tpu.memory_space<vmem_shared>>
    %dma_wait3A_216 = tpu.memref_slice %arg17[%dma_wait3A_209] : memref<4x!tpu.dma_semaphore, #tpu.memory_space<semaphore_mem>> -> memref<1x!tpu.dma_semaphore, #tpu.memory_space<semaphore_mem>>
    %dma_wait3A_217 = tpu.memref_squeeze %dma_wait3A_216 : memref<1x!tpu.dma_semaphore, #tpu.memory_space<semaphore_mem>> -> memref<!tpu.dma_semaphore, #tpu.memory_space<semaphore_mem>>
    tpu.wait_indirect_dma semaphore(%dma_wait3A_217 : memref<!tpu.dma_semaphore, #tpu.memory_space<semaphore_mem>>) src(%arg10 : memref<64x128xf32, #tpu.memory_space<vmem>>) dst(%dma_wait3A_215 : memref<10240x128xf32, #tpu.memory_space<vmem_shared>>)
    %dma_wait3A_218 = arith.constant 3 : i32
    %dma_wait3A_219 = arith.constant 3 : i32
    %dma_wait3A_220 = arith.constant 0 : i32
    %dma_wait3A_221 = tpu.memref_slice %arg13[%dma_wait3A_218, %dma_wait3A_220] : memref<4x64xi32, #tpu.memory_space<vmem>> -> memref<1x64xi32, #tpu.memory_space<vmem>>
    %dma_wait3A_222 = tpu.memref_squeeze %dma_wait3A_221 : memref<1x64xi32, #tpu.memory_space<vmem>> -> memref<64xi32, #tpu.memory_space<vmem>>
    %dma_wait3A_223 = arith.constant 0 : i32
    %dma_wait3A_224 = arith.constant 0 : i32
    %dma_wait3A_225 = tpu.memref_slice %arg7[%dma_wait3A_223, %dma_wait3A_224] : memref<10240x128xf32, #tpu.memory_space<vmem_shared>> -> memref<10240x128xf32, #tpu.memory_space<vmem_shared>>
    %dma_wait3A_226 = tpu.memref_slice %arg17[%dma_wait3A_219] : memref<4x!tpu.dma_semaphore, #tpu.memory_space<semaphore_mem>> -> memref<1x!tpu.dma_semaphore, #tpu.memory_space<semaphore_mem>>
    %dma_wait3A_227 = tpu.memref_squeeze %dma_wait3A_226 : memref<1x!tpu.dma_semaphore, #tpu.memory_space<semaphore_mem>> -> memref<!tpu.dma_semaphore, #tpu.memory_space<semaphore_mem>>
    tpu.wait_indirect_dma semaphore(%dma_wait3A_227 : memref<!tpu.dma_semaphore, #tpu.memory_space<semaphore_mem>>) src(%arg11 : memref<64x128xf32, #tpu.memory_space<vmem>>) dst(%dma_wait3A_225 : memref<10240x128xf32, #tpu.memory_space<vmem_shared>>)
    %barrier3A_228 = arith.constant 0 : index
    tpu.barrier barrier_id(%barrier3A_228)
    "tpu.region"() ({
      %run_scoped3A = tpu.sem_alloc : memref<!tpu.dma_semaphore, #tpu.memory_space<semaphore_mem>>
      %dma_start3A_229 = arith.constant 0 : i32
      %dma_start3A_230 = tpu.memref_slice %arg6[%arg0, %mul3A_10, %dma_start3A_229] : memref<2x10240x128xf32, #tpu.memory_space<hbm>> -> memref<1x640x128xf32, #tpu.memory_space<hbm>>
      %dma_start3A_231 = tpu.memref_squeeze %dma_start3A_230 : memref<1x640x128xf32, #tpu.memory_space<hbm>> -> memref<640x128xf32, #tpu.memory_space<hbm>>
      %dma_start3A_232 = arith.constant 0 : i32
      %dma_start3A_233 = tpu.memref_slice %arg7[%mul3A_10, %dma_start3A_232] : memref<10240x128xf32, #tpu.memory_space<vmem_shared>> -> memref<640x128xf32, #tpu.memory_space<vmem_shared>>
      tpu.enqueue_dma source(%dma_start3A_233 : memref<640x128xf32, #tpu.memory_space<vmem_shared>>) target(%dma_start3A_231 : memref<640x128xf32, #tpu.memory_space<hbm>>) target_semaphore(%run_scoped3A : memref<!tpu.dma_semaphore, #tpu.memory_space<semaphore_mem>>)
      %dma_wait3A_234 = arith.constant 0 : i32
      %dma_wait3A_235 = tpu.memref_slice %arg6[%arg0, %mul3A_10, %dma_wait3A_234] : memref<2x10240x128xf32, #tpu.memory_space<hbm>> -> memref<1x640x128xf32, #tpu.memory_space<hbm>>
      %dma_wait3A_236 = tpu.memref_squeeze %dma_wait3A_235 : memref<1x640x128xf32, #tpu.memory_space<hbm>> -> memref<640x128xf32, #tpu.memory_space<hbm>>
      %dma_wait3A_237 = arith.constant 0 : i32
      %dma_wait3A_238 = tpu.memref_slice %arg7[%mul3A_10, %dma_wait3A_237] : memref<10240x128xf32, #tpu.memory_space<vmem_shared>> -> memref<640x128xf32, #tpu.memory_space<vmem_shared>>
      tpu.wait_dma2 semaphore(%run_scoped3A : memref<!tpu.dma_semaphore, #tpu.memory_space<semaphore_mem>>) src(%dma_wait3A_238 : memref<640x128xf32, #tpu.memory_space<vmem_shared>>) dst(%dma_wait3A_236 : memref<640x128xf32, #tpu.memory_space<hbm>>)
      tpu.yield
    }) : () -> ()
    return
  }
}

module attributes {stable_mosaic.version = 14 : i64} {
  func.func @_matmul_body(%arg0: i32, %arg1: memref<1000x128xf32, #tpu.memory_space<vmem>>, %arg2: memref<128x128xf32, #tpu.memory_space<vmem>>, %arg3: memref<2x1000x1xf32, #tpu.memory_space<vmem>>, %arg4: memref<1000x128xf32, #tpu.memory_space<vmem>>, %arg5: memref<1000x1xf32, #tpu.memory_space<vmem>>) attributes {dimension_semantics = [#tpu.dimension_semantics<arbitrary>], iteration_bounds = array<i64: 10>, scalar_prefetch = 0 : i64, scratch_operands = 0 : i64, tpu.core_type = #tpu.core_type<tc>, window_params = [{transform_indices = @transform_0, window_bounds = array<i64: 1000, 128>}, {pipeline_mode = #tpu.pipeline_mode<synchronous>, transform_indices = @transform_1, window_bounds = array<i64: 128, 128>}, {transform_indices = @transform_2, window_bounds = array<i64: 2, 1000, 1>}, {transform_indices = @transform_3, window_bounds = array<i64: 1000, 128>}, {transform_indices = @transform_4, window_bounds = array<i64: 1000, 1>}]} {
    %get3A = arith.constant 0 : index
    %get3A_0 = arith.constant 0 : index
    %get3A_1 = arith.constant 0 : index
    %get3A_2 = vector.load %arg3[%get3A, %get3A_0, %get3A_1] : memref<2x1000x1xf32, #tpu.memory_space<vmem>>, vector<1x1000x1xf32>
    %get3A_3 = vector.shape_cast %get3A_2 : vector<1x1000x1xf32> to vector<1000x1xf32>
    %get3A_4 = arith.constant 1 : index
    %get3A_5 = arith.constant 0 : index
    %get3A_6 = arith.constant 0 : index
    %get3A_7 = vector.load %arg3[%get3A_4, %get3A_5, %get3A_6] : memref<2x1000x1xf32, #tpu.memory_space<vmem>>, vector<1x1000x1xf32>
    %get3A_8 = vector.shape_cast %get3A_7 : vector<1x1000x1xf32> to vector<1000x1xf32>
    %add3A = arith.addf %get3A_3, %get3A_8 : vector<1000x1xf32>
    %add3A_9 = arith.constant 1.000000e+00 : f32
    %add3A_10 = vector.broadcast %add3A_9 : f32 to vector<1000x1xf32>
    %add3A_11 = arith.addf %add3A, %add3A_10 : vector<1000x1xf32>
    %rsqrt3A = math.rsqrt %add3A_11 : vector<1000x1xf32>
    %get3A_12 = arith.constant 0 : index
    %get3A_13 = arith.constant 0 : index
    %get3A_14 = vector.load %arg1[%get3A_12, %get3A_13] : memref<1000x128xf32, #tpu.memory_space<vmem>>, vector<1000x128xf32>
    %get3A_15 = arith.constant 0 : index
    %get3A_16 = arith.constant 0 : index
    %get3A_17 = vector.load %arg2[%get3A_15, %get3A_16] : memref<128x128xf32, #tpu.memory_space<vmem>>, vector<128x128xf32>
    %dot_general3A = arith.constant dense<0.000000e+00> : vector<1000x128xf32>
    %dot_general3A_18 = tpu.matmul %get3A_14, %get3A_17, %dot_general3A {dimension_numbers = #tpu.dot_dimension_numbers<[1], [0], [0], [1], [0, 0, 1, 1], [], []>, transpose_lhs_hint = false} : vector<1000x128xf32>, vector<128x128xf32>, vector<1000x128xf32> -> vector<1000x128xf32>
    %mul3A = vector.broadcast %rsqrt3A : vector<1000x1xf32> to vector<1000x128xf32>
    %mul3A_19 = arith.mulf %dot_general3A_18, %mul3A : vector<1000x128xf32>
    %swap3A = arith.constant 0 : index
    %swap3A_20 = arith.constant 0 : index
    %swap3A_21 = vector.load %arg4[%swap3A, %swap3A_20] : memref<1000x128xf32, #tpu.memory_space<vmem>>, vector<1000x128xf32>
    tpu.vector_store %arg4[%swap3A, %swap3A_20], %mul3A_19 {strides = array<i32>} : memref<1000x128xf32, #tpu.memory_space<vmem>>, vector<1000x128xf32>,
    %swap3A_22 = arith.constant 0 : index
    %swap3A_23 = arith.constant 0 : index
    %swap3A_24 = vector.load %arg5[%swap3A_22, %swap3A_23] : memref<1000x1xf32, #tpu.memory_space<vmem>>, vector<1000x1xf32>
    tpu.vector_store %arg5[%swap3A_22, %swap3A_23], %rsqrt3A {strides = array<i32>} : memref<1000x1xf32, #tpu.memory_space<vmem>>, vector<1000x1xf32>,
    return
  }
  func.func @transform_0(%arg0: i32) -> (i32, i32) {
    %c0_i32 = arith.constant 0 : i32
    %c0_i32_0 = arith.constant 0 : i32
    return %arg0, %c0_i32 : i32, i32
  }
  func.func @transform_1(%arg0: i32) -> (i32, i32) {
    %c0_i32 = arith.constant 0 : i32
    %c0_i32_0 = arith.constant 0 : i32
    %c0_i32_1 = arith.constant 0 : i32
    return %c0_i32, %c0_i32_0 : i32, i32
  }
  func.func @transform_2(%arg0: i32) -> (i32, i32, i32) {
    %c0_i32 = arith.constant 0 : i32
    %c0_i32_0 = arith.constant 0 : i32
    %c0_i32_1 = arith.constant 0 : i32
    return %c0_i32, %arg0, %c0_i32_0 : i32, i32, i32
  }
  func.func @transform_3(%arg0: i32) -> (i32, i32) {
    %c0_i32 = arith.constant 0 : i32
    %c0_i32_0 = arith.constant 0 : i32
    return %arg0, %c0_i32 : i32, i32
  }
  func.func @transform_4(%arg0: i32) -> (i32, i32) {
    %c0_i32 = arith.constant 0 : i32
    %c0_i32_0 = arith.constant 0 : i32
    return %arg0, %c0_i32 : i32, i32
  }
}

module attributes {stable_mosaic.version = 14 : i64} {
  func.func @_epilogue_body(%arg0: i32, %arg1: memref<1000x128xf32, #tpu.memory_space<vmem>>, %arg2: memref<1000x128xf32, #tpu.memory_space<vmem>>, %arg3: memref<1000x128xf32, #tpu.memory_space<vmem>>, %arg4: memref<1000x1xf32, #tpu.memory_space<vmem>>, %arg5: memref<1x128xf32, #tpu.memory_space<vmem>>, %arg6: memref<128x1xf32, #tpu.memory_space<vmem>>, %arg7: memref<1x1xf32, #tpu.memory_space<vmem>>, %arg8: memref<1000x1xf32, #tpu.memory_space<vmem>>) attributes {dimension_semantics = [#tpu.dimension_semantics<arbitrary>], iteration_bounds = array<i64: 10>, scalar_prefetch = 0 : i64, scratch_operands = 0 : i64, tpu.core_type = #tpu.core_type<tc>, window_params = [{transform_indices = @transform_0, window_bounds = array<i64: 1000, 128>}, {transform_indices = @transform_1, window_bounds = array<i64: 1000, 128>}, {transform_indices = @transform_2, window_bounds = array<i64: 1000, 128>}, {transform_indices = @transform_3, window_bounds = array<i64: 1000, 1>}, {pipeline_mode = #tpu.pipeline_mode<synchronous>, transform_indices = @transform_4, window_bounds = array<i64: 1, 128>}, {pipeline_mode = #tpu.pipeline_mode<synchronous>, transform_indices = @transform_5, window_bounds = array<i64: 128, 1>}, {pipeline_mode = #tpu.pipeline_mode<synchronous>, transform_indices = @transform_6, window_bounds = array<i64: 1, 1>}, {transform_indices = @transform_7, window_bounds = array<i64: 1000, 1>}]} {
    %get3A = arith.constant 0 : index
    %get3A_0 = arith.constant 0 : index
    %get3A_1 = vector.load %arg1[%get3A, %get3A_0] : memref<1000x128xf32, #tpu.memory_space<vmem>>, vector<1000x128xf32>
    %get3A_2 = arith.constant 0 : index
    %get3A_3 = arith.constant 0 : index
    %get3A_4 = vector.load %arg2[%get3A_2, %get3A_3] : memref<1000x128xf32, #tpu.memory_space<vmem>>, vector<1000x128xf32>
    %add3A = arith.addf %get3A_1, %get3A_4 : vector<1000x128xf32>
    %get3A_5 = arith.constant 0 : index
    %get3A_6 = arith.constant 0 : index
    %get3A_7 = vector.load %arg3[%get3A_5, %get3A_6] : memref<1000x128xf32, #tpu.memory_space<vmem>>, vector<1000x128xf32>
    %add3A_8 = arith.addf %add3A, %get3A_7 : vector<1000x128xf32>
    %get3A_9 = arith.constant 0 : index
    %get3A_10 = arith.constant 0 : index
    %get3A_11 = vector.load %arg4[%get3A_9, %get3A_10] : memref<1000x1xf32, #tpu.memory_space<vmem>>, vector<1000x1xf32>
    %mul3A = vector.broadcast %get3A_11 : vector<1000x1xf32> to vector<1000x128xf32>
    %mul3A_12 = arith.mulf %add3A_8, %mul3A : vector<1000x128xf32>
    %get3A_13 = arith.constant 0 : index
    %get3A_14 = arith.constant 0 : index
    %get3A_15 = vector.load %arg5[%get3A_13, %get3A_14] : memref<1x128xf32, #tpu.memory_space<vmem>>, vector<1x128xf32>
    %add3A_16 = vector.broadcast %get3A_15 : vector<1x128xf32> to vector<1000x128xf32>
    %add3A_17 = arith.addf %mul3A_12, %add3A_16 : vector<1000x128xf32>
    %tanh3A = math.tanh %add3A_17 : vector<1000x128xf32>
    %get3A_18 = arith.constant 0 : index
    %get3A_19 = arith.constant 0 : index
    %get3A_20 = vector.load %arg6[%get3A_18, %get3A_19] : memref<128x1xf32, #tpu.memory_space<vmem>>, vector<128x1xf32>
    %dot_general3A = arith.constant dense<0.000000e+00> : vector<1000x1xf32>
    %dot_general3A_21 = tpu.matmul %tanh3A, %get3A_20, %dot_general3A {dimension_numbers = #tpu.dot_dimension_numbers<[1], [0], [0], [1], [0, 0, 1, 1], [], []>, transpose_lhs_hint = false} : vector<1000x128xf32>, vector<128x1xf32>, vector<1000x1xf32> -> vector<1000x1xf32>
    %get3A_22 = arith.constant 0 : index
    %get3A_23 = arith.constant 0 : index
    %get3A_24 = vector.load %arg7[%get3A_22, %get3A_23] : memref<1x1xf32, #tpu.memory_space<vmem>>, vector<1x1xf32>
    %get3A_25 = vector.extract %get3A_24[0, 0] : f32 from vector<1x1xf32>
    %add3A_26 = vector.broadcast %get3A_25 : f32 to vector<1000x1xf32>
    %add3A_27 = arith.addf %dot_general3A_21, %add3A_26 : vector<1000x1xf32>
    %logistic3A = arith.negf %add3A_27 : vector<1000x1xf32>
    %logistic3A_28 = math.exp %logistic3A : vector<1000x1xf32>
    %logistic3A_29 = arith.constant 1.000000e+00 : f32
    %logistic3A_30 = vector.broadcast %logistic3A_29 : f32 to vector<1000x1xf32>
    %logistic3A_31 = arith.addf %logistic3A_30, %logistic3A_28 : vector<1000x1xf32>
    %logistic3A_32 = arith.divf %logistic3A_30, %logistic3A_31 : vector<1000x1xf32>
    %swap3A = arith.constant 0 : index
    %swap3A_33 = arith.constant 0 : index
    %swap3A_34 = vector.load %arg8[%swap3A, %swap3A_33] : memref<1000x1xf32, #tpu.memory_space<vmem>>, vector<1000x1xf32>
    tpu.vector_store %arg8[%swap3A, %swap3A_33], %logistic3A_32 {strides = array<i32>} : memref<1000x1xf32, #tpu.memory_space<vmem>>, vector<1000x1xf32>,
    return
  }
  func.func @transform_0(%arg0: i32) -> (i32, i32) {
    %c0_i32 = arith.constant 0 : i32
    %c0_i32_0 = arith.constant 0 : i32
    return %arg0, %c0_i32 : i32, i32
  }
  func.func @transform_1(%arg0: i32) -> (i32, i32) {
    %c0_i32 = arith.constant 0 : i32
    %c0_i32_0 = arith.constant 0 : i32
    return %arg0, %c0_i32 : i32, i32
  }
  func.func @transform_2(%arg0: i32) -> (i32, i32) {
    %c0_i32 = arith.constant 0 : i32
    %c0_i32_0 = arith.constant 0 : i32
    return %arg0, %c0_i32 : i32, i32
  }
  func.func @transform_3(%arg0: i32) -> (i32, i32) {
    %c0_i32 = arith.constant 0 : i32
    %c0_i32_0 = arith.constant 0 : i32
    return %arg0, %c0_i32 : i32, i32
  }
  func.func @transform_4(%arg0: i32) -> (i32, i32) {
    %c0_i32 = arith.constant 0 : i32
    %c0_i32_0 = arith.constant 0 : i32
    %c0_i32_1 = arith.constant 0 : i32
    return %c0_i32, %c0_i32_0 : i32, i32
  }
  func.func @transform_5(%arg0: i32) -> (i32, i32) {
    %c0_i32 = arith.constant 0 : i32
    %c0_i32_0 = arith.constant 0 : i32
    %c0_i32_1 = arith.constant 0 : i32
    return %c0_i32, %c0_i32_0 : i32, i32
  }
  func.func @transform_6(%arg0: i32) -> (i32, i32) {
    %c0_i32 = arith.constant 0 : i32
    %c0_i32_0 = arith.constant 0 : i32
    %c0_i32_1 = arith.constant 0 : i32
    return %c0_i32, %c0_i32_0 : i32, i32
  }
  func.func @transform_7(%arg0: i32) -> (i32, i32) {
    %c0_i32 = arith.constant 0 : i32
    %c0_i32_0 = arith.constant 0 : i32
    return %arg0, %c0_i32 : i32, i32
  }
}

</mosaic_0001>

<sc_bundles>
// kernel: kernel.6.cloned.1.call-start
scs
__scs_entry_jumppad:
0x0: {  	(pc) =	sbr.rel $0x88, $3  }
0x1: {  	(tag) =	ssettag $0x0;
	lr =	simm.s32 $0x1  }
0x2: {  	[smem:$0x3F9A] =	sst lr;
	_ =	strace $0xD0000000  }
0x3: {  	_ = 	snop  }
0x4: {  	_ = 	snop  }
0x5: {  	_ = 	snop  }
0x6: {  	_ = 	snop  }
0x7: {  	_ = 	snop  }
__scs_overlays_trampoline_lowered:
0x8: {  	[smem:$0x3FA9] =	sst s0  }
0x9: {  	[smem:$0x3FAA] =	sst s1  }
0xa: {  	[smem:$0x3FAB] =	sst s2  }
0xb: {  	[smem:$0x3FAC] =	sst s3  }
0xc: {  	[smem:$0x3FAD] =	sst s4  }
0xd: {  	[smem:$0x3FAE] =	sst s5  }
0xe: {  	[smem:$0x3FAF] =	sst s6  }
0xf: {  	[smem:$0x3FB0] =	sst s7  }
0x10: {  	[smem:$0x3FB1] =	sst s8  }
0x11: {  	[smem:$0x3FB2] =	sst s9;
	s0 =	simm.s32 @!p0 $0x0  }
0x12: {  	s1 =	sld [smem:$0x3F98];
	s0 =	simm.s32 @p0 $0x1  }
0x13: {  	[smem:$0x3FB3] =	sst s0;
	s0 =	simm.s32 @!p1 $0x0  }
0x14: {  	s2 =	sld [smem:$0x3F97];
	s0 =	simm.s32 @p1 $0x1  }
0x15: {  	[smem:$0x3FB4] =	sst s0;
	s0 =	simm.s32 @!p2 $0x0  }
0x16: {  	s3 =	sld [smem:$0x3FDB];
	s0 =	simm.s32 @p2 $0x1  }
0x17: {  	s4 =	simm.s32 $0x1BF5;
	[smem:$0x3FB6] =	sst s0  }
0x18: {  	s0 =	sld [smem:$0x3F99];
	_ =	swait.ge [sflag:s4], $0x0  }
0x19: {  	s7 =	sld [smem:$0x3F9A]  }
0x1a: {  	s8 =	sadd.s32 $0xFFFFE003, lr  }
0x1b: {  	s9 =	sadd.s32 $0xFFFFFEF7, lr;
	s5 =	simm.s32 $0xFFFFFFFF;
	p2 =	slt.u32 s8, $0xFFFFF086  }
0x1c: {  	p1 =	slt.u32 s9, $0xF7A;
	s5 =	simm.s32 @!p2 $0x0  }
0x1d: {  	s5 =	simm.s32 @p1 $0x1;
	p0 =	seq.s32 s7, s2  }
0x1e: {  	s7 =	smul.u32 @!p0 $0xF7A, s2;
	p2 =	seq.s32 @!p0 s5, $0x0  }
0x1f: {  	s9 =	smul.u32 $0xF7A, s1;
	s8 =	simm.s32 @!p0 $0x1BF5;
	p2 =	por !p2, p0  }
0x20: {  	[sflag:s8] =	ssyncset.s32 @!p0 $0xFFFFF086;
	s6 =	sadd.s32 @!p0 s3, s7;
	s7 =	simm.s32 @!p0 $0x108  }
0x21: {  	s3 =	sadd.s32 s3, s9;
	s6 =	sadd.s32 @!p0 $0x88, s6;
	s7 =	simm.s32 @p2 $0x1082  }
0x22: {  	[simem:s7], [sflag:s8] =	dma.local @!p0 [hbm:s6], $0xF7A  }
0x23: {  	s9 =	sor.u32 $0xD0000000, s2;
	s6 =	simm.s32 $0x108;
	_ =	swait.ge @!p0 [sflag:s8], $0x0  }
0x24: {  	s3 =	sadd.s32 $0x88, s3;
	s6 =	simm.s32 @!p1 $0x1082;
	[sflag:s4] =	ssyncset.s32 $0xFFFFF086  }
0x25: {  	[simem:s6], [sflag:s4] =	dma.local [hbm:s3], $0xF7A  }
0x26: {  	[smem:$0x3F9A] =	sst s1;
	(tag) =	ssettag s2;
	_ =	strace s9  }
0x27: {  	s1 =	sld [smem:$0x3FAA]  }
0x28: {  	s2 =	sld [smem:$0x3FAB]  }
0x29: {  	s4 =	sld [smem:$0x3FAD]  }
0x2a: {  	p0 =	seq.s32 s5, $0x0;
	s5 =	sld [smem:$0x3FAE]  }
0x2b: {  	s6 =	sld [smem:$0x3FAF]  }
0x2c: {  	s7 =	sld [smem:$0x3FB0]  }
0x2d: {  	s3 =	simm.s32 $0x108;
	s8 =	sld [smem:$0x3FB1]  }
0x2e: {  	s3 =	simm.s32 @!p0 $0x1082;
	s9 =	sld [smem:$0x3FB2]  }
0x2f: {  	lr =	sadd.s32 s0, s3;
	s0 =	sld [smem:$0x3FA9]  }
0x30: {  	s3 =	sld [smem:$0x3FAC]  }
0x31: {  	[smem:$0x3FB5] =	sst s10  }
0x32: {  	s10 =	sld [smem:$0x3FB3];
	_ =	sdelay $0x3  }
0x33: {  	p0 =	seq.s32 s10, $0x1;
	s10 =	sld [smem:$0x3FB5];
	_ =	sdelay $0x3  }
0x34: {  	[smem:$0x3FB5] =	sst s10  }
0x35: {  	s10 =	sld [smem:$0x3FB4];
	_ =	sdelay $0x3  }
0x36: {  	p1 =	seq.s32 s10, $0x1;
	s10 =	sld [smem:$0x3FB5];
	_ =	sdelay $0x3  }
0x37: {  	[smem:$0x3FB5] =	sst s10  }
0x38: {  	s10 =	sld [smem:$0x3FB6]  }
0x39: {  	_ = 	snop;
	(pc) =	sbr.ind lr, $3  }
0x3a: {  	_ = 	snop  }
0x3b: {  	_ = 	snop  }
0x3c: {  	p2 =	seq.s32 s10, $0x1;
	s10 =	sld [smem:$0x3FB5]  }
0x3d: {  	_ =	shalt  }
0x3e: {  	_ =	shalt  }
0x3f: {  	_ =	shalt  }
0x40: {  	_ =	shalt  }
0x41: {  	_ =	shalt  }
0x42: {  	_ =	shalt  }
0x43: {  	_ =	shalt  }
0x44: {  	_ =	shalt  }
0x45: {  	_ =	shalt  }
0x46: {  	_ =	shalt  }
0x47: {  	_ =	shalt  }
0x48: {  	_ =	shalt  }
0x49: {  	_ =	shalt  }
0x4a: {  	_ =	shalt  }
0x4b: {  	_ =	shalt  }
0x4c: {  	_ =	shalt  }
0x4d: {  	_ =	shalt  }
0x4e: {  	_ =	shalt  }
0x4f: {  	_ =	shalt  }
0x50: {  	_ =	shalt  }
0x51: {  	_ =	shalt  }
0x52: {  	_ =	shalt  }
0x53: {  	_ =	shalt  }
0x54: {  	_ =	shalt  }
0x55: {  	_ =	shalt  }
0x56: {  	_ =	shalt  }
0x57: {  	_ =	shalt  }
0x58: {  	_ =	shalt  }
0x59: {  	_ =	shalt  }
0x5a: {  	_ =	shalt  }
0x5b: {  	_ =	shalt  }
0x5c: {  	_ =	shalt  }
0x5d: {  	_ =	shalt  }
0x5e: {  	_ =	shalt  }
0x5f: {  	_ =	shalt  }
0x60: {  	_ =	shalt  }
0x61: {  	_ =	shalt  }
0x62: {  	_ =	shalt  }
0x63: {  	_ =	shalt  }
0x64: {  	_ =	shalt  }
0x65: {  	_ =	shalt  }
0x66: {  	_ =	shalt  }
0x67: {  	_ =	shalt  }
0x68: {  	_ =	shalt  }
0x69: {  	_ =	shalt  }
0x6a: {  	_ =	shalt  }
0x6b: {  	_ =	shalt  }
0x6c: {  	_ =	shalt  }
0x6d: {  	_ =	shalt  }
0x6e: {  	_ =	shalt  }
0x6f: {  	_ =	shalt  }
0x70: {  	_ =	shalt  }
0x71: {  	_ =	shalt  }
0x72: {  	_ =	shalt  }
0x73: {  	_ =	shalt  }
0x74: {  	_ =	shalt  }
0x75: {  	_ =	shalt  }
0x76: {  	_ =	shalt  }
0x77: {  	_ =	shalt  }
0x78: {  	_ =	shalt  }
0x79: {  	_ =	shalt  }
0x7a: {  	_ =	shalt  }
0x7b: {  	_ =	shalt  }
0x7c: {  	_ =	shalt  }
0x7d: {  	_ =	shalt  }
0x7e: {  	_ =	shalt  }
0x7f: {  	_ =	shalt  }
0x80: {  	_ =	shalt  }
0x81: {  	_ =	shalt  }
0x82: {  	_ =	shalt  }
0x83: {  	_ =	shalt  }
0x84: {  	_ =	shalt  }
0x85: {  	_ =	shalt  }
0x86: {  	_ =	shalt  }
0x87: {  	_ =	shalt  }
.Lfunc_end0:
.L_simem_size_0:
called_computation_lowered:
.L_overlay_start_0:
0x88: {  	s2 =	sld [smem:$0x3FD9]  }
0x89: {  	s3 =	sld [smem:$0x3FFE];
	_ =	sdelay $0x1  }
0x8a: {  	s1 =	srdreg.scid  }
0x8b: {  	s0 =	sand.u32 $0x1, s1  }
0x8c: {  	s16 =	sshll.u32 s0, $0xA;
	s2 =	sadd.s32 s3, s2  }
0x8d: {  	s2 =	sadd.s32 s2, s16  }
0x8e: {  	[smem:$0x3FC1] =	sst s2  }
0x8f: {  	_ = 	snop  }
0x90: {  	(tm) =	ssettm $0x1  }
0x91: {  	s17 =	sld [smem:$0x3FFB];
	_ =	sdelay $0x3  }
0x92: {  	_ =	strace s17  }
0x93: {  	s2 =	sld [smem:$0x3FFC];
	_ =	sdelay $0x3  }
0x94: {  	_ =	strace s2  }
0x95: {  	s2 =	sld [smem:$0x3FFD];
	_ =	sdelay $0x3  }
0x96: {  	_ =	strace s2  }
0x97: {  	_ =	strace $0x8FFFFFFF  }
0x98: {  	s18 =	sld [smem:$0x3FDB];
	_ =	sdelay $0x1  }
0x99: {  	s19 =	simm.s32 $_scs_section_size  }
0x9a: {  	s4 =	simm.s32 $_size__tile_overlayer_lowered;
	s5 =	simm.s32 $_tile_overlayer_lowered  }
0x9b: {  	s22 =	simm.s32 $0x1BFF;
	s21 =	sshll.u32 s5, $0x1;
	s2 =	sadd.s32 s19, s18  }
0x9c: {  	s6 =	simm.s32 $0x0;
	s20 =	sshll.u32 s4, $0x1;
	s4 =	sadd.s32 s21, s2  }
0x9d: {  	[timem:s6], [sflag:s22] =	dma.local [hbm:s4], s20  }
0x9e: {  	_ =	swait.ge [sflag:s22], s20  }
0x9f: {  	s3 =	ssub.s32 $0x0, s20;
	[sflag:s22] =	ssyncset.done $0x0  }
0xa0: {  	[sflag:s22] =	ssyncadd.s32 s3;
	_ =	sdelay $0x1  }
0xa1: {  	s23 =	simm.s32 $0x1B8B  }
0xa2: {  	_ =	swait.ge [sflag:s23], $0x1  }
0xa3: {  	[sflag:s23] =	ssyncset.done $0x0  }
0xa4: {  	s25 =	simm.s32 $0x1B8E;
	s24 =	sld [smem:$0x3FFE];
	[sflag:s23] =	ssyncadd.s32 $0xFFFFFFFF  }
0xa5: {  	s26 =	simm.s32 $execute0_lowered;
	[smem:$0x3FD2] =	sst s25  }
0xa6: {  	s4 =	sshll.u32 s26, $0x1;
	_ =	strace $0x80000046;
	[dreg:$0x1] =	wrdreg $0xFFFFFFFF  }
0xa7: {  	s28 =	simm.s32 $_size_execute0_lowered;
	s2 =	sadd.s32 s2, s4;
	[dreg:$0x0] =	wrdreg $0x0  }
0xa8: {  	s4 =	sshll.u32 s28, $0x1;
	[dreg:$0x2] =	wrdreg s2  }
0xa9: {  	[dreg:$0x3] =	wrdreg s4  }
0xaa: {  	[dreg:$0x4] =	wrdreg $0xC0  }
0xab: {  	_ =	task [dreg:s6], $0x5FFFF  }
0xac: {  	[dreg:$0x1] =	wrdreg $0xFFFFFFFF  }
0xad: {  	[dreg:$0x0] =	wrdreg $0x60  }
0xae: {  	[dreg:$0x2] =	wrdreg s24  }
0xaf: {  	[dreg:$0x3] =	wrdreg $0x0  }
0xb0: {  	[dreg:$0x4] =	wrdreg $0x9  }
0xb1: {  	_ =	task.clear_ibuf [dreg:s6], $0x5FFFF;
	_ =	strace $0x90000046  }
0xb2: {  	s29 =	simm.s32 $0x9;
	_ =	strace $0x80000048  }
0xb3: {  	_ =	swait.ge [sflag:s29], $0x1  }
0xb4: {  	[sflag:s29] =	ssyncadd.s32 $0xFFFFFFFF  }
0xb5: {  	_ =	strace $0x90000048  }
0xb6: {  	_ =	sfence  }
0xb7: {  	s30 =	sld [smem:$0x0];
	_ =	sdelay $0x2  }
0xb8: {  	s31 =	sshll.u32 s1, $0xD;
	s1 =	sshrl.u32 s1, $0x2  }
0xb9: {  	s3 =	sand.u32 $0x4000, s31;
	s1 =	sadd.s32 s1, s30  }
0xba: {  	s0 =	sor.u32 s3, s0;
	s1 =	sshll.u32 s1, $0x11  }
0xbb: {  	s0 =	sor.u32 s1, s0  }
0xbc: {  	s0 =	sadd.s32 $0x8F2B, s0  }
0xbd: {  	[sflag:s0] =	ssyncadd.remote.s32 $0x1  }
0xbe: {  	_ =	sfence.sel $0xFFFF  }
0xbf: {  	[dreg:$0x0] =	wrdreg $0xFFFFFFFF;
	(pc) =	sbr.abs _section_cstart, $3  }
0xc0: {  	[dreg:$0x1] =	wrdreg $0xFFFFFFFF  }
0xc1: {  	_ =	task.clear_ibuf [dreg:s6], $0x2FFFF;
	_ =	strace $0x9FFFFFFF  }
0xc2: {  	(tm) =	ssettm $0x7FFFFFFF  }
0xc3: {  	_ =	shalt  }
tec
execute0_lowered:
.L_overlay_start_1:
0x0: {  	(tag) =	ssettag $0x1  }
0x1: {  	s5 =	rddreg [dreg:$0x0]  }
0x2: {  	s0 =	srdreg.scid;
	s2 =	rddreg [dreg:$0x1]  }
0x3: {  	s3 =	simm.s32 $0x0;
	s10 =	simm.s32 $0x280;
	s11 =	simm.s32 $0x40  }
0x4: {  	s12 =	simm.s32 $0x5280;
	s13 =	simm.s32 $0x1;
	s16 =	simm.s32 $0x20  }
0x5: {  	s17 =	simm.s32 $0x10;
	s4 =	sand.u32 $0x1, s0;
	s0 =	stileid.u32  }
0x6: {  	s18 =	simm.s32 $0x0;
	[smem:$0x7FF] =	sst s3;
	s7 =	smul.u32 $0x500, s0  }
0x7: {  	s1 =	sshll.u32 s4, $0x4;
	s8 =	sshll.u32 s4, $0x7;
	s9 =	smul.u32 $0xA00, s0  }
0x8: {  	s4 =	ssub.s32 $0x2, s4;
	s14 =	sshll.u32 s0, $0x6;
	s6 =	sor.u32 s0, s1  }
0x9: {  	s1 =	rddreg [dreg:$0x2];
	_ =	strace $0x80000047;
	s31 =	sshrl.u32 s4, $0x1  }
0xa: {  	s14 =	sor.u32 $0x1C02, s14;
	s6 =	smul.u32 $0xA00, s6;
	s7 =	sor.u32 s8, s7  }
0xb: {  	s9 =	sshrl.u32 s9, $0x2;
	s8 =	ssub.s32 s4, s31;
	s7 =	sshrl.u32 s7, $0x3  }
0xc: {  	s4 =	sadd.s32 s9, s2;
	s9 =	simm.s32 $0x2;
	s6 =	sadd.s32 s6, s5  }
0xd: {  	s7 =	sadd.s32 s7, s5;
	s15 =	sshrl.u32 s4, $0x3;
	s5 =	sadd.s32 $0x2000, s6  }
0xe: {  	v0 =	vimm.f32 $0.0e+00;
	v1 =	vimm.f32 $1.000000000e+00;
	s6 =	sadd.s32 $0x16000, s7;
	s7 =	smax.u32 s8, $0x1;
	s8 =	simm.s32 $0x5300  }
.LBB2_1:
0xf: {  	[tilespmem:$0x5300] =	vst v0  }
0x10: {  	[tilespmem:$0x5310] =	vst v0  }
0x11: {  	[tilespmem:$0x5320] =	vst v0  }
0x12: {  	[tilespmem:$0x5330] =	vst v0  }
0x13: {  	[tilespmem:$0x5340] =	vst v0  }
0x14: {  	[tilespmem:$0x5350] =	vst v0  }
0x15: {  	[tilespmem:$0x5360] =	vst v0  }
0x16: {  	[tilespmem:$0x5370] =	vst v0  }
0x17: {  	[tilespmem:$0x5380] =	vst v0  }
0x18: {  	[tilespmem:$0x5390] =	vst v0  }
0x19: {  	[tilespmem:$0x53A0] =	vst v0  }
0x1a: {  	[tilespmem:$0x53B0] =	vst v0  }
0x1b: {  	[tilespmem:$0x53C0] =	vst v0  }
0x1c: {  	[tilespmem:$0x53D0] =	vst v0  }
0x1d: {  	[tilespmem:$0x53E0] =	vst v0  }
0x1e: {  	[tilespmem:$0x53F0] =	vst v0  }
0x1f: {  	[tilespmem:$0x5400] =	vst v0  }
0x20: {  	[tilespmem:$0x5410] =	vst v0  }
0x21: {  	[tilespmem:$0x5420] =	vst v0  }
0x22: {  	[tilespmem:$0x5430] =	vst v0  }
0x23: {  	[tilespmem:$0x5440] =	vst v0  }
0x24: {  	[tilespmem:$0x5450] =	vst v0  }
0x25: {  	[tilespmem:$0x5460] =	vst v0  }
0x26: {  	[tilespmem:$0x5470] =	vst v0  }
0x27: {  	[tilespmem:$0x5480] =	vst v0  }
0x28: {  	[tilespmem:$0x5490] =	vst v0  }
0x29: {  	[tilespmem:$0x54A0] =	vst v0  }
0x2a: {  	[tilespmem:$0x54B0] =	vst v0  }
0x2b: {  	[tilespmem:$0x54C0] =	vst v0  }
0x2c: {  	[tilespmem:$0x54D0] =	vst v0  }
0x2d: {  	[tilespmem:$0x54E0] =	vst v0  }
0x2e: {  	[tilespmem:$0x54F0] =	vst v0  }
0x2f: {  	[tilespmem:$0x5500] =	vst v0  }
0x30: {  	[tilespmem:$0x5510] =	vst v0  }
0x31: {  	[tilespmem:$0x5520] =	vst v0  }
0x32: {  	[tilespmem:$0x5530] =	vst v0  }
0x33: {  	[tilespmem:$0x5540] =	vst v0  }
0x34: {  	[tilespmem:$0x5550] =	vst v0  }
0x35: {  	[tilespmem:$0x5560] =	vst v0  }
0x36: {  	[tilespmem:$0x5570] =	vst v0  }
0x37: {  	[tilespmem:$0x5280] =	vst v1  }
0x38: {  	[tilespmem:$0x5290] =	vst v1  }
0x39: {  	[tilespmem:$0x52A0] =	vst v1  }
0x3a: {  	[tilespmem:$0x52B0] =	vst v1  }
0x3b: {  	[spmem:s4] =	stream.linear.scatter [tilespmem:s8], [sflag:$0x2], $0x280, $0x38;
	[tilespmem:$0x5580] =	vst v63  }
0x3c: {  	_ =	swait.ge [sflag:s9], $0x280  }
0x3d: {  	[sflag:s9] =	ssyncset.done $0x0  }
0x3e: {  	[sflag:s9] =	ssyncadd.s32 $0xFFFFFD80  }
0x3f: {  	[bflag:$0x0] =	sbarrier.arrive $0xFFFF  }
0x40: {  	[tilespmem:s10], [sflag:$0x2] =	stream.linear.gather [hbm4b:s5+s3], $0x5000, $0x38;
	[tilespmem:$0x5580] =	vst v63  }
0x41: {  	_ =	swait.ge [sflag:s9], $0x5000  }
0x42: {  	[sflag:s9] =	ssyncset.done $0x0  }
0x43: {  	s19 =	simm.s32 $0x280;
	[sflag:s9] =	ssyncadd.s32 $0xFFFFB000  }
0x44: {  	[spmem:s2] =	stream.indirect.scatter.add.f32 [tilespmem:s12], [sflag:$0x1], $0x1, s19, s11, $0xb8;
	[tilespmem:$0x5580] =	vst v63  }
0x45: {  	s24 =	simm.s32 $0x300  }
0x46: {  	[spmem:s2] =	stream.indirect.scatter.add.f32 [tilespmem:s12], [sflag:$0x1], $0x1, s24, s11, $0xb8;
	[tilespmem:$0x5580] =	vst v63  }
0x47: {  	s25 =	simm.s32 $0x380  }
0x48: {  	[spmem:s2] =	stream.indirect.scatter.add.f32 [tilespmem:s12], [sflag:$0x1], $0x1, s25, s11, $0xb8;
	[tilespmem:$0x5580] =	vst v63  }
0x49: {  	s26 =	simm.s32 $0x400  }
0x4a: {  	[spmem:s2] =	stream.indirect.scatter.add.f32 [tilespmem:s12], [sflag:$0x1], $0x1, s26, s11, $0xb8;
	[tilespmem:$0x5580] =	vst v63  }
0x4b: {  	s28 =	simm.s32 $0x480  }
0x4c: {  	[spmem:s2] =	stream.indirect.scatter.add.f32 [tilespmem:s12], [sflag:$0x1], $0x1, s28, s11, $0xb8;
	[tilespmem:$0x5580] =	vst v63  }
0x4d: {  	s29 =	simm.s32 $0x500  }
0x4e: {  	[spmem:s2] =	stream.indirect.scatter.add.f32 [tilespmem:s12], [sflag:$0x1], $0x1, s29, s11, $0xb8;
	[tilespmem:$0x5580] =	vst v63  }
0x4f: {  	s30 =	simm.s32 $0x580  }
0x50: {  	[spmem:s2] =	stream.indirect.scatter.add.f32 [tilespmem:s12], [sflag:$0x1], $0x1, s30, s11, $0xb8;
	[tilespmem:$0x5580] =	vst v63  }
0x51: {  	s31 =	simm.s32 $0x600  }
0x52: {  	[spmem:s2] =	stream.indirect.scatter.add.f32 [tilespmem:s12], [sflag:$0x1], $0x1, s31, s11, $0xb8;
	[tilespmem:$0x5580] =	vst v63  }
0x53: {  	_ =	swait.ge [sflag:s13], $0x40  }
0x54: {  	[sflag:s13] =	ssyncset.done $0x0  }
0x55: {  	[sflag:s13] =	ssyncadd.s32 $0xFFFFFFC0  }
0x56: {  	_ =	swait.ge [sflag:s13], $0x40  }
0x57: {  	[sflag:s13] =	ssyncset.done $0x0  }
0x58: {  	[sflag:s13] =	ssyncadd.s32 $0xFFFFFFC0  }
0x59: {  	_ =	swait.ge [sflag:s13], $0x40  }
0x5a: {  	[sflag:s13] =	ssyncset.done $0x0  }
0x5b: {  	[sflag:s13] =	ssyncadd.s32 $0xFFFFFFC0  }
0x5c: {  	_ =	swait.ge [sflag:s13], $0x40  }
0x5d: {  	[sflag:s13] =	ssyncset.done $0x0  }
0x5e: {  	[sflag:s13] =	ssyncadd.s32 $0xFFFFFFC0  }
0x5f: {  	_ =	swait.ge [sflag:s13], $0x40  }
0x60: {  	[sflag:s13] =	ssyncset.done $0x0  }
0x61: {  	[sflag:s13] =	ssyncadd.s32 $0xFFFFFFC0  }
0x62: {  	_ =	swait.ge [sflag:s13], $0x40  }
0x63: {  	[sflag:s13] =	ssyncset.done $0x0  }
0x64: {  	[sflag:s13] =	ssyncadd.s32 $0xFFFFFFC0  }
0x65: {  	_ =	swait.ge [sflag:s13], $0x40  }
0x66: {  	[sflag:s13] =	ssyncset.done $0x0  }
0x67: {  	[sflag:s13] =	ssyncadd.s32 $0xFFFFFFC0  }
0x68: {  	_ =	swait.ge [sflag:s13], $0x40  }
0x69: {  	s22 =	simm.s32 $0x2000;
	s21 =	simm.s32 $0x400;
	[sflag:s13] =	ssyncset.done $0x0  }
.LBB2_2:
0x6a: {  	s23 =	sadd.s32 $0x280, s21  }
0x6b: {  	[sflag:s13] =	ssyncadd.s32 $0xFFFFFFC0;
	s20 =	smov.u32 s22;
	s19 =	sadd.s32 $0x1000, s22  }
0x6c: {  	[spmem:s2] =	stream.indirect.scatter.add.f32 [tilespmem:s12], [sflag:$0x1], $0x1, s23, s11, $0xb8;
	[tilespmem:$0x5580] =	vst v63  }
0x6d: {  	p0 =	sne.s32 s22, $0x13000;
	s22 =	sadd.s32 $0x300, s21  }
0x6e: {  	[spmem:s2] =	stream.indirect.scatter.add.f32 [tilespmem:s12], [sflag:$0x1], $0x1, s22, s11, $0xb8;
	[tilespmem:$0x5580] =	vst v63  }
0x6f: {  	s22 =	sadd.s32 $0x380, s21  }
0x70: {  	[spmem:s2] =	stream.indirect.scatter.add.f32 [tilespmem:s12], [sflag:$0x1], $0x1, s22, s11, $0xb8;
	[tilespmem:$0x5580] =	vst v63  }
0x71: {  	s22 =	sadd.s32 $0x400, s21  }
0x72: {  	[spmem:s2] =	stream.indirect.scatter.add.f32 [tilespmem:s12], [sflag:$0x1], $0x1, s22, s11, $0xb8;
	[tilespmem:$0x5580] =	vst v63  }
0x73: {  	s22 =	sadd.s32 $0x480, s21  }
0x74: {  	[spmem:s2] =	stream.indirect.scatter.add.f32 [tilespmem:s12], [sflag:$0x1], $0x1, s22, s11, $0xb8;
	[tilespmem:$0x5580] =	vst v63  }
0x75: {  	s22 =	sadd.s32 $0x500, s21  }
0x76: {  	[spmem:s2] =	stream.indirect.scatter.add.f32 [tilespmem:s12], [sflag:$0x1], $0x1, s22, s11, $0xb8;
	[tilespmem:$0x5580] =	vst v63  }
0x77: {  	s22 =	sadd.s32 $0x580, s21  }
0x78: {  	[spmem:s2] =	stream.indirect.scatter.add.f32 [tilespmem:s12], [sflag:$0x1], $0x1, s22, s11, $0xb8;
	[tilespmem:$0x5580] =	vst v63  }
0x79: {  	s21 =	sadd.s32 $0x600, s21  }
0x7a: {  	[spmem:s2] =	stream.indirect.scatter.add.f32 [tilespmem:s12], [sflag:$0x1], $0x1, s21, s11, $0xb8;
	[tilespmem:$0x5580] =	vst v63  }
0x7b: {  	_ =	swait.ge [sflag:s13], $0x40  }
0x7c: {  	[sflag:s13] =	ssyncset.done $0x0  }
0x7d: {  	[sflag:s13] =	ssyncadd.s32 $0xFFFFFFC0  }
0x7e: {  	_ =	swait.ge [sflag:s13], $0x40  }
0x7f: {  	[sflag:s13] =	ssyncset.done $0x0  }
0x80: {  	[sflag:s13] =	ssyncadd.s32 $0xFFFFFFC0  }
0x81: {  	_ =	swait.ge [sflag:s13], $0x40  }
0x82: {  	[sflag:s13] =	ssyncset.done $0x0  }
0x83: {  	[sflag:s13] =	ssyncadd.s32 $0xFFFFFFC0  }
0x84: {  	_ =	swait.ge [sflag:s13], $0x40  }
0x85: {  	[sflag:s13] =	ssyncset.done $0x0  }
0x86: {  	[sflag:s13] =	ssyncadd.s32 $0xFFFFFFC0  }
0x87: {  	_ =	swait.ge [sflag:s13], $0x40  }
0x88: {  	[sflag:s13] =	ssyncset.done $0x0  }
0x89: {  	[sflag:s13] =	ssyncadd.s32 $0xFFFFFFC0  }
0x8a: {  	_ =	swait.ge [sflag:s13], $0x40  }
0x8b: {  	[sflag:s13] =	ssyncset.done $0x0  }
0x8c: {  	[sflag:s13] =	ssyncadd.s32 $0xFFFFFFC0  }
.Ltmp0:
0x8d: {  	_ =	swait.ge [sflag:s13], $0x40;
	(pc) =	sbr.rel @p0 .LBB2_2-.Ltmp0, $4  }
0x8e: {  	[sflag:s13] =	ssyncset.done $0x0  }
0x8f: {  	[sflag:s13] =	ssyncadd.s32 $0xFFFFFFC0  }
0x90: {  	_ =	swait.ge [sflag:s13], $0x40  }
0x91: {  	s22 =	smov.u32 s19;
	s21 =	sshra.s32 s20, $0x2;
	[sflag:s13] =	ssyncset.done $0x0  }
0x92: {  	s19 =	sadd.s32 $0x280, s21;
	[sflag:s13] =	ssyncadd.s32 $0xFFFFFFC0  }
0x93: {  	[spmem:s2] =	stream.indirect.scatter.add.f32 [tilespmem:s12], [sflag:$0x1], $0x1, s19, s11, $0xb8;
	[tilespmem:$0x5580] =	vst v63  }
0x94: {  	s24 =	sadd.s32 $0x300, s21  }
0x95: {  	[spmem:s2] =	stream.indirect.scatter.add.f32 [tilespmem:s12], [sflag:$0x1], $0x1, s24, s11, $0xb8;
	[tilespmem:$0x5580] =	vst v63  }
0x96: {  	s25 =	sadd.s32 $0x380, s21  }
0x97: {  	[spmem:s2] =	stream.indirect.scatter.add.f32 [tilespmem:s12], [sflag:$0x1], $0x1, s25, s11, $0xb8;
	[tilespmem:$0x5580] =	vst v63  }
0x98: {  	s26 =	sadd.s32 $0x400, s21  }
0x99: {  	[spmem:s2] =	stream.indirect.scatter.add.f32 [tilespmem:s12], [sflag:$0x1], $0x1, s26, s11, $0xb8;
	[tilespmem:$0x5580] =	vst v63  }
0x9a: {  	s28 =	sadd.s32 $0x480, s21  }
0x9b: {  	[spmem:s2] =	stream.indirect.scatter.add.f32 [tilespmem:s12], [sflag:$0x1], $0x1, s28, s11, $0xb8;
	[tilespmem:$0x5580] =	vst v63  }
0x9c: {  	s29 =	sadd.s32 $0x500, s21  }
0x9d: {  	[spmem:s2] =	stream.indirect.scatter.add.f32 [tilespmem:s12], [sflag:$0x1], $0x1, s29, s11, $0xb8;
	[tilespmem:$0x5580] =	vst v63  }
0x9e: {  	s30 =	sadd.s32 $0x580, s21  }
0x9f: {  	[spmem:s2] =	stream.indirect.scatter.add.f32 [tilespmem:s12], [sflag:$0x1], $0x1, s30, s11, $0xb8;
	[tilespmem:$0x5580] =	vst v63  }
0xa0: {  	s31 =	sadd.s32 $0x600, s21  }
0xa1: {  	[spmem:s2] =	stream.indirect.scatter.add.f32 [tilespmem:s12], [sflag:$0x1], $0x1, s31, s11, $0xb8;
	[tilespmem:$0x5580] =	vst v63  }
0xa2: {  	_ =	swait.ge [sflag:s13], $0x40  }
0xa3: {  	[sflag:s13] =	ssyncset.done $0x0  }
0xa4: {  	[sflag:s13] =	ssyncadd.s32 $0xFFFFFFC0  }
0xa5: {  	_ =	swait.ge [sflag:s13], $0x40  }
0xa6: {  	[sflag:s13] =	ssyncset.done $0x0  }
0xa7: {  	[sflag:s13] =	ssyncadd.s32 $0xFFFFFFC0  }
0xa8: {  	_ =	swait.ge [sflag:s13], $0x40  }
0xa9: {  	[sflag:s13] =	ssyncset.done $0x0  }
0xaa: {  	[sflag:s13] =	ssyncadd.s32 $0xFFFFFFC0  }
0xab: {  	_ =	swait.ge [sflag:s13], $0x40  }
0xac: {  	[sflag:s13] =	ssyncset.done $0x0  }
0xad: {  	[sflag:s13] =	ssyncadd.s32 $0xFFFFFFC0  }
0xae: {  	_ =	swait.ge [sflag:s13], $0x40  }
0xaf: {  	[sflag:s13] =	ssyncset.done $0x0  }
0xb0: {  	[sflag:s13] =	ssyncadd.s32 $0xFFFFFFC0  }
0xb1: {  	_ =	swait.ge [sflag:s13], $0x40  }
0xb2: {  	[sflag:s13] =	ssyncset.done $0x0  }
0xb3: {  	[sflag:s13] =	ssyncadd.s32 $0xFFFFFFC0  }
0xb4: {  	_ =	swait.ge [sflag:s13], $0x40  }
0xb5: {  	[sflag:s13] =	ssyncset.done $0x0  }
0xb6: {  	[sflag:s13] =	ssyncadd.s32 $0xFFFFFFC0  }
0xb7: {  	_ =	swait.ge [sflag:s13], $0x40  }
0xb8: {  	s18 =	sadd.s32 $0x1, s18;
	[sflag:s13] =	ssyncset.done $0x0  }
0xb9: {  	p0 =	sne.s32 s18, s7;
	[sflag:s13] =	ssyncadd.s32 $0xFFFFFFC0  }
.Ltmp1:
0xba: {  	[bflag:$0x0] =	sbarrier.arrive $0xFFFF;
	(pc) =	sbr.rel @p0 .LBB2_1-.Ltmp1, $4  }
0xbb: {  	[hbm:s6@s16], [sflag:s14] =	dma.strided [spmem:s15@s17], $0x50, s13, $0x10   }
0xbc: {  	_ =	swait.ge [sflag:s9], $0x50  }
0xbd: {  	[sflag:s9] =	ssyncset.done $0x0  }
0xbe: {  	[sflag:s9] =	ssyncadd.s32 $0xFFFFFFB0  }
0xbf: {  	_ =	sfence.sel $0x180000  }
0xc0: {  	[bflag:$0x0] =	sbarrier.arrive $0xFFFF  }
0xc1: {  	p0 =	sne.s32 s0, $0x0;
	_ =	strace $0x90000047  }
0xc2: {  	s0 =	sadd.s32 @!p0 $0x100000, s1;
	[bflag:$0x2] =	sbarrier.arrive $0xFFFF  }
0xc3: {  	[sflag:s0] =	ssyncadd.tile.s32 @!p0 $0x1;
	_ =	shalt  }
.Lfunc_end2:
_tile_overlayer_lowered:
.L_overlay_start_2:
0xc4: {  	(tag) =	ssettag $0x2  }
0xc5: {  	s0 =	rddreg [dreg:$0x0];
	s2 =	stileid.u32  }
0xc6: {  	s1 =	rddreg [dreg:$0x1];
	p0 =	sne.s32 s2, $0x0  }
0xc7: {  	s3 =	rddreg [dreg:$0x2];
	[bflag:$0x3] =	sbarrier.arrive $0xFFFF;
	s2 =	simm.s32 @!p0 $0x1C02  }
0xc8: {  	[timem:s3], [sflag:s2] =	dma.local @!p0 [hbm:s0], s1  }
0xc9: {  	s0 =	simm.s32 @!p0 $0x2  }
0xca: {  	_ =	swait.ge @!p0 [sflag:s0], s1  }
0xcb: {  	s1 =	ssub.s32 @!p0 $0x0, s1;
	[sflag:s0] =	ssyncset.done @!p0 $0x0  }
0xcc: {  	[sflag:s0] =	ssyncadd.s32 @!p0 s1  }
0xcd: {  	[bflag:$0x3] =	sbarrier.arrive $0xFFFF  }
0xce: {  	_ =	shalt  }

// kernel: kernel.9.cloned.1.call-start
scs
__scs_entry_jumppad:
0x0: {  	(pc) =	sbr.rel $0x88, $3  }
0x1: {  	(tag) =	ssettag $0x0;
	lr =	simm.s32 $0x1  }
0x2: {  	[smem:$0x3F9A] =	sst lr;
	_ =	strace $0xD0000000  }
0x3: {  	_ = 	snop  }
0x4: {  	_ = 	snop  }
0x5: {  	_ = 	snop  }
0x6: {  	_ = 	snop  }
0x7: {  	_ = 	snop  }
__scs_overlays_trampoline_lowered:
0x8: {  	[smem:$0x3FA9] =	sst s0  }
0x9: {  	[smem:$0x3FAA] =	sst s1  }
0xa: {  	[smem:$0x3FAB] =	sst s2  }
0xb: {  	[smem:$0x3FAC] =	sst s3  }
0xc: {  	[smem:$0x3FAD] =	sst s4  }
0xd: {  	[smem:$0x3FAE] =	sst s5  }
0xe: {  	[smem:$0x3FAF] =	sst s6  }
0xf: {  	[smem:$0x3FB0] =	sst s7  }
0x10: {  	[smem:$0x3FB1] =	sst s8  }
0x11: {  	[smem:$0x3FB2] =	sst s9;
	s0 =	simm.s32 @!p0 $0x0  }
0x12: {  	s1 =	sld [smem:$0x3F98];
	s0 =	simm.s32 @p0 $0x1  }
0x13: {  	[smem:$0x3FB3] =	sst s0;
	s0 =	simm.s32 @!p1 $0x0  }
0x14: {  	s2 =	sld [smem:$0x3F97];
	s0 =	simm.s32 @p1 $0x1  }
0x15: {  	[smem:$0x3FB4] =	sst s0;
	s0 =	simm.s32 @!p2 $0x0  }
0x16: {  	s3 =	sld [smem:$0x3FDB];
	s0 =	simm.s32 @p2 $0x1  }
0x17: {  	s4 =	simm.s32 $0x1BF5;
	[smem:$0x3FB6] =	sst s0  }
0x18: {  	s0 =	sld [smem:$0x3F99];
	_ =	swait.ge [sflag:s4], $0x0  }
0x19: {  	s7 =	sld [smem:$0x3F9A]  }
0x1a: {  	s8 =	sadd.s32 $0xFFFFE003, lr  }
0x1b: {  	s9 =	sadd.s32 $0xFFFFFEF7, lr;
	s5 =	simm.s32 $0xFFFFFFFF;
	p2 =	slt.u32 s8, $0xFFFFF086  }
0x1c: {  	p1 =	slt.u32 s9, $0xF7A;
	s5 =	simm.s32 @!p2 $0x0  }
0x1d: {  	s5 =	simm.s32 @p1 $0x1;
	p0 =	seq.s32 s7, s2  }
0x1e: {  	s7 =	smul.u32 @!p0 $0xF7A, s2;
	p2 =	seq.s32 @!p0 s5, $0x0  }
0x1f: {  	s9 =	smul.u32 $0xF7A, s1;
	s8 =	simm.s32 @!p0 $0x1BF5;
	p2 =	por !p2, p0  }
0x20: {  	[sflag:s8] =	ssyncset.s32 @!p0 $0xFFFFF086;
	s6 =	sadd.s32 @!p0 s3, s7;
	s7 =	simm.s32 @!p0 $0x108  }
0x21: {  	s3 =	sadd.s32 s3, s9;
	s6 =	sadd.s32 @!p0 $0x88, s6;
	s7 =	simm.s32 @p2 $0x1082  }
0x22: {  	[simem:s7], [sflag:s8] =	dma.local @!p0 [hbm:s6], $0xF7A  }
0x23: {  	s9 =	sor.u32 $0xD0000000, s2;
	s6 =	simm.s32 $0x108;
	_ =	swait.ge @!p0 [sflag:s8], $0x0  }
0x24: {  	s3 =	sadd.s32 $0x88, s3;
	s6 =	simm.s32 @!p1 $0x1082;
	[sflag:s4] =	ssyncset.s32 $0xFFFFF086  }
0x25: {  	[simem:s6], [sflag:s4] =	dma.local [hbm:s3], $0xF7A  }
0x26: {  	[smem:$0x3F9A] =	sst s1;
	(tag) =	ssettag s2;
	_ =	strace s9  }
0x27: {  	s1 =	sld [smem:$0x3FAA]  }
0x28: {  	s2 =	sld [smem:$0x3FAB]  }
0x29: {  	s4 =	sld [smem:$0x3FAD]  }
0x2a: {  	p0 =	seq.s32 s5, $0x0;
	s5 =	sld [smem:$0x3FAE]  }
0x2b: {  	s6 =	sld [smem:$0x3FAF]  }
0x2c: {  	s7 =	sld [smem:$0x3FB0]  }
0x2d: {  	s3 =	simm.s32 $0x108;
	s8 =	sld [smem:$0x3FB1]  }
0x2e: {  	s3 =	simm.s32 @!p0 $0x1082;
	s9 =	sld [smem:$0x3FB2]  }
0x2f: {  	lr =	sadd.s32 s0, s3;
	s0 =	sld [smem:$0x3FA9]  }
0x30: {  	s3 =	sld [smem:$0x3FAC]  }
0x31: {  	[smem:$0x3FB5] =	sst s10  }
0x32: {  	s10 =	sld [smem:$0x3FB3];
	_ =	sdelay $0x3  }
0x33: {  	p0 =	seq.s32 s10, $0x1;
	s10 =	sld [smem:$0x3FB5];
	_ =	sdelay $0x3  }
0x34: {  	[smem:$0x3FB5] =	sst s10  }
0x35: {  	s10 =	sld [smem:$0x3FB4];
	_ =	sdelay $0x3  }
0x36: {  	p1 =	seq.s32 s10, $0x1;
	s10 =	sld [smem:$0x3FB5];
	_ =	sdelay $0x3  }
0x37: {  	[smem:$0x3FB5] =	sst s10  }
0x38: {  	s10 =	sld [smem:$0x3FB6]  }
0x39: {  	_ = 	snop;
	(pc) =	sbr.ind lr, $3  }
0x3a: {  	_ = 	snop  }
0x3b: {  	_ = 	snop  }
0x3c: {  	p2 =	seq.s32 s10, $0x1;
	s10 =	sld [smem:$0x3FB5]  }
0x3d: {  	_ =	shalt  }
0x3e: {  	_ =	shalt  }
0x3f: {  	_ =	shalt  }
0x40: {  	_ =	shalt  }
0x41: {  	_ =	shalt  }
0x42: {  	_ =	shalt  }
0x43: {  	_ =	shalt  }
0x44: {  	_ =	shalt  }
0x45: {  	_ =	shalt  }
0x46: {  	_ =	shalt  }
0x47: {  	_ =	shalt  }
0x48: {  	_ =	shalt  }
0x49: {  	_ =	shalt  }
0x4a: {  	_ =	shalt  }
0x4b: {  	_ =	shalt  }
0x4c: {  	_ =	shalt  }
0x4d: {  	_ =	shalt  }
0x4e: {  	_ =	shalt  }
0x4f: {  	_ =	shalt  }
0x50: {  	_ =	shalt  }
0x51: {  	_ =	shalt  }
0x52: {  	_ =	shalt  }
0x53: {  	_ =	shalt  }
0x54: {  	_ =	shalt  }
0x55: {  	_ =	shalt  }
0x56: {  	_ =	shalt  }
0x57: {  	_ =	shalt  }
0x58: {  	_ =	shalt  }
0x59: {  	_ =	shalt  }
0x5a: {  	_ =	shalt  }
0x5b: {  	_ =	shalt  }
0x5c: {  	_ =	shalt  }
0x5d: {  	_ =	shalt  }
0x5e: {  	_ =	shalt  }
0x5f: {  	_ =	shalt  }
0x60: {  	_ =	shalt  }
0x61: {  	_ =	shalt  }
0x62: {  	_ =	shalt  }
0x63: {  	_ =	shalt  }
0x64: {  	_ =	shalt  }
0x65: {  	_ =	shalt  }
0x66: {  	_ =	shalt  }
0x67: {  	_ =	shalt  }
0x68: {  	_ =	shalt  }
0x69: {  	_ =	shalt  }
0x6a: {  	_ =	shalt  }
0x6b: {  	_ =	shalt  }
0x6c: {  	_ =	shalt  }
0x6d: {  	_ =	shalt  }
0x6e: {  	_ =	shalt  }
0x6f: {  	_ =	shalt  }
0x70: {  	_ =	shalt  }
0x71: {  	_ =	shalt  }
0x72: {  	_ =	shalt  }
0x73: {  	_ =	shalt  }
0x74: {  	_ =	shalt  }
0x75: {  	_ =	shalt  }
0x76: {  	_ =	shalt  }
0x77: {  	_ =	shalt  }
0x78: {  	_ =	shalt  }
0x79: {  	_ =	shalt  }
0x7a: {  	_ =	shalt  }
0x7b: {  	_ =	shalt  }
0x7c: {  	_ =	shalt  }
0x7d: {  	_ =	shalt  }
0x7e: {  	_ =	shalt  }
0x7f: {  	_ =	shalt  }
0x80: {  	_ =	shalt  }
0x81: {  	_ =	shalt  }
0x82: {  	_ =	shalt  }
0x83: {  	_ =	shalt  }
0x84: {  	_ =	shalt  }
0x85: {  	_ =	shalt  }
0x86: {  	_ =	shalt  }
0x87: {  	_ =	shalt  }
.Lfunc_end0:
.L_simem_size_0:
called_computation.1_lowered:
.L_overlay_start_0:
0x88: {  	s2 =	sld [smem:$0x3FD9]  }
0x89: {  	s3 =	sld [smem:$0x3FFE];
	_ =	sdelay $0x1  }
0x8a: {  	s1 =	srdreg.scid  }
0x8b: {  	s0 =	sand.u32 $0x1, s1  }
0x8c: {  	s16 =	sshll.u32 s0, $0xA;
	s2 =	sadd.s32 s3, s2  }
0x8d: {  	s2 =	sadd.s32 s2, s16  }
0x8e: {  	[smem:$0x3FC1] =	sst s2  }
0x8f: {  	_ = 	snop  }
0x90: {  	(tm) =	ssettm $0x1  }
0x91: {  	s17 =	sld [smem:$0x3FFB];
	_ =	sdelay $0x3  }
0x92: {  	_ =	strace s17  }
0x93: {  	s2 =	sld [smem:$0x3FFC];
	_ =	sdelay $0x3  }
0x94: {  	_ =	strace s2  }
0x95: {  	s2 =	sld [smem:$0x3FFD];
	_ =	sdelay $0x3  }
0x96: {  	_ =	strace s2  }
0x97: {  	_ =	strace $0x8FFFFFFF  }
0x98: {  	s18 =	sld [smem:$0x3FDB];
	_ =	sdelay $0x1  }
0x99: {  	s19 =	simm.s32 $_scs_section_size  }
0x9a: {  	s4 =	simm.s32 $_size__tile_overlayer_lowered;
	s5 =	simm.s32 $_tile_overlayer_lowered  }
0x9b: {  	s22 =	simm.s32 $0x1BFF;
	s21 =	sshll.u32 s5, $0x1;
	s2 =	sadd.s32 s19, s18  }
0x9c: {  	s6 =	simm.s32 $0x0;
	s20 =	sshll.u32 s4, $0x1;
	s4 =	sadd.s32 s21, s2  }
0x9d: {  	[timem:s6], [sflag:s22] =	dma.local [hbm:s4], s20  }
0x9e: {  	_ =	swait.ge [sflag:s22], s20  }
0x9f: {  	s3 =	ssub.s32 $0x0, s20;
	[sflag:s22] =	ssyncset.done $0x0  }
0xa0: {  	[sflag:s22] =	ssyncadd.s32 s3;
	_ =	sdelay $0x1  }
0xa1: {  	s23 =	simm.s32 $0x1B8B  }
0xa2: {  	_ =	swait.ge [sflag:s23], $0x1  }
0xa3: {  	[sflag:s23] =	ssyncset.done $0x0  }
0xa4: {  	s25 =	simm.s32 $0x1B8E;
	s24 =	sld [smem:$0x3FFE];
	[sflag:s23] =	ssyncadd.s32 $0xFFFFFFFF  }
0xa5: {  	s26 =	simm.s32 $execute0_lowered;
	[smem:$0x3FD2] =	sst s25  }
0xa6: {  	s4 =	sshll.u32 s26, $0x1;
	_ =	strace $0x80000049;
	[dreg:$0x1] =	wrdreg $0xFFFFFFFF  }
0xa7: {  	s28 =	simm.s32 $_size_execute0_lowered;
	s2 =	sadd.s32 s2, s4;
	[dreg:$0x0] =	wrdreg $0x0  }
0xa8: {  	s4 =	sshll.u32 s28, $0x1;
	[dreg:$0x2] =	wrdreg s2  }
0xa9: {  	[dreg:$0x3] =	wrdreg s4  }
0xaa: {  	[dreg:$0x4] =	wrdreg $0xC0  }
0xab: {  	_ =	task [dreg:s6], $0x5FFFF  }
0xac: {  	[dreg:$0x1] =	wrdreg $0xFFFFFFFF  }
0xad: {  	[dreg:$0x0] =	wrdreg $0x60  }
0xae: {  	[dreg:$0x2] =	wrdreg s24  }
0xaf: {  	[dreg:$0x3] =	wrdreg $0x0  }
0xb0: {  	[dreg:$0x4] =	wrdreg $0x9  }
0xb1: {  	_ =	task.clear_ibuf [dreg:s6], $0x5FFFF;
	_ =	strace $0x90000049  }
0xb2: {  	s29 =	simm.s32 $0x9;
	_ =	strace $0x8000004B  }
0xb3: {  	_ =	swait.ge [sflag:s29], $0x1  }
0xb4: {  	[sflag:s29] =	ssyncadd.s32 $0xFFFFFFFF  }
0xb5: {  	_ =	strace $0x9000004B  }
0xb6: {  	_ =	sfence  }
0xb7: {  	s30 =	sld [smem:$0x0];
	_ =	sdelay $0x2  }
0xb8: {  	s31 =	sshll.u32 s1, $0xD;
	s1 =	sshrl.u32 s1, $0x2  }
0xb9: {  	s3 =	sand.u32 $0x4000, s31;
	s1 =	sadd.s32 s1, s30  }
0xba: {  	s0 =	sor.u32 s3, s0;
	s1 =	sshll.u32 s1, $0x11  }
0xbb: {  	s0 =	sor.u32 s1, s0  }
0xbc: {  	s0 =	sadd.s32 $0x8F2B, s0  }
0xbd: {  	[sflag:s0] =	ssyncadd.remote.s32 $0x1  }
0xbe: {  	_ =	sfence.sel $0xFFFF  }
0xbf: {  	[dreg:$0x0] =	wrdreg $0xFFFFFFFF;
	(pc) =	sbr.abs _section_cstart, $3  }
0xc0: {  	[dreg:$0x1] =	wrdreg $0xFFFFFFFF  }
0xc1: {  	_ =	task.clear_ibuf [dreg:s6], $0x2FFFF;
	_ =	strace $0x9FFFFFFF  }
0xc2: {  	(tm) =	ssettm $0x7FFFFFFF  }
0xc3: {  	_ =	shalt  }
tec
execute0_lowered:
.L_overlay_start_1:
0x0: {  	(tag) =	ssettag $0x1  }
0x1: {  	s0 =	rddreg [dreg:$0x0]  }
0x2: {  	s1 =	rddreg [dreg:$0x1];
	s2 =	srdreg.scid  }
0x3: {  	s3 =	simm.s32 $0x0;
	s11 =	stileid.u32;
	s29 =	simm.s32 $0xD  }
0x4: {  	s30 =	simm.s32 $0x1C080;
	s2 =	sand.u32 $0x1, s2;
	s7 =	smul.u32 $0x14000, s11  }
0x5: {  	[smem:$0x7FF] =	sst s3;
	s4 =	sadd.s32 $0x16A00, s0;
	s9 =	smul.u32 $0x50000, s11  }
0x6: {  	s5 =	sadd.s32 $0x2AA00, s0;
	s6 =	smul.u32 $0x140000, s2;
	_ =	strace $0x8000004A  }
0x7: {  	s31 =	ssub.s32 $0x2, s2;
	s2 =	sshll.u32 s2, $0x4;
	s9 =	sshrl.u32 s9, $0x2  }
0x8: {  	s10 =	sshrl.u32 s31, $0x1;
	s2 =	sor.u32 s11, s2;
	s28 =	sadd.s32 s9, s1  }
0x9: {  	s11 =	simm.s32 $0x9;
	s12 =	sadd.s32 $0x2000, s28;
	[dreg:$0x3] =	wrdreg s28  }
0xa: {  	s7 =	sadd.s32 s7, s6;
	s13 =	sadd.s32 $0x4000, s28;
	[dreg:$0x4] =	wrdreg s12  }
0xb: {  	s6 =	sadd.s32 $0x3EA00, s0;
	s14 =	sadd.s32 $0x6000, s28;
	[dreg:$0x5] =	wrdreg s13  }
0xc: {  	s9 =	smul.u32 $0xA0, s2;
	s15 =	sadd.s32 $0x8000, s28;
	[dreg:$0x6] =	wrdreg s14  }
0xd: {  	s2 =	smul.u32 $0xA00, s2;
	s16 =	sadd.s32 $0xA000, s28;
	[dreg:$0x7] =	wrdreg s15  }
0xe: {  	s8 =	sshrl.u32 s7, $0x3;
	s17 =	sadd.s32 $0xC000, s28;
	[dreg:$0x8] =	wrdreg s16  }
0xf: {  	s7 =	sadd.s32 $0x52A00, s0;
	s18 =	sadd.s32 $0xE000, s28;
	[dreg:$0x9] =	wrdreg s17  }
0x10: {  	s19 =	sadd.s32 $0x10000, s28;
	s0 =	sadd.s32 s8, s0;
	[dreg:$0xa] =	wrdreg s18  }
0x11: {  	s8 =	ssub.s32 s31, s10;
	[dreg:$0xb] =	wrdreg s19;
	s20 =	sadd.s32 s4, s2  }
0x12: {  	s21 =	sor.u32 $0x10, s2;
	s22 =	sadd.s32 s5, s2;
	s2 =	sadd.s32 s6, s2  }
0x13: {  	s31 =	sadd.s32 $0x12000, s28;
	s12 =	simm.s32 $0x40;
	s13 =	simm.s32 $0x2  }
0x14: {  	s15 =	simm.s32 $0x5;
	s16 =	simm.s32 $0x1C100;
	[dreg:$0xc] =	wrdreg s20  }
0x15: {  	s17 =	simm.s32 $0x1C300;
	s19 =	simm.s32 $0x3;
	[dreg:$0xd] =	wrdreg s22  }
0x16: {  	s10 =	simm.s32 $0x8;
	s18 =	simm.s32 $0xA;
	[dreg:$0xe] =	wrdreg s2  }
0x17: {  	s14 =	simm.s32 $0x0;
	s23 =	sadd.s32 s4, s21;
	[dreg:$0x14] =	wrdreg s31  }
0x18: {  	s24 =	sadd.s32 s5, s21;
	s25 =	sadd.s32 s6, s21;
	[dreg:$0xf] =	wrdreg s23  }
.Ltmp0:
0x19: {  	s0 =	sadd.s32 $0x79C00, s0;
	[dreg:$0x10] =	wrdreg s24;
	(pc) =	sbr.rel .LBB2_1-.Ltmp0, $4  }
0x1a: {  	s26 =	smax.u32 s8, $0x1;
	s20 =	simm.s32 $0x18000;
	[dreg:$0x11] =	wrdreg s25  }
0x1b: {  	s21 =	simm.s32 $0x6;
	s22 =	simm.s32 $0x1C180;
	[dreg:$0x12] =	wrdreg s0  }
0x1c: {  	s8 =	simm.s32 $0x7;
	[dreg:$0x13] =	wrdreg s26;
	s0 =	simm.s32 $0x1C400  }
0x1d: {  	v0 =	vimm.f32 $0.0e+00;
	s23 =	simm.s32 $0x1C380;
	s25 =	simm.s32 $0x4;
	s26 =	simm.s32 $0x1A000  }
.LBB2_14:
0x1e: {  	s2 =	simm.s32 $0xB  }
0x1f: {  	_ =	swait.ge [sflag:s2], $0x2000  }
0x20: {  	[sflag:s2] =	ssyncset.done $0x0  }
0x21: {  	s31 =	simm.s32 $0xC;
	[sflag:s2] =	ssyncadd.s32 $0xFFFFE000  }
0x22: {  	_ =	swait.ge [sflag:s31], $0x2000  }
0x23: {  	[sflag:s31] =	ssyncset.done $0x0  }
0x24: {  	[sflag:s31] =	ssyncadd.s32 $0xFFFFE000  }
0x25: {  	s14 =	stileid.u32;
	[bflag:$0x0] =	sbarrier.arrive $0xFFFF  }
0x26: {  	s29 =	simm.s32 $0xD;
	s2 =	sshll.u32 s14, $0x6;
	s28 =	rddreg [dreg:$0x3]  }
0x27: {  	s2 =	sor.u32 $0x1C0D, s2;
	s24 =	rddreg [dreg:$0x12];
	s14 =	sshrl.u32 s28, $0x3  }
0x28: {  	[hbm:s24], [sflag:s2] =	dma.local [spmem:s14], $0x2800  }
0x29: {  	_ =	swait.ge [sflag:s29], $0x2800  }
0x2a: {  	s24 =	rddreg [dreg:$0x15]  }
0x2b: {  	s31 =	rddreg [dreg:$0x13];
	s14 =	sadd.s32 $0x1, s24  }
0x2c: {  	p0 =	sne.s32 s14, s31  }
.Ltmp1:
0x2d: {  	_ = 	snop;
	(pc) =	sbr.rel @!p0 .LBB2_15-.Ltmp1, $3  }
0x2e: {  	_ =	sdelay $0x1  }
0x2f: {  	[sflag:s29] =	ssyncset.done $0x0  }
0x30: {  	[sflag:s29] =	ssyncadd.s32 $0xFFFFD800  }
.LBB2_1:
0x31: {  	[dreg:$0x15] =	wrdreg s14;
	s2 =	simm.s32 $0x0;
	s24 =	simm.s32 $0x200  }
.LBB2_2:
0x32: {  	p0 =	sne.s32 s24, $0x7E00;
	[tilespmem:s2+$0x14070] =	vst v0  }
0x33: {  	[tilespmem:s2+$0x14000] =	vst v0  }
0x34: {  	[tilespmem:s2+$0x14010] =	vst v0  }
.Ltmp2:
0x35: {  	[tilespmem:s2+$0x14020] =	vst v0;
	(pc) =	sbr.rel @p0 .LBB2_2-.Ltmp2, $4  }
0x36: {  	[tilespmem:s2+$0x14030] =	vst v0  }
0x37: {  	[tilespmem:s2+$0x14040] =	vst v0  }
0x38: {  	[tilespmem:s2+$0x14050] =	vst v0  }
0x39: {  	[tilespmem:s2+$0x14060] =	vst v0;
	s2 =	sshra.s32 s24, $0x2;
	s24 =	sadd.s32 $0x200, s24  }
0x3a: {  	[tilespmem:s2+$0x14070] =	vst v0  }
0x3b: {  	[tilespmem:s2+$0x14000] =	vst v0  }
0x3c: {  	[tilespmem:s2+$0x14010] =	vst v0  }
0x3d: {  	[tilespmem:s2+$0x14020] =	vst v0  }
0x3e: {  	[tilespmem:s2+$0x14030] =	vst v0  }
0x3f: {  	[tilespmem:s2+$0x14040] =	vst v0  }
0x40: {  	[tilespmem:s2+$0x14050] =	vst v0  }
0x41: {  	[tilespmem:s2+$0x14060] =	vst v0;
	s14 =	simm.s32 $0x14000  }
0x42: {  	[spmem:s28] =	stream.linear.scatter [tilespmem:s14], [sflag:$0xD], $0x2000, $0x38;
	[tilespmem:$0x1C600] =	vst v63  }
0x43: {  	_ =	swait.ge [sflag:s29], $0x2000  }
0x44: {  	[sflag:s29] =	ssyncset.done $0x0  }
0x45: {  	s28 =	rddreg [dreg:$0x4];
	[sflag:s29] =	ssyncadd.s32 $0xFFFFE000  }
0x46: {  	[spmem:s28] =	stream.linear.scatter [tilespmem:s14], [sflag:$0xD], $0x2000, $0x38;
	[tilespmem:$0x1C600] =	vst v63  }
0x47: {  	_ =	swait.ge [sflag:s29], $0x2000  }
0x48: {  	[sflag:s29] =	ssyncset.done $0x0  }
0x49: {  	s31 =	rddreg [dreg:$0x5];
	[sflag:s29] =	ssyncadd.s32 $0xFFFFE000  }
0x4a: {  	[spmem:s31] =	stream.linear.scatter [tilespmem:s14], [sflag:$0xD], $0x2000, $0x38;
	[tilespmem:$0x1C600] =	vst v63  }
0x4b: {  	_ =	swait.ge [sflag:s29], $0x2000  }
0x4c: {  	[sflag:s29] =	ssyncset.done $0x0  }
0x4d: {  	s24 =	rddreg [dreg:$0x6];
	[sflag:s29] =	ssyncadd.s32 $0xFFFFE000  }
0x4e: {  	[spmem:s24] =	stream.linear.scatter [tilespmem:s14], [sflag:$0xD], $0x2000, $0x38;
	[tilespmem:$0x1C600] =	vst v63  }
0x4f: {  	_ =	swait.ge [sflag:s29], $0x2000  }
0x50: {  	[sflag:s29] =	ssyncset.done $0x0  }
0x51: {  	s28 =	rddreg [dreg:$0x7];
	[sflag:s29] =	ssyncadd.s32 $0xFFFFE000  }
0x52: {  	[spmem:s28] =	stream.linear.scatter [tilespmem:s14], [sflag:$0xD], $0x2000, $0x38;
	[tilespmem:$0x1C600] =	vst v63  }
0x53: {  	_ =	swait.ge [sflag:s29], $0x2000  }
0x54: {  	[sflag:s29] =	ssyncset.done $0x0  }
0x55: {  	s31 =	rddreg [dreg:$0x8];
	[sflag:s29] =	ssyncadd.s32 $0xFFFFE000  }
0x56: {  	[spmem:s31] =	stream.linear.scatter [tilespmem:s14], [sflag:$0xD], $0x2000, $0x38;
	[tilespmem:$0x1C600] =	vst v63  }
0x57: {  	_ =	swait.ge [sflag:s29], $0x2000  }
0x58: {  	[sflag:s29] =	ssyncset.done $0x0  }
0x59: {  	s24 =	rddreg [dreg:$0x9];
	[sflag:s29] =	ssyncadd.s32 $0xFFFFE000  }
0x5a: {  	[spmem:s24] =	stream.linear.scatter [tilespmem:s14], [sflag:$0xD], $0x2000, $0x38;
	[tilespmem:$0x1C600] =	vst v63  }
0x5b: {  	_ =	swait.ge [sflag:s29], $0x2000  }
0x5c: {  	[sflag:s29] =	ssyncset.done $0x0  }
0x5d: {  	s28 =	rddreg [dreg:$0xa];
	[sflag:s29] =	ssyncadd.s32 $0xFFFFE000  }
0x5e: {  	[spmem:s28] =	stream.linear.scatter [tilespmem:s14], [sflag:$0xD], $0x2000, $0x38;
	[tilespmem:$0x1C600] =	vst v63  }
0x5f: {  	_ =	swait.ge [sflag:s29], $0x2000  }
0x60: {  	[sflag:s29] =	ssyncset.done $0x0  }
0x61: {  	s31 =	rddreg [dreg:$0xb];
	[sflag:s29] =	ssyncadd.s32 $0xFFFFE000  }
0x62: {  	[spmem:s31] =	stream.linear.scatter [tilespmem:s14], [sflag:$0xD], $0x2000, $0x38;
	[tilespmem:$0x1C600] =	vst v63  }
0x63: {  	_ =	swait.ge [sflag:s29], $0x2000  }
0x64: {  	[sflag:s29] =	ssyncset.done $0x0  }
0x65: {  	s24 =	rddreg [dreg:$0x14];
	[sflag:s29] =	ssyncadd.s32 $0xFFFFE000  }
0x66: {  	[spmem:s24] =	stream.linear.scatter [tilespmem:s14], [sflag:$0xD], $0x2000, $0x38;
	[tilespmem:$0x1C600] =	vst v63  }
0x67: {  	_ =	swait.ge [sflag:s29], $0x2000  }
0x68: {  	[sflag:s29] =	ssyncset.done $0x0  }
0x69: {  	[sflag:s29] =	ssyncadd.s32 $0xFFFFE000  }
0x6a: {  	[bflag:$0x0] =	sbarrier.arrive $0xFFFF  }
0x6b: {  	s24 =	simm.s32 $0x1C000;
	s29 =	simm.s32 $0x0;
	s28 =	rddreg [dreg:$0xc]  }
0x6c: {  	[tilespmem:s24], [sflag:$0x1] =	stream.linear.gather [hbm4b:s28+s29], $0x80, $0x38;
	[tilespmem:$0x1C600] =	vst v63  }
0x6d: {  	s31 =	simm.s32 $0x1C200;
	s2 =	rddreg [dreg:$0xd]  }
0x6e: {  	[tilespmem:s31], [sflag:$0x1] =	stream.linear.gather [hbm4b:s2+s29], $0x80, $0x38;
	[tilespmem:$0x1C600] =	vst v63  }
0x6f: {  	s31 =	rddreg [dreg:$0xe]  }
0x70: {  	[tilespmem:s0], [sflag:$0x1] =	stream.linear.gather [hbm4b:s31+s29], $0x80, $0x38;
	[tilespmem:$0x1C600] =	vst v63  }
0x71: {  	s28 =	rddreg [dreg:$0xf]  }
0x72: {  	[tilespmem:s30], [sflag:$0x2] =	stream.linear.gather [hbm4b:s28+s29], $0x80, $0x38;
	[tilespmem:$0x1C600] =	vst v63  }
0x73: {  	s2 =	rddreg [dreg:$0x10];
	s31 =	simm.s32 $0x1C280  }
0x74: {  	[tilespmem:s31], [sflag:$0x2] =	stream.linear.gather [hbm4b:s2+s29], $0x80, $0x38;
	[tilespmem:$0x1C600] =	vst v63  }
0x75: {  	s2 =	rddreg [dreg:$0x11];
	s31 =	simm.s32 $0x1C480  }
0x76: {  	[tilespmem:s31], [sflag:$0x2] =	stream.linear.gather [hbm4b:s2+s29], $0x80, $0x38;
	[tilespmem:$0x1C600] =	vst v63  }
0x77: {  	s31 =	simm.s32 $0x1  }
0x78: {  	_ =	swait.ge [sflag:s31], $0x80  }
0x79: {  	[sflag:s31] =	ssyncset.done $0x0  }
0x7a: {  	[sflag:s31] =	ssyncadd.s32 $0xFFFFFF80  }
0x7b: {  	_ =	swait.ge [sflag:s31], $0x80  }
0x7c: {  	[sflag:s31] =	ssyncset.done $0x0  }
0x7d: {  	[sflag:s31] =	ssyncadd.s32 $0xFFFFFF80  }
0x7e: {  	_ =	swait.ge [sflag:s31], $0x80  }
0x7f: {  	[sflag:s31] =	ssyncset.done $0x0  }
0x80: {  	s29 =	simm.s32 $0x0;
	[sflag:s31] =	ssyncadd.s32 $0xFFFFFF80  }
0x81: {  	[tilespmem:s14], [sflag:$0x5] =	stream.indirect.gather [hbm4b:s7+s12], $0x80, s24, s12, $0xb8;
	[tilespmem:$0x1C600] =	vst v63  }
.LBB2_4:
0x82: {  	_ =	swait.ge [sflag:s13], $0x80  }
0x83: {  	[sflag:s13] =	ssyncset.done $0x0  }
0x84: {  	[sflag:s13] =	ssyncadd.s32 $0xFFFFFF80  }
0x85: {  	_ =	swait.ge [sflag:s13], $0x80  }
0x86: {  	s2 =	simm.s32 $0x0;
	[sflag:s13] =	ssyncset.done $0x0  }
0x87: {  	s24 =	simm.s32 $0x2;
	v1 =	vmov s2;
	[sflag:s13] =	ssyncadd.s32 $0xFFFFFF80  }
0x88: {  	v2 =	vmov s24;
	v1 =	vand.u32 $0xFFFFFFFC, v1;
	_ =	swait.ge [sflag:s13], $0x80  }
0x89: {  	v2 =	vand.u32 $0xFFFFFFFE, v2;
	v1 =	vbroadcast v1, $0x0;
	[sflag:s13] =	ssyncset.done $0x0  }
0x8a: {  	s31 =	simm.s32 $0x16000;
	v2 =	vbroadcast v2, $0x0;
	[sflag:s13] =	ssyncadd.s32 $0xFFFFFF80  }
0x8b: {  	[tilespmem:s31], [sflag:$0x6] =	stream.indirect.gather [hbm4b:s7+s12], $0x80, s30, s12, $0xb8;
	[tilespmem:$0x1C600] =	vst v63  }
0x8c: {  	_ =	swait.ge [sflag:s15], $0x2000  }
0x8d: {  	[sflag:s15] =	ssyncset.done $0x0  }
0x8e: {  	[sflag:s15] =	ssyncadd.s32 $0xFFFFE000  }
0x8f: {  	v1 =	vld.idx.msk [tilespmem:v1+s0+$0x0], $0xffff  }
0x90: {  	s14 =	simm.s32 $0x1;
	s24 =	simm.s32 $0x14100;
	v2 =	vld.idx.msk [tilespmem:v2+s0+$0x0], $0xffff  }
0x91: {  	v3 =	vmov s14;
	v4 =	vld [tilespmem:s24+$0x70]  }
0x92: {  	v3 =	vand.u32 $0xFFFFFFFD, v3;
	v5 =	vld [tilespmem:s24+$0xFFFFFF00]  }
0x93: {  	v3 =	vbroadcast v3, $0x0;
	v6 =	vld [tilespmem:s24+$0xFFFFFF10]  }
0x94: {  	v7 =	vld [tilespmem:s24+$0xFFFFFF20]  }
0x95: {  	v8 =	vld [tilespmem:s24+$0xFFFFFF30]  }
0x96: {  	v9 =	vld [tilespmem:s24+$0xFFFFFF40]  }
0x97: {  	v10 =	vld [tilespmem:s24+$0xFFFFFF50]  }
0x98: {  	v11 =	vld [tilespmem:s24+$0xFFFFFF60];
	v5 =	vmul.f32 v5, v1  }
0x99: {  	v3 =	vld.idx.msk [tilespmem:v3+s0+$0x0], $0xffff;
	v4 =	vmul.f32 v4, v2  }
0x9a: {  	v13 =	vld [tilespmem:s24+$0x40];
	[tilespmem:s24+$0xFFFFFF00] =	vst v5;
	v5 =	vmul.f32 v6, v1  }
0x9b: {  	v6 =	vld [tilespmem:s24+$0xFFFFFF70];
	[tilespmem:s24+$0x70] =	vst v4;
	v4 =	vmul.f32 v7, v1  }
0x9c: {  	v7 =	vld [tilespmem:s24+$0xFFFFFF80];
	[tilespmem:s24+$0xFFFFFF10] =	vst v5;
	v5 =	vmul.f32 v8, v1  }
0x9d: {  	v8 =	vld [tilespmem:s24+$0xFFFFFF90];
	[tilespmem:s24+$0xFFFFFF20] =	vst v4;
	v4 =	vmul.f32 v9, v1  }
0x9e: {  	v9 =	vld [tilespmem:s24+$0xFFFFFFA0];
	[tilespmem:s24+$0xFFFFFF30] =	vst v5;
	v5 =	vmul.f32 v10, v1  }
0x9f: {  	v10 =	vld [tilespmem:s24+$0xFFFFFFB0];
	[tilespmem:s24+$0xFFFFFF40] =	vst v4;
	v4 =	vmul.f32 v11, v1  }
0xa0: {  	v11 =	vld [tilespmem:s24+$0xFFFFFFC0];
	v6 =	vmul.f32 v6, v1;
	[tilespmem:s24+$0xFFFFFF50] =	vst v5  }
0xa1: {  	v5 =	vmul.f32 v7, v3;
	v7 =	vld [tilespmem:s24+$0xFFFFFFD0];
	[tilespmem:s24+$0xFFFFFF60] =	vst v4  }
0xa2: {  	s31 =	simm.s32 $0x3;
	v4 =	vld [tilespmem:s24+$0xFFFFFFE0];
	v8 =	vmul.f32 v8, v3;
	[tilespmem:s24+$0xFFFFFF70] =	vst v6  }
0xa3: {  	v12 =	vmov s31;
	v6 =	vld [tilespmem:s24+$0xFFFFFFF0];
	[tilespmem:s24+$0xFFFFFF80] =	vst v5;
	v5 =	vmul.f32 v9, v3  }
0xa4: {  	v9 =	vld [tilespmem:s24+$0x0];
	[tilespmem:s24+$0xFFFFFF90] =	vst v8;
	v8 =	vmul.f32 v10, v3  }
0xa5: {  	v10 =	vld [tilespmem:s24+$0x10];
	[tilespmem:s24+$0xFFFFFFA0] =	vst v5;
	v5 =	vmul.f32 v11, v3  }
0xa6: {  	[tilespmem:s24+$0xFFFFFFB0] =	vst v8;
	v7 =	vmul.f32 v7, v3;
	v8 =	vld [tilespmem:s24+$0x20]  }
0xa7: {  	v11 =	vld [tilespmem:s24+$0x30];
	v4 =	vmul.f32 v4, v3;
	[tilespmem:s24+$0xFFFFFFC0] =	vst v5  }
0xa8: {  	v1 =	vld.idx.msk [tilespmem:v12+s0+$0x0], $0xffff;
	v3 =	vmul.f32 v6, v3;
	[tilespmem:s24+$0xFFFFFFD0] =	vst v7  }
0xa9: {  	[tilespmem:s24+$0xFFFFFFE0] =	vst v4;
	v5 =	vmul.f32 v9, v2;
	v4 =	vld [tilespmem:s24+$0x50]  }
0xaa: {  	s14 =	simm.s32 $0x4;
	[tilespmem:s24+$0xFFFFFFF0] =	vst v3;
	v6 =	vmul.f32 v10, v2;
	v3 =	vld [tilespmem:s24+$0x60]  }
0xab: {  	s31 =	simm.s32 $0x7;
	v7 =	vmov s14;
	[tilespmem:s24+$0x0] =	vst v5;
	v9 =	vmul.f32 v8, v2;
	v8 =	vld [tilespmem:s24+$0x80]  }
0xac: {  	s14 =	simm.s32 $0x5;
	v12 =	vand.u32 $0xFFFFFFFC, v7;
	v7 =	vld [tilespmem:s24+$0x90];
	v5 =	vmov s31;
	v10 =	vmul.f32 v11, v2;
	[tilespmem:s24+$0x10] =	vst v6  }
0xad: {  	s28 =	simm.s32 $0x8;
	s2 =	simm.s32 $0x14100;
	s30 =	simm.s32 $0x6;
	v11 =	vmul.f32 v13, v2;
	v6 =	vbroadcast v12, $0x0;
	v12 =	vmov s14;
	[tilespmem:s24+$0x20] =	vst v9;
	v9 =	vld [tilespmem:s24+$0xA0]  }
.LBB2_5:
0xae: {  	p0 =	slt.u32 s28, $0x3C;
	v12 =	vand.u32 $0xFFFFFFFD, v12;
	v13 =	vmov s30;
	[tilespmem:s24+$0x30] =	vst v10;
	v4 =	vmul.f32 v4, v2;
	v10 =	vld [tilespmem:s24+$0xB0]  }
0xaf: {  	v12 =	vbroadcast v12, $0x0;
	v13 =	vand.u32 $0xFFFFFFFE, v13;
	[tilespmem:s24+$0x40] =	vst v11;
	v2 =	vmul.f32 v3, v2;
	v3 =	vld [tilespmem:s24+$0xC0]  }
0xb0: {  	v11 =	vbroadcast v13, $0x0;
	[tilespmem:s24+$0x50] =	vst v4;
	v4 =	vmul.f32 v8, v1;
	v8 =	vld [tilespmem:s24+$0xD0]  }
0xb1: {  	[tilespmem:s24+$0x60] =	vst v2;
	v2 =	vmul.f32 v7, v1;
	v7 =	vld [tilespmem:s24+$0xE0]  }
0xb2: {  	[tilespmem:s24+$0x80] =	vst v4;
	v4 =	vmul.f32 v9, v1;
	v9 =	vld [tilespmem:s24+$0xF0]  }
0xb3: {  	v5 =	vld.idx.msk [tilespmem:v5+s0+$0x0], $0xffff;
	[tilespmem:s24+$0x90] =	vst v2;
	v2 =	vmul.f32 v10, v1  }
0xb4: {  	v6 =	vld.idx.msk [tilespmem:v6+s0+$0x0], $0xffff;
	[tilespmem:s24+$0xA0] =	vst v4;
	v3 =	vmul.f32 v3, v1  }
0xb5: {  	v4 =	vld.idx.msk [tilespmem:v12+s0+$0x0], $0xffff;
	[tilespmem:s24+$0xB0] =	vst v2;
	v8 =	vmul.f32 v8, v1  }
0xb6: {  	s24 =	sadd.s32 $0x200, s24;
	v2 =	vld.idx.msk [tilespmem:v11+s0+$0x0], $0xffff;
	[tilespmem:s2+$0xC0] =	vst v3;
	v3 =	vmul.f32 v7, v1  }
0xb7: {  	v7 =	vld [tilespmem:s24+$0x70];
	[tilespmem:s2+$0xD0] =	vst v8;
	v9 =	vmul.f32 v9, v1  }
0xb8: {  	v8 =	vld [tilespmem:s24+$0xFFFFFF00];
	[tilespmem:s2+$0xE0] =	vst v3  }
0xb9: {  	v1 =	vmov v5;
	v3 =	vld [tilespmem:s24+$0xFFFFFF10];
	[tilespmem:s2+$0xF0] =	vst v9;
	s2 =	smov.u32 s24  }
0xba: {  	v5 =	vld [tilespmem:s24+$0xFFFFFF20]  }
0xbb: {  	v9 =	vld [tilespmem:s24+$0xFFFFFF30]  }
0xbc: {  	v10 =	vld [tilespmem:s24+$0xFFFFFF40];
	v7 =	vmul.f32 v7, v2  }
0xbd: {  	v8 =	vmul.f32 v8, v6;
	v11 =	vld [tilespmem:s24+$0xFFFFFF50]  }
0xbe: {  	v3 =	vmul.f32 v3, v6;
	v12 =	vld [tilespmem:s24+$0xFFFFFF60];
	[tilespmem:s24+$0x70] =	vst v7  }
0xbf: {  	[tilespmem:s24+$0xFFFFFF00] =	vst v8;
	v5 =	vmul.f32 v5, v6;
	v7 =	vld [tilespmem:s24+$0xFFFFFF70]  }
0xc0: {  	[tilespmem:s24+$0xFFFFFF10] =	vst v3;
	v3 =	vmul.f32 v9, v6;
	v8 =	vld [tilespmem:s24+$0xFFFFFF80]  }
0xc1: {  	[tilespmem:s24+$0xFFFFFF20] =	vst v5;
	v5 =	vmul.f32 v10, v6;
	v9 =	vld [tilespmem:s24+$0xFFFFFF90]  }
0xc2: {  	[tilespmem:s24+$0xFFFFFF30] =	vst v3;
	v3 =	vmul.f32 v11, v6;
	v10 =	vld [tilespmem:s24+$0xFFFFFFA0]  }
0xc3: {  	[tilespmem:s24+$0xFFFFFF40] =	vst v5;
	v5 =	vmul.f32 v12, v6;
	v11 =	vld [tilespmem:s24+$0xFFFFFFB0]  }
0xc4: {  	[tilespmem:s24+$0xFFFFFF50] =	vst v3;
	v3 =	vmul.f32 v7, v6;
	v6 =	vld [tilespmem:s24+$0xFFFFFFC0]  }
0xc5: {  	[tilespmem:s24+$0xFFFFFF60] =	vst v5;
	v5 =	vmul.f32 v8, v4;
	v7 =	vld [tilespmem:s24+$0xFFFFFFD0]  }
0xc6: {  	[tilespmem:s24+$0xFFFFFF70] =	vst v3;
	v3 =	vmul.f32 v9, v4;
	v8 =	vld [tilespmem:s24+$0xFFFFFFE0]  }
0xc7: {  	[tilespmem:s24+$0xFFFFFF80] =	vst v5;
	v5 =	vmul.f32 v10, v4;
	v9 =	vld [tilespmem:s24+$0xFFFFFFF0]  }
0xc8: {  	[tilespmem:s24+$0xFFFFFF90] =	vst v3;
	v3 =	vmul.f32 v11, v4;
	v10 =	vld [tilespmem:s24+$0x0]  }
0xc9: {  	[tilespmem:s24+$0xFFFFFFA0] =	vst v5;
	v5 =	vmul.f32 v6, v4;
	v6 =	vld [tilespmem:s24+$0x10]  }
0xca: {  	[tilespmem:s24+$0xFFFFFFB0] =	vst v3;
	v3 =	vmul.f32 v7, v4;
	v7 =	vld [tilespmem:s24+$0x20]  }
0xcb: {  	[tilespmem:s24+$0xFFFFFFC0] =	vst v5;
	v5 =	vmul.f32 v8, v4;
	v11 =	vld [tilespmem:s24+$0x30]  }
0xcc: {  	[tilespmem:s24+$0xFFFFFFD0] =	vst v3;
	v3 =	vmul.f32 v9, v4;
	v9 =	vld [tilespmem:s24+$0x40]  }
.Ltmp3:
0xcd: {  	[tilespmem:s24+$0xFFFFFFE0] =	vst v5;
	v5 =	vmul.f32 v10, v2;
	v4 =	vld [tilespmem:s24+$0x50];
	(pc) =	sbr.rel @p0 .LBB2_5-.Ltmp3, $4  }
0xce: {  	[tilespmem:s24+$0xFFFFFFF0] =	vst v3;
	v6 =	vmul.f32 v6, v2;
	v3 =	vld [tilespmem:s24+$0x60]  }
0xcf: {  	s14 =	sadd.s32 $0x3, s28;
	v10 =	vmov s28;
	[tilespmem:s24+$0x0] =	vst v5;
	v13 =	vmul.f32 v7, v2;
	v8 =	vld [tilespmem:s24+$0x80]  }
0xd0: {  	s30 =	sadd.s32 $0x1, s28;
	v12 =	vand.u32 $0xFFFFFFFC, v10;
	v5 =	vmov s14;
	[tilespmem:s24+$0x10] =	vst v6;
	v10 =	vmul.f32 v11, v2;
	v7 =	vld [tilespmem:s24+$0x90]  }
0xd1: {  	v6 =	vbroadcast v12, $0x0;
	v12 =	vmov s30;
	s30 =	sadd.s32 $0x2, s28;
	s28 =	sadd.s32 $0x4, s28;
	[tilespmem:s24+$0x20] =	vst v13;
	v11 =	vmul.f32 v9, v2;
	v9 =	vld [tilespmem:s24+$0xA0]  }
0xd2: {  	v13 =	vld [tilespmem:s24+$0xB0]  }
0xd3: {  	v15 =	vld [tilespmem:s24+$0xC0]  }
0xd4: {  	v14 =	vmov s30;
	v16 =	vld [tilespmem:s24+$0xD0]  }
0xd5: {  	v17 =	vld [tilespmem:s24+$0xE0];
	[tilespmem:s24+$0x30] =	vst v10;
	v4 =	vmul.f32 v4, v2;
	v14 =	vand.u32 $0xFFFFFFFE, v14  }
0xd6: {  	v12 =	vand.u32 $0xFFFFFFFD, v12;
	v5 =	vld.idx.msk [tilespmem:v5+s0+$0x0], $0xffff;
	[tilespmem:s24+$0x40] =	vst v11;
	v2 =	vmul.f32 v3, v2;
	v14 =	vbroadcast v14, $0x0  }
0xd7: {  	s28 =	sadd.s32 $0x200, s24;
	v12 =	vbroadcast v12, $0x0;
	v3 =	vld.idx.msk [tilespmem:v6+s0+$0x0], $0xffff;
	v8 =	vmul.f32 v8, v1;
	[tilespmem:s24+$0x50] =	vst v4  }
0xd8: {  	v10 =	vld [tilespmem:s28+$0xFFFFFF00];
	v4 =	vmul.f32 v7, v1;
	[tilespmem:s24+$0x60] =	vst v2  }
0xd9: {  	[tilespmem:s24+$0x80] =	vst v8;
	v8 =	vld [tilespmem:s24+$0xF0];
	v2 =	vmul.f32 v9, v1  }
0xda: {  	v11 =	vld [tilespmem:s28+$0xFFFFFF10];
	[tilespmem:s24+$0x90] =	vst v4;
	v4 =	vmul.f32 v13, v1  }
0xdb: {  	v9 =	vld [tilespmem:s28+$0x70];
	[tilespmem:s24+$0xA0] =	vst v2;
	v2 =	vmul.f32 v15, v1  }
0xdc: {  	[tilespmem:s24+$0xB0] =	vst v4;
	v4 =	vmul.f32 v16, v1;
	v7 =	vld.idx.msk [tilespmem:v14+s0+$0x0], $0xffff  }
0xdd: {  	v6 =	vld.idx.msk [tilespmem:v12+s0+$0x0], $0xffff;
	[tilespmem:s2+$0xC0] =	vst v2;
	v2 =	vmul.f32 v17, v1  }
0xde: {  	v12 =	vld [tilespmem:s28+$0xFFFFFF20];
	[tilespmem:s2+$0xD0] =	vst v4;
	v1 =	vmul.f32 v8, v1  }
0xdf: {  	v4 =	vld [tilespmem:s28+$0xFFFFFF30];
	[tilespmem:s2+$0xE0] =	vst v2  }
0xe0: {  	v2 =	vld [tilespmem:s28+$0xFFFFFF40];
	[tilespmem:s2+$0xF0] =	vst v1;
	v1 =	vmul.f32 v10, v3  }
0xe1: {  	v8 =	vmul.f32 v9, v7;
	v9 =	vld [tilespmem:s28+$0xFFFFFF50]  }
0xe2: {  	v10 =	vmul.f32 v11, v3;
	v11 =	vld [tilespmem:s28+$0xFFFFFF60];
	[tilespmem:s28+$0xFFFFFF00] =	vst v1  }
0xe3: {  	v1 =	vmul.f32 v12, v3;
	[tilespmem:s28+$0x70] =	vst v8;
	v8 =	vld [tilespmem:s28+$0xFFFFFF70]  }
0xe4: {  	[tilespmem:s28+$0xFFFFFF10] =	vst v10;
	v10 =	vld [tilespmem:s28+$0xFFFFFF80];
	v4 =	vmul.f32 v4, v3  }
0xe5: {  	[tilespmem:s28+$0xFFFFFF20] =	vst v1;
	v1 =	vmul.f32 v2, v3;
	v2 =	vld [tilespmem:s28+$0xFFFFFF90]  }
0xe6: {  	[tilespmem:s28+$0xFFFFFF30] =	vst v4;
	v4 =	vmul.f32 v9, v3;
	v9 =	vld [tilespmem:s28+$0xFFFFFFA0]  }
0xe7: {  	[tilespmem:s28+$0xFFFFFF40] =	vst v1;
	v1 =	vmul.f32 v11, v3;
	v11 =	vld [tilespmem:s28+$0xFFFFFFB0]  }
0xe8: {  	[tilespmem:s28+$0xFFFFFF50] =	vst v4;
	v3 =	vmul.f32 v8, v3;
	v4 =	vld [tilespmem:s28+$0xFFFFFFC0]  }
0xe9: {  	[tilespmem:s28+$0xFFFFFF60] =	vst v1;
	v1 =	vmul.f32 v10, v6;
	v8 =	vld [tilespmem:s28+$0xFFFFFFD0]  }
0xea: {  	v2 =	vmul.f32 v2, v6;
	[tilespmem:s28+$0xFFFFFF70] =	vst v3;
	v3 =	vld [tilespmem:s28+$0xFFFFFFE0]  }
0xeb: {  	[tilespmem:s28+$0xFFFFFF80] =	vst v1;
	v1 =	vmul.f32 v9, v6;
	v9 =	vld [tilespmem:s28+$0xFFFFFFF0]  }
0xec: {  	v10 =	vld [tilespmem:s28+$0x0];
	[tilespmem:s28+$0xFFFFFF90] =	vst v2;
	v2 =	vmul.f32 v11, v6  }
0xed: {  	[tilespmem:s28+$0xFFFFFFA0] =	vst v1;
	v1 =	vmul.f32 v4, v6;
	v4 =	vld [tilespmem:s28+$0x10]  }
0xee: {  	[tilespmem:s28+$0xFFFFFFB0] =	vst v2;
	v2 =	vmul.f32 v8, v6;
	v8 =	vld [tilespmem:s28+$0x20]  }
0xef: {  	[tilespmem:s28+$0xFFFFFFC0] =	vst v1;
	v1 =	vmul.f32 v3, v6;
	v3 =	vld [tilespmem:s28+$0x30]  }
0xf0: {  	[tilespmem:s28+$0xFFFFFFD0] =	vst v2;
	v2 =	vmul.f32 v9, v6;
	v6 =	vld [tilespmem:s28+$0x40]  }
0xf1: {  	v9 =	vld [tilespmem:s28+$0x50];
	[tilespmem:s28+$0xFFFFFFE0] =	vst v1;
	v1 =	vmul.f32 v10, v7  }
0xf2: {  	[tilespmem:s28+$0xFFFFFFF0] =	vst v2;
	v2 =	vmul.f32 v4, v7;
	v4 =	vld [tilespmem:s28+$0x60]  }
0xf3: {  	[tilespmem:s28+$0x0] =	vst v1;
	v1 =	vmul.f32 v8, v7;
	v8 =	vld [tilespmem:s28+$0x80]  }
0xf4: {  	[tilespmem:s28+$0x10] =	vst v2;
	v2 =	vmul.f32 v3, v7;
	v3 =	vld [tilespmem:s28+$0x90]  }
0xf5: {  	[tilespmem:s28+$0x20] =	vst v1;
	v1 =	vmul.f32 v6, v7;
	v6 =	vld [tilespmem:s28+$0xA0]  }
0xf6: {  	[tilespmem:s28+$0x30] =	vst v2;
	v2 =	vmul.f32 v9, v7;
	v9 =	vld [tilespmem:s28+$0xB0]  }
0xf7: {  	[tilespmem:s28+$0x40] =	vst v1;
	v1 =	vmul.f32 v4, v7;
	v4 =	vld [tilespmem:s28+$0xC0]  }
0xf8: {  	v7 =	vld [tilespmem:s28+$0xD0];
	[tilespmem:s28+$0x50] =	vst v2;
	v2 =	vmul.f32 v8, v5  }
0xf9: {  	[tilespmem:s28+$0x60] =	vst v1;
	v1 =	vmul.f32 v3, v5;
	v3 =	vld [tilespmem:s28+$0xE0]  }
0xfa: {  	[tilespmem:s28+$0x80] =	vst v2;
	v2 =	vmul.f32 v6, v5;
	v6 =	vld [tilespmem:s28+$0xF0]  }
0xfb: {  	[tilespmem:s28+$0x90] =	vst v1;
	v1 =	vmul.f32 v9, v5  }
0xfc: {  	[tilespmem:s28+$0xA0] =	vst v2;
	v2 =	vmul.f32 v4, v5  }
0xfd: {  	[tilespmem:s28+$0xB0] =	vst v1;
	v1 =	vmul.f32 v7, v5  }
0xfe: {  	[tilespmem:s28+$0xC0] =	vst v2;
	v2 =	vmul.f32 v3, v5  }
0xff: {  	[tilespmem:s28+$0xD0] =	vst v1;
	v1 =	vmul.f32 v6, v5  }
0x100: {  	[tilespmem:s28+$0xE0] =	vst v2  }
0x101: {  	s31 =	sshll.u32 s29, $0x2;
	s14 =	simm.s32 $0x1C200;
	s24 =	simm.s32 $0x14000;
	[tilespmem:s28+$0xF0] =	vst v1  }
0x102: {  	[spmem:s1] =	stream.indirect.scatter.add.f32 [tilespmem:s24], [sflag:$0x9], $0x80, s14, s12, $0xb8;
	[tilespmem:$0x1C600] =	vst v63  }
0x103: {  	s14 =	sadd.s32 s9, s31  }
0x104: {  	p0 =	seq.s32 s29, $0x0;
	s24 =	sshll.u32 s29, $0x6;
	s2 =	sshll.u32 s14, $0x4  }
0x105: {  	s28 =	simm.s32 @!p0 $0xB;
	s14 =	sand.u32 $0x40, s24;
	s2 =	sand.u32 $0xFFFFF80, s2  }
0x106: {  	_ =	swait.ge @!p0 [sflag:s28], $0x2000;
	s24 =	sor.u32 s2, s14  }
0x107: {  	[sflag:s28] =	ssyncset.done @!p0 $0x0;
	s2 =	sor.u32 $0x20, s24  }
0x108: {  	[sflag:s28] =	ssyncadd.s32 @!p0 $0xFFFFE000;
	s28 =	simm.s32 $0x0;
	s14 =	sadd.s32 s4, s2  }
0x109: {  	[tilespmem:s16], [sflag:$0x3] =	stream.linear.gather [hbm4b:s14+s28], $0x80, $0x38;
	[tilespmem:$0x1C600] =	vst v63  }
0x10a: {  	s14 =	sadd.s32 s5, s2  }
0x10b: {  	[tilespmem:s17], [sflag:$0x3] =	stream.linear.gather [hbm4b:s14+s28], $0x80, $0x38;
	[tilespmem:$0x1C600] =	vst v63  }
0x10c: {  	s2 =	sadd.s32 s6, s2;
	s14 =	simm.s32 $0x1C500  }
0x10d: {  	[tilespmem:s14], [sflag:$0x3] =	stream.linear.gather [hbm4b:s2+s28], $0x80, $0x38;
	[tilespmem:$0x1C600] =	vst v63  }
0x10e: {  	_ =	swait.ge [sflag:s19], $0x80  }
0x10f: {  	[sflag:s19] =	ssyncset.done $0x0  }
0x110: {  	[sflag:s19] =	ssyncadd.s32 $0xFFFFFF80  }
0x111: {  	_ =	swait.ge [sflag:s19], $0x80  }
0x112: {  	v1 =	vmov s28;
	s14 =	simm.s32 $0x3;
	[sflag:s19] =	ssyncset.done $0x0  }
0x113: {  	v1 =	vand.u32 $0x7C, v1;
	v2 =	vmov s14;
	[sflag:s19] =	ssyncadd.s32 $0xFFFFFF80  }
0x114: {  	v1 =	vor.u32 $0x80, v1;
	v2 =	vand.u32 $0x7F, v2;
	_ =	swait.ge [sflag:s19], $0x80  }
0x115: {  	v1 =	vbroadcast v1, $0x0;
	v2 =	vor.u32 $0x80, v2;
	[sflag:s19] =	ssyncset.done $0x0  }
0x116: {  	v2 =	vbroadcast v2, $0x0;
	[sflag:s19] =	ssyncadd.s32 $0xFFFFFF80  }
0x117: {  	[tilespmem:s20], [sflag:$0x7] =	stream.indirect.gather [hbm4b:s7+s12], $0x80, s16, s12, $0xb8;
	[tilespmem:$0x1C600] =	vst v63  }
0x118: {  	_ =	swait.ge [sflag:s21], $0x2000  }
0x119: {  	[sflag:s21] =	ssyncset.done $0x0  }
0x11a: {  	[sflag:s21] =	ssyncadd.s32 $0xFFFFE000  }
0x11b: {  	s14 =	simm.s32 $0x1;
	v3 =	vld.idx.msk [tilespmem:v1+s0+$0x0], $0xffff  }
0x11c: {  	s28 =	simm.s32 $0x16100;
	v4 =	vmov s14;
	v1 =	vld.idx.msk [tilespmem:v2+s0+$0x0], $0xffff  }
0x11d: {  	v2 =	vand.u32 $0x7D, v4;
	v4 =	vld [tilespmem:s28+$0xF0]  }
0x11e: {  	v5 =	vld [tilespmem:s28+$0xFFFFFF00]  }
0x11f: {  	v6 =	vld [tilespmem:s28+$0xFFFFFF10]  }
0x120: {  	v7 =	vld [tilespmem:s28+$0xFFFFFF20];
	v2 =	vor.u32 $0x80, v2  }
0x121: {  	v8 =	vld [tilespmem:s28+$0xFFFFFF30];
	v2 =	vbroadcast v2, $0x0  }
0x122: {  	v9 =	vld [tilespmem:s28+$0xFFFFFF40]  }
0x123: {  	v10 =	vld [tilespmem:s28+$0xFFFFFF50];
	v5 =	vmul.f32 v5, v3  }
0x124: {  	v11 =	vld [tilespmem:s28+$0xFFFFFF60];
	v4 =	vmul.f32 v4, v1  }
0x125: {  	[tilespmem:s28+$0xFFFFFF00] =	vst v5;
	v5 =	vld [tilespmem:s28+$0xFFFFFF70]  }
0x126: {  	s14 =	simm.s32 $0x2;
	v6 =	vmul.f32 v6, v3;
	[tilespmem:s28+$0xF0] =	vst v4;
	v4 =	vmul.f32 v7, v3;
	v7 =	vld [tilespmem:s28+$0xFFFFFF90]  }
0x127: {  	v12 =	vmov s14;
	v13 =	vld.idx.msk [tilespmem:v2+s0+$0x0], $0xffff  }
0x128: {  	[tilespmem:s28+$0xFFFFFF10] =	vst v6;
	v6 =	vmul.f32 v8, v3;
	v2 =	vand.u32 $0x7E, v12;
	v12 =	vld [tilespmem:s28+$0xFFFFFF80]  }
0x129: {  	v11 =	vmul.f32 v11, v3;
	v8 =	vld [tilespmem:s28+$0xFFFFFFA0];
	v2 =	vor.u32 $0x80, v2;
	[tilespmem:s28+$0xFFFFFF20] =	vst v4;
	v4 =	vmul.f32 v9, v3  }
0x12a: {  	v9 =	vld [tilespmem:s28+$0xFFFFFFB0];
	[tilespmem:s28+$0xFFFFFF30] =	vst v6;
	v6 =	vmul.f32 v10, v3;
	v2 =	vbroadcast v2, $0x0  }
0x12b: {  	[tilespmem:s28+$0xFFFFFF60] =	vst v11;
	v10 =	vld [tilespmem:s28+$0xFFFFFFC0]  }
0x12c: {  	[tilespmem:s28+$0xFFFFFF50] =	vst v6;
	v6 =	vld [tilespmem:s28+$0xFFFFFFE0];
	v3 =	vmul.f32 v5, v3  }
0x12d: {  	[tilespmem:s28+$0xFFFFFF40] =	vst v4;
	v5 =	vld [tilespmem:s28+$0xFFFFFFF0];
	v4 =	vmul.f32 v12, v13  }
0x12e: {  	v12 =	vld [tilespmem:s28+$0xFFFFFFD0];
	[tilespmem:s28+$0xFFFFFF70] =	vst v3;
	v3 =	vmul.f32 v8, v13  }
0x12f: {  	[tilespmem:s28+$0xFFFFFF80] =	vst v4;
	v4 =	vmul.f32 v7, v13;
	v7 =	vld [tilespmem:s28+$0x0]  }
0x130: {  	v2 =	vld.idx.msk [tilespmem:v2+s0+$0x0], $0xffff;
	[tilespmem:s28+$0xFFFFFFA0] =	vst v3;
	v3 =	vmul.f32 v10, v13  }
0x131: {  	v8 =	vld [tilespmem:s28+$0x10];
	[tilespmem:s28+$0xFFFFFF90] =	vst v4;
	v4 =	vmul.f32 v9, v13  }
0x132: {  	s14 =	simm.s32 $0x4;
	v6 =	vmul.f32 v6, v13;
	v9 =	vld [tilespmem:s28+$0x20];
	[tilespmem:s28+$0xFFFFFFC0] =	vst v3  }
0x133: {  	v11 =	vmov s14;
	v10 =	vld [tilespmem:s28+$0x30];
	[tilespmem:s28+$0xFFFFFFB0] =	vst v4;
	v4 =	vmul.f32 v12, v13  }
0x134: {  	v11 =	vand.u32 $0x7C, v11;
	v3 =	vld [tilespmem:s28+$0x40];
	[tilespmem:s28+$0xFFFFFFE0] =	vst v6;
	v12 =	vmul.f32 v5, v13  }
0x135: {  	s14 =	simm.s32 $0x5;
	v6 =	vor.u32 $0x80, v11;
	[tilespmem:s28+$0xFFFFFFD0] =	vst v4;
	v7 =	vmul.f32 v7, v2;
	v4 =	vld [tilespmem:s28+$0x50]  }
0x136: {  	v13 =	vmov s14;
	s14 =	simm.s32 $0x6;
	v5 =	vld [tilespmem:s28+$0x60];
	v6 =	vbroadcast v6, $0x0;
	v8 =	vmul.f32 v8, v2;
	[tilespmem:s28+$0xFFFFFFF0] =	vst v12  }
0x137: {  	v11 =	vmov s14;
	v12 =	vand.u32 $0x7D, v13;
	v9 =	vmul.f32 v9, v2;
	[tilespmem:s28+$0x0] =	vst v7;
	v7 =	vld [tilespmem:s28+$0x70]  }
0x138: {  	s30 =	simm.s32 $0x8;
	s2 =	simm.s32 $0x16100;
	s14 =	simm.s32 $0x7;
	v11 =	vand.u32 $0x7E, v11;
	v10 =	vmul.f32 v10, v2;
	v12 =	vor.u32 $0x80, v12;
	[tilespmem:s28+$0x10] =	vst v8;
	v8 =	vld [tilespmem:s28+$0x80]  }
.LBB2_7:
0x139: {  	p1 =	slt.u32 s30, $0x3C;
	v11 =	vor.u32 $0x80, v11;
	v13 =	vmov s14;
	[tilespmem:s28+$0x20] =	vst v9;
	v3 =	vmul.f32 v3, v2;
	v9 =	vld [tilespmem:s28+$0x90]  }
0x13a: {  	v12 =	vbroadcast v12, $0x0;
	v13 =	vand.u32 $0x7F, v13;
	[tilespmem:s28+$0x30] =	vst v10;
	v4 =	vmul.f32 v4, v2;
	v10 =	vld [tilespmem:s28+$0xA0]  }
0x13b: {  	v11 =	vbroadcast v11, $0x0;
	v13 =	vor.u32 $0x80, v13;
	[tilespmem:s28+$0x40] =	vst v3;
	v3 =	vmul.f32 v5, v2;
	v5 =	vld [tilespmem:s28+$0xB0]  }
0x13c: {  	v13 =	vbroadcast v13, $0x0;
	[tilespmem:s28+$0x50] =	vst v4;
	v2 =	vmul.f32 v7, v2;
	v4 =	vld [tilespmem:s28+$0xC0]  }
0x13d: {  	[tilespmem:s28+$0x60] =	vst v3;
	v3 =	vmul.f32 v8, v1;
	v7 =	vld [tilespmem:s28+$0xD0]  }
0x13e: {  	[tilespmem:s28+$0x70] =	vst v2;
	v2 =	vmul.f32 v9, v1;
	v8 =	vld [tilespmem:s28+$0xE0]  }
0x13f: {  	v6 =	vld.idx.msk [tilespmem:v6+s0+$0x0], $0xffff;
	[tilespmem:s28+$0x80] =	vst v3;
	v3 =	vmul.f32 v10, v1  }
0x140: {  	v9 =	vld.idx.msk [tilespmem:v12+s0+$0x0], $0xffff;
	[tilespmem:s28+$0x90] =	vst v2;
	v5 =	vmul.f32 v5, v1  }
0x141: {  	v2 =	vld.idx.msk [tilespmem:v11+s0+$0x0], $0xffff;
	[tilespmem:s28+$0xA0] =	vst v3;
	v3 =	vmul.f32 v4, v1  }
0x142: {  	s28 =	sadd.s32 $0x200, s28;
	v4 =	vld.idx.msk [tilespmem:v13+s0+$0x0], $0xffff;
	[tilespmem:s2+$0xB0] =	vst v5;
	v5 =	vmul.f32 v7, v1  }
0x143: {  	v7 =	vld [tilespmem:s28+$0xF0];
	[tilespmem:s2+$0xC0] =	vst v3;
	v1 =	vmul.f32 v8, v1  }
0x144: {  	v3 =	vld [tilespmem:s28+$0xFFFFFF00];
	[tilespmem:s2+$0xD0] =	vst v5  }
0x145: {  	v5 =	vld [tilespmem:s28+$0xFFFFFF10];
	[tilespmem:s2+$0xE0] =	vst v1;
	s2 =	smov.u32 s28  }
0x146: {  	v8 =	vld [tilespmem:s28+$0xFFFFFF20]  }
0x147: {  	v10 =	vld [tilespmem:s28+$0xFFFFFF30]  }
0x148: {  	v1 =	vmov v4;
	v11 =	vld [tilespmem:s28+$0xFFFFFF40];
	v7 =	vmul.f32 v7, v4  }
0x149: {  	v3 =	vmul.f32 v3, v6;
	v4 =	vld [tilespmem:s28+$0xFFFFFF50]  }
0x14a: {  	v5 =	vmul.f32 v5, v6;
	v12 =	vld [tilespmem:s28+$0xFFFFFF60];
	[tilespmem:s28+$0xF0] =	vst v7  }
0x14b: {  	[tilespmem:s28+$0xFFFFFF00] =	vst v3;
	v3 =	vmul.f32 v8, v6;
	v7 =	vld [tilespmem:s28+$0xFFFFFF70]  }
0x14c: {  	[tilespmem:s28+$0xFFFFFF10] =	vst v5;
	v5 =	vmul.f32 v10, v6;
	v8 =	vld [tilespmem:s28+$0xFFFFFF80]  }
0x14d: {  	[tilespmem:s28+$0xFFFFFF20] =	vst v3;
	v3 =	vmul.f32 v11, v6;
	v10 =	vld [tilespmem:s28+$0xFFFFFF90]  }
0x14e: {  	[tilespmem:s28+$0xFFFFFF30] =	vst v5;
	v4 =	vmul.f32 v4, v6;
	v5 =	vld [tilespmem:s28+$0xFFFFFFA0]  }
0x14f: {  	[tilespmem:s28+$0xFFFFFF40] =	vst v3;
	v3 =	vmul.f32 v12, v6;
	v11 =	vld [tilespmem:s28+$0xFFFFFFB0]  }
0x150: {  	[tilespmem:s28+$0xFFFFFF50] =	vst v4;
	v4 =	vmul.f32 v7, v6;
	v6 =	vld [tilespmem:s28+$0xFFFFFFC0]  }
0x151: {  	[tilespmem:s28+$0xFFFFFF60] =	vst v3;
	v3 =	vmul.f32 v8, v9;
	v7 =	vld [tilespmem:s28+$0xFFFFFFD0]  }
0x152: {  	[tilespmem:s28+$0xFFFFFF70] =	vst v4;
	v4 =	vmul.f32 v10, v9;
	v8 =	vld [tilespmem:s28+$0xFFFFFFE0]  }
0x153: {  	[tilespmem:s28+$0xFFFFFF80] =	vst v3;
	v3 =	vmul.f32 v5, v9;
	v5 =	vld [tilespmem:s28+$0xFFFFFFF0]  }
0x154: {  	[tilespmem:s28+$0xFFFFFF90] =	vst v4;
	v4 =	vmul.f32 v11, v9;
	v10 =	vld [tilespmem:s28+$0x0]  }
0x155: {  	[tilespmem:s28+$0xFFFFFFA0] =	vst v3;
	v3 =	vmul.f32 v6, v9;
	v6 =	vld [tilespmem:s28+$0x10]  }
0x156: {  	[tilespmem:s28+$0xFFFFFFB0] =	vst v4;
	v4 =	vmul.f32 v7, v9;
	v7 =	vld [tilespmem:s28+$0x20]  }
0x157: {  	[tilespmem:s28+$0xFFFFFFC0] =	vst v3;
	v8 =	vmul.f32 v8, v9;
	v13 =	vld [tilespmem:s28+$0x30]  }
.Ltmp4:
0x158: {  	s14 =	sadd.s32 $0x1, s30;
	v11 =	vmov s30;
	[tilespmem:s28+$0xFFFFFFD0] =	vst v4;
	v5 =	vmul.f32 v5, v9;
	v3 =	vld [tilespmem:s28+$0x40];
	(pc) =	sbr.rel @p1 .LBB2_7-.Ltmp4, $4  }
0x159: {  	v9 =	vand.u32 $0x7C, v11;
	v11 =	vmov s14;
	s14 =	sadd.s32 $0x2, s30;
	[tilespmem:s28+$0xFFFFFFE0] =	vst v8;
	v8 =	vmul.f32 v10, v2;
	v4 =	vld [tilespmem:s28+$0x50]  }
0x15a: {  	v10 =	vor.u32 $0x80, v9;
	v9 =	vmov s14;
	[tilespmem:s28+$0xFFFFFFF0] =	vst v5;
	v14 =	vmul.f32 v6, v2;
	v5 =	vld [tilespmem:s28+$0x60]  }
0x15b: {  	v12 =	vand.u32 $0x7D, v11;
	v11 =	vand.u32 $0x7E, v9;
	[tilespmem:s28+$0x0] =	vst v8;
	v9 =	vmul.f32 v7, v2;
	v7 =	vld [tilespmem:s28+$0x70]  }
0x15c: {  	s14 =	sadd.s32 $0x3, s30;
	s30 =	sadd.s32 $0x4, s30;
	v6 =	vbroadcast v10, $0x0;
	v12 =	vor.u32 $0x80, v12;
	[tilespmem:s28+$0x10] =	vst v14;
	v10 =	vmul.f32 v13, v2;
	v8 =	vld [tilespmem:s28+$0x80]  }
0x15d: {  	v14 =	vld [tilespmem:s28+$0x90]  }
0x15e: {  	v15 =	vld [tilespmem:s28+$0xA0]  }
0x15f: {  	v13 =	vmov s14;
	v11 =	vor.u32 $0x80, v11;
	v12 =	vbroadcast v12, $0x0;
	v16 =	vld [tilespmem:s28+$0xB0]  }
0x160: {  	v17 =	vld [tilespmem:s28+$0xC0];
	[tilespmem:s28+$0x20] =	vst v9;
	v3 =	vmul.f32 v3, v2;
	v13 =	vand.u32 $0x7F, v13;
	v11 =	vbroadcast v11, $0x0  }
0x161: {  	v9 =	vld [tilespmem:s28+$0xD0];
	[tilespmem:s28+$0x30] =	vst v10;
	v4 =	vmul.f32 v4, v2;
	v13 =	vor.u32 $0x80, v13  }
0x162: {  	v10 =	vld [tilespmem:s28+$0xE0];
	[tilespmem:s28+$0x40] =	vst v3;
	v3 =	vmul.f32 v5, v2;
	v13 =	vbroadcast v13, $0x0  }
0x163: {  	s30 =	sadd.s32 $0x200, s28;
	v5 =	vld.idx.msk [tilespmem:v6+s0+$0x0], $0xffff;
	[tilespmem:s28+$0x50] =	vst v4;
	v2 =	vmul.f32 v7, v2  }
0x164: {  	[tilespmem:s28+$0x60] =	vst v3;
	v3 =	vmul.f32 v8, v1;
	v8 =	vld [tilespmem:s30+$0xF0]  }
0x165: {  	[tilespmem:s28+$0x70] =	vst v2;
	v2 =	vmul.f32 v14, v1;
	v4 =	vld.idx.msk [tilespmem:v12+s0+$0x0], $0xffff  }
0x166: {  	[tilespmem:s28+$0x80] =	vst v3;
	v3 =	vmul.f32 v15, v1;
	v6 =	vld.idx.msk [tilespmem:v11+s0+$0x0], $0xffff  }
0x167: {  	[tilespmem:s28+$0x90] =	vst v2;
	v2 =	vmul.f32 v16, v1;
	v11 =	vld [tilespmem:s30+$0xFFFFFF00]  }
0x168: {  	[tilespmem:s28+$0xA0] =	vst v3;
	v3 =	vmul.f32 v17, v1;
	v7 =	vld.idx.msk [tilespmem:v13+s0+$0x0], $0xffff  }
0x169: {  	v12 =	vld [tilespmem:s30+$0xFFFFFF10];
	[tilespmem:s2+$0xB0] =	vst v2;
	v2 =	vmul.f32 v9, v1  }
0x16a: {  	v9 =	vld [tilespmem:s30+$0xFFFFFF20];
	v1 =	vmul.f32 v10, v1;
	[tilespmem:s2+$0xC0] =	vst v3  }
0x16b: {  	v3 =	vld [tilespmem:s30+$0xFFFFFF30];
	[tilespmem:s2+$0xD0] =	vst v2  }
0x16c: {  	v2 =	vld [tilespmem:s30+$0xFFFFFF40];
	[tilespmem:s2+$0xE0] =	vst v1;
	v1 =	vmul.f32 v11, v5  }
0x16d: {  	v10 =	vld [tilespmem:s30+$0xFFFFFF50];
	v8 =	vmul.f32 v8, v7  }
0x16e: {  	v11 =	vmul.f32 v12, v5;
	v12 =	vld [tilespmem:s30+$0xFFFFFF60];
	[tilespmem:s30+$0xFFFFFF00] =	vst v1  }
0x16f: {  	v1 =	vmul.f32 v9, v5;
	[tilespmem:s30+$0xF0] =	vst v8;
	v8 =	vld [tilespmem:s30+$0xFFFFFF70]  }
0x170: {  	[tilespmem:s30+$0xFFFFFF10] =	vst v11;
	v9 =	vld [tilespmem:s30+$0xFFFFFF80];
	v3 =	vmul.f32 v3, v5  }
0x171: {  	[tilespmem:s30+$0xFFFFFF20] =	vst v1;
	v1 =	vmul.f32 v2, v5;
	v2 =	vld [tilespmem:s30+$0xFFFFFF90]  }
0x172: {  	[tilespmem:s30+$0xFFFFFF30] =	vst v3;
	v3 =	vmul.f32 v10, v5;
	v10 =	vld [tilespmem:s30+$0xFFFFFFA0]  }
0x173: {  	v11 =	vld [tilespmem:s30+$0xFFFFFFB0];
	[tilespmem:s30+$0xFFFFFF40] =	vst v1;
	v1 =	vmul.f32 v12, v5  }
0x174: {  	[tilespmem:s30+$0xFFFFFF50] =	vst v3;
	v3 =	vmul.f32 v8, v5;
	v5 =	vld [tilespmem:s30+$0xFFFFFFC0]  }
0x175: {  	[tilespmem:s30+$0xFFFFFF60] =	vst v1;
	v1 =	vmul.f32 v9, v4;
	v8 =	vld [tilespmem:s30+$0xFFFFFFD0]  }
0x176: {  	v2 =	vmul.f32 v2, v4;
	[tilespmem:s30+$0xFFFFFF70] =	vst v3;
	v3 =	vld [tilespmem:s30+$0xFFFFFFE0]  }
0x177: {  	v9 =	vld [tilespmem:s30+$0xFFFFFFF0];
	[tilespmem:s30+$0xFFFFFF80] =	vst v1;
	v1 =	vmul.f32 v10, v4  }
0x178: {  	v10 =	vld [tilespmem:s30+$0x0];
	[tilespmem:s30+$0xFFFFFF90] =	vst v2;
	v2 =	vmul.f32 v11, v4  }
0x179: {  	[tilespmem:s30+$0xFFFFFFA0] =	vst v1;
	v1 =	vmul.f32 v5, v4;
	v5 =	vld [tilespmem:s30+$0x10]  }
0x17a: {  	[tilespmem:s30+$0xFFFFFFB0] =	vst v2;
	v2 =	vmul.f32 v8, v4;
	v8 =	vld [tilespmem:s30+$0x20]  }
0x17b: {  	[tilespmem:s30+$0xFFFFFFC0] =	vst v1;
	v1 =	vmul.f32 v3, v4;
	v3 =	vld [tilespmem:s30+$0x30]  }
0x17c: {  	[tilespmem:s30+$0xFFFFFFD0] =	vst v2;
	v2 =	vmul.f32 v9, v4;
	v4 =	vld [tilespmem:s30+$0x40]  }
0x17d: {  	v9 =	vld [tilespmem:s30+$0x50];
	[tilespmem:s30+$0xFFFFFFE0] =	vst v1;
	v1 =	vmul.f32 v10, v6  }
0x17e: {  	[tilespmem:s30+$0xFFFFFFF0] =	vst v2;
	v2 =	vmul.f32 v5, v6;
	v5 =	vld [tilespmem:s30+$0x60]  }
0x17f: {  	[tilespmem:s30+$0x0] =	vst v1;
	v1 =	vmul.f32 v8, v6;
	v8 =	vld [tilespmem:s30+$0x70]  }
0x180: {  	[tilespmem:s30+$0x10] =	vst v2;
	v2 =	vmul.f32 v3, v6;
	v3 =	vld [tilespmem:s30+$0x80]  }
0x181: {  	[tilespmem:s30+$0x20] =	vst v1;
	v1 =	vmul.f32 v4, v6;
	v4 =	vld [tilespmem:s30+$0x90]  }
0x182: {  	[tilespmem:s30+$0x30] =	vst v2;
	v2 =	vmul.f32 v9, v6;
	v9 =	vld [tilespmem:s30+$0xA0]  }
0x183: {  	[tilespmem:s30+$0x40] =	vst v1;
	v1 =	vmul.f32 v5, v6;
	v5 =	vld [tilespmem:s30+$0xB0]  }
0x184: {  	[tilespmem:s30+$0x50] =	vst v2;
	v2 =	vmul.f32 v8, v6;
	v6 =	vld [tilespmem:s30+$0xC0]  }
0x185: {  	[tilespmem:s30+$0x60] =	vst v1;
	v1 =	vmul.f32 v3, v7;
	v3 =	vld [tilespmem:s30+$0xD0]  }
0x186: {  	[tilespmem:s30+$0x70] =	vst v2;
	v2 =	vmul.f32 v4, v7;
	v4 =	vld [tilespmem:s30+$0xE0]  }
0x187: {  	[tilespmem:s30+$0x80] =	vst v1;
	v1 =	vmul.f32 v9, v7  }
0x188: {  	[tilespmem:s30+$0x90] =	vst v2;
	v2 =	vmul.f32 v5, v7  }
0x189: {  	[tilespmem:s30+$0xA0] =	vst v1;
	v1 =	vmul.f32 v6, v7  }
0x18a: {  	[tilespmem:s30+$0xB0] =	vst v2;
	v2 =	vmul.f32 v3, v7  }
0x18b: {  	[tilespmem:s30+$0xC0] =	vst v1;
	v1 =	vmul.f32 v4, v7  }
0x18c: {  	[tilespmem:s30+$0xD0] =	vst v2  }
0x18d: {  	s14 =	simm.s32 $0x1C280;
	s2 =	simm.s32 @!p0 $0xC;
	[tilespmem:s30+$0xE0] =	vst v1;
	s30 =	simm.s32 $0x16000  }
0x18e: {  	[spmem:s1] =	stream.indirect.scatter.add.f32 [tilespmem:s30], [sflag:$0xA], $0x80, s14, s12, $0xb8;
	[tilespmem:$0x1C600] =	vst v63  }
0x18f: {  	_ =	swait.ge @!p0 [sflag:s2], $0x2000  }
0x190: {  	s14 =	sor.u32 $0x30, s24;
	[sflag:s2] =	ssyncset.done @!p0 $0x0  }
0x191: {  	s24 =	simm.s32 $0x0;
	s30 =	sadd.s32 s4, s14;
	[sflag:s2] =	ssyncadd.s32 @!p0 $0xFFFFE000  }
0x192: {  	[tilespmem:s22], [sflag:$0x4] =	stream.linear.gather [hbm4b:s30+s24], $0x80, $0x38;
	[tilespmem:$0x1C600] =	vst v63  }
0x193: {  	s30 =	sadd.s32 s5, s14  }
0x194: {  	[tilespmem:s23], [sflag:$0x4] =	stream.linear.gather [hbm4b:s30+s24], $0x80, $0x38;
	[tilespmem:$0x1C600] =	vst v63  }
0x195: {  	s14 =	sadd.s32 s6, s14;
	s30 =	simm.s32 $0x1C580  }
0x196: {  	[tilespmem:s30], [sflag:$0x4] =	stream.linear.gather [hbm4b:s14+s24], $0x80, $0x38;
	[tilespmem:$0x1C600] =	vst v63  }
0x197: {  	_ =	swait.ge [sflag:s25], $0x80  }
0x198: {  	[sflag:s25] =	ssyncset.done $0x0  }
0x199: {  	[sflag:s25] =	ssyncadd.s32 $0xFFFFFF80  }
0x19a: {  	_ =	swait.ge [sflag:s25], $0x80  }
0x19b: {  	v1 =	vmov s24;
	s24 =	simm.s32 $0x3;
	[sflag:s25] =	ssyncset.done $0x0  }
0x19c: {  	v1 =	vand.u32 $0x7C, v1;
	v2 =	vmov s24;
	[sflag:s25] =	ssyncadd.s32 $0xFFFFFF80  }
0x19d: {  	v1 =	vor.u32 $0x100, v1;
	v2 =	vand.u32 $0x7F, v2;
	_ =	swait.ge [sflag:s25], $0x80  }
0x19e: {  	v1 =	vbroadcast v1, $0x0;
	v2 =	vor.u32 $0x100, v2;
	[sflag:s25] =	ssyncset.done $0x0  }
0x19f: {  	v2 =	vbroadcast v2, $0x0;
	[sflag:s25] =	ssyncadd.s32 $0xFFFFFF80  }
0x1a0: {  	[tilespmem:s26], [sflag:$0x8] =	stream.indirect.gather [hbm4b:s7+s12], $0x80, s22, s12, $0xb8;
	[tilespmem:$0x1C600] =	vst v63  }
0x1a1: {  	_ =	swait.ge [sflag:s8], $0x2000  }
0x1a2: {  	[sflag:s8] =	ssyncset.done $0x0  }
0x1a3: {  	[sflag:s8] =	ssyncadd.s32 $0xFFFFE000  }
0x1a4: {  	s30 =	simm.s32 $0x1;
	v3 =	vld.idx.msk [tilespmem:v1+s0+$0x0], $0xffff  }
0x1a5: {  	s24 =	simm.s32 $0x18100;
	v4 =	vmov s30;
	v1 =	vld.idx.msk [tilespmem:v2+s0+$0x0], $0xffff  }
0x1a6: {  	v2 =	vand.u32 $0x7D, v4;
	v4 =	vld [tilespmem:s24+$0xF0]  }
0x1a7: {  	v5 =	vld [tilespmem:s24+$0xFFFFFF00]  }
0x1a8: {  	v6 =	vld [tilespmem:s24+$0xFFFFFF10]  }
0x1a9: {  	v7 =	vld [tilespmem:s24+$0xFFFFFF20];
	v2 =	vor.u32 $0x100, v2  }
0x1aa: {  	v8 =	vld [tilespmem:s24+$0xFFFFFF30];
	v2 =	vbroadcast v2, $0x0  }
0x1ab: {  	v9 =	vld [tilespmem:s24+$0xFFFFFF40]  }
0x1ac: {  	v10 =	vld [tilespmem:s24+$0xFFFFFF50];
	v5 =	vmul.f32 v5, v3  }
0x1ad: {  	v11 =	vld [tilespmem:s24+$0xFFFFFF60];
	v4 =	vmul.f32 v4, v1  }
0x1ae: {  	[tilespmem:s24+$0xFFFFFF00] =	vst v5;
	v5 =	vld [tilespmem:s24+$0xFFFFFF70]  }
0x1af: {  	s14 =	simm.s32 $0x2;
	v6 =	vmul.f32 v6, v3;
	[tilespmem:s24+$0xF0] =	vst v4;
	v4 =	vmul.f32 v7, v3;
	v7 =	vld [tilespmem:s24+$0xFFFFFF90]  }
0x1b0: {  	v12 =	vmov s14;
	v13 =	vld.idx.msk [tilespmem:v2+s0+$0x0], $0xffff  }
0x1b1: {  	[tilespmem:s24+$0xFFFFFF10] =	vst v6;
	v6 =	vmul.f32 v8, v3;
	v2 =	vand.u32 $0x7E, v12;
	v12 =	vld [tilespmem:s24+$0xFFFFFF80]  }
0x1b2: {  	v11 =	vmul.f32 v11, v3;
	v8 =	vld [tilespmem:s24+$0xFFFFFFA0];
	v2 =	vor.u32 $0x100, v2;
	[tilespmem:s24+$0xFFFFFF20] =	vst v4;
	v4 =	vmul.f32 v9, v3  }
0x1b3: {  	v9 =	vld [tilespmem:s24+$0xFFFFFFB0];
	[tilespmem:s24+$0xFFFFFF30] =	vst v6;
	v6 =	vmul.f32 v10, v3;
	v2 =	vbroadcast v2, $0x0  }
0x1b4: {  	[tilespmem:s24+$0xFFFFFF60] =	vst v11;
	v10 =	vld [tilespmem:s24+$0xFFFFFFC0]  }
0x1b5: {  	[tilespmem:s24+$0xFFFFFF50] =	vst v6;
	v6 =	vld [tilespmem:s24+$0xFFFFFFE0];
	v3 =	vmul.f32 v5, v3  }
0x1b6: {  	[tilespmem:s24+$0xFFFFFF40] =	vst v4;
	v5 =	vld [tilespmem:s24+$0xFFFFFFF0];
	v4 =	vmul.f32 v12, v13  }
0x1b7: {  	v12 =	vld [tilespmem:s24+$0xFFFFFFD0];
	[tilespmem:s24+$0xFFFFFF70] =	vst v3;
	v3 =	vmul.f32 v8, v13  }
0x1b8: {  	[tilespmem:s24+$0xFFFFFF80] =	vst v4;
	v4 =	vmul.f32 v7, v13;
	v7 =	vld [tilespmem:s24+$0x0]  }
0x1b9: {  	v2 =	vld.idx.msk [tilespmem:v2+s0+$0x0], $0xffff;
	[tilespmem:s24+$0xFFFFFFA0] =	vst v3;
	v3 =	vmul.f32 v10, v13  }
0x1ba: {  	v8 =	vld [tilespmem:s24+$0x10];
	[tilespmem:s24+$0xFFFFFF90] =	vst v4;
	v4 =	vmul.f32 v9, v13  }
0x1bb: {  	s30 =	simm.s32 $0x4;
	v6 =	vmul.f32 v6, v13;
	v9 =	vld [tilespmem:s24+$0x20];
	[tilespmem:s24+$0xFFFFFFC0] =	vst v3  }
0x1bc: {  	v11 =	vmov s30;
	v10 =	vld [tilespmem:s24+$0x30];
	[tilespmem:s24+$0xFFFFFFB0] =	vst v4;
	v4 =	vmul.f32 v12, v13  }
0x1bd: {  	v11 =	vand.u32 $0x7C, v11;
	v3 =	vld [tilespmem:s24+$0x40];
	[tilespmem:s24+$0xFFFFFFE0] =	vst v6;
	v12 =	vmul.f32 v5, v13  }
0x1be: {  	s14 =	simm.s32 $0x5;
	s30 =	simm.s32 $0x6;
	v6 =	vor.u32 $0x100, v11;
	[tilespmem:s24+$0xFFFFFFD0] =	vst v4;
	v7 =	vmul.f32 v7, v2;
	v4 =	vld [tilespmem:s24+$0x50]  }
0x1bf: {  	v11 =	vmov s30;
	v13 =	vmov s14;
	v5 =	vld [tilespmem:s24+$0x60];
	v8 =	vmul.f32 v8, v2;
	[tilespmem:s24+$0xFFFFFFF0] =	vst v12  }
0x1c0: {  	v11 =	vand.u32 $0x7E, v11;
	v12 =	vand.u32 $0x7D, v13;
	v9 =	vmul.f32 v9, v2;
	[tilespmem:s24+$0x0] =	vst v7;
	v7 =	vld [tilespmem:s24+$0x70]  }
0x1c1: {  	s28 =	simm.s32 $0x8;
	s2 =	simm.s32 $0x18100;
	v6 =	vbroadcast v6, $0x0;
	s14 =	simm.s32 $0x7;
	v10 =	vmul.f32 v10, v2;
	v12 =	vor.u32 $0x100, v12;
	[tilespmem:s24+$0x10] =	vst v8;
	v8 =	vld [tilespmem:s24+$0x80]  }
.LBB2_9:
0x1c2: {  	p0 =	slt.u32 s28, $0x3C;
	v11 =	vor.u32 $0x100, v11;
	v13 =	vmov s14;
	[tilespmem:s24+$0x20] =	vst v9;
	v3 =	vmul.f32 v3, v2;
	v9 =	vld [tilespmem:s24+$0x90]  }
0x1c3: {  	v12 =	vbroadcast v12, $0x0;
	v13 =	vand.u32 $0x7F, v13;
	[tilespmem:s24+$0x30] =	vst v10;
	v4 =	vmul.f32 v4, v2;
	v10 =	vld [tilespmem:s24+$0xA0]  }
0x1c4: {  	v11 =	vbroadcast v11, $0x0;
	v13 =	vor.u32 $0x100, v13;
	[tilespmem:s24+$0x40] =	vst v3;
	v3 =	vmul.f32 v5, v2;
	v5 =	vld [tilespmem:s24+$0xB0]  }
0x1c5: {  	v13 =	vbroadcast v13, $0x0;
	[tilespmem:s24+$0x50] =	vst v4;
	v2 =	vmul.f32 v7, v2;
	v4 =	vld [tilespmem:s24+$0xC0]  }
0x1c6: {  	[tilespmem:s24+$0x60] =	vst v3;
	v3 =	vmul.f32 v8, v1;
	v7 =	vld [tilespmem:s24+$0xD0]  }
0x1c7: {  	[tilespmem:s24+$0x70] =	vst v2;
	v2 =	vmul.f32 v9, v1;
	v8 =	vld [tilespmem:s24+$0xE0]  }
0x1c8: {  	v6 =	vld.idx.msk [tilespmem:v6+s0+$0x0], $0xffff;
	[tilespmem:s24+$0x80] =	vst v3;
	v3 =	vmul.f32 v10, v1  }
0x1c9: {  	v9 =	vld.idx.msk [tilespmem:v12+s0+$0x0], $0xffff;
	[tilespmem:s24+$0x90] =	vst v2;
	v5 =	vmul.f32 v5, v1  }
0x1ca: {  	v2 =	vld.idx.msk [tilespmem:v11+s0+$0x0], $0xffff;
	[tilespmem:s24+$0xA0] =	vst v3;
	v3 =	vmul.f32 v4, v1  }
0x1cb: {  	s24 =	sadd.s32 $0x200, s24;
	v4 =	vld.idx.msk [tilespmem:v13+s0+$0x0], $0xffff;
	[tilespmem:s2+$0xB0] =	vst v5;
	v5 =	vmul.f32 v7, v1  }
0x1cc: {  	v7 =	vld [tilespmem:s24+$0xF0];
	[tilespmem:s2+$0xC0] =	vst v3;
	v1 =	vmul.f32 v8, v1  }
0x1cd: {  	v3 =	vld [tilespmem:s24+$0xFFFFFF00];
	[tilespmem:s2+$0xD0] =	vst v5  }
0x1ce: {  	v5 =	vld [tilespmem:s24+$0xFFFFFF10];
	[tilespmem:s2+$0xE0] =	vst v1;
	s2 =	smov.u32 s24  }
0x1cf: {  	v8 =	vld [tilespmem:s24+$0xFFFFFF20]  }
0x1d0: {  	v10 =	vld [tilespmem:s24+$0xFFFFFF30]  }
0x1d1: {  	v1 =	vmov v4;
	v11 =	vld [tilespmem:s24+$0xFFFFFF40];
	v7 =	vmul.f32 v7, v4  }
0x1d2: {  	v3 =	vmul.f32 v3, v6;
	v4 =	vld [tilespmem:s24+$0xFFFFFF50]  }
0x1d3: {  	v5 =	vmul.f32 v5, v6;
	v12 =	vld [tilespmem:s24+$0xFFFFFF60];
	[tilespmem:s24+$0xF0] =	vst v7  }
0x1d4: {  	[tilespmem:s24+$0xFFFFFF00] =	vst v3;
	v3 =	vmul.f32 v8, v6;
	v7 =	vld [tilespmem:s24+$0xFFFFFF70]  }
0x1d5: {  	[tilespmem:s24+$0xFFFFFF10] =	vst v5;
	v5 =	vmul.f32 v10, v6;
	v8 =	vld [tilespmem:s24+$0xFFFFFF80]  }
0x1d6: {  	[tilespmem:s24+$0xFFFFFF20] =	vst v3;
	v3 =	vmul.f32 v11, v6;
	v10 =	vld [tilespmem:s24+$0xFFFFFF90]  }
0x1d7: {  	[tilespmem:s24+$0xFFFFFF30] =	vst v5;
	v4 =	vmul.f32 v4, v6;
	v5 =	vld [tilespmem:s24+$0xFFFFFFA0]  }
0x1d8: {  	[tilespmem:s24+$0xFFFFFF40] =	vst v3;
	v3 =	vmul.f32 v12, v6;
	v11 =	vld [tilespmem:s24+$0xFFFFFFB0]  }
0x1d9: {  	[tilespmem:s24+$0xFFFFFF50] =	vst v4;
	v4 =	vmul.f32 v7, v6;
	v6 =	vld [tilespmem:s24+$0xFFFFFFC0]  }
0x1da: {  	[tilespmem:s24+$0xFFFFFF60] =	vst v3;
	v3 =	vmul.f32 v8, v9;
	v7 =	vld [tilespmem:s24+$0xFFFFFFD0]  }
0x1db: {  	[tilespmem:s24+$0xFFFFFF70] =	vst v4;
	v4 =	vmul.f32 v10, v9;
	v8 =	vld [tilespmem:s24+$0xFFFFFFE0]  }
0x1dc: {  	[tilespmem:s24+$0xFFFFFF80] =	vst v3;
	v3 =	vmul.f32 v5, v9;
	v5 =	vld [tilespmem:s24+$0xFFFFFFF0]  }
0x1dd: {  	[tilespmem:s24+$0xFFFFFF90] =	vst v4;
	v4 =	vmul.f32 v11, v9;
	v10 =	vld [tilespmem:s24+$0x0]  }
0x1de: {  	[tilespmem:s24+$0xFFFFFFA0] =	vst v3;
	v3 =	vmul.f32 v6, v9;
	v6 =	vld [tilespmem:s24+$0x10]  }
0x1df: {  	[tilespmem:s24+$0xFFFFFFB0] =	vst v4;
	v4 =	vmul.f32 v7, v9;
	v7 =	vld [tilespmem:s24+$0x20]  }
0x1e0: {  	[tilespmem:s24+$0xFFFFFFC0] =	vst v3;
	v8 =	vmul.f32 v8, v9;
	v13 =	vld [tilespmem:s24+$0x30]  }
.Ltmp5:
0x1e1: {  	s14 =	sadd.s32 $0x1, s28;
	v11 =	vmov s28;
	[tilespmem:s24+$0xFFFFFFD0] =	vst v4;
	v5 =	vmul.f32 v5, v9;
	v3 =	vld [tilespmem:s24+$0x40];
	(pc) =	sbr.rel @p0 .LBB2_9-.Ltmp5, $4  }
0x1e2: {  	v9 =	vand.u32 $0x7C, v11;
	v11 =	vmov s14;
	s14 =	sadd.s32 $0x2, s28;
	[tilespmem:s24+$0xFFFFFFE0] =	vst v8;
	v8 =	vmul.f32 v10, v2;
	v4 =	vld [tilespmem:s24+$0x50]  }
0x1e3: {  	v10 =	vor.u32 $0x100, v9;
	v9 =	vmov s14;
	[tilespmem:s24+$0xFFFFFFF0] =	vst v5;
	v14 =	vmul.f32 v6, v2;
	v5 =	vld [tilespmem:s24+$0x60]  }
0x1e4: {  	v12 =	vand.u32 $0x7D, v11;
	v11 =	vand.u32 $0x7E, v9;
	[tilespmem:s24+$0x0] =	vst v8;
	v9 =	vmul.f32 v7, v2;
	v7 =	vld [tilespmem:s24+$0x70]  }
0x1e5: {  	s14 =	sadd.s32 $0x3, s28;
	s28 =	sadd.s32 $0x4, s28;
	v6 =	vbroadcast v10, $0x0;
	v12 =	vor.u32 $0x100, v12;
	[tilespmem:s24+$0x10] =	vst v14;
	v10 =	vmul.f32 v13, v2;
	v8 =	vld [tilespmem:s24+$0x80]  }
0x1e6: {  	v14 =	vld [tilespmem:s24+$0x90]  }
0x1e7: {  	v15 =	vld [tilespmem:s24+$0xA0]  }
0x1e8: {  	v13 =	vmov s14;
	v11 =	vor.u32 $0x100, v11;
	v12 =	vbroadcast v12, $0x0;
	v16 =	vld [tilespmem:s24+$0xB0]  }
0x1e9: {  	v17 =	vld [tilespmem:s24+$0xC0];
	[tilespmem:s24+$0x20] =	vst v9;
	v3 =	vmul.f32 v3, v2;
	v13 =	vand.u32 $0x7F, v13;
	v11 =	vbroadcast v11, $0x0  }
0x1ea: {  	v9 =	vld [tilespmem:s24+$0xD0];
	[tilespmem:s24+$0x30] =	vst v10;
	v4 =	vmul.f32 v4, v2;
	v13 =	vor.u32 $0x100, v13  }
0x1eb: {  	v10 =	vld [tilespmem:s24+$0xE0];
	[tilespmem:s24+$0x40] =	vst v3;
	v3 =	vmul.f32 v5, v2;
	v13 =	vbroadcast v13, $0x0  }
0x1ec: {  	s28 =	sadd.s32 $0x200, s24;
	v5 =	vld.idx.msk [tilespmem:v6+s0+$0x0], $0xffff;
	[tilespmem:s24+$0x50] =	vst v4;
	v2 =	vmul.f32 v7, v2  }
0x1ed: {  	[tilespmem:s24+$0x60] =	vst v3;
	v3 =	vmul.f32 v8, v1;
	v8 =	vld [tilespmem:s28+$0xF0]  }
0x1ee: {  	[tilespmem:s24+$0x70] =	vst v2;
	v2 =	vmul.f32 v14, v1;
	v4 =	vld.idx.msk [tilespmem:v12+s0+$0x0], $0xffff  }
0x1ef: {  	[tilespmem:s24+$0x80] =	vst v3;
	v3 =	vmul.f32 v15, v1;
	v6 =	vld.idx.msk [tilespmem:v11+s0+$0x0], $0xffff  }
0x1f0: {  	[tilespmem:s24+$0x90] =	vst v2;
	v2 =	vmul.f32 v16, v1;
	v11 =	vld [tilespmem:s28+$0xFFFFFF00]  }
0x1f1: {  	[tilespmem:s24+$0xA0] =	vst v3;
	v3 =	vmul.f32 v17, v1;
	v7 =	vld.idx.msk [tilespmem:v13+s0+$0x0], $0xffff  }
0x1f2: {  	v12 =	vld [tilespmem:s28+$0xFFFFFF10];
	[tilespmem:s2+$0xB0] =	vst v2;
	v2 =	vmul.f32 v9, v1  }
0x1f3: {  	v9 =	vld [tilespmem:s28+$0xFFFFFF20];
	v1 =	vmul.f32 v10, v1;
	[tilespmem:s2+$0xC0] =	vst v3  }
0x1f4: {  	v3 =	vld [tilespmem:s28+$0xFFFFFF30];
	[tilespmem:s2+$0xD0] =	vst v2  }
0x1f5: {  	v2 =	vld [tilespmem:s28+$0xFFFFFF40];
	[tilespmem:s2+$0xE0] =	vst v1;
	v1 =	vmul.f32 v11, v5  }
0x1f6: {  	v10 =	vld [tilespmem:s28+$0xFFFFFF50];
	v8 =	vmul.f32 v8, v7  }
0x1f7: {  	v11 =	vmul.f32 v12, v5;
	v12 =	vld [tilespmem:s28+$0xFFFFFF60];
	[tilespmem:s28+$0xFFFFFF00] =	vst v1  }
0x1f8: {  	v1 =	vmul.f32 v9, v5;
	[tilespmem:s28+$0xF0] =	vst v8;
	v8 =	vld [tilespmem:s28+$0xFFFFFF70]  }
0x1f9: {  	[tilespmem:s28+$0xFFFFFF10] =	vst v11;
	v9 =	vld [tilespmem:s28+$0xFFFFFF80];
	v3 =	vmul.f32 v3, v5  }
0x1fa: {  	[tilespmem:s28+$0xFFFFFF20] =	vst v1;
	v1 =	vmul.f32 v2, v5;
	v2 =	vld [tilespmem:s28+$0xFFFFFF90]  }
0x1fb: {  	[tilespmem:s28+$0xFFFFFF30] =	vst v3;
	v3 =	vmul.f32 v10, v5;
	v10 =	vld [tilespmem:s28+$0xFFFFFFA0]  }
0x1fc: {  	v11 =	vld [tilespmem:s28+$0xFFFFFFB0];
	[tilespmem:s28+$0xFFFFFF40] =	vst v1;
	v1 =	vmul.f32 v12, v5  }
0x1fd: {  	[tilespmem:s28+$0xFFFFFF50] =	vst v3;
	v3 =	vmul.f32 v8, v5;
	v5 =	vld [tilespmem:s28+$0xFFFFFFC0]  }
0x1fe: {  	[tilespmem:s28+$0xFFFFFF60] =	vst v1;
	v1 =	vmul.f32 v9, v4;
	v8 =	vld [tilespmem:s28+$0xFFFFFFD0]  }
0x1ff: {  	v2 =	vmul.f32 v2, v4;
	[tilespmem:s28+$0xFFFFFF70] =	vst v3;
	v3 =	vld [tilespmem:s28+$0xFFFFFFE0]  }
0x200: {  	v9 =	vld [tilespmem:s28+$0xFFFFFFF0];
	[tilespmem:s28+$0xFFFFFF80] =	vst v1;
	v1 =	vmul.f32 v10, v4  }
0x201: {  	v10 =	vld [tilespmem:s28+$0x0];
	[tilespmem:s28+$0xFFFFFF90] =	vst v2;
	v2 =	vmul.f32 v11, v4  }
0x202: {  	[tilespmem:s28+$0xFFFFFFA0] =	vst v1;
	v1 =	vmul.f32 v5, v4;
	v5 =	vld [tilespmem:s28+$0x10]  }
0x203: {  	[tilespmem:s28+$0xFFFFFFB0] =	vst v2;
	v2 =	vmul.f32 v8, v4;
	v8 =	vld [tilespmem:s28+$0x20]  }
0x204: {  	[tilespmem:s28+$0xFFFFFFC0] =	vst v1;
	v1 =	vmul.f32 v3, v4;
	v3 =	vld [tilespmem:s28+$0x30]  }
0x205: {  	[tilespmem:s28+$0xFFFFFFD0] =	vst v2;
	v2 =	vmul.f32 v9, v4;
	v4 =	vld [tilespmem:s28+$0x40]  }
0x206: {  	v9 =	vld [tilespmem:s28+$0x50];
	[tilespmem:s28+$0xFFFFFFE0] =	vst v1;
	v1 =	vmul.f32 v10, v6  }
0x207: {  	[tilespmem:s28+$0xFFFFFFF0] =	vst v2;
	v2 =	vmul.f32 v5, v6;
	v5 =	vld [tilespmem:s28+$0x60]  }
0x208: {  	[tilespmem:s28+$0x0] =	vst v1;
	v1 =	vmul.f32 v8, v6;
	v8 =	vld [tilespmem:s28+$0x70]  }
0x209: {  	[tilespmem:s28+$0x10] =	vst v2;
	v2 =	vmul.f32 v3, v6;
	v3 =	vld [tilespmem:s28+$0x80]  }
0x20a: {  	[tilespmem:s28+$0x20] =	vst v1;
	v1 =	vmul.f32 v4, v6;
	v4 =	vld [tilespmem:s28+$0x90]  }
0x20b: {  	[tilespmem:s28+$0x30] =	vst v2;
	v2 =	vmul.f32 v9, v6;
	v9 =	vld [tilespmem:s28+$0xA0]  }
0x20c: {  	[tilespmem:s28+$0x40] =	vst v1;
	v1 =	vmul.f32 v5, v6;
	v5 =	vld [tilespmem:s28+$0xB0]  }
0x20d: {  	[tilespmem:s28+$0x50] =	vst v2;
	v2 =	vmul.f32 v8, v6;
	v6 =	vld [tilespmem:s28+$0xC0]  }
0x20e: {  	[tilespmem:s28+$0x60] =	vst v1;
	v1 =	vmul.f32 v3, v7;
	v3 =	vld [tilespmem:s28+$0xD0]  }
0x20f: {  	[tilespmem:s28+$0x70] =	vst v2;
	v2 =	vmul.f32 v4, v7;
	v4 =	vld [tilespmem:s28+$0xE0]  }
0x210: {  	[tilespmem:s28+$0x80] =	vst v1;
	v1 =	vmul.f32 v9, v7  }
0x211: {  	[tilespmem:s28+$0x90] =	vst v2;
	v2 =	vmul.f32 v5, v7  }
0x212: {  	[tilespmem:s28+$0xA0] =	vst v1;
	v1 =	vmul.f32 v6, v7  }
0x213: {  	p0 =	seq.s32 s29, $0x27;
	[tilespmem:s28+$0xB0] =	vst v2;
	v2 =	vmul.f32 v3, v7  }
0x214: {  	s2 =	sadd.s32 @!p0 $0x4, s31;
	[tilespmem:s28+$0xC0] =	vst v1;
	v1 =	vmul.f32 v4, v7  }
0x215: {  	s14 =	sadd.s32 @!p0 s9, s2;
	[tilespmem:s28+$0xD0] =	vst v2  }
0x216: {  	s2 =	sshll.u32 @!p0 s2, $0x4;
	s14 =	sshll.u32 @!p0 s14, $0x4;
	[tilespmem:s28+$0xE0] =	vst v1  }
0x217: {  	[spmem:s1] =	stream.indirect.scatter.add.f32 [tilespmem:s20], [sflag:$0xB], $0x80, s17, s12, $0xb8;
	[tilespmem:$0x1C600] =	vst v63  }
0x218: {  	s2 =	sand.u32 @!p0 $0x40, s2;
	s14 =	sand.u32 @!p0 $0xFFFFF80, s14;
	_ =	swait.ge [sflag:s11], $0x2000  }
0x219: {  	s24 =	simm.s32 @!p0 $0x0;
	s2 =	sor.u32 @!p0 s2, s14;
	[sflag:s11] =	ssyncset.done $0x0  }
0x21a: {  	s14 =	sadd.s32 @!p0 s4, s2;
	s28 =	simm.s32 @!p0 $0x1C000;
	[sflag:s11] =	ssyncadd.s32 $0xFFFFE000  }
0x21b: {  	[tilespmem:s28], [sflag:$0x1] =	stream.linear.gather @!p0 [hbm4b:s14+s24], $0x80, $0x38;
	[tilespmem:$0x1C600] =	vst v63  }
0x21c: {  	s30 =	simm.s32 @!p0 $0x1C200;
	s14 =	sadd.s32 @!p0 s5, s2  }
0x21d: {  	[tilespmem:s30], [sflag:$0x1] =	stream.linear.gather @!p0 [hbm4b:s14+s24], $0x80, $0x38;
	[tilespmem:$0x1C600] =	vst v63  }
0x21e: {  	s2 =	sadd.s32 @!p0 s6, s2;
	s14 =	simm.s32 @!p0 $0x1C400  }
0x21f: {  	[tilespmem:s14], [sflag:$0x1] =	stream.linear.gather @!p0 [hbm4b:s2+s24], $0x80, $0x38;
	[tilespmem:$0x1C600] =	vst v63  }
0x220: {  	s2 =	simm.s32 @!p0 $0x1  }
0x221: {  	_ =	swait.ge @!p0 [sflag:s2], $0x80  }
0x222: {  	[sflag:s2] =	ssyncset.done @!p0 $0x0  }
0x223: {  	[sflag:s2] =	ssyncadd.s32 @!p0 $0xFFFFFF80  }
0x224: {  	s30 =	simm.s32 $0x0;
	_ =	swait.ge @!p0 [sflag:s2], $0x80  }
0x225: {  	v1 =	vmov s30;
	s24 =	simm.s32 $0x3;
	[sflag:s2] =	ssyncset.done @!p0 $0x0  }
0x226: {  	v1 =	vand.u32 $0x7C, v1;
	v2 =	vmov s24;
	[sflag:s2] =	ssyncadd.s32 @!p0 $0xFFFFFF80  }
0x227: {  	v1 =	vor.u32 $0x180, v1;
	v2 =	vand.u32 $0x7F, v2;
	_ =	swait.ge @!p0 [sflag:s2], $0x80  }
0x228: {  	v1 =	vbroadcast v1, $0x0;
	v2 =	vor.u32 $0x180, v2;
	[sflag:s2] =	ssyncset.done @!p0 $0x0  }
0x229: {  	s14 =	simm.s32 @!p0 $0x14000;
	v2 =	vbroadcast v2, $0x0;
	[sflag:s2] =	ssyncadd.s32 @!p0 $0xFFFFFF80;
	s2 =	simm.s32 @!p0 $0x40  }
0x22a: {  	[tilespmem:s14], [sflag:$0x5] =	stream.indirect.gather @!p0 [hbm4b:s7+s2], $0x80, s28, s2, $0xb8;
	[tilespmem:$0x1C600] =	vst v63  }
0x22b: {  	_ =	swait.ge [sflag:s10], $0x2000  }
0x22c: {  	[sflag:s10] =	ssyncset.done $0x0  }
0x22d: {  	[sflag:s10] =	ssyncadd.s32 $0xFFFFE000  }
0x22e: {  	s30 =	simm.s32 $0x1;
	v3 =	vld.idx.msk [tilespmem:v1+s0+$0x0], $0xffff  }
0x22f: {  	v4 =	vmov s30;
	s24 =	simm.s32 $0x1A100;
	v1 =	vld.idx.msk [tilespmem:v2+s0+$0x0], $0xffff  }
0x230: {  	v2 =	vand.u32 $0x7D, v4;
	v4 =	vld [tilespmem:s24+$0xF0]  }
0x231: {  	v5 =	vld [tilespmem:s24+$0xFFFFFF00]  }
0x232: {  	v6 =	vld [tilespmem:s24+$0xFFFFFF10]  }
0x233: {  	v7 =	vld [tilespmem:s24+$0xFFFFFF20];
	v2 =	vor.u32 $0x180, v2  }
0x234: {  	v8 =	vld [tilespmem:s24+$0xFFFFFF30];
	v2 =	vbroadcast v2, $0x0  }
0x235: {  	v9 =	vld [tilespmem:s24+$0xFFFFFF40]  }
0x236: {  	v10 =	vld [tilespmem:s24+$0xFFFFFF50];
	v5 =	vmul.f32 v5, v3  }
0x237: {  	v11 =	vld [tilespmem:s24+$0xFFFFFF60];
	v4 =	vmul.f32 v4, v1  }
0x238: {  	[tilespmem:s24+$0xFFFFFF00] =	vst v5;
	v5 =	vld [tilespmem:s24+$0xFFFFFF70]  }
0x239: {  	s14 =	simm.s32 $0x2;
	v6 =	vmul.f32 v6, v3;
	[tilespmem:s24+$0xF0] =	vst v4;
	v4 =	vmul.f32 v7, v3;
	v7 =	vld [tilespmem:s24+$0xFFFFFF90]  }
0x23a: {  	v12 =	vmov s14;
	v13 =	vld.idx.msk [tilespmem:v2+s0+$0x0], $0xffff  }
0x23b: {  	[tilespmem:s24+$0xFFFFFF10] =	vst v6;
	v6 =	vmul.f32 v8, v3;
	v2 =	vand.u32 $0x7E, v12;
	v12 =	vld [tilespmem:s24+$0xFFFFFF80]  }
0x23c: {  	v11 =	vmul.f32 v11, v3;
	v8 =	vld [tilespmem:s24+$0xFFFFFFA0];
	v2 =	vor.u32 $0x180, v2;
	[tilespmem:s24+$0xFFFFFF20] =	vst v4;
	v4 =	vmul.f32 v9, v3  }
0x23d: {  	v9 =	vld [tilespmem:s24+$0xFFFFFFB0];
	[tilespmem:s24+$0xFFFFFF30] =	vst v6;
	v6 =	vmul.f32 v10, v3;
	v2 =	vbroadcast v2, $0x0  }
0x23e: {  	[tilespmem:s24+$0xFFFFFF60] =	vst v11;
	v10 =	vld [tilespmem:s24+$0xFFFFFFC0]  }
0x23f: {  	[tilespmem:s24+$0xFFFFFF50] =	vst v6;
	v6 =	vld [tilespmem:s24+$0xFFFFFFE0];
	v3 =	vmul.f32 v5, v3  }
0x240: {  	[tilespmem:s24+$0xFFFFFF40] =	vst v4;
	v5 =	vld [tilespmem:s24+$0xFFFFFFF0];
	v4 =	vmul.f32 v12, v13  }
0x241: {  	v12 =	vld [tilespmem:s24+$0xFFFFFFD0];
	[tilespmem:s24+$0xFFFFFF70] =	vst v3;
	v3 =	vmul.f32 v8, v13  }
0x242: {  	[tilespmem:s24+$0xFFFFFF80] =	vst v4;
	v4 =	vmul.f32 v7, v13;
	v7 =	vld [tilespmem:s24+$0x0]  }
0x243: {  	v2 =	vld.idx.msk [tilespmem:v2+s0+$0x0], $0xffff;
	[tilespmem:s24+$0xFFFFFFA0] =	vst v3;
	v3 =	vmul.f32 v10, v13  }
0x244: {  	v8 =	vld [tilespmem:s24+$0x10];
	[tilespmem:s24+$0xFFFFFF90] =	vst v4;
	v4 =	vmul.f32 v9, v13  }
0x245: {  	s30 =	simm.s32 $0x4;
	v6 =	vmul.f32 v6, v13;
	v9 =	vld [tilespmem:s24+$0x20];
	[tilespmem:s24+$0xFFFFFFC0] =	vst v3  }
0x246: {  	v11 =	vmov s30;
	v10 =	vld [tilespmem:s24+$0x30];
	[tilespmem:s24+$0xFFFFFFB0] =	vst v4;
	v4 =	vmul.f32 v12, v13  }
0x247: {  	v11 =	vand.u32 $0x7C, v11;
	v3 =	vld [tilespmem:s24+$0x40];
	[tilespmem:s24+$0xFFFFFFE0] =	vst v6;
	v12 =	vmul.f32 v5, v13  }
0x248: {  	s14 =	simm.s32 $0x5;
	s30 =	simm.s32 $0x6;
	v6 =	vor.u32 $0x180, v11;
	[tilespmem:s24+$0xFFFFFFD0] =	vst v4;
	v7 =	vmul.f32 v7, v2;
	v4 =	vld [tilespmem:s24+$0x50]  }
0x249: {  	v11 =	vmov s30;
	v13 =	vmov s14;
	v5 =	vld [tilespmem:s24+$0x60];
	v8 =	vmul.f32 v8, v2;
	[tilespmem:s24+$0xFFFFFFF0] =	vst v12  }
0x24a: {  	v11 =	vand.u32 $0x7E, v11;
	v12 =	vand.u32 $0x7D, v13;
	v9 =	vmul.f32 v9, v2;
	[tilespmem:s24+$0x0] =	vst v7;
	v7 =	vld [tilespmem:s24+$0x70]  }
0x24b: {  	s28 =	simm.s32 $0x8;
	s2 =	simm.s32 $0x1A100;
	v6 =	vbroadcast v6, $0x0;
	s14 =	simm.s32 $0x7;
	v10 =	vmul.f32 v10, v2;
	v12 =	vor.u32 $0x180, v12;
	[tilespmem:s24+$0x10] =	vst v8;
	v8 =	vld [tilespmem:s24+$0x80]  }
.LBB2_11:
0x24c: {  	p1 =	slt.u32 s28, $0x3C;
	v11 =	vor.u32 $0x180, v11;
	v13 =	vmov s14;
	[tilespmem:s24+$0x20] =	vst v9;
	v3 =	vmul.f32 v3, v2;
	v9 =	vld [tilespmem:s24+$0x90]  }
0x24d: {  	v12 =	vbroadcast v12, $0x0;
	v13 =	vand.u32 $0x7F, v13;
	[tilespmem:s24+$0x30] =	vst v10;
	v4 =	vmul.f32 v4, v2;
	v10 =	vld [tilespmem:s24+$0xA0]  }
0x24e: {  	v11 =	vbroadcast v11, $0x0;
	v13 =	vor.u32 $0x180, v13;
	[tilespmem:s24+$0x40] =	vst v3;
	v3 =	vmul.f32 v5, v2;
	v5 =	vld [tilespmem:s24+$0xB0]  }
0x24f: {  	v13 =	vbroadcast v13, $0x0;
	[tilespmem:s24+$0x50] =	vst v4;
	v2 =	vmul.f32 v7, v2;
	v4 =	vld [tilespmem:s24+$0xC0]  }
0x250: {  	[tilespmem:s24+$0x60] =	vst v3;
	v3 =	vmul.f32 v8, v1;
	v7 =	vld [tilespmem:s24+$0xD0]  }
0x251: {  	[tilespmem:s24+$0x70] =	vst v2;
	v2 =	vmul.f32 v9, v1;
	v8 =	vld [tilespmem:s24+$0xE0]  }
0x252: {  	v6 =	vld.idx.msk [tilespmem:v6+s0+$0x0], $0xffff;
	[tilespmem:s24+$0x80] =	vst v3;
	v3 =	vmul.f32 v10, v1  }
0x253: {  	v9 =	vld.idx.msk [tilespmem:v12+s0+$0x0], $0xffff;
	[tilespmem:s24+$0x90] =	vst v2;
	v5 =	vmul.f32 v5, v1  }
0x254: {  	v2 =	vld.idx.msk [tilespmem:v11+s0+$0x0], $0xffff;
	[tilespmem:s24+$0xA0] =	vst v3;
	v3 =	vmul.f32 v4, v1  }
0x255: {  	s24 =	sadd.s32 $0x200, s24;
	v4 =	vld.idx.msk [tilespmem:v13+s0+$0x0], $0xffff;
	[tilespmem:s2+$0xB0] =	vst v5;
	v5 =	vmul.f32 v7, v1  }
0x256: {  	v7 =	vld [tilespmem:s24+$0xF0];
	[tilespmem:s2+$0xC0] =	vst v3;
	v1 =	vmul.f32 v8, v1  }
0x257: {  	v3 =	vld [tilespmem:s24+$0xFFFFFF00];
	[tilespmem:s2+$0xD0] =	vst v5  }
0x258: {  	v5 =	vld [tilespmem:s24+$0xFFFFFF10];
	[tilespmem:s2+$0xE0] =	vst v1;
	s2 =	smov.u32 s24  }
0x259: {  	v8 =	vld [tilespmem:s24+$0xFFFFFF20]  }
0x25a: {  	v10 =	vld [tilespmem:s24+$0xFFFFFF30]  }
0x25b: {  	v1 =	vmov v4;
	v11 =	vld [tilespmem:s24+$0xFFFFFF40];
	v7 =	vmul.f32 v7, v4  }
0x25c: {  	v3 =	vmul.f32 v3, v6;
	v4 =	vld [tilespmem:s24+$0xFFFFFF50]  }
0x25d: {  	v5 =	vmul.f32 v5, v6;
	v12 =	vld [tilespmem:s24+$0xFFFFFF60];
	[tilespmem:s24+$0xF0] =	vst v7  }
0x25e: {  	[tilespmem:s24+$0xFFFFFF00] =	vst v3;
	v3 =	vmul.f32 v8, v6;
	v7 =	vld [tilespmem:s24+$0xFFFFFF70]  }
0x25f: {  	[tilespmem:s24+$0xFFFFFF10] =	vst v5;
	v5 =	vmul.f32 v10, v6;
	v8 =	vld [tilespmem:s24+$0xFFFFFF80]  }
0x260: {  	[tilespmem:s24+$0xFFFFFF20] =	vst v3;
	v3 =	vmul.f32 v11, v6;
	v10 =	vld [tilespmem:s24+$0xFFFFFF90]  }
0x261: {  	[tilespmem:s24+$0xFFFFFF30] =	vst v5;
	v4 =	vmul.f32 v4, v6;
	v5 =	vld [tilespmem:s24+$0xFFFFFFA0]  }
0x262: {  	[tilespmem:s24+$0xFFFFFF40] =	vst v3;
	v3 =	vmul.f32 v12, v6;
	v11 =	vld [tilespmem:s24+$0xFFFFFFB0]  }
0x263: {  	[tilespmem:s24+$0xFFFFFF50] =	vst v4;
	v4 =	vmul.f32 v7, v6;
	v6 =	vld [tilespmem:s24+$0xFFFFFFC0]  }
0x264: {  	[tilespmem:s24+$0xFFFFFF60] =	vst v3;
	v3 =	vmul.f32 v8, v9;
	v7 =	vld [tilespmem:s24+$0xFFFFFFD0]  }
0x265: {  	[tilespmem:s24+$0xFFFFFF70] =	vst v4;
	v4 =	vmul.f32 v10, v9;
	v8 =	vld [tilespmem:s24+$0xFFFFFFE0]  }
0x266: {  	[tilespmem:s24+$0xFFFFFF80] =	vst v3;
	v3 =	vmul.f32 v5, v9;
	v5 =	vld [tilespmem:s24+$0xFFFFFFF0]  }
0x267: {  	[tilespmem:s24+$0xFFFFFF90] =	vst v4;
	v4 =	vmul.f32 v11, v9;
	v10 =	vld [tilespmem:s24+$0x0]  }
0x268: {  	[tilespmem:s24+$0xFFFFFFA0] =	vst v3;
	v3 =	vmul.f32 v6, v9;
	v6 =	vld [tilespmem:s24+$0x10]  }
0x269: {  	[tilespmem:s24+$0xFFFFFFB0] =	vst v4;
	v4 =	vmul.f32 v7, v9;
	v7 =	vld [tilespmem:s24+$0x20]  }
0x26a: {  	[tilespmem:s24+$0xFFFFFFC0] =	vst v3;
	v8 =	vmul.f32 v8, v9;
	v13 =	vld [tilespmem:s24+$0x30]  }
.Ltmp6:
0x26b: {  	s14 =	sadd.s32 $0x1, s28;
	v11 =	vmov s28;
	[tilespmem:s24+$0xFFFFFFD0] =	vst v4;
	v5 =	vmul.f32 v5, v9;
	v3 =	vld [tilespmem:s24+$0x40];
	(pc) =	sbr.rel @p1 .LBB2_11-.Ltmp6, $4  }
0x26c: {  	v9 =	vand.u32 $0x7C, v11;
	v11 =	vmov s14;
	s14 =	sadd.s32 $0x2, s28;
	[tilespmem:s24+$0xFFFFFFE0] =	vst v8;
	v8 =	vmul.f32 v10, v2;
	v4 =	vld [tilespmem:s24+$0x50]  }
0x26d: {  	v10 =	vor.u32 $0x180, v9;
	v9 =	vmov s14;
	[tilespmem:s24+$0xFFFFFFF0] =	vst v5;
	v14 =	vmul.f32 v6, v2;
	v5 =	vld [tilespmem:s24+$0x60]  }
0x26e: {  	v12 =	vand.u32 $0x7D, v11;
	v11 =	vand.u32 $0x7E, v9;
	[tilespmem:s24+$0x0] =	vst v8;
	v9 =	vmul.f32 v7, v2;
	v7 =	vld [tilespmem:s24+$0x70]  }
0x26f: {  	s14 =	sadd.s32 $0x3, s28;
	s28 =	sadd.s32 $0x4, s28;
	v6 =	vbroadcast v10, $0x0;
	v12 =	vor.u32 $0x180, v12;
	[tilespmem:s24+$0x10] =	vst v14;
	v10 =	vmul.f32 v13, v2;
	v8 =	vld [tilespmem:s24+$0x80]  }
0x270: {  	v14 =	vld [tilespmem:s24+$0x90]  }
0x271: {  	v15 =	vld [tilespmem:s24+$0xA0]  }
0x272: {  	v16 =	vld [tilespmem:s24+$0xB0]  }
0x273: {  	v17 =	vld [tilespmem:s24+$0xC0];
	v3 =	vmul.f32 v3, v2  }
0x274: {  	v13 =	vmov s14;
	[tilespmem:s24+$0x20] =	vst v9;
	v32 =	vld [tilespmem:s24+$0xD0]  }
0x275: {  	v33 =	vld [tilespmem:s24+$0xE0];
	v13 =	vand.u32 $0x7F, v13;
	[tilespmem:s24+$0x40] =	vst v3;
	v3 =	vmul.f32 v5, v2  }
0x276: {  	s28 =	sadd.s32 $0x200, s24;
	[tilespmem:s24+$0x30] =	vst v10;
	v4 =	vmul.f32 v4, v2;
	v34 =	vld.idx.msk [tilespmem:v6+s0+$0x0], $0xffff;
	v13 =	vor.u32 $0x180, v13;
	v2 =	vmul.f32 v7, v2  }
0x277: {  	v38 =	vld [tilespmem:s28+$0xF0];
	v13 =	vbroadcast v13, $0x0;
	[tilespmem:s24+$0x60] =	vst v3;
	v3 =	vmul.f32 v8, v1  }
0x278: {  	v39 =	vld [tilespmem:s28+$0xFFFFFF00];
	[tilespmem:s24+$0x70] =	vst v2;
	v2 =	vmul.f32 v14, v1  }
0x279: {  	v40 =	vld [tilespmem:s28+$0xFFFFFF10];
	[tilespmem:s24+$0x80] =	vst v3;
	v3 =	vmul.f32 v15, v1  }
0x27a: {  	v41 =	vld [tilespmem:s28+$0xFFFFFF20];
	[tilespmem:s24+$0x90] =	vst v2;
	v2 =	vmul.f32 v16, v1  }
0x27b: {  	v42 =	vld [tilespmem:s28+$0xFFFFFF50];
	[tilespmem:s24+$0xA0] =	vst v3;
	v3 =	vmul.f32 v17, v1  }
0x27c: {  	v44 =	vld [tilespmem:s28+$0xFFFFFF60];
	[tilespmem:s2+$0xB0] =	vst v2;
	v2 =	vmul.f32 v32, v1  }
0x27d: {  	v12 =	vbroadcast v12, $0x0;
	v37 =	vld.idx.msk [tilespmem:v13+s0+$0x0], $0xffff;
	v1 =	vmul.f32 v33, v1;
	[tilespmem:s2+$0xC0] =	vst v3  }
0x27e: {  	v3 =	vld [tilespmem:s28+$0xFFFFFF30];
	[tilespmem:s2+$0xD0] =	vst v2  }
0x27f: {  	v2 =	vld [tilespmem:s28+$0xFFFFFF40];
	[tilespmem:s2+$0xE0] =	vst v1;
	v1 =	vmul.f32 v39, v34  }
0x280: {  	v45 =	vld [tilespmem:s28+$0xFFFFFF70];
	[tilespmem:s24+$0x50] =	vst v4;
	v43 =	vmul.f32 v40, v34  }
0x281: {  	v46 =	vld [tilespmem:s28+$0xFFFFFF80];
	[tilespmem:s28+$0xFFFFFF00] =	vst v1;
	v1 =	vmul.f32 v41, v34  }
0x282: {  	v47 =	vld [tilespmem:s28+$0xFFFFFFA0];
	[tilespmem:s28+$0xFFFFFF10] =	vst v43;
	v8 =	vmul.f32 v38, v37  }
0x283: {  	v35 =	vld.idx.msk [tilespmem:v12+s0+$0x0], $0xffff;
	v3 =	vmul.f32 v3, v34;
	[tilespmem:s28+$0xFFFFFF20] =	vst v1  }
0x284: {  	v11 =	vor.u32 $0x180, v11;
	[tilespmem:s28+$0xF0] =	vst v8;
	v1 =	vmul.f32 v2, v34;
	v2 =	vld [tilespmem:s28+$0xFFFFFF90]  }
0x285: {  	v11 =	vbroadcast v11, $0x0;
	v48 =	vld [tilespmem:s28+$0xFFFFFFB0];
	[tilespmem:s28+$0xFFFFFF30] =	vst v3;
	v3 =	vmul.f32 v42, v34  }
0x286: {  	v49 =	vld [tilespmem:s28+$0xFFFFFFC0];
	[tilespmem:s28+$0xFFFFFF40] =	vst v1;
	v1 =	vmul.f32 v44, v34  }
0x287: {  	v50 =	vld [tilespmem:s28+$0xFFFFFFD0];
	[tilespmem:s28+$0xFFFFFF50] =	vst v3;
	v3 =	vmul.f32 v45, v34  }
0x288: {  	v51 =	vld [tilespmem:s28+$0xFFFFFFF0];
	[tilespmem:s28+$0xFFFFFF60] =	vst v1;
	v1 =	vmul.f32 v46, v35  }
0x289: {  	[tilespmem:s28+$0xFFFFFF70] =	vst v3;
	v2 =	vmul.f32 v2, v35;
	v3 =	vld [tilespmem:s28+$0xFFFFFFE0]  }
0x28a: {  	v52 =	vld [tilespmem:s28+$0x0];
	[tilespmem:s28+$0xFFFFFF80] =	vst v1;
	v1 =	vmul.f32 v47, v35  }
0x28b: {  	v36 =	vld.idx.msk [tilespmem:v11+s0+$0x0], $0xffff;
	[tilespmem:s28+$0xFFFFFF90] =	vst v2;
	v2 =	vmul.f32 v48, v35  }
0x28c: {  	v53 =	vld [tilespmem:s28+$0x10];
	[tilespmem:s28+$0xFFFFFFA0] =	vst v1;
	v1 =	vmul.f32 v49, v35  }
0x28d: {  	v54 =	vld [tilespmem:s28+$0x20];
	[tilespmem:s28+$0xFFFFFFB0] =	vst v2;
	v2 =	vmul.f32 v50, v35  }
0x28e: {  	[tilespmem:s28+$0xFFFFFFC0] =	vst v1;
	v1 =	vmul.f32 v3, v35;
	v3 =	vld [tilespmem:s28+$0x30]  }
0x28f: {  	v55 =	vld [tilespmem:s28+$0x40];
	[tilespmem:s28+$0xFFFFFFD0] =	vst v2;
	v2 =	vmul.f32 v51, v35  }
0x290: {  	v56 =	vld [tilespmem:s28+$0x50];
	[tilespmem:s28+$0xFFFFFFE0] =	vst v1;
	v1 =	vmul.f32 v52, v36  }
0x291: {  	v57 =	vld [tilespmem:s28+$0x60];
	[tilespmem:s28+$0xFFFFFFF0] =	vst v2;
	v2 =	vmul.f32 v53, v36  }
0x292: {  	v58 =	vld [tilespmem:s28+$0x70];
	[tilespmem:s28+$0x0] =	vst v1;
	v1 =	vmul.f32 v54, v36  }
0x293: {  	[tilespmem:s28+$0x10] =	vst v2;
	v2 =	vmul.f32 v3, v36;
	v3 =	vld [tilespmem:s28+$0x80]  }
0x294: {  	v59 =	vld [tilespmem:s28+$0x90];
	[tilespmem:s28+$0x20] =	vst v1;
	v1 =	vmul.f32 v55, v36  }
0x295: {  	v60 =	vld [tilespmem:s28+$0xA0];
	[tilespmem:s28+$0x30] =	vst v2;
	v2 =	vmul.f32 v56, v36  }
0x296: {  	v61 =	vld [tilespmem:s28+$0xB0];
	[tilespmem:s28+$0x40] =	vst v1;
	v1 =	vmul.f32 v57, v36  }
0x297: {  	v62 =	vld [tilespmem:s28+$0xC0];
	[tilespmem:s28+$0x50] =	vst v2;
	v2 =	vmul.f32 v58, v36  }
0x298: {  	[tilespmem:s28+$0x60] =	vst v1;
	v1 =	vmul.f32 v3, v37;
	v3 =	vld [tilespmem:s28+$0xD0]  }
0x299: {  	v63 =	vld [tilespmem:s28+$0xE0];
	[tilespmem:s28+$0x70] =	vst v2;
	v2 =	vmul.f32 v59, v37  }
0x29a: {  	[tilespmem:s28+$0x80] =	vst v1;
	v1 =	vmul.f32 v60, v37  }
0x29b: {  	[tilespmem:s28+$0x90] =	vst v2;
	v2 =	vmul.f32 v61, v37  }
0x29c: {  	[tilespmem:s28+$0xA0] =	vst v1;
	v1 =	vmul.f32 v62, v37  }
0x29d: {  	[tilespmem:s28+$0xB0] =	vst v2;
	v2 =	vmul.f32 v3, v37  }
0x29e: {  	[tilespmem:s28+$0xC0] =	vst v1;
	v1 =	vmul.f32 v63, v37  }
0x29f: {  	[tilespmem:s28+$0xD0] =	vst v2  }
.Ltmp7:
0x2a0: {  	[tilespmem:s28+$0xE0] =	vst v1;
	(pc) =	sbr.rel @p0 .LBB2_14-.Ltmp7, $4  }
0x2a1: {  	[spmem:s1] =	stream.indirect.scatter.add.f32 [tilespmem:s26], [sflag:$0xC], $0x80, s23, s12, $0xb8;
	[tilespmem:$0x1C600] =	vst v63  }
0x2a2: {  	_ =	swait.ge [sflag:s18], $0x2000  }
0x2a3: {  	[sflag:s18] =	ssyncset.done $0x0  }
0x2a4: {  	s30 =	simm.s32 $0x1C080;
	[sflag:s18] =	ssyncadd.s32 $0xFFFFE000  }
0x2a5: {  	s2 =	sadd.s32 $0x5, s31  }
0x2a6: {  	s14 =	sadd.s32 s9, s2  }
0x2a7: {  	s2 =	sshll.u32 s2, $0x4;
	s14 =	sshll.u32 s14, $0x4  }
0x2a8: {  	s2 =	sand.u32 $0x50, s2;
	s14 =	sand.u32 $0xFFFFF80, s14  }
0x2a9: {  	s2 =	sor.u32 s2, s14  }
0x2aa: {  	s14 =	sadd.s32 s4, s2  }
0x2ab: {  	[tilespmem:s30], [sflag:$0x2] =	stream.linear.gather [hbm4b:s14+s3], $0x80, $0x38;
	[tilespmem:$0x1C600] =	vst v63  }
.Ltmp8:
0x2ac: {  	_ = 	snop;
	(pc) =	sbr.rel .LBB2_4-.Ltmp8, $4  }
0x2ad: {  	s24 =	simm.s32 $0x1C280;
	s28 =	sadd.s32 s5, s2  }
0x2ae: {  	[tilespmem:s24], [sflag:$0x2] =	stream.linear.gather [hbm4b:s28+s3], $0x80, $0x38;
	[tilespmem:$0x1C600] =	vst v63  }
0x2af: {  	s31 =	simm.s32 $0x1C480;
	s29 =	sadd.s32 $0x1, s29;
	s2 =	sadd.s32 s6, s2  }
0x2b0: {  	[tilespmem:s31], [sflag:$0x2] =	stream.linear.gather [hbm4b:s2+s3], $0x80, $0x38;
	[tilespmem:$0x1C600] =	vst v63  }
.LBB2_15:
0x2b1: {  	_ =	sfence.sel $0x180000  }
0x2b2: {  	[bflag:$0x0] =	sbarrier.arrive $0xFFFF  }
0x2b3: {  	_ =	strace $0x9000004A  }
0x2b4: {  	s0 =	stileid.u32;
	[bflag:$0x2] =	sbarrier.arrive $0xFFFF  }
0x2b5: {  	p0 =	sne.s32 s0, $0x0;
	s0 =	rddreg [dreg:$0x2]  }
0x2b6: {  	s0 =	sadd.s32 @!p0 $0x100000, s0  }
0x2b7: {  	[sflag:s0] =	ssyncadd.tile.s32 @!p0 $0x1;
	_ =	shalt  }
.Lfunc_end2:
_tile_overlayer_lowered:
.L_overlay_start_2:
0x2b8: {  	(tag) =	ssettag $0x2  }
0x2b9: {  	s0 =	rddreg [dreg:$0x0];
	s2 =	stileid.u32  }
0x2ba: {  	s1 =	rddreg [dreg:$0x1];
	p0 =	sne.s32 s2, $0x0  }
0x2bb: {  	s3 =	rddreg [dreg:$0x2];
	[bflag:$0x3] =	sbarrier.arrive $0xFFFF;
	s2 =	simm.s32 @!p0 $0x1C0D  }
0x2bc: {  	[timem:s3], [sflag:s2] =	dma.local @!p0 [hbm:s0], s1  }
0x2bd: {  	s0 =	simm.s32 @!p0 $0xD  }
0x2be: {  	_ =	swait.ge @!p0 [sflag:s0], s1  }
0x2bf: {  	s1 =	ssub.s32 @!p0 $0x0, s1;
	[sflag:s0] =	ssyncset.done @!p0 $0x0  }
0x2c0: {  	[sflag:s0] =	ssyncadd.s32 @!p0 s1  }
0x2c1: {  	[bflag:$0x3] =	sbarrier.arrive $0xFFFF  }
0x2c2: {  	_ =	shalt  }

</sc_bundles>
